<compile_context>
chip_gen: v7x
topology: tpu7x:2x2x1
jax: 0.10.2.dev20260603
libtpu: 0.0.44.dev20260713+nightly
codegen_flags: <defaults>
</compile_context>

<pallas_src>
import functools

import jax
import jax.numpy as jnp
from jax import lax
from jax.experimental import pallas as pl
from jax.experimental.pallas import tpu as pltpu
from jax.experimental.pallas import tpu_sc as plsc

B = 4096
AL = 200
PLEN = 50
PVOCAB = 1000
PVT = 1024
D = 128
NC = 2
NS = 16
W = NC * NS
R = B // W
NCH = D // 16
BT = 128


@functools.partial(
    pl.kernel,
    out_type=jax.ShapeDtypeStruct((B, D), jnp.float32),
    mesh=plsc.VectorSubcoreMesh(core_axis_name="c", subcore_axis_name="s"),
    scratch_types=[
        pltpu.VMEM((R * AL + 16,), jnp.int32),
        pltpu.VMEM((2 * AL, D), jnp.float32),
        pltpu.VMEM((R, D), jnp.float32),
        pltpu.SemaphoreType.DMA,
        pltpu.SemaphoreType.DMA,
    ],
)
def _sc_api(api_idx, api_table, out, idx_a, buf_a, outb, sem_a0, sem_a1):
    wid = lax.axis_index("s") * NC + lax.axis_index("c")
    base = wid * R
    pltpu.sync_copy(api_idx.at[pl.ds(base * AL, R * AL)],
                    idx_a.at[pl.ds(0, R * AL)])
    lanes = lax.iota(jnp.int32, 16)
    sems_a = (sem_a0, sem_a1)

    def mk_copies(r, slot):
        off_a = r * AL
        sa = slot * AL
        return (
            (api_table.at[idx_a.at[pl.ds(off_a, 128)]],
             buf_a.at[pl.ds(sa, 128)], sems_a[slot]),
            (api_table.at[idx_a.at[pl.ds(off_a + 128, AL - 128)]],
             buf_a.at[pl.ds(sa + 128, AL - 128)], sems_a[slot]),
        )

    def issue(r, slot):
        for src, dst, sem in mk_copies(r, slot):
            pltpu.async_copy(src, dst, sem)

    def drain(r, slot):
        for src, dst, sem in mk_copies(r, slot):
            pltpu.make_async_copy(src, dst, sem).wait()

    def process_row(r, slot):
        off_a = r * AL
        sa = slot * AL

        one = jnp.ones(16, jnp.int32)
        zero = jnp.zeros(16, jnp.int32)

        def cnt_a(k, c):
            v = idx_a[pl.ds(off_a + k * 16, 16)]
            return c + jnp.where(v != 0, one, zero)
        c_a = lax.fori_loop(0, AL // 16, cnt_a, jnp.zeros(16, jnp.int32),
                            unroll=4)
        v_tail = idx_a[pl.ds(off_a + (AL // 16) * 16, 16)]
        c_a = c_a + jnp.where((v_tail != 0) & (lanes < AL % 16), one, zero)

        va = [c_a[l] for l in range(16)]
        while len(va) > 1:
            va = [va[i] + va[i + 1] for i in range(0, len(va), 2)]
        n_a = jnp.maximum(jnp.full((16,), va[0], jnp.int32)
                          .astype(jnp.float32), 1.0)

        drain(r, slot)

        def sum_a(i, accs):
            return tuple(a + buf_a[sa + i, pl.ds(c * 16, 16)]
                         for c, a in enumerate(accs))
        acc_a = lax.fori_loop(0, AL, sum_a,
                              tuple(jnp.zeros(16, jnp.float32)
                                    for _ in range(NCH)), unroll=8)

        inv_a = 1.0 / n_a
        for c in range(NCH):
            outb[r, pl.ds(c * 16, 16)] = acc_a[c] * inv_a

    issue(0, 0)

    def body(g, carry):
        r0 = 2 * g
        issue(r0 + 1, 1)
        process_row(r0, 0)

        @pl.when(r0 + 2 < R)
        def _():
            issue(r0 + 2, 0)
        process_row(r0 + 1, 1)
        return carry

    lax.fori_loop(0, R // 2, body, 0)
    pltpu.sync_copy(outb, out.at[pl.ds(base, R)])


def _tc_perm_body(idx_ref, tab_ref, o_ref):
    idx = idx_ref[...]
    nz = jnp.sum(jnp.where(idx != 0, 1.0, 0.0), axis=1)
    inv = 1.0 / jnp.maximum(nz, 1.0)
    idx16 = idx.astype(jnp.int16)
    pooled = jnp.zeros((BT, D), jnp.float32)
    for vc in range(PVT // D):
        vocab = (lax.broadcasted_iota(jnp.int16, (BT, D), 1)
                 + jnp.int16(vc * D))
        counts = jnp.zeros((BT, D), jnp.int16)
        for p in range(PLEN):
            counts = counts + (idx16[:, p:p + 1] == vocab).astype(jnp.int16)
        pooled = pooled + jnp.dot(counts.astype(jnp.float32),
                                  tab_ref[pl.ds(vc * D, D), :],
                                  preferred_element_type=jnp.float32)
    o_ref[...] = pooled * inv[:, None]


def _tc_perm(perm_seq, perm_table_pad):
    return pl.pallas_call(
        _tc_perm_body,
        grid=(B // BT,),
        in_specs=[
            pl.BlockSpec((BT, PLEN), lambda i: (i, 0)),
            pl.BlockSpec((PVT, D), lambda i: (0, 0)),
        ],
        out_specs=pl.BlockSpec((BT, D), lambda i: (i, 0)),
        out_shape=jax.ShapeDtypeStruct((B, D), jnp.float32),
    )(perm_seq, perm_table_pad)


def kernel(api_seq, perm_seq, api_table, perm_table):
    api_flat = api_seq.reshape(-1)
    perm_table_pad = jnp.pad(perm_table, ((0, PVT - PVOCAB), (0, 0)))
    out_perm = _tc_perm(perm_seq, perm_table_pad)
    out_api = _sc_api(api_flat, api_table)
    return jnp.concatenate([out_api, out_perm], axis=1)

# --- scband reference (transcript-rebuilt; emitter-appended) ---
"""Pipeline reference for scband-apkfeature-embedder-37185826849412 (READ-ONLY COPY).

The authoritative reference and input builder live on the scoring server;
editing this copy changes nothing except your own understanding.
"""

import jax, jax.numpy as jnp
import numpy as np

API_VOCAB = 100000
PERM_VOCAB = 1000
EMBED_DIM = 128
BATCH = 4096
API_LEN = 200
PERM_LEN = 50
PAD_IDX = 0


def setup_inputs(seed: int = 0) -> dict:
    key = jax.random.key(seed)
    k1, k2, k3, k4 = jax.random.split(key, 4)
    api_seq = jax.random.randint(k1, (BATCH, API_LEN), 0, API_VOCAB, dtype=jnp.int32)
    perm_seq = jax.random.randint(k2, (BATCH, PERM_LEN), 0, PERM_VOCAB, dtype=jnp.int32)
    api_table = jax.random.normal(k3, (API_VOCAB, EMBED_DIM), dtype=jnp.float32) * 0.02
    perm_table = jax.random.normal(k4, (PERM_VOCAB, EMBED_DIM), dtype=jnp.float32) * 0.02
    # padding_idx row is zero, mirroring nn.Embedding(padding_idx=0)
    api_table = api_table.at[PAD_IDX].set(0.0)
    perm_table = perm_table.at[PAD_IDX].set(0.0)
    return {"api_seq": api_seq, "perm_seq": perm_seq, "api_table": api_table, "perm_table": perm_table}


def _masked_mean_pool(seq, table):
    # embedding lookup (gather) -> SparseCore-friendly
    emb = jnp.take(table, seq, axis=0)                        # [B, L, D]
    padding_mask = (seq != PAD_IDX)[..., None].astype(jnp.float32)  # [B, L, 1]
    summed = (emb * padding_mask).sum(axis=1)                 # [B, D]
    token_counts = jnp.clip(padding_mask.sum(axis=1), 1e-09, None)  # [B, 1]
    return summed / token_counts


def reference(api_seq, perm_seq, api_table, perm_table):
    pooled_embeddings = [
        _masked_mean_pool(api_seq, api_table),
        _masked_mean_pool(perm_seq, perm_table),
    ]
    concatenated_embeddings = jnp.concatenate(pooled_embeddings, axis=1)  # [B, 2*D]
    return concatenated_embeddings

if __name__ == "__main__":
    import jax
    _d = setup_inputs()
    print(jax.jit(kernel)(*tuple(_d.values())))

</pallas_src>

<mosaic_0001>
#map = affine_map<(d0, d1) -> (0)>
#map1 = affine_map<(d0, d1) -> (0, 0)>
module attributes {stable_mosaic.version = 14 : i64} {
  func.func @_sc_api(%arg0: i32, %arg1: i32, %arg2: memref<819200xi32, #tpu.memory_space<hbm>>, %arg3: memref<100000x128xf32, #tpu.memory_space<hbm>>, %arg4: memref<4096x128xf32, #tpu.memory_space<hbm>>, %arg5: memref<25616xi32, #tpu.memory_space<vmem>>, %arg6: memref<400x128xf32, #tpu.memory_space<vmem>>, %arg7: memref<128x128xf32, #tpu.memory_space<vmem>>, %arg8: memref<!tpu.dma_semaphore, #tpu.memory_space<semaphore_mem>>, %arg9: memref<!tpu.dma_semaphore, #tpu.memory_space<semaphore_mem>>) attributes {dimension_semantics = [#tpu.dimension_semantics<core_parallel>, #tpu.dimension_semantics<subcore_parallel>], iteration_bounds = array<i64: 2, 16>, scalar_prefetch = 0 : i64, scratch_operands = 5 : i64, tpu.core_type = #tpu.core_type<sc_vector_subcore>, window_params = [{transform_indices = #map}, {transform_indices = #map1}, {transform_indices = #map1}]} {
    %mul3A = arith.constant 2 : i32
    %mul3A_0 = arith.muli %arg1, %mul3A : i32
    %add3A = arith.addi %mul3A_0, %arg0 : i32
    %mul3A_1 = arith.constant 128 : i32
    %mul3A_2 = arith.muli %add3A, %mul3A_1 : i32
    %mul3A_3 = arith.constant 200 : i32
    %mul3A_4 = arith.muli %mul3A_2, %mul3A_3 : i32
    "tpu.region"() ({
      %run_scoped3A = tpu.sem_alloc : memref<!tpu.dma_semaphore, #tpu.memory_space<semaphore_mem>>
      %dma_start3A_25 = arith.constant 0 : i32
      %dma_start3A_26 = tpu.memref_slice %arg5[%dma_start3A_25] : memref<25616xi32, #tpu.memory_space<vmem>> -> memref<25600xi32, #tpu.memory_space<vmem>>
      %dma_start3A_27 = tpu.memref_slice %arg2[%mul3A_4] : memref<819200xi32, #tpu.memory_space<hbm>> -> memref<25600xi32, #tpu.memory_space<hbm>>
      %dma_start3A_28 = arith.constant 0 : i32
      %dma_start3A_29 = tpu.memref_slice %arg5[%dma_start3A_28] : memref<25616xi32, #tpu.memory_space<vmem>> -> memref<25600xi32, #tpu.memory_space<vmem>>
      %dma_start3A_30 = tpu.memref_slice %arg2[%mul3A_4] : memref<819200xi32, #tpu.memory_space<hbm>> -> memref<25600xi32, #tpu.memory_space<hbm>>
      tpu.enqueue_dma source(%dma_start3A_30 : memref<25600xi32, #tpu.memory_space<hbm>>) target(%dma_start3A_29 : memref<25600xi32, #tpu.memory_space<vmem>>) target_semaphore(%run_scoped3A : memref<!tpu.dma_semaphore, #tpu.memory_space<semaphore_mem>>)
      %dma_wait3A = arith.constant 0 : i32
      %dma_wait3A_31 = tpu.memref_slice %arg5[%dma_wait3A] : memref<25616xi32, #tpu.memory_space<vmem>> -> memref<25600xi32, #tpu.memory_space<vmem>>
      %dma_wait3A_32 = tpu.memref_slice %arg2[%mul3A_4] : memref<819200xi32, #tpu.memory_space<hbm>> -> memref<25600xi32, #tpu.memory_space<hbm>>
      %dma_wait3A_33 = arith.constant 0 : i32
      %dma_wait3A_34 = tpu.memref_slice %arg5[%dma_wait3A_33] : memref<25616xi32, #tpu.memory_space<vmem>> -> memref<25600xi32, #tpu.memory_space<vmem>>
      %dma_wait3A_35 = tpu.memref_slice %arg2[%mul3A_4] : memref<819200xi32, #tpu.memory_space<hbm>> -> memref<25600xi32, #tpu.memory_space<hbm>>
      tpu.wait_dma2 semaphore(%run_scoped3A : memref<!tpu.dma_semaphore, #tpu.memory_space<semaphore_mem>>) src(%dma_wait3A_35 : memref<25600xi32, #tpu.memory_space<hbm>>) dst(%dma_wait3A_34 : memref<25600xi32, #tpu.memory_space<vmem>>)
      tpu.yield
    }) : () -> ()
    %iota3A = tpu.iota {dimensions = array<i32: 0>} : vector<16xi32>
    %dma_start3A = arith.constant 0 : i32
    %dma_start3A_5 = arith.constant 0 : i32
    %dma_start3A_6 = tpu.memref_slice %arg6[%dma_start3A, %dma_start3A_5] : memref<400x128xf32, #tpu.memory_space<vmem>> -> memref<128x128xf32, #tpu.memory_space<vmem>>
    %dma_start3A_7 = arith.constant 0 : i32
    %dma_start3A_8 = tpu.memref_slice %arg5[%dma_start3A_7] : memref<25616xi32, #tpu.memory_space<vmem>> -> memref<128xi32, #tpu.memory_space<vmem>>
    %dma_start3A_9 = arith.constant 0 : i32
    %dma_start3A_10 = arith.constant 0 : i32
    %dma_start3A_11 = tpu.memref_slice %arg3[%dma_start3A_9, %dma_start3A_10] : memref<100000x128xf32, #tpu.memory_space<hbm>> -> memref<100000x128xf32, #tpu.memory_space<hbm>>
    tpu.enqueue_indirect_dma source(%dma_start3A_11 : memref<100000x128xf32, #tpu.memory_space<hbm>>) target(%dma_start3A_6 : memref<128x128xf32, #tpu.memory_space<vmem>>) offsets(%dma_start3A_8 : memref<128xi32, #tpu.memory_space<vmem>>) semaphore(%arg8 : memref<!tpu.dma_semaphore, #tpu.memory_space<semaphore_mem>>)
    %dma_start3A_12 = arith.constant 128 : i32
    %dma_start3A_13 = arith.constant 0 : i32
    %dma_start3A_14 = tpu.memref_slice %arg6[%dma_start3A_12, %dma_start3A_13] : memref<400x128xf32, #tpu.memory_space<vmem>> -> memref<72x128xf32, #tpu.memory_space<vmem>>
    %dma_start3A_15 = arith.constant 128 : i32
    %dma_start3A_16 = tpu.memref_slice %arg5[%dma_start3A_15] : memref<25616xi32, #tpu.memory_space<vmem>> -> memref<72xi32, #tpu.memory_space<vmem>>
    %dma_start3A_17 = arith.constant 0 : i32
    %dma_start3A_18 = arith.constant 0 : i32
    %dma_start3A_19 = tpu.memref_slice %arg3[%dma_start3A_17, %dma_start3A_18] : memref<100000x128xf32, #tpu.memory_space<hbm>> -> memref<100000x128xf32, #tpu.memory_space<hbm>>
    tpu.enqueue_indirect_dma source(%dma_start3A_19 : memref<100000x128xf32, #tpu.memory_space<hbm>>) target(%dma_start3A_14 : memref<72x128xf32, #tpu.memory_space<vmem>>) offsets(%dma_start3A_16 : memref<72xi32, #tpu.memory_space<vmem>>) semaphore(%arg8 : memref<!tpu.dma_semaphore, #tpu.memory_space<semaphore_mem>>)
    %scan3A = arith.constant 0 : i32
    %scan3A_20 = arith.constant 0 : i32
    %scan3A_21 = arith.constant 64 : i32
    %scan3A_22 = arith.addi %scan3A_20, %scan3A_21 : i32
    %scan3A_23 = arith.constant 1 : i32
    scf.for %scan3A_25 = %scan3A_20 to %scan3A_22 step %scan3A_23  : i32 {
      %mul3A_26 = arith.constant 2 : i32
      %mul3A_27 = arith.muli %mul3A_26, %scan3A_25 : i32
      %add3A_28 = arith.constant 1 : i32
      %add3A_29 = arith.addi %mul3A_27, %add3A_28 : i32
      %mul3A_30 = arith.constant 200 : i32
      %mul3A_31 = arith.muli %add3A_29, %mul3A_30 : i32
      %add3A_32 = arith.constant 128 : i32
      %add3A_33 = arith.addi %mul3A_31, %add3A_32 : i32
      %dma_start3A_34 = arith.constant 200 : i32
      %dma_start3A_35 = arith.constant 0 : i32
      %dma_start3A_36 = tpu.memref_slice %arg6[%dma_start3A_34, %dma_start3A_35] : memref<400x128xf32, #tpu.memory_space<vmem>> -> memref<128x128xf32, #tpu.memory_space<vmem>>
      %dma_start3A_37 = tpu.memref_slice %arg5[%mul3A_31] : memref<25616xi32, #tpu.memory_space<vmem>> -> memref<128xi32, #tpu.memory_space<vmem>>
      %dma_start3A_38 = arith.constant 0 : i32
      %dma_start3A_39 = arith.constant 0 : i32
      %dma_start3A_40 = tpu.memref_slice %arg3[%dma_start3A_38, %dma_start3A_39] : memref<100000x128xf32, #tpu.memory_space<hbm>> -> memref<100000x128xf32, #tpu.memory_space<hbm>>
      tpu.enqueue_indirect_dma source(%dma_start3A_40 : memref<100000x128xf32, #tpu.memory_space<hbm>>) target(%dma_start3A_36 : memref<128x128xf32, #tpu.memory_space<vmem>>) offsets(%dma_start3A_37 : memref<128xi32, #tpu.memory_space<vmem>>) semaphore(%arg9 : memref<!tpu.dma_semaphore, #tpu.memory_space<semaphore_mem>>)
      %dma_start3A_41 = arith.constant 328 : i32
      %dma_start3A_42 = arith.constant 0 : i32
      %dma_start3A_43 = tpu.memref_slice %arg6[%dma_start3A_41, %dma_start3A_42] : memref<400x128xf32, #tpu.memory_space<vmem>> -> memref<72x128xf32, #tpu.memory_space<vmem>>
      %dma_start3A_44 = tpu.memref_slice %arg5[%add3A_33] : memref<25616xi32, #tpu.memory_space<vmem>> -> memref<72xi32, #tpu.memory_space<vmem>>
      %dma_start3A_45 = arith.constant 0 : i32
      %dma_start3A_46 = arith.constant 0 : i32
      %dma_start3A_47 = tpu.memref_slice %arg3[%dma_start3A_45, %dma_start3A_46] : memref<100000x128xf32, #tpu.memory_space<hbm>> -> memref<100000x128xf32, #tpu.memory_space<hbm>>
      tpu.enqueue_indirect_dma source(%dma_start3A_47 : memref<100000x128xf32, #tpu.memory_space<hbm>>) target(%dma_start3A_43 : memref<72x128xf32, #tpu.memory_space<vmem>>) offsets(%dma_start3A_44 : memref<72xi32, #tpu.memory_space<vmem>>) semaphore(%arg9 : memref<!tpu.dma_semaphore, #tpu.memory_space<semaphore_mem>>)
      %mul3A_48 = arith.constant 200 : i32
      %mul3A_49 = arith.muli %mul3A_27, %mul3A_48 : i32
      %broadcast_in_dim3A = arith.constant 1 : i32
      %broadcast_in_dim3A_50 = vector.broadcast %broadcast_in_dim3A : i32 to vector<16xi32>
      %broadcast_in_dim3A_51 = arith.constant 0 : i32
      %broadcast_in_dim3A_52 = vector.broadcast %broadcast_in_dim3A_51 : i32 to vector<16xi32>
      %broadcast_in_dim3A_53 = arith.constant 0 : i32
      %broadcast_in_dim3A_54 = vector.broadcast %broadcast_in_dim3A_53 : i32 to vector<16xi32>
      %scan3A_55 = arith.constant 0 : i32
      %scan3A_56 = arith.constant 12 : i32
      %scan3A_57 = arith.addi %scan3A_55, %scan3A_56 : i32
      %scan3A_58 = arith.constant 4 : i32
      %scan3A_59 = scf.for %scan3A_385 = %scan3A_55 to %scan3A_57 step %scan3A_58 iter_args(%scan3A_386 = %broadcast_in_dim3A_54) -> (vector<16xi32>)  : i32 {
        %mul3A_387 = arith.constant 16 : i32
        %mul3A_388 = arith.muli %scan3A_385, %mul3A_387 : i32
        %add3A_389 = arith.addi %mul3A_49, %mul3A_388 : i32
        %get3A_390 = arith.index_cast %add3A_389 : i32 to index
        %get3A_391 = tpu.vector_load %arg5[%get3A_390] {strides = array<i32>} : memref<25616xi32, #tpu.memory_space<vmem>>, vector<16xi32>,
        %get3A_392 = vector.shape_cast %get3A_391 : vector<16xi32> to vector<16xi32>
        %ne3A_393 = arith.constant 0 : i32
        %ne3A_394 = vector.broadcast %ne3A_393 : i32 to vector<16xi32>
        %ne3A_395 = arith.cmpi ne, %get3A_392, %ne3A_394 : vector<16xi32>
        %select_n3A_396 = arith.select %ne3A_395, %broadcast_in_dim3A_50, %broadcast_in_dim3A_52 : vector<16xi1>, vector<16xi32>
        %add3A_397 = arith.addi %scan3A_386, %select_n3A_396 : vector<16xi32>
        %scan3A_398 = arith.constant 1 : i32
        %scan3A_399 = arith.addi %scan3A_385, %scan3A_398 : i32
        %mul3A_400 = arith.constant 16 : i32
        %mul3A_401 = arith.muli %scan3A_399, %mul3A_400 : i32
        %add3A_402 = arith.addi %mul3A_49, %mul3A_401 : i32
        %get3A_403 = arith.index_cast %add3A_402 : i32 to index
        %get3A_404 = tpu.vector_load %arg5[%get3A_403] {strides = array<i32>} : memref<25616xi32, #tpu.memory_space<vmem>>, vector<16xi32>,
        %get3A_405 = vector.shape_cast %get3A_404 : vector<16xi32> to vector<16xi32>
        %ne3A_406 = arith.constant 0 : i32
        %ne3A_407 = vector.broadcast %ne3A_406 : i32 to vector<16xi32>
        %ne3A_408 = arith.cmpi ne, %get3A_405, %ne3A_407 : vector<16xi32>
        %select_n3A_409 = arith.select %ne3A_408, %broadcast_in_dim3A_50, %broadcast_in_dim3A_52 : vector<16xi1>, vector<16xi32>
        %add3A_410 = arith.addi %add3A_397, %select_n3A_409 : vector<16xi32>
        %scan3A_411 = arith.constant 2 : i32
        %scan3A_412 = arith.addi %scan3A_385, %scan3A_411 : i32
        %mul3A_413 = arith.constant 16 : i32
        %mul3A_414 = arith.muli %scan3A_412, %mul3A_413 : i32
        %add3A_415 = arith.addi %mul3A_49, %mul3A_414 : i32
        %get3A_416 = arith.index_cast %add3A_415 : i32 to index
        %get3A_417 = tpu.vector_load %arg5[%get3A_416] {strides = array<i32>} : memref<25616xi32, #tpu.memory_space<vmem>>, vector<16xi32>,
        %get3A_418 = vector.shape_cast %get3A_417 : vector<16xi32> to vector<16xi32>
        %ne3A_419 = arith.constant 0 : i32
        %ne3A_420 = vector.broadcast %ne3A_419 : i32 to vector<16xi32>
        %ne3A_421 = arith.cmpi ne, %get3A_418, %ne3A_420 : vector<16xi32>
        %select_n3A_422 = arith.select %ne3A_421, %broadcast_in_dim3A_50, %broadcast_in_dim3A_52 : vector<16xi1>, vector<16xi32>
        %add3A_423 = arith.addi %add3A_410, %select_n3A_422 : vector<16xi32>
        %scan3A_424 = arith.constant 3 : i32
        %scan3A_425 = arith.addi %scan3A_385, %scan3A_424 : i32
        %mul3A_426 = arith.constant 16 : i32
        %mul3A_427 = arith.muli %scan3A_425, %mul3A_426 : i32
        %add3A_428 = arith.addi %mul3A_49, %mul3A_427 : i32
        %get3A_429 = arith.index_cast %add3A_428 : i32 to index
        %get3A_430 = tpu.vector_load %arg5[%get3A_429] {strides = array<i32>} : memref<25616xi32, #tpu.memory_space<vmem>>, vector<16xi32>,
        %get3A_431 = vector.shape_cast %get3A_430 : vector<16xi32> to vector<16xi32>
        %ne3A_432 = arith.constant 0 : i32
        %ne3A_433 = vector.broadcast %ne3A_432 : i32 to vector<16xi32>
        %ne3A_434 = arith.cmpi ne, %get3A_431, %ne3A_433 : vector<16xi32>
        %select_n3A_435 = arith.select %ne3A_434, %broadcast_in_dim3A_50, %broadcast_in_dim3A_52 : vector<16xi1>, vector<16xi32>
        %add3A_436 = arith.addi %add3A_423, %select_n3A_435 : vector<16xi32>
        scf.yield %add3A_436 : vector<16xi32>
      }
      %scan3A_60 = arith.constant 12 : i32
      %add3A_61 = arith.constant 192 : i32
      %add3A_62 = arith.addi %mul3A_49, %add3A_61 : i32
      %get3A = arith.index_cast %add3A_62 : i32 to index
      %get3A_63 = tpu.vector_load %arg5[%get3A] {strides = array<i32>} : memref<25616xi32, #tpu.memory_space<vmem>>, vector<16xi32>,
      %get3A_64 = vector.shape_cast %get3A_63 : vector<16xi32> to vector<16xi32>
      %ne3A = arith.constant 0 : i32
      %ne3A_65 = vector.broadcast %ne3A : i32 to vector<16xi32>
      %ne3A_66 = arith.cmpi ne, %get3A_64, %ne3A_65 : vector<16xi32>
      %lt3A = arith.constant 8 : i32
      %lt3A_67 = vector.broadcast %lt3A : i32 to vector<16xi32>
      %lt3A_68 = arith.cmpi slt, %iota3A, %lt3A_67 : vector<16xi32>
      %and3A = arith.andi %ne3A_66, %lt3A_68 : vector<16xi1>
      %select_n3A = arith.select %and3A, %broadcast_in_dim3A_50, %broadcast_in_dim3A_52 : vector<16xi1>, vector<16xi32>
      %add3A_69 = arith.addi %scan3A_59, %select_n3A : vector<16xi32>
      %slice3A = vector.extract_strided_slice %add3A_69 {offsets = [0], sizes = [1], strides = [1]} : vector<16xi32> to vector<1xi32>
      %squeeze3A = vector.extract %slice3A[0] : i32 from vector<1xi32>
      %slice3A_70 = vector.extract_strided_slice %add3A_69 {offsets = [1], sizes = [1], strides = [1]} : vector<16xi32> to vector<1xi32>
      %squeeze3A_71 = vector.extract %slice3A_70[0] : i32 from vector<1xi32>
      %slice3A_72 = vector.extract_strided_slice %add3A_69 {offsets = [2], sizes = [1], strides = [1]} : vector<16xi32> to vector<1xi32>
      %squeeze3A_73 = vector.extract %slice3A_72[0] : i32 from vector<1xi32>
      %slice3A_74 = vector.extract_strided_slice %add3A_69 {offsets = [3], sizes = [1], strides = [1]} : vector<16xi32> to vector<1xi32>
      %squeeze3A_75 = vector.extract %slice3A_74[0] : i32 from vector<1xi32>
      %slice3A_76 = vector.extract_strided_slice %add3A_69 {offsets = [4], sizes = [1], strides = [1]} : vector<16xi32> to vector<1xi32>
      %squeeze3A_77 = vector.extract %slice3A_76[0] : i32 from vector<1xi32>
      %slice3A_78 = vector.extract_strided_slice %add3A_69 {offsets = [5], sizes = [1], strides = [1]} : vector<16xi32> to vector<1xi32>
      %squeeze3A_79 = vector.extract %slice3A_78[0] : i32 from vector<1xi32>
      %slice3A_80 = vector.extract_strided_slice %add3A_69 {offsets = [6], sizes = [1], strides = [1]} : vector<16xi32> to vector<1xi32>
      %squeeze3A_81 = vector.extract %slice3A_80[0] : i32 from vector<1xi32>
      %slice3A_82 = vector.extract_strided_slice %add3A_69 {offsets = [7], sizes = [1], strides = [1]} : vector<16xi32> to vector<1xi32>
      %squeeze3A_83 = vector.extract %slice3A_82[0] : i32 from vector<1xi32>
      %slice3A_84 = vector.extract_strided_slice %add3A_69 {offsets = [8], sizes = [1], strides = [1]} : vector<16xi32> to vector<1xi32>
      %squeeze3A_85 = vector.extract %slice3A_84[0] : i32 from vector<1xi32>
      %slice3A_86 = vector.extract_strided_slice %add3A_69 {offsets = [9], sizes = [1], strides = [1]} : vector<16xi32> to vector<1xi32>
      %squeeze3A_87 = vector.extract %slice3A_86[0] : i32 from vector<1xi32>
      %slice3A_88 = vector.extract_strided_slice %add3A_69 {offsets = [10], sizes = [1], strides = [1]} : vector<16xi32> to vector<1xi32>
      %squeeze3A_89 = vector.extract %slice3A_88[0] : i32 from vector<1xi32>
      %slice3A_90 = vector.extract_strided_slice %add3A_69 {offsets = [11], sizes = [1], strides = [1]} : vector<16xi32> to vector<1xi32>
      %squeeze3A_91 = vector.extract %slice3A_90[0] : i32 from vector<1xi32>
      %slice3A_92 = vector.extract_strided_slice %add3A_69 {offsets = [12], sizes = [1], strides = [1]} : vector<16xi32> to vector<1xi32>
      %squeeze3A_93 = vector.extract %slice3A_92[0] : i32 from vector<1xi32>
      %slice3A_94 = vector.extract_strided_slice %add3A_69 {offsets = [13], sizes = [1], strides = [1]} : vector<16xi32> to vector<1xi32>
      %squeeze3A_95 = vector.extract %slice3A_94[0] : i32 from vector<1xi32>
      %slice3A_96 = vector.extract_strided_slice %add3A_69 {offsets = [14], sizes = [1], strides = [1]} : vector<16xi32> to vector<1xi32>
      %squeeze3A_97 = vector.extract %slice3A_96[0] : i32 from vector<1xi32>
      %slice3A_98 = vector.extract_strided_slice %add3A_69 {offsets = [15], sizes = [1], strides = [1]} : vector<16xi32> to vector<1xi32>
      %squeeze3A_99 = vector.extract %slice3A_98[0] : i32 from vector<1xi32>
      %add3A_100 = arith.addi %squeeze3A, %squeeze3A_71 : i32
      %add3A_101 = arith.addi %squeeze3A_73, %squeeze3A_75 : i32
      %add3A_102 = arith.addi %squeeze3A_77, %squeeze3A_79 : i32
      %add3A_103 = arith.addi %squeeze3A_81, %squeeze3A_83 : i32
      %add3A_104 = arith.addi %squeeze3A_85, %squeeze3A_87 : i32
      %add3A_105 = arith.addi %squeeze3A_89, %squeeze3A_91 : i32
      %add3A_106 = arith.addi %squeeze3A_93, %squeeze3A_95 : i32
      %add3A_107 = arith.addi %squeeze3A_97, %squeeze3A_99 : i32
      %add3A_108 = arith.addi %add3A_100, %add3A_101 : i32
      %add3A_109 = arith.addi %add3A_102, %add3A_103 : i32
      %add3A_110 = arith.addi %add3A_104, %add3A_105 : i32
      %add3A_111 = arith.addi %add3A_106, %add3A_107 : i32
      %add3A_112 = arith.addi %add3A_108, %add3A_109 : i32
      %add3A_113 = arith.addi %add3A_110, %add3A_111 : i32
      %add3A_114 = arith.addi %add3A_112, %add3A_113 : i32
      %broadcast_in_dim3A_115 = vector.broadcast %add3A_114 : i32 to vector<16xi32>
      %convert_element_type3A = arith.sitofp %broadcast_in_dim3A_115 : vector<16xi32> to vector<16xf32>
      %max3A = arith.constant 1.000000e+00 : f32
      %max3A_116 = vector.broadcast %max3A : f32 to vector<16xf32>
      %max3A_117 = arith.maximumf %convert_element_type3A, %max3A_116 : vector<16xf32>
      %mul3A_118 = arith.constant 200 : i32
      %mul3A_119 = arith.muli %mul3A_27, %mul3A_118 : i32
      %add3A_120 = arith.constant 128 : i32
      %add3A_121 = arith.addi %mul3A_119, %add3A_120 : i32
      %dma_wait3A = arith.constant 0 : i32
      %dma_wait3A_122 = arith.constant 0 : i32
      %dma_wait3A_123 = tpu.memref_slice %arg6[%dma_wait3A, %dma_wait3A_122] : memref<400x128xf32, #tpu.memory_space<vmem>> -> memref<128x128xf32, #tpu.memory_space<vmem>>
      %dma_wait3A_124 = tpu.memref_slice %arg5[%mul3A_119] : memref<25616xi32, #tpu.memory_space<vmem>> -> memref<128xi32, #tpu.memory_space<vmem>>
      %dma_wait3A_125 = arith.constant 0 : i32
      %dma_wait3A_126 = arith.constant 0 : i32
      %dma_wait3A_127 = tpu.memref_slice %arg3[%dma_wait3A_125, %dma_wait3A_126] : memref<100000x128xf32, #tpu.memory_space<hbm>> -> memref<100000x128xf32, #tpu.memory_space<hbm>>
      tpu.wait_indirect_dma semaphore(%arg8 : memref<!tpu.dma_semaphore, #tpu.memory_space<semaphore_mem>>) src(%dma_wait3A_127 : memref<100000x128xf32, #tpu.memory_space<hbm>>) dst(%dma_wait3A_123 : memref<128x128xf32, #tpu.memory_space<vmem>>)
      %dma_wait3A_128 = arith.constant 128 : i32
      %dma_wait3A_129 = arith.constant 0 : i32
      %dma_wait3A_130 = tpu.memref_slice %arg6[%dma_wait3A_128, %dma_wait3A_129] : memref<400x128xf32, #tpu.memory_space<vmem>> -> memref<72x128xf32, #tpu.memory_space<vmem>>
      %dma_wait3A_131 = tpu.memref_slice %arg5[%add3A_121] : memref<25616xi32, #tpu.memory_space<vmem>> -> memref<72xi32, #tpu.memory_space<vmem>>
      %dma_wait3A_132 = arith.constant 0 : i32
      %dma_wait3A_133 = arith.constant 0 : i32
      %dma_wait3A_134 = tpu.memref_slice %arg3[%dma_wait3A_132, %dma_wait3A_133] : memref<100000x128xf32, #tpu.memory_space<hbm>> -> memref<100000x128xf32, #tpu.memory_space<hbm>>
      tpu.wait_indirect_dma semaphore(%arg8 : memref<!tpu.dma_semaphore, #tpu.memory_space<semaphore_mem>>) src(%dma_wait3A_134 : memref<100000x128xf32, #tpu.memory_space<hbm>>) dst(%dma_wait3A_130 : memref<72x128xf32, #tpu.memory_space<vmem>>)
      %broadcast_in_dim3A_135 = arith.constant 0.000000e+00 : f32
      %broadcast_in_dim3A_136 = vector.broadcast %broadcast_in_dim3A_135 : f32 to vector<16xf32>
      %broadcast_in_dim3A_137 = arith.constant 0.000000e+00 : f32
      %broadcast_in_dim3A_138 = vector.broadcast %broadcast_in_dim3A_137 : f32 to vector<16xf32>
      %broadcast_in_dim3A_139 = arith.constant 0.000000e+00 : f32
      %broadcast_in_dim3A_140 = vector.broadcast %broadcast_in_dim3A_139 : f32 to vector<16xf32>
      %broadcast_in_dim3A_141 = arith.constant 0.000000e+00 : f32
      %broadcast_in_dim3A_142 = vector.broadcast %broadcast_in_dim3A_141 : f32 to vector<16xf32>
      %broadcast_in_dim3A_143 = arith.constant 0.000000e+00 : f32
      %broadcast_in_dim3A_144 = vector.broadcast %broadcast_in_dim3A_143 : f32 to vector<16xf32>
      %broadcast_in_dim3A_145 = arith.constant 0.000000e+00 : f32
      %broadcast_in_dim3A_146 = vector.broadcast %broadcast_in_dim3A_145 : f32 to vector<16xf32>
      %broadcast_in_dim3A_147 = arith.constant 0.000000e+00 : f32
      %broadcast_in_dim3A_148 = vector.broadcast %broadcast_in_dim3A_147 : f32 to vector<16xf32>
      %broadcast_in_dim3A_149 = arith.constant 0.000000e+00 : f32
      %broadcast_in_dim3A_150 = vector.broadcast %broadcast_in_dim3A_149 : f32 to vector<16xf32>
      %scan3A_151 = arith.constant 0 : i32
      %scan3A_152 = arith.constant 200 : i32
      %scan3A_153 = arith.addi %scan3A_151, %scan3A_152 : i32
      %scan3A_154 = arith.constant 8 : i32
      %scan3A_155:8 = scf.for %scan3A_385 = %scan3A_151 to %scan3A_153 step %scan3A_154 iter_args(%scan3A_386 = %broadcast_in_dim3A_136, %scan3A_387 = %broadcast_in_dim3A_138, %scan3A_388 = %broadcast_in_dim3A_140, %scan3A_389 = %broadcast_in_dim3A_142, %scan3A_390 = %broadcast_in_dim3A_144, %scan3A_391 = %broadcast_in_dim3A_146, %scan3A_392 = %broadcast_in_dim3A_148, %scan3A_393 = %broadcast_in_dim3A_150) -> (vector<16xf32>, vector<16xf32>, vector<16xf32>, vector<16xf32>, vector<16xf32>, vector<16xf32>, vector<16xf32>, vector<16xf32>)  : i32 {
        %add3A_394 = arith.constant 0 : i32
        %add3A_395 = arith.addi %add3A_394, %scan3A_385 : i32
        %get3A_396 = arith.index_cast %add3A_395 : i32 to index
        %get3A_397 = arith.constant 0 : index
        %get3A_398 = tpu.vector_load %arg6[%get3A_396, %get3A_397] {strides = array<i32>} : memref<400x128xf32, #tpu.memory_space<vmem>>, vector<1x16xf32>,
        %get3A_399 = vector.shape_cast %get3A_398 : vector<1x16xf32> to vector<16xf32>
        %add3A_400 = arith.addf %scan3A_386, %get3A_399 : vector<16xf32>
        %add3A_401 = arith.constant 0 : i32
        %add3A_402 = arith.addi %add3A_401, %scan3A_385 : i32
        %get3A_403 = arith.index_cast %add3A_402 : i32 to index
        %get3A_404 = arith.constant 16 : index
        %get3A_405 = tpu.vector_load %arg6[%get3A_403, %get3A_404] {strides = array<i32>} : memref<400x128xf32, #tpu.memory_space<vmem>>, vector<1x16xf32>,
        %get3A_406 = vector.shape_cast %get3A_405 : vector<1x16xf32> to vector<16xf32>
        %add3A_407 = arith.addf %scan3A_387, %get3A_406 : vector<16xf32>
        %add3A_408 = arith.constant 0 : i32
        %add3A_409 = arith.addi %add3A_408, %scan3A_385 : i32
        %get3A_410 = arith.index_cast %add3A_409 : i32 to index
        %get3A_411 = arith.constant 32 : index
        %get3A_412 = tpu.vector_load %arg6[%get3A_410, %get3A_411] {strides = array<i32>} : memref<400x128xf32, #tpu.memory_space<vmem>>, vector<1x16xf32>,
        %get3A_413 = vector.shape_cast %get3A_412 : vector<1x16xf32> to vector<16xf32>
        %add3A_414 = arith.addf %scan3A_388, %get3A_413 : vector<16xf32>
        %add3A_415 = arith.constant 0 : i32
        %add3A_416 = arith.addi %add3A_415, %scan3A_385 : i32
        %get3A_417 = arith.index_cast %add3A_416 : i32 to index
        %get3A_418 = arith.constant 48 : index
        %get3A_419 = tpu.vector_load %arg6[%get3A_417, %get3A_418] {strides = array<i32>} : memref<400x128xf32, #tpu.memory_space<vmem>>, vector<1x16xf32>,
        %get3A_420 = vector.shape_cast %get3A_419 : vector<1x16xf32> to vector<16xf32>
        %add3A_421 = arith.addf %scan3A_389, %get3A_420 : vector<16xf32>
        %add3A_422 = arith.constant 0 : i32
        %add3A_423 = arith.addi %add3A_422, %scan3A_385 : i32
        %get3A_424 = arith.index_cast %add3A_423 : i32 to index
        %get3A_425 = arith.constant 64 : index
        %get3A_426 = tpu.vector_load %arg6[%get3A_424, %get3A_425] {strides = array<i32>} : memref<400x128xf32, #tpu.memory_space<vmem>>, vector<1x16xf32>,
        %get3A_427 = vector.shape_cast %get3A_426 : vector<1x16xf32> to vector<16xf32>
        %add3A_428 = arith.addf %scan3A_390, %get3A_427 : vector<16xf32>
        %add3A_429 = arith.constant 0 : i32
        %add3A_430 = arith.addi %add3A_429, %scan3A_385 : i32
        %get3A_431 = arith.index_cast %add3A_430 : i32 to index
        %get3A_432 = arith.constant 80 : index
        %get3A_433 = tpu.vector_load %arg6[%get3A_431, %get3A_432] {strides = array<i32>} : memref<400x128xf32, #tpu.memory_space<vmem>>, vector<1x16xf32>,
        %get3A_434 = vector.shape_cast %get3A_433 : vector<1x16xf32> to vector<16xf32>
        %add3A_435 = arith.addf %scan3A_391, %get3A_434 : vector<16xf32>
        %add3A_436 = arith.constant 0 : i32
        %add3A_437 = arith.addi %add3A_436, %scan3A_385 : i32
        %get3A_438 = arith.index_cast %add3A_437 : i32 to index
        %get3A_439 = arith.constant 96 : index
        %get3A_440 = tpu.vector_load %arg6[%get3A_438, %get3A_439] {strides = array<i32>} : memref<400x128xf32, #tpu.memory_space<vmem>>, vector<1x16xf32>,
        %get3A_441 = vector.shape_cast %get3A_440 : vector<1x16xf32> to vector<16xf32>
        %add3A_442 = arith.addf %scan3A_392, %get3A_441 : vector<16xf32>
        %add3A_443 = arith.constant 0 : i32
        %add3A_444 = arith.addi %add3A_443, %scan3A_385 : i32
        %get3A_445 = arith.index_cast %add3A_444 : i32 to index
        %get3A_446 = arith.constant 112 : index
        %get3A_447 = tpu.vector_load %arg6[%get3A_445, %get3A_446] {strides = array<i32>} : memref<400x128xf32, #tpu.memory_space<vmem>>, vector<1x16xf32>,
        %get3A_448 = vector.shape_cast %get3A_447 : vector<1x16xf32> to vector<16xf32>
        %add3A_449 = arith.addf %scan3A_393, %get3A_448 : vector<16xf32>
        %scan3A_450 = arith.constant 1 : i32
        %scan3A_451 = arith.addi %scan3A_385, %scan3A_450 : i32
        %add3A_452 = arith.constant 0 : i32
        %add3A_453 = arith.addi %add3A_452, %scan3A_451 : i32
        %get3A_454 = arith.index_cast %add3A_453 : i32 to index
        %get3A_455 = arith.constant 0 : index
        %get3A_456 = tpu.vector_load %arg6[%get3A_454, %get3A_455] {strides = array<i32>} : memref<400x128xf32, #tpu.memory_space<vmem>>, vector<1x16xf32>,
        %get3A_457 = vector.shape_cast %get3A_456 : vector<1x16xf32> to vector<16xf32>
        %add3A_458 = arith.addf %add3A_400, %get3A_457 : vector<16xf32>
        %add3A_459 = arith.constant 0 : i32
        %add3A_460 = arith.addi %add3A_459, %scan3A_451 : i32
        %get3A_461 = arith.index_cast %add3A_460 : i32 to index
        %get3A_462 = arith.constant 16 : index
        %get3A_463 = tpu.vector_load %arg6[%get3A_461, %get3A_462] {strides = array<i32>} : memref<400x128xf32, #tpu.memory_space<vmem>>, vector<1x16xf32>,
        %get3A_464 = vector.shape_cast %get3A_463 : vector<1x16xf32> to vector<16xf32>
        %add3A_465 = arith.addf %add3A_407, %get3A_464 : vector<16xf32>
        %add3A_466 = arith.constant 0 : i32
        %add3A_467 = arith.addi %add3A_466, %scan3A_451 : i32
        %get3A_468 = arith.index_cast %add3A_467 : i32 to index
        %get3A_469 = arith.constant 32 : index
        %get3A_470 = tpu.vector_load %arg6[%get3A_468, %get3A_469] {strides = array<i32>} : memref<400x128xf32, #tpu.memory_space<vmem>>, vector<1x16xf32>,
        %get3A_471 = vector.shape_cast %get3A_470 : vector<1x16xf32> to vector<16xf32>
        %add3A_472 = arith.addf %add3A_414, %get3A_471 : vector<16xf32>
        %add3A_473 = arith.constant 0 : i32
        %add3A_474 = arith.addi %add3A_473, %scan3A_451 : i32
        %get3A_475 = arith.index_cast %add3A_474 : i32 to index
        %get3A_476 = arith.constant 48 : index
        %get3A_477 = tpu.vector_load %arg6[%get3A_475, %get3A_476] {strides = array<i32>} : memref<400x128xf32, #tpu.memory_space<vmem>>, vector<1x16xf32>,
        %get3A_478 = vector.shape_cast %get3A_477 : vector<1x16xf32> to vector<16xf32>
        %add3A_479 = arith.addf %add3A_421, %get3A_478 : vector<16xf32>
        %add3A_480 = arith.constant 0 : i32
        %add3A_481 = arith.addi %add3A_480, %scan3A_451 : i32
        %get3A_482 = arith.index_cast %add3A_481 : i32 to index
        %get3A_483 = arith.constant 64 : index
        %get3A_484 = tpu.vector_load %arg6[%get3A_482, %get3A_483] {strides = array<i32>} : memref<400x128xf32, #tpu.memory_space<vmem>>, vector<1x16xf32>,
        %get3A_485 = vector.shape_cast %get3A_484 : vector<1x16xf32> to vector<16xf32>
        %add3A_486 = arith.addf %add3A_428, %get3A_485 : vector<16xf32>
        %add3A_487 = arith.constant 0 : i32
        %add3A_488 = arith.addi %add3A_487, %scan3A_451 : i32
        %get3A_489 = arith.index_cast %add3A_488 : i32 to index
        %get3A_490 = arith.constant 80 : index
        %get3A_491 = tpu.vector_load %arg6[%get3A_489, %get3A_490] {strides = array<i32>} : memref<400x128xf32, #tpu.memory_space<vmem>>, vector<1x16xf32>,
        %get3A_492 = vector.shape_cast %get3A_491 : vector<1x16xf32> to vector<16xf32>
        %add3A_493 = arith.addf %add3A_435, %get3A_492 : vector<16xf32>
        %add3A_494 = arith.constant 0 : i32
        %add3A_495 = arith.addi %add3A_494, %scan3A_451 : i32
        %get3A_496 = arith.index_cast %add3A_495 : i32 to index
        %get3A_497 = arith.constant 96 : index
        %get3A_498 = tpu.vector_load %arg6[%get3A_496, %get3A_497] {strides = array<i32>} : memref<400x128xf32, #tpu.memory_space<vmem>>, vector<1x16xf32>,
        %get3A_499 = vector.shape_cast %get3A_498 : vector<1x16xf32> to vector<16xf32>
        %add3A_500 = arith.addf %add3A_442, %get3A_499 : vector<16xf32>
        %add3A_501 = arith.constant 0 : i32
        %add3A_502 = arith.addi %add3A_501, %scan3A_451 : i32
        %get3A_503 = arith.index_cast %add3A_502 : i32 to index
        %get3A_504 = arith.constant 112 : index
        %get3A_505 = tpu.vector_load %arg6[%get3A_503, %get3A_504] {strides = array<i32>} : memref<400x128xf32, #tpu.memory_space<vmem>>, vector<1x16xf32>,
        %get3A_506 = vector.shape_cast %get3A_505 : vector<1x16xf32> to vector<16xf32>
        %add3A_507 = arith.addf %add3A_449, %get3A_506 : vector<16xf32>
        %scan3A_508 = arith.constant 2 : i32
        %scan3A_509 = arith.addi %scan3A_385, %scan3A_508 : i32
        %add3A_510 = arith.constant 0 : i32
        %add3A_511 = arith.addi %add3A_510, %scan3A_509 : i32
        %get3A_512 = arith.index_cast %add3A_511 : i32 to index
        %get3A_513 = arith.constant 0 : index
        %get3A_514 = tpu.vector_load %arg6[%get3A_512, %get3A_513] {strides = array<i32>} : memref<400x128xf32, #tpu.memory_space<vmem>>, vector<1x16xf32>,
        %get3A_515 = vector.shape_cast %get3A_514 : vector<1x16xf32> to vector<16xf32>
        %add3A_516 = arith.addf %add3A_458, %get3A_515 : vector<16xf32>
        %add3A_517 = arith.constant 0 : i32
        %add3A_518 = arith.addi %add3A_517, %scan3A_509 : i32
        %get3A_519 = arith.index_cast %add3A_518 : i32 to index
        %get3A_520 = arith.constant 16 : index
        %get3A_521 = tpu.vector_load %arg6[%get3A_519, %get3A_520] {strides = array<i32>} : memref<400x128xf32, #tpu.memory_space<vmem>>, vector<1x16xf32>,
        %get3A_522 = vector.shape_cast %get3A_521 : vector<1x16xf32> to vector<16xf32>
        %add3A_523 = arith.addf %add3A_465, %get3A_522 : vector<16xf32>
        %add3A_524 = arith.constant 0 : i32
        %add3A_525 = arith.addi %add3A_524, %scan3A_509 : i32
        %get3A_526 = arith.index_cast %add3A_525 : i32 to index
        %get3A_527 = arith.constant 32 : index
        %get3A_528 = tpu.vector_load %arg6[%get3A_526, %get3A_527] {strides = array<i32>} : memref<400x128xf32, #tpu.memory_space<vmem>>, vector<1x16xf32>,
        %get3A_529 = vector.shape_cast %get3A_528 : vector<1x16xf32> to vector<16xf32>
        %add3A_530 = arith.addf %add3A_472, %get3A_529 : vector<16xf32>
        %add3A_531 = arith.constant 0 : i32
        %add3A_532 = arith.addi %add3A_531, %scan3A_509 : i32
        %get3A_533 = arith.index_cast %add3A_532 : i32 to index
        %get3A_534 = arith.constant 48 : index
        %get3A_535 = tpu.vector_load %arg6[%get3A_533, %get3A_534] {strides = array<i32>} : memref<400x128xf32, #tpu.memory_space<vmem>>, vector<1x16xf32>,
        %get3A_536 = vector.shape_cast %get3A_535 : vector<1x16xf32> to vector<16xf32>
        %add3A_537 = arith.addf %add3A_479, %get3A_536 : vector<16xf32>
        %add3A_538 = arith.constant 0 : i32
        %add3A_539 = arith.addi %add3A_538, %scan3A_509 : i32
        %get3A_540 = arith.index_cast %add3A_539 : i32 to index
        %get3A_541 = arith.constant 64 : index
        %get3A_542 = tpu.vector_load %arg6[%get3A_540, %get3A_541] {strides = array<i32>} : memref<400x128xf32, #tpu.memory_space<vmem>>, vector<1x16xf32>,
        %get3A_543 = vector.shape_cast %get3A_542 : vector<1x16xf32> to vector<16xf32>
        %add3A_544 = arith.addf %add3A_486, %get3A_543 : vector<16xf32>
        %add3A_545 = arith.constant 0 : i32
        %add3A_546 = arith.addi %add3A_545, %scan3A_509 : i32
        %get3A_547 = arith.index_cast %add3A_546 : i32 to index
        %get3A_548 = arith.constant 80 : index
        %get3A_549 = tpu.vector_load %arg6[%get3A_547, %get3A_548] {strides = array<i32>} : memref<400x128xf32, #tpu.memory_space<vmem>>, vector<1x16xf32>,
        %get3A_550 = vector.shape_cast %get3A_549 : vector<1x16xf32> to vector<16xf32>
        %add3A_551 = arith.addf %add3A_493, %get3A_550 : vector<16xf32>
        %add3A_552 = arith.constant 0 : i32
        %add3A_553 = arith.addi %add3A_552, %scan3A_509 : i32
        %get3A_554 = arith.index_cast %add3A_553 : i32 to index
        %get3A_555 = arith.constant 96 : index
        %get3A_556 = tpu.vector_load %arg6[%get3A_554, %get3A_555] {strides = array<i32>} : memref<400x128xf32, #tpu.memory_space<vmem>>, vector<1x16xf32>,
        %get3A_557 = vector.shape_cast %get3A_556 : vector<1x16xf32> to vector<16xf32>
        %add3A_558 = arith.addf %add3A_500, %get3A_557 : vector<16xf32>
        %add3A_559 = arith.constant 0 : i32
        %add3A_560 = arith.addi %add3A_559, %scan3A_509 : i32
        %get3A_561 = arith.index_cast %add3A_560 : i32 to index
        %get3A_562 = arith.constant 112 : index
        %get3A_563 = tpu.vector_load %arg6[%get3A_561, %get3A_562] {strides = array<i32>} : memref<400x128xf32, #tpu.memory_space<vmem>>, vector<1x16xf32>,
        %get3A_564 = vector.shape_cast %get3A_563 : vector<1x16xf32> to vector<16xf32>
        %add3A_565 = arith.addf %add3A_507, %get3A_564 : vector<16xf32>
        %scan3A_566 = arith.constant 3 : i32
        %scan3A_567 = arith.addi %scan3A_385, %scan3A_566 : i32
        %add3A_568 = arith.constant 0 : i32
        %add3A_569 = arith.addi %add3A_568, %scan3A_567 : i32
        %get3A_570 = arith.index_cast %add3A_569 : i32 to index
        %get3A_571 = arith.constant 0 : index
        %get3A_572 = tpu.vector_load %arg6[%get3A_570, %get3A_571] {strides = array<i32>} : memref<400x128xf32, #tpu.memory_space<vmem>>, vector<1x16xf32>,
        %get3A_573 = vector.shape_cast %get3A_572 : vector<1x16xf32> to vector<16xf32>
        %add3A_574 = arith.addf %add3A_516, %get3A_573 : vector<16xf32>
        %add3A_575 = arith.constant 0 : i32
        %add3A_576 = arith.addi %add3A_575, %scan3A_567 : i32
        %get3A_577 = arith.index_cast %add3A_576 : i32 to index
        %get3A_578 = arith.constant 16 : index
        %get3A_579 = tpu.vector_load %arg6[%get3A_577, %get3A_578] {strides = array<i32>} : memref<400x128xf32, #tpu.memory_space<vmem>>, vector<1x16xf32>,
        %get3A_580 = vector.shape_cast %get3A_579 : vector<1x16xf32> to vector<16xf32>
        %add3A_581 = arith.addf %add3A_523, %get3A_580 : vector<16xf32>
        %add3A_582 = arith.constant 0 : i32
        %add3A_583 = arith.addi %add3A_582, %scan3A_567 : i32
        %get3A_584 = arith.index_cast %add3A_583 : i32 to index
        %get3A_585 = arith.constant 32 : index
        %get3A_586 = tpu.vector_load %arg6[%get3A_584, %get3A_585] {strides = array<i32>} : memref<400x128xf32, #tpu.memory_space<vmem>>, vector<1x16xf32>,
        %get3A_587 = vector.shape_cast %get3A_586 : vector<1x16xf32> to vector<16xf32>
        %add3A_588 = arith.addf %add3A_530, %get3A_587 : vector<16xf32>
        %add3A_589 = arith.constant 0 : i32
        %add3A_590 = arith.addi %add3A_589, %scan3A_567 : i32
        %get3A_591 = arith.index_cast %add3A_590 : i32 to index
        %get3A_592 = arith.constant 48 : index
        %get3A_593 = tpu.vector_load %arg6[%get3A_591, %get3A_592] {strides = array<i32>} : memref<400x128xf32, #tpu.memory_space<vmem>>, vector<1x16xf32>,
        %get3A_594 = vector.shape_cast %get3A_593 : vector<1x16xf32> to vector<16xf32>
        %add3A_595 = arith.addf %add3A_537, %get3A_594 : vector<16xf32>
        %add3A_596 = arith.constant 0 : i32
        %add3A_597 = arith.addi %add3A_596, %scan3A_567 : i32
        %get3A_598 = arith.index_cast %add3A_597 : i32 to index
        %get3A_599 = arith.constant 64 : index
        %get3A_600 = tpu.vector_load %arg6[%get3A_598, %get3A_599] {strides = array<i32>} : memref<400x128xf32, #tpu.memory_space<vmem>>, vector<1x16xf32>,
        %get3A_601 = vector.shape_cast %get3A_600 : vector<1x16xf32> to vector<16xf32>
        %add3A_602 = arith.addf %add3A_544, %get3A_601 : vector<16xf32>
        %add3A_603 = arith.constant 0 : i32
        %add3A_604 = arith.addi %add3A_603, %scan3A_567 : i32
        %get3A_605 = arith.index_cast %add3A_604 : i32 to index
        %get3A_606 = arith.constant 80 : index
        %get3A_607 = tpu.vector_load %arg6[%get3A_605, %get3A_606] {strides = array<i32>} : memref<400x128xf32, #tpu.memory_space<vmem>>, vector<1x16xf32>,
        %get3A_608 = vector.shape_cast %get3A_607 : vector<1x16xf32> to vector<16xf32>
        %add3A_609 = arith.addf %add3A_551, %get3A_608 : vector<16xf32>
        %add3A_610 = arith.constant 0 : i32
        %add3A_611 = arith.addi %add3A_610, %scan3A_567 : i32
        %get3A_612 = arith.index_cast %add3A_611 : i32 to index
        %get3A_613 = arith.constant 96 : index
        %get3A_614 = tpu.vector_load %arg6[%get3A_612, %get3A_613] {strides = array<i32>} : memref<400x128xf32, #tpu.memory_space<vmem>>, vector<1x16xf32>,
        %get3A_615 = vector.shape_cast %get3A_614 : vector<1x16xf32> to vector<16xf32>
        %add3A_616 = arith.addf %add3A_558, %get3A_615 : vector<16xf32>
        %add3A_617 = arith.constant 0 : i32
        %add3A_618 = arith.addi %add3A_617, %scan3A_567 : i32
        %get3A_619 = arith.index_cast %add3A_618 : i32 to index
        %get3A_620 = arith.constant 112 : index
        %get3A_621 = tpu.vector_load %arg6[%get3A_619, %get3A_620] {strides = array<i32>} : memref<400x128xf32, #tpu.memory_space<vmem>>, vector<1x16xf32>,
        %get3A_622 = vector.shape_cast %get3A_621 : vector<1x16xf32> to vector<16xf32>
        %add3A_623 = arith.addf %add3A_565, %get3A_622 : vector<16xf32>
        %scan3A_624 = arith.constant 4 : i32
        %scan3A_625 = arith.addi %scan3A_385, %scan3A_624 : i32
        %add3A_626 = arith.constant 0 : i32
        %add3A_627 = arith.addi %add3A_626, %scan3A_625 : i32
        %get3A_628 = arith.index_cast %add3A_627 : i32 to index
        %get3A_629 = arith.constant 0 : index
        %get3A_630 = tpu.vector_load %arg6[%get3A_628, %get3A_629] {strides = array<i32>} : memref<400x128xf32, #tpu.memory_space<vmem>>, vector<1x16xf32>,
        %get3A_631 = vector.shape_cast %get3A_630 : vector<1x16xf32> to vector<16xf32>
        %add3A_632 = arith.addf %add3A_574, %get3A_631 : vector<16xf32>
        %add3A_633 = arith.constant 0 : i32
        %add3A_634 = arith.addi %add3A_633, %scan3A_625 : i32
        %get3A_635 = arith.index_cast %add3A_634 : i32 to index
        %get3A_636 = arith.constant 16 : index
        %get3A_637 = tpu.vector_load %arg6[%get3A_635, %get3A_636] {strides = array<i32>} : memref<400x128xf32, #tpu.memory_space<vmem>>, vector<1x16xf32>,
        %get3A_638 = vector.shape_cast %get3A_637 : vector<1x16xf32> to vector<16xf32>
        %add3A_639 = arith.addf %add3A_581, %get3A_638 : vector<16xf32>
        %add3A_640 = arith.constant 0 : i32
        %add3A_641 = arith.addi %add3A_640, %scan3A_625 : i32
        %get3A_642 = arith.index_cast %add3A_641 : i32 to index
        %get3A_643 = arith.constant 32 : index
        %get3A_644 = tpu.vector_load %arg6[%get3A_642, %get3A_643] {strides = array<i32>} : memref<400x128xf32, #tpu.memory_space<vmem>>, vector<1x16xf32>,
        %get3A_645 = vector.shape_cast %get3A_644 : vector<1x16xf32> to vector<16xf32>
        %add3A_646 = arith.addf %add3A_588, %get3A_645 : vector<16xf32>
        %add3A_647 = arith.constant 0 : i32
        %add3A_648 = arith.addi %add3A_647, %scan3A_625 : i32
        %get3A_649 = arith.index_cast %add3A_648 : i32 to index
        %get3A_650 = arith.constant 48 : index
        %get3A_651 = tpu.vector_load %arg6[%get3A_649, %get3A_650] {strides = array<i32>} : memref<400x128xf32, #tpu.memory_space<vmem>>, vector<1x16xf32>,
        %get3A_652 = vector.shape_cast %get3A_651 : vector<1x16xf32> to vector<16xf32>
        %add3A_653 = arith.addf %add3A_595, %get3A_652 : vector<16xf32>
        %add3A_654 = arith.constant 0 : i32
        %add3A_655 = arith.addi %add3A_654, %scan3A_625 : i32
        %get3A_656 = arith.index_cast %add3A_655 : i32 to index
        %get3A_657 = arith.constant 64 : index
        %get3A_658 = tpu.vector_load %arg6[%get3A_656, %get3A_657] {strides = array<i32>} : memref<400x128xf32, #tpu.memory_space<vmem>>, vector<1x16xf32>,
        %get3A_659 = vector.shape_cast %get3A_658 : vector<1x16xf32> to vector<16xf32>
        %add3A_660 = arith.addf %add3A_602, %get3A_659 : vector<16xf32>
        %add3A_661 = arith.constant 0 : i32
        %add3A_662 = arith.addi %add3A_661, %scan3A_625 : i32
        %get3A_663 = arith.index_cast %add3A_662 : i32 to index
        %get3A_664 = arith.constant 80 : index
        %get3A_665 = tpu.vector_load %arg6[%get3A_663, %get3A_664] {strides = array<i32>} : memref<400x128xf32, #tpu.memory_space<vmem>>, vector<1x16xf32>,
        %get3A_666 = vector.shape_cast %get3A_665 : vector<1x16xf32> to vector<16xf32>
        %add3A_667 = arith.addf %add3A_609, %get3A_666 : vector<16xf32>
        %add3A_668 = arith.constant 0 : i32
        %add3A_669 = arith.addi %add3A_668, %scan3A_625 : i32
        %get3A_670 = arith.index_cast %add3A_669 : i32 to index
        %get3A_671 = arith.constant 96 : index
        %get3A_672 = tpu.vector_load %arg6[%get3A_670, %get3A_671] {strides = array<i32>} : memref<400x128xf32, #tpu.memory_space<vmem>>, vector<1x16xf32>,
        %get3A_673 = vector.shape_cast %get3A_672 : vector<1x16xf32> to vector<16xf32>
        %add3A_674 = arith.addf %add3A_616, %get3A_673 : vector<16xf32>
        %add3A_675 = arith.constant 0 : i32
        %add3A_676 = arith.addi %add3A_675, %scan3A_625 : i32
        %get3A_677 = arith.index_cast %add3A_676 : i32 to index
        %get3A_678 = arith.constant 112 : index
        %get3A_679 = tpu.vector_load %arg6[%get3A_677, %get3A_678] {strides = array<i32>} : memref<400x128xf32, #tpu.memory_space<vmem>>, vector<1x16xf32>,
        %get3A_680 = vector.shape_cast %get3A_679 : vector<1x16xf32> to vector<16xf32>
        %add3A_681 = arith.addf %add3A_623, %get3A_680 : vector<16xf32>
        %scan3A_682 = arith.constant 5 : i32
        %scan3A_683 = arith.addi %scan3A_385, %scan3A_682 : i32
        %add3A_684 = arith.constant 0 : i32
        %add3A_685 = arith.addi %add3A_684, %scan3A_683 : i32
        %get3A_686 = arith.index_cast %add3A_685 : i32 to index
        %get3A_687 = arith.constant 0 : index
        %get3A_688 = tpu.vector_load %arg6[%get3A_686, %get3A_687] {strides = array<i32>} : memref<400x128xf32, #tpu.memory_space<vmem>>, vector<1x16xf32>,
        %get3A_689 = vector.shape_cast %get3A_688 : vector<1x16xf32> to vector<16xf32>
        %add3A_690 = arith.addf %add3A_632, %get3A_689 : vector<16xf32>
        %add3A_691 = arith.constant 0 : i32
        %add3A_692 = arith.addi %add3A_691, %scan3A_683 : i32
        %get3A_693 = arith.index_cast %add3A_692 : i32 to index
        %get3A_694 = arith.constant 16 : index
        %get3A_695 = tpu.vector_load %arg6[%get3A_693, %get3A_694] {strides = array<i32>} : memref<400x128xf32, #tpu.memory_space<vmem>>, vector<1x16xf32>,
        %get3A_696 = vector.shape_cast %get3A_695 : vector<1x16xf32> to vector<16xf32>
        %add3A_697 = arith.addf %add3A_639, %get3A_696 : vector<16xf32>
        %add3A_698 = arith.constant 0 : i32
        %add3A_699 = arith.addi %add3A_698, %scan3A_683 : i32
        %get3A_700 = arith.index_cast %add3A_699 : i32 to index
        %get3A_701 = arith.constant 32 : index
        %get3A_702 = tpu.vector_load %arg6[%get3A_700, %get3A_701] {strides = array<i32>} : memref<400x128xf32, #tpu.memory_space<vmem>>, vector<1x16xf32>,
        %get3A_703 = vector.shape_cast %get3A_702 : vector<1x16xf32> to vector<16xf32>
        %add3A_704 = arith.addf %add3A_646, %get3A_703 : vector<16xf32>
        %add3A_705 = arith.constant 0 : i32
        %add3A_706 = arith.addi %add3A_705, %scan3A_683 : i32
        %get3A_707 = arith.index_cast %add3A_706 : i32 to index
        %get3A_708 = arith.constant 48 : index
        %get3A_709 = tpu.vector_load %arg6[%get3A_707, %get3A_708] {strides = array<i32>} : memref<400x128xf32, #tpu.memory_space<vmem>>, vector<1x16xf32>,
        %get3A_710 = vector.shape_cast %get3A_709 : vector<1x16xf32> to vector<16xf32>
        %add3A_711 = arith.addf %add3A_653, %get3A_710 : vector<16xf32>
        %add3A_712 = arith.constant 0 : i32
        %add3A_713 = arith.addi %add3A_712, %scan3A_683 : i32
        %get3A_714 = arith.index_cast %add3A_713 : i32 to index
        %get3A_715 = arith.constant 64 : index
        %get3A_716 = tpu.vector_load %arg6[%get3A_714, %get3A_715] {strides = array<i32>} : memref<400x128xf32, #tpu.memory_space<vmem>>, vector<1x16xf32>,
        %get3A_717 = vector.shape_cast %get3A_716 : vector<1x16xf32> to vector<16xf32>
        %add3A_718 = arith.addf %add3A_660, %get3A_717 : vector<16xf32>
        %add3A_719 = arith.constant 0 : i32
        %add3A_720 = arith.addi %add3A_719, %scan3A_683 : i32
        %get3A_721 = arith.index_cast %add3A_720 : i32 to index
        %get3A_722 = arith.constant 80 : index
        %get3A_723 = tpu.vector_load %arg6[%get3A_721, %get3A_722] {strides = array<i32>} : memref<400x128xf32, #tpu.memory_space<vmem>>, vector<1x16xf32>,
        %get3A_724 = vector.shape_cast %get3A_723 : vector<1x16xf32> to vector<16xf32>
        %add3A_725 = arith.addf %add3A_667, %get3A_724 : vector<16xf32>
        %add3A_726 = arith.constant 0 : i32
        %add3A_727 = arith.addi %add3A_726, %scan3A_683 : i32
        %get3A_728 = arith.index_cast %add3A_727 : i32 to index
        %get3A_729 = arith.constant 96 : index
        %get3A_730 = tpu.vector_load %arg6[%get3A_728, %get3A_729] {strides = array<i32>} : memref<400x128xf32, #tpu.memory_space<vmem>>, vector<1x16xf32>,
        %get3A_731 = vector.shape_cast %get3A_730 : vector<1x16xf32> to vector<16xf32>
        %add3A_732 = arith.addf %add3A_674, %get3A_731 : vector<16xf32>
        %add3A_733 = arith.constant 0 : i32
        %add3A_734 = arith.addi %add3A_733, %scan3A_683 : i32
        %get3A_735 = arith.index_cast %add3A_734 : i32 to index
        %get3A_736 = arith.constant 112 : index
        %get3A_737 = tpu.vector_load %arg6[%get3A_735, %get3A_736] {strides = array<i32>} : memref<400x128xf32, #tpu.memory_space<vmem>>, vector<1x16xf32>,
        %get3A_738 = vector.shape_cast %get3A_737 : vector<1x16xf32> to vector<16xf32>
        %add3A_739 = arith.addf %add3A_681, %get3A_738 : vector<16xf32>
        %scan3A_740 = arith.constant 6 : i32
        %scan3A_741 = arith.addi %scan3A_385, %scan3A_740 : i32
        %add3A_742 = arith.constant 0 : i32
        %add3A_743 = arith.addi %add3A_742, %scan3A_741 : i32
        %get3A_744 = arith.index_cast %add3A_743 : i32 to index
        %get3A_745 = arith.constant 0 : index
        %get3A_746 = tpu.vector_load %arg6[%get3A_744, %get3A_745] {strides = array<i32>} : memref<400x128xf32, #tpu.memory_space<vmem>>, vector<1x16xf32>,
        %get3A_747 = vector.shape_cast %get3A_746 : vector<1x16xf32> to vector<16xf32>
        %add3A_748 = arith.addf %add3A_690, %get3A_747 : vector<16xf32>
        %add3A_749 = arith.constant 0 : i32
        %add3A_750 = arith.addi %add3A_749, %scan3A_741 : i32
        %get3A_751 = arith.index_cast %add3A_750 : i32 to index
        %get3A_752 = arith.constant 16 : index
        %get3A_753 = tpu.vector_load %arg6[%get3A_751, %get3A_752] {strides = array<i32>} : memref<400x128xf32, #tpu.memory_space<vmem>>, vector<1x16xf32>,
        %get3A_754 = vector.shape_cast %get3A_753 : vector<1x16xf32> to vector<16xf32>
        %add3A_755 = arith.addf %add3A_697, %get3A_754 : vector<16xf32>
        %add3A_756 = arith.constant 0 : i32
        %add3A_757 = arith.addi %add3A_756, %scan3A_741 : i32
        %get3A_758 = arith.index_cast %add3A_757 : i32 to index
        %get3A_759 = arith.constant 32 : index
        %get3A_760 = tpu.vector_load %arg6[%get3A_758, %get3A_759] {strides = array<i32>} : memref<400x128xf32, #tpu.memory_space<vmem>>, vector<1x16xf32>,
        %get3A_761 = vector.shape_cast %get3A_760 : vector<1x16xf32> to vector<16xf32>
        %add3A_762 = arith.addf %add3A_704, %get3A_761 : vector<16xf32>
        %add3A_763 = arith.constant 0 : i32
        %add3A_764 = arith.addi %add3A_763, %scan3A_741 : i32
        %get3A_765 = arith.index_cast %add3A_764 : i32 to index
        %get3A_766 = arith.constant 48 : index
        %get3A_767 = tpu.vector_load %arg6[%get3A_765, %get3A_766] {strides = array<i32>} : memref<400x128xf32, #tpu.memory_space<vmem>>, vector<1x16xf32>,
        %get3A_768 = vector.shape_cast %get3A_767 : vector<1x16xf32> to vector<16xf32>
        %add3A_769 = arith.addf %add3A_711, %get3A_768 : vector<16xf32>
        %add3A_770 = arith.constant 0 : i32
        %add3A_771 = arith.addi %add3A_770, %scan3A_741 : i32
        %get3A_772 = arith.index_cast %add3A_771 : i32 to index
        %get3A_773 = arith.constant 64 : index
        %get3A_774 = tpu.vector_load %arg6[%get3A_772, %get3A_773] {strides = array<i32>} : memref<400x128xf32, #tpu.memory_space<vmem>>, vector<1x16xf32>,
        %get3A_775 = vector.shape_cast %get3A_774 : vector<1x16xf32> to vector<16xf32>
        %add3A_776 = arith.addf %add3A_718, %get3A_775 : vector<16xf32>
        %add3A_777 = arith.constant 0 : i32
        %add3A_778 = arith.addi %add3A_777, %scan3A_741 : i32
        %get3A_779 = arith.index_cast %add3A_778 : i32 to index
        %get3A_780 = arith.constant 80 : index
        %get3A_781 = tpu.vector_load %arg6[%get3A_779, %get3A_780] {strides = array<i32>} : memref<400x128xf32, #tpu.memory_space<vmem>>, vector<1x16xf32>,
        %get3A_782 = vector.shape_cast %get3A_781 : vector<1x16xf32> to vector<16xf32>
        %add3A_783 = arith.addf %add3A_725, %get3A_782 : vector<16xf32>
        %add3A_784 = arith.constant 0 : i32
        %add3A_785 = arith.addi %add3A_784, %scan3A_741 : i32
        %get3A_786 = arith.index_cast %add3A_785 : i32 to index
        %get3A_787 = arith.constant 96 : index
        %get3A_788 = tpu.vector_load %arg6[%get3A_786, %get3A_787] {strides = array<i32>} : memref<400x128xf32, #tpu.memory_space<vmem>>, vector<1x16xf32>,
        %get3A_789 = vector.shape_cast %get3A_788 : vector<1x16xf32> to vector<16xf32>
        %add3A_790 = arith.addf %add3A_732, %get3A_789 : vector<16xf32>
        %add3A_791 = arith.constant 0 : i32
        %add3A_792 = arith.addi %add3A_791, %scan3A_741 : i32
        %get3A_793 = arith.index_cast %add3A_792 : i32 to index
        %get3A_794 = arith.constant 112 : index
        %get3A_795 = tpu.vector_load %arg6[%get3A_793, %get3A_794] {strides = array<i32>} : memref<400x128xf32, #tpu.memory_space<vmem>>, vector<1x16xf32>,
        %get3A_796 = vector.shape_cast %get3A_795 : vector<1x16xf32> to vector<16xf32>
        %add3A_797 = arith.addf %add3A_739, %get3A_796 : vector<16xf32>
        %scan3A_798 = arith.constant 7 : i32
        %scan3A_799 = arith.addi %scan3A_385, %scan3A_798 : i32
        %add3A_800 = arith.constant 0 : i32
        %add3A_801 = arith.addi %add3A_800, %scan3A_799 : i32
        %get3A_802 = arith.index_cast %add3A_801 : i32 to index
        %get3A_803 = arith.constant 0 : index
        %get3A_804 = tpu.vector_load %arg6[%get3A_802, %get3A_803] {strides = array<i32>} : memref<400x128xf32, #tpu.memory_space<vmem>>, vector<1x16xf32>,
        %get3A_805 = vector.shape_cast %get3A_804 : vector<1x16xf32> to vector<16xf32>
        %add3A_806 = arith.addf %add3A_748, %get3A_805 : vector<16xf32>
        %add3A_807 = arith.constant 0 : i32
        %add3A_808 = arith.addi %add3A_807, %scan3A_799 : i32
        %get3A_809 = arith.index_cast %add3A_808 : i32 to index
        %get3A_810 = arith.constant 16 : index
        %get3A_811 = tpu.vector_load %arg6[%get3A_809, %get3A_810] {strides = array<i32>} : memref<400x128xf32, #tpu.memory_space<vmem>>, vector<1x16xf32>,
        %get3A_812 = vector.shape_cast %get3A_811 : vector<1x16xf32> to vector<16xf32>
        %add3A_813 = arith.addf %add3A_755, %get3A_812 : vector<16xf32>
        %add3A_814 = arith.constant 0 : i32
        %add3A_815 = arith.addi %add3A_814, %scan3A_799 : i32
        %get3A_816 = arith.index_cast %add3A_815 : i32 to index
        %get3A_817 = arith.constant 32 : index
        %get3A_818 = tpu.vector_load %arg6[%get3A_816, %get3A_817] {strides = array<i32>} : memref<400x128xf32, #tpu.memory_space<vmem>>, vector<1x16xf32>,
        %get3A_819 = vector.shape_cast %get3A_818 : vector<1x16xf32> to vector<16xf32>
        %add3A_820 = arith.addf %add3A_762, %get3A_819 : vector<16xf32>
        %add3A_821 = arith.constant 0 : i32
        %add3A_822 = arith.addi %add3A_821, %scan3A_799 : i32
        %get3A_823 = arith.index_cast %add3A_822 : i32 to index
        %get3A_824 = arith.constant 48 : index
        %get3A_825 = tpu.vector_load %arg6[%get3A_823, %get3A_824] {strides = array<i32>} : memref<400x128xf32, #tpu.memory_space<vmem>>, vector<1x16xf32>,
        %get3A_826 = vector.shape_cast %get3A_825 : vector<1x16xf32> to vector<16xf32>
        %add3A_827 = arith.addf %add3A_769, %get3A_826 : vector<16xf32>
        %add3A_828 = arith.constant 0 : i32
        %add3A_829 = arith.addi %add3A_828, %scan3A_799 : i32
        %get3A_830 = arith.index_cast %add3A_829 : i32 to index
        %get3A_831 = arith.constant 64 : index
        %get3A_832 = tpu.vector_load %arg6[%get3A_830, %get3A_831] {strides = array<i32>} : memref<400x128xf32, #tpu.memory_space<vmem>>, vector<1x16xf32>,
        %get3A_833 = vector.shape_cast %get3A_832 : vector<1x16xf32> to vector<16xf32>
        %add3A_834 = arith.addf %add3A_776, %get3A_833 : vector<16xf32>
        %add3A_835 = arith.constant 0 : i32
        %add3A_836 = arith.addi %add3A_835, %scan3A_799 : i32
        %get3A_837 = arith.index_cast %add3A_836 : i32 to index
        %get3A_838 = arith.constant 80 : index
        %get3A_839 = tpu.vector_load %arg6[%get3A_837, %get3A_838] {strides = array<i32>} : memref<400x128xf32, #tpu.memory_space<vmem>>, vector<1x16xf32>,
        %get3A_840 = vector.shape_cast %get3A_839 : vector<1x16xf32> to vector<16xf32>
        %add3A_841 = arith.addf %add3A_783, %get3A_840 : vector<16xf32>
        %add3A_842 = arith.constant 0 : i32
        %add3A_843 = arith.addi %add3A_842, %scan3A_799 : i32
        %get3A_844 = arith.index_cast %add3A_843 : i32 to index
        %get3A_845 = arith.constant 96 : index
        %get3A_846 = tpu.vector_load %arg6[%get3A_844, %get3A_845] {strides = array<i32>} : memref<400x128xf32, #tpu.memory_space<vmem>>, vector<1x16xf32>,
        %get3A_847 = vector.shape_cast %get3A_846 : vector<1x16xf32> to vector<16xf32>
        %add3A_848 = arith.addf %add3A_790, %get3A_847 : vector<16xf32>
        %add3A_849 = arith.constant 0 : i32
        %add3A_850 = arith.addi %add3A_849, %scan3A_799 : i32
        %get3A_851 = arith.index_cast %add3A_850 : i32 to index
        %get3A_852 = arith.constant 112 : index
        %get3A_853 = tpu.vector_load %arg6[%get3A_851, %get3A_852] {strides = array<i32>} : memref<400x128xf32, #tpu.memory_space<vmem>>, vector<1x16xf32>,
        %get3A_854 = vector.shape_cast %get3A_853 : vector<1x16xf32> to vector<16xf32>
        %add3A_855 = arith.addf %add3A_797, %get3A_854 : vector<16xf32>
        scf.yield %add3A_806, %add3A_813, %add3A_820, %add3A_827, %add3A_834, %add3A_841, %add3A_848, %add3A_855 : vector<16xf32>, vector<16xf32>, vector<16xf32>, vector<16xf32>, vector<16xf32>, vector<16xf32>, vector<16xf32>, vector<16xf32>
      }
      %scan3A_156 = arith.constant 200 : i32
      %div3A = arith.constant 1.000000e+00 : f32
      %div3A_157 = vector.broadcast %div3A : f32 to vector<16xf32>
      %div3A_158 = arith.divf %div3A_157, %max3A_117 : vector<16xf32>
      %mul3A_159 = arith.mulf %scan3A_155#0, %div3A_158 : vector<16xf32>
      %swap3A = arith.index_cast %mul3A_27 : i32 to index
      %swap3A_160 = arith.constant 0 : index
      %swap3A_161 = tpu.vector_load %arg7[%swap3A, %swap3A_160] {strides = array<i32>} : memref<128x128xf32, #tpu.memory_space<vmem>>, vector<1x16xf32>,
      %swap3A_162 = vector.shape_cast %swap3A_161 : vector<1x16xf32> to vector<16xf32>
      %swap3A_163 = vector.shape_cast %mul3A_159 : vector<16xf32> to vector<1x16xf32>
      tpu.vector_store %arg7[%swap3A, %swap3A_160], %swap3A_163 {strides = array<i32>} : memref<128x128xf32, #tpu.memory_space<vmem>>, vector<1x16xf32>,
      %mul3A_164 = arith.mulf %scan3A_155#1, %div3A_158 : vector<16xf32>
      %swap3A_165 = arith.index_cast %mul3A_27 : i32 to index
      %swap3A_166 = arith.constant 16 : index
      %swap3A_167 = tpu.vector_load %arg7[%swap3A_165, %swap3A_166] {strides = array<i32>} : memref<128x128xf32, #tpu.memory_space<vmem>>, vector<1x16xf32>,
      %swap3A_168 = vector.shape_cast %swap3A_167 : vector<1x16xf32> to vector<16xf32>
      %swap3A_169 = vector.shape_cast %mul3A_164 : vector<16xf32> to vector<1x16xf32>
      tpu.vector_store %arg7[%swap3A_165, %swap3A_166], %swap3A_169 {strides = array<i32>} : memref<128x128xf32, #tpu.memory_space<vmem>>, vector<1x16xf32>,
      %mul3A_170 = arith.mulf %scan3A_155#2, %div3A_158 : vector<16xf32>
      %swap3A_171 = arith.index_cast %mul3A_27 : i32 to index
      %swap3A_172 = arith.constant 32 : index
      %swap3A_173 = tpu.vector_load %arg7[%swap3A_171, %swap3A_172] {strides = array<i32>} : memref<128x128xf32, #tpu.memory_space<vmem>>, vector<1x16xf32>,
      %swap3A_174 = vector.shape_cast %swap3A_173 : vector<1x16xf32> to vector<16xf32>
      %swap3A_175 = vector.shape_cast %mul3A_170 : vector<16xf32> to vector<1x16xf32>
      tpu.vector_store %arg7[%swap3A_171, %swap3A_172], %swap3A_175 {strides = array<i32>} : memref<128x128xf32, #tpu.memory_space<vmem>>, vector<1x16xf32>,
      %mul3A_176 = arith.mulf %scan3A_155#3, %div3A_158 : vector<16xf32>
      %swap3A_177 = arith.index_cast %mul3A_27 : i32 to index
      %swap3A_178 = arith.constant 48 : index
      %swap3A_179 = tpu.vector_load %arg7[%swap3A_177, %swap3A_178] {strides = array<i32>} : memref<128x128xf32, #tpu.memory_space<vmem>>, vector<1x16xf32>,
      %swap3A_180 = vector.shape_cast %swap3A_179 : vector<1x16xf32> to vector<16xf32>
      %swap3A_181 = vector.shape_cast %mul3A_176 : vector<16xf32> to vector<1x16xf32>
      tpu.vector_store %arg7[%swap3A_177, %swap3A_178], %swap3A_181 {strides = array<i32>} : memref<128x128xf32, #tpu.memory_space<vmem>>, vector<1x16xf32>,
      %mul3A_182 = arith.mulf %scan3A_155#4, %div3A_158 : vector<16xf32>
      %swap3A_183 = arith.index_cast %mul3A_27 : i32 to index
      %swap3A_184 = arith.constant 64 : index
      %swap3A_185 = tpu.vector_load %arg7[%swap3A_183, %swap3A_184] {strides = array<i32>} : memref<128x128xf32, #tpu.memory_space<vmem>>, vector<1x16xf32>,
      %swap3A_186 = vector.shape_cast %swap3A_185 : vector<1x16xf32> to vector<16xf32>
      %swap3A_187 = vector.shape_cast %mul3A_182 : vector<16xf32> to vector<1x16xf32>
      tpu.vector_store %arg7[%swap3A_183, %swap3A_184], %swap3A_187 {strides = array<i32>} : memref<128x128xf32, #tpu.memory_space<vmem>>, vector<1x16xf32>,
      %mul3A_188 = arith.mulf %scan3A_155#5, %div3A_158 : vector<16xf32>
      %swap3A_189 = arith.index_cast %mul3A_27 : i32 to index
      %swap3A_190 = arith.constant 80 : index
      %swap3A_191 = tpu.vector_load %arg7[%swap3A_189, %swap3A_190] {strides = array<i32>} : memref<128x128xf32, #tpu.memory_space<vmem>>, vector<1x16xf32>,
      %swap3A_192 = vector.shape_cast %swap3A_191 : vector<1x16xf32> to vector<16xf32>
      %swap3A_193 = vector.shape_cast %mul3A_188 : vector<16xf32> to vector<1x16xf32>
      tpu.vector_store %arg7[%swap3A_189, %swap3A_190], %swap3A_193 {strides = array<i32>} : memref<128x128xf32, #tpu.memory_space<vmem>>, vector<1x16xf32>,
      %mul3A_194 = arith.mulf %scan3A_155#6, %div3A_158 : vector<16xf32>
      %swap3A_195 = arith.index_cast %mul3A_27 : i32 to index
      %swap3A_196 = arith.constant 96 : index
      %swap3A_197 = tpu.vector_load %arg7[%swap3A_195, %swap3A_196] {strides = array<i32>} : memref<128x128xf32, #tpu.memory_space<vmem>>, vector<1x16xf32>,
      %swap3A_198 = vector.shape_cast %swap3A_197 : vector<1x16xf32> to vector<16xf32>
      %swap3A_199 = vector.shape_cast %mul3A_194 : vector<16xf32> to vector<1x16xf32>
      tpu.vector_store %arg7[%swap3A_195, %swap3A_196], %swap3A_199 {strides = array<i32>} : memref<128x128xf32, #tpu.memory_space<vmem>>, vector<1x16xf32>,
      %mul3A_200 = arith.mulf %scan3A_155#7, %div3A_158 : vector<16xf32>
      %swap3A_201 = arith.index_cast %mul3A_27 : i32 to index
      %swap3A_202 = arith.constant 112 : index
      %swap3A_203 = tpu.vector_load %arg7[%swap3A_201, %swap3A_202] {strides = array<i32>} : memref<128x128xf32, #tpu.memory_space<vmem>>, vector<1x16xf32>,
      %swap3A_204 = vector.shape_cast %swap3A_203 : vector<1x16xf32> to vector<16xf32>
      %swap3A_205 = vector.shape_cast %mul3A_200 : vector<16xf32> to vector<1x16xf32>
      tpu.vector_store %arg7[%swap3A_201, %swap3A_202], %swap3A_205 {strides = array<i32>} : memref<128x128xf32, #tpu.memory_space<vmem>>, vector<1x16xf32>,
      %add3A_206 = arith.constant 2 : i32
      %add3A_207 = arith.addi %mul3A_27, %add3A_206 : i32
      %lt3A_208 = arith.constant 128 : i32
      %lt3A_209 = arith.cmpi slt, %add3A_207, %lt3A_208 : i32
      %convert_element_type3A_210 = arith.extui %lt3A_209 : i1 to i32
      %cond3A = arith.constant 0 : i32
      %cond3A_211 = arith.cmpi ne, %convert_element_type3A_210, %cond3A : i32
      scf.if %cond3A_211 {
        %add3A_385 = arith.constant 2 : i32
        %add3A_386 = arith.addi %mul3A_27, %add3A_385 : i32
        %mul3A_387 = arith.constant 200 : i32
        %mul3A_388 = arith.muli %add3A_386, %mul3A_387 : i32
        %add3A_389 = arith.constant 128 : i32
        %add3A_390 = arith.addi %mul3A_388, %add3A_389 : i32
        %dma_start3A_391 = arith.constant 0 : i32
        %dma_start3A_392 = arith.constant 0 : i32
        %dma_start3A_393 = tpu.memref_slice %arg6[%dma_start3A_391, %dma_start3A_392] : memref<400x128xf32, #tpu.memory_space<vmem>> -> memref<128x128xf32, #tpu.memory_space<vmem>>
        %dma_start3A_394 = tpu.memref_slice %arg5[%mul3A_388] : memref<25616xi32, #tpu.memory_space<vmem>> -> memref<128xi32, #tpu.memory_space<vmem>>
        %dma_start3A_395 = arith.constant 0 : i32
        %dma_start3A_396 = arith.constant 0 : i32
        %dma_start3A_397 = tpu.memref_slice %arg3[%dma_start3A_395, %dma_start3A_396] : memref<100000x128xf32, #tpu.memory_space<hbm>> -> memref<100000x128xf32, #tpu.memory_space<hbm>>
        tpu.enqueue_indirect_dma source(%dma_start3A_397 : memref<100000x128xf32, #tpu.memory_space<hbm>>) target(%dma_start3A_393 : memref<128x128xf32, #tpu.memory_space<vmem>>) offsets(%dma_start3A_394 : memref<128xi32, #tpu.memory_space<vmem>>) semaphore(%arg8 : memref<!tpu.dma_semaphore, #tpu.memory_space<semaphore_mem>>)
        %dma_start3A_398 = arith.constant 128 : i32
        %dma_start3A_399 = arith.constant 0 : i32
        %dma_start3A_400 = tpu.memref_slice %arg6[%dma_start3A_398, %dma_start3A_399] : memref<400x128xf32, #tpu.memory_space<vmem>> -> memref<72x128xf32, #tpu.memory_space<vmem>>
        %dma_start3A_401 = tpu.memref_slice %arg5[%add3A_390] : memref<25616xi32, #tpu.memory_space<vmem>> -> memref<72xi32, #tpu.memory_space<vmem>>
        %dma_start3A_402 = arith.constant 0 : i32
        %dma_start3A_403 = arith.constant 0 : i32
        %dma_start3A_404 = tpu.memref_slice %arg3[%dma_start3A_402, %dma_start3A_403] : memref<100000x128xf32, #tpu.memory_space<hbm>> -> memref<100000x128xf32, #tpu.memory_space<hbm>>
        tpu.enqueue_indirect_dma source(%dma_start3A_404 : memref<100000x128xf32, #tpu.memory_space<hbm>>) target(%dma_start3A_400 : memref<72x128xf32, #tpu.memory_space<vmem>>) offsets(%dma_start3A_401 : memref<72xi32, #tpu.memory_space<vmem>>) semaphore(%arg8 : memref<!tpu.dma_semaphore, #tpu.memory_space<semaphore_mem>>)
      } else {
      }
      %add3A_212 = arith.constant 1 : i32
      %add3A_213 = arith.addi %mul3A_27, %add3A_212 : i32
      %mul3A_214 = arith.constant 200 : i32
      %mul3A_215 = arith.muli %add3A_213, %mul3A_214 : i32
      %broadcast_in_dim3A_216 = arith.constant 1 : i32
      %broadcast_in_dim3A_217 = vector.broadcast %broadcast_in_dim3A_216 : i32 to vector<16xi32>
      %broadcast_in_dim3A_218 = arith.constant 0 : i32
      %broadcast_in_dim3A_219 = vector.broadcast %broadcast_in_dim3A_218 : i32 to vector<16xi32>
      %broadcast_in_dim3A_220 = arith.constant 0 : i32
      %broadcast_in_dim3A_221 = vector.broadcast %broadcast_in_dim3A_220 : i32 to vector<16xi32>
      %scan3A_222 = arith.constant 0 : i32
      %scan3A_223 = arith.constant 12 : i32
      %scan3A_224 = arith.addi %scan3A_222, %scan3A_223 : i32
      %scan3A_225 = arith.constant 4 : i32
      %scan3A_226 = scf.for %scan3A_385 = %scan3A_222 to %scan3A_224 step %scan3A_225 iter_args(%scan3A_386 = %broadcast_in_dim3A_221) -> (vector<16xi32>)  : i32 {
        %mul3A_387 = arith.constant 16 : i32
        %mul3A_388 = arith.muli %scan3A_385, %mul3A_387 : i32
        %add3A_389 = arith.addi %mul3A_215, %mul3A_388 : i32
        %get3A_390 = arith.index_cast %add3A_389 : i32 to index
        %get3A_391 = tpu.vector_load %arg5[%get3A_390] {strides = array<i32>} : memref<25616xi32, #tpu.memory_space<vmem>>, vector<16xi32>,
        %get3A_392 = vector.shape_cast %get3A_391 : vector<16xi32> to vector<16xi32>
        %ne3A_393 = arith.constant 0 : i32
        %ne3A_394 = vector.broadcast %ne3A_393 : i32 to vector<16xi32>
        %ne3A_395 = arith.cmpi ne, %get3A_392, %ne3A_394 : vector<16xi32>
        %select_n3A_396 = arith.select %ne3A_395, %broadcast_in_dim3A_217, %broadcast_in_dim3A_219 : vector<16xi1>, vector<16xi32>
        %add3A_397 = arith.addi %scan3A_386, %select_n3A_396 : vector<16xi32>
        %scan3A_398 = arith.constant 1 : i32
        %scan3A_399 = arith.addi %scan3A_385, %scan3A_398 : i32
        %mul3A_400 = arith.constant 16 : i32
        %mul3A_401 = arith.muli %scan3A_399, %mul3A_400 : i32
        %add3A_402 = arith.addi %mul3A_215, %mul3A_401 : i32
        %get3A_403 = arith.index_cast %add3A_402 : i32 to index
        %get3A_404 = tpu.vector_load %arg5[%get3A_403] {strides = array<i32>} : memref<25616xi32, #tpu.memory_space<vmem>>, vector<16xi32>,
        %get3A_405 = vector.shape_cast %get3A_404 : vector<16xi32> to vector<16xi32>
        %ne3A_406 = arith.constant 0 : i32
        %ne3A_407 = vector.broadcast %ne3A_406 : i32 to vector<16xi32>
        %ne3A_408 = arith.cmpi ne, %get3A_405, %ne3A_407 : vector<16xi32>
        %select_n3A_409 = arith.select %ne3A_408, %broadcast_in_dim3A_217, %broadcast_in_dim3A_219 : vector<16xi1>, vector<16xi32>
        %add3A_410 = arith.addi %add3A_397, %select_n3A_409 : vector<16xi32>
        %scan3A_411 = arith.constant 2 : i32
        %scan3A_412 = arith.addi %scan3A_385, %scan3A_411 : i32
        %mul3A_413 = arith.constant 16 : i32
        %mul3A_414 = arith.muli %scan3A_412, %mul3A_413 : i32
        %add3A_415 = arith.addi %mul3A_215, %mul3A_414 : i32
        %get3A_416 = arith.index_cast %add3A_415 : i32 to index
        %get3A_417 = tpu.vector_load %arg5[%get3A_416] {strides = array<i32>} : memref<25616xi32, #tpu.memory_space<vmem>>, vector<16xi32>,
        %get3A_418 = vector.shape_cast %get3A_417 : vector<16xi32> to vector<16xi32>
        %ne3A_419 = arith.constant 0 : i32
        %ne3A_420 = vector.broadcast %ne3A_419 : i32 to vector<16xi32>
        %ne3A_421 = arith.cmpi ne, %get3A_418, %ne3A_420 : vector<16xi32>
        %select_n3A_422 = arith.select %ne3A_421, %broadcast_in_dim3A_217, %broadcast_in_dim3A_219 : vector<16xi1>, vector<16xi32>
        %add3A_423 = arith.addi %add3A_410, %select_n3A_422 : vector<16xi32>
        %scan3A_424 = arith.constant 3 : i32
        %scan3A_425 = arith.addi %scan3A_385, %scan3A_424 : i32
        %mul3A_426 = arith.constant 16 : i32
        %mul3A_427 = arith.muli %scan3A_425, %mul3A_426 : i32
        %add3A_428 = arith.addi %mul3A_215, %mul3A_427 : i32
        %get3A_429 = arith.index_cast %add3A_428 : i32 to index
        %get3A_430 = tpu.vector_load %arg5[%get3A_429] {strides = array<i32>} : memref<25616xi32, #tpu.memory_space<vmem>>, vector<16xi32>,
        %get3A_431 = vector.shape_cast %get3A_430 : vector<16xi32> to vector<16xi32>
        %ne3A_432 = arith.constant 0 : i32
        %ne3A_433 = vector.broadcast %ne3A_432 : i32 to vector<16xi32>
        %ne3A_434 = arith.cmpi ne, %get3A_431, %ne3A_433 : vector<16xi32>
        %select_n3A_435 = arith.select %ne3A_434, %broadcast_in_dim3A_217, %broadcast_in_dim3A_219 : vector<16xi1>, vector<16xi32>
        %add3A_436 = arith.addi %add3A_423, %select_n3A_435 : vector<16xi32>
        scf.yield %add3A_436 : vector<16xi32>
      }
      %scan3A_227 = arith.constant 12 : i32
      %add3A_228 = arith.constant 192 : i32
      %add3A_229 = arith.addi %mul3A_215, %add3A_228 : i32
      %get3A_230 = arith.index_cast %add3A_229 : i32 to index
      %get3A_231 = tpu.vector_load %arg5[%get3A_230] {strides = array<i32>} : memref<25616xi32, #tpu.memory_space<vmem>>, vector<16xi32>,
      %get3A_232 = vector.shape_cast %get3A_231 : vector<16xi32> to vector<16xi32>
      %ne3A_233 = arith.constant 0 : i32
      %ne3A_234 = vector.broadcast %ne3A_233 : i32 to vector<16xi32>
      %ne3A_235 = arith.cmpi ne, %get3A_232, %ne3A_234 : vector<16xi32>
      %lt3A_236 = arith.constant 8 : i32
      %lt3A_237 = vector.broadcast %lt3A_236 : i32 to vector<16xi32>
      %lt3A_238 = arith.cmpi slt, %iota3A, %lt3A_237 : vector<16xi32>
      %and3A_239 = arith.andi %ne3A_235, %lt3A_238 : vector<16xi1>
      %select_n3A_240 = arith.select %and3A_239, %broadcast_in_dim3A_217, %broadcast_in_dim3A_219 : vector<16xi1>, vector<16xi32>
      %add3A_241 = arith.addi %scan3A_226, %select_n3A_240 : vector<16xi32>
      %slice3A_242 = vector.extract_strided_slice %add3A_241 {offsets = [0], sizes = [1], strides = [1]} : vector<16xi32> to vector<1xi32>
      %squeeze3A_243 = vector.extract %slice3A_242[0] : i32 from vector<1xi32>
      %slice3A_244 = vector.extract_strided_slice %add3A_241 {offsets = [1], sizes = [1], strides = [1]} : vector<16xi32> to vector<1xi32>
      %squeeze3A_245 = vector.extract %slice3A_244[0] : i32 from vector<1xi32>
      %slice3A_246 = vector.extract_strided_slice %add3A_241 {offsets = [2], sizes = [1], strides = [1]} : vector<16xi32> to vector<1xi32>
      %squeeze3A_247 = vector.extract %slice3A_246[0] : i32 from vector<1xi32>
      %slice3A_248 = vector.extract_strided_slice %add3A_241 {offsets = [3], sizes = [1], strides = [1]} : vector<16xi32> to vector<1xi32>
      %squeeze3A_249 = vector.extract %slice3A_248[0] : i32 from vector<1xi32>
      %slice3A_250 = vector.extract_strided_slice %add3A_241 {offsets = [4], sizes = [1], strides = [1]} : vector<16xi32> to vector<1xi32>
      %squeeze3A_251 = vector.extract %slice3A_250[0] : i32 from vector<1xi32>
      %slice3A_252 = vector.extract_strided_slice %add3A_241 {offsets = [5], sizes = [1], strides = [1]} : vector<16xi32> to vector<1xi32>
      %squeeze3A_253 = vector.extract %slice3A_252[0] : i32 from vector<1xi32>
      %slice3A_254 = vector.extract_strided_slice %add3A_241 {offsets = [6], sizes = [1], strides = [1]} : vector<16xi32> to vector<1xi32>
      %squeeze3A_255 = vector.extract %slice3A_254[0] : i32 from vector<1xi32>
      %slice3A_256 = vector.extract_strided_slice %add3A_241 {offsets = [7], sizes = [1], strides = [1]} : vector<16xi32> to vector<1xi32>
      %squeeze3A_257 = vector.extract %slice3A_256[0] : i32 from vector<1xi32>
      %slice3A_258 = vector.extract_strided_slice %add3A_241 {offsets = [8], sizes = [1], strides = [1]} : vector<16xi32> to vector<1xi32>
      %squeeze3A_259 = vector.extract %slice3A_258[0] : i32 from vector<1xi32>
      %slice3A_260 = vector.extract_strided_slice %add3A_241 {offsets = [9], sizes = [1], strides = [1]} : vector<16xi32> to vector<1xi32>
      %squeeze3A_261 = vector.extract %slice3A_260[0] : i32 from vector<1xi32>
      %slice3A_262 = vector.extract_strided_slice %add3A_241 {offsets = [10], sizes = [1], strides = [1]} : vector<16xi32> to vector<1xi32>
      %squeeze3A_263 = vector.extract %slice3A_262[0] : i32 from vector<1xi32>
      %slice3A_264 = vector.extract_strided_slice %add3A_241 {offsets = [11], sizes = [1], strides = [1]} : vector<16xi32> to vector<1xi32>
      %squeeze3A_265 = vector.extract %slice3A_264[0] : i32 from vector<1xi32>
      %slice3A_266 = vector.extract_strided_slice %add3A_241 {offsets = [12], sizes = [1], strides = [1]} : vector<16xi32> to vector<1xi32>
      %squeeze3A_267 = vector.extract %slice3A_266[0] : i32 from vector<1xi32>
      %slice3A_268 = vector.extract_strided_slice %add3A_241 {offsets = [13], sizes = [1], strides = [1]} : vector<16xi32> to vector<1xi32>
      %squeeze3A_269 = vector.extract %slice3A_268[0] : i32 from vector<1xi32>
      %slice3A_270 = vector.extract_strided_slice %add3A_241 {offsets = [14], sizes = [1], strides = [1]} : vector<16xi32> to vector<1xi32>
      %squeeze3A_271 = vector.extract %slice3A_270[0] : i32 from vector<1xi32>
      %slice3A_272 = vector.extract_strided_slice %add3A_241 {offsets = [15], sizes = [1], strides = [1]} : vector<16xi32> to vector<1xi32>
      %squeeze3A_273 = vector.extract %slice3A_272[0] : i32 from vector<1xi32>
      %add3A_274 = arith.addi %squeeze3A_243, %squeeze3A_245 : i32
      %add3A_275 = arith.addi %squeeze3A_247, %squeeze3A_249 : i32
      %add3A_276 = arith.addi %squeeze3A_251, %squeeze3A_253 : i32
      %add3A_277 = arith.addi %squeeze3A_255, %squeeze3A_257 : i32
      %add3A_278 = arith.addi %squeeze3A_259, %squeeze3A_261 : i32
      %add3A_279 = arith.addi %squeeze3A_263, %squeeze3A_265 : i32
      %add3A_280 = arith.addi %squeeze3A_267, %squeeze3A_269 : i32
      %add3A_281 = arith.addi %squeeze3A_271, %squeeze3A_273 : i32
      %add3A_282 = arith.addi %add3A_274, %add3A_275 : i32
      %add3A_283 = arith.addi %add3A_276, %add3A_277 : i32
      %add3A_284 = arith.addi %add3A_278, %add3A_279 : i32
      %add3A_285 = arith.addi %add3A_280, %add3A_281 : i32
      %add3A_286 = arith.addi %add3A_282, %add3A_283 : i32
      %add3A_287 = arith.addi %add3A_284, %add3A_285 : i32
      %add3A_288 = arith.addi %add3A_286, %add3A_287 : i32
      %broadcast_in_dim3A_289 = vector.broadcast %add3A_288 : i32 to vector<16xi32>
      %convert_element_type3A_290 = arith.sitofp %broadcast_in_dim3A_289 : vector<16xi32> to vector<16xf32>
      %max3A_291 = arith.constant 1.000000e+00 : f32
      %max3A_292 = vector.broadcast %max3A_291 : f32 to vector<16xf32>
      %max3A_293 = arith.maximumf %convert_element_type3A_290, %max3A_292 : vector<16xf32>
      %mul3A_294 = arith.constant 200 : i32
      %mul3A_295 = arith.muli %add3A_213, %mul3A_294 : i32
      %add3A_296 = arith.constant 128 : i32
      %add3A_297 = arith.addi %mul3A_295, %add3A_296 : i32
      %dma_wait3A_298 = arith.constant 200 : i32
      %dma_wait3A_299 = arith.constant 0 : i32
      %dma_wait3A_300 = tpu.memref_slice %arg6[%dma_wait3A_298, %dma_wait3A_299] : memref<400x128xf32, #tpu.memory_space<vmem>> -> memref<128x128xf32, #tpu.memory_space<vmem>>
      %dma_wait3A_301 = tpu.memref_slice %arg5[%mul3A_295] : memref<25616xi32, #tpu.memory_space<vmem>> -> memref<128xi32, #tpu.memory_space<vmem>>
      %dma_wait3A_302 = arith.constant 0 : i32
      %dma_wait3A_303 = arith.constant 0 : i32
      %dma_wait3A_304 = tpu.memref_slice %arg3[%dma_wait3A_302, %dma_wait3A_303] : memref<100000x128xf32, #tpu.memory_space<hbm>> -> memref<100000x128xf32, #tpu.memory_space<hbm>>
      tpu.wait_indirect_dma semaphore(%arg9 : memref<!tpu.dma_semaphore, #tpu.memory_space<semaphore_mem>>) src(%dma_wait3A_304 : memref<100000x128xf32, #tpu.memory_space<hbm>>) dst(%dma_wait3A_300 : memref<128x128xf32, #tpu.memory_space<vmem>>)
      %dma_wait3A_305 = arith.constant 328 : i32
      %dma_wait3A_306 = arith.constant 0 : i32
      %dma_wait3A_307 = tpu.memref_slice %arg6[%dma_wait3A_305, %dma_wait3A_306] : memref<400x128xf32, #tpu.memory_space<vmem>> -> memref<72x128xf32, #tpu.memory_space<vmem>>
      %dma_wait3A_308 = tpu.memref_slice %arg5[%add3A_297] : memref<25616xi32, #tpu.memory_space<vmem>> -> memref<72xi32, #tpu.memory_space<vmem>>
      %dma_wait3A_309 = arith.constant 0 : i32
      %dma_wait3A_310 = arith.constant 0 : i32
      %dma_wait3A_311 = tpu.memref_slice %arg3[%dma_wait3A_309, %dma_wait3A_310] : memref<100000x128xf32, #tpu.memory_space<hbm>> -> memref<100000x128xf32, #tpu.memory_space<hbm>>
      tpu.wait_indirect_dma semaphore(%arg9 : memref<!tpu.dma_semaphore, #tpu.memory_space<semaphore_mem>>) src(%dma_wait3A_311 : memref<100000x128xf32, #tpu.memory_space<hbm>>) dst(%dma_wait3A_307 : memref<72x128xf32, #tpu.memory_space<vmem>>)
      %broadcast_in_dim3A_312 = arith.constant 0.000000e+00 : f32
      %broadcast_in_dim3A_313 = vector.broadcast %broadcast_in_dim3A_312 : f32 to vector<16xf32>
      %broadcast_in_dim3A_314 = arith.constant 0.000000e+00 : f32
      %broadcast_in_dim3A_315 = vector.broadcast %broadcast_in_dim3A_314 : f32 to vector<16xf32>
      %broadcast_in_dim3A_316 = arith.constant 0.000000e+00 : f32
      %broadcast_in_dim3A_317 = vector.broadcast %broadcast_in_dim3A_316 : f32 to vector<16xf32>
      %broadcast_in_dim3A_318 = arith.constant 0.000000e+00 : f32
      %broadcast_in_dim3A_319 = vector.broadcast %broadcast_in_dim3A_318 : f32 to vector<16xf32>
      %broadcast_in_dim3A_320 = arith.constant 0.000000e+00 : f32
      %broadcast_in_dim3A_321 = vector.broadcast %broadcast_in_dim3A_320 : f32 to vector<16xf32>
      %broadcast_in_dim3A_322 = arith.constant 0.000000e+00 : f32
      %broadcast_in_dim3A_323 = vector.broadcast %broadcast_in_dim3A_322 : f32 to vector<16xf32>
      %broadcast_in_dim3A_324 = arith.constant 0.000000e+00 : f32
      %broadcast_in_dim3A_325 = vector.broadcast %broadcast_in_dim3A_324 : f32 to vector<16xf32>
      %broadcast_in_dim3A_326 = arith.constant 0.000000e+00 : f32
      %broadcast_in_dim3A_327 = vector.broadcast %broadcast_in_dim3A_326 : f32 to vector<16xf32>
      %scan3A_328 = arith.constant 0 : i32
      %scan3A_329 = arith.constant 200 : i32
      %scan3A_330 = arith.addi %scan3A_328, %scan3A_329 : i32
      %scan3A_331 = arith.constant 8 : i32
      %scan3A_332:8 = scf.for %scan3A_385 = %scan3A_328 to %scan3A_330 step %scan3A_331 iter_args(%scan3A_386 = %broadcast_in_dim3A_313, %scan3A_387 = %broadcast_in_dim3A_315, %scan3A_388 = %broadcast_in_dim3A_317, %scan3A_389 = %broadcast_in_dim3A_319, %scan3A_390 = %broadcast_in_dim3A_321, %scan3A_391 = %broadcast_in_dim3A_323, %scan3A_392 = %broadcast_in_dim3A_325, %scan3A_393 = %broadcast_in_dim3A_327) -> (vector<16xf32>, vector<16xf32>, vector<16xf32>, vector<16xf32>, vector<16xf32>, vector<16xf32>, vector<16xf32>, vector<16xf32>)  : i32 {
        %add3A_394 = arith.constant 200 : i32
        %add3A_395 = arith.addi %add3A_394, %scan3A_385 : i32
        %get3A_396 = arith.index_cast %add3A_395 : i32 to index
        %get3A_397 = arith.constant 0 : index
        %get3A_398 = tpu.vector_load %arg6[%get3A_396, %get3A_397] {strides = array<i32>} : memref<400x128xf32, #tpu.memory_space<vmem>>, vector<1x16xf32>,
        %get3A_399 = vector.shape_cast %get3A_398 : vector<1x16xf32> to vector<16xf32>
        %add3A_400 = arith.addf %scan3A_386, %get3A_399 : vector<16xf32>
        %add3A_401 = arith.constant 200 : i32
        %add3A_402 = arith.addi %add3A_401, %scan3A_385 : i32
        %get3A_403 = arith.index_cast %add3A_402 : i32 to index
        %get3A_404 = arith.constant 16 : index
        %get3A_405 = tpu.vector_load %arg6[%get3A_403, %get3A_404] {strides = array<i32>} : memref<400x128xf32, #tpu.memory_space<vmem>>, vector<1x16xf32>,
        %get3A_406 = vector.shape_cast %get3A_405 : vector<1x16xf32> to vector<16xf32>
        %add3A_407 = arith.addf %scan3A_387, %get3A_406 : vector<16xf32>
        %add3A_408 = arith.constant 200 : i32
        %add3A_409 = arith.addi %add3A_408, %scan3A_385 : i32
        %get3A_410 = arith.index_cast %add3A_409 : i32 to index
        %get3A_411 = arith.constant 32 : index
        %get3A_412 = tpu.vector_load %arg6[%get3A_410, %get3A_411] {strides = array<i32>} : memref<400x128xf32, #tpu.memory_space<vmem>>, vector<1x16xf32>,
        %get3A_413 = vector.shape_cast %get3A_412 : vector<1x16xf32> to vector<16xf32>
        %add3A_414 = arith.addf %scan3A_388, %get3A_413 : vector<16xf32>
        %add3A_415 = arith.constant 200 : i32
        %add3A_416 = arith.addi %add3A_415, %scan3A_385 : i32
        %get3A_417 = arith.index_cast %add3A_416 : i32 to index
        %get3A_418 = arith.constant 48 : index
        %get3A_419 = tpu.vector_load %arg6[%get3A_417, %get3A_418] {strides = array<i32>} : memref<400x128xf32, #tpu.memory_space<vmem>>, vector<1x16xf32>,
        %get3A_420 = vector.shape_cast %get3A_419 : vector<1x16xf32> to vector<16xf32>
        %add3A_421 = arith.addf %scan3A_389, %get3A_420 : vector<16xf32>
        %add3A_422 = arith.constant 200 : i32
        %add3A_423 = arith.addi %add3A_422, %scan3A_385 : i32
        %get3A_424 = arith.index_cast %add3A_423 : i32 to index
        %get3A_425 = arith.constant 64 : index
        %get3A_426 = tpu.vector_load %arg6[%get3A_424, %get3A_425] {strides = array<i32>} : memref<400x128xf32, #tpu.memory_space<vmem>>, vector<1x16xf32>,
        %get3A_427 = vector.shape_cast %get3A_426 : vector<1x16xf32> to vector<16xf32>
        %add3A_428 = arith.addf %scan3A_390, %get3A_427 : vector<16xf32>
        %add3A_429 = arith.constant 200 : i32
        %add3A_430 = arith.addi %add3A_429, %scan3A_385 : i32
        %get3A_431 = arith.index_cast %add3A_430 : i32 to index
        %get3A_432 = arith.constant 80 : index
        %get3A_433 = tpu.vector_load %arg6[%get3A_431, %get3A_432] {strides = array<i32>} : memref<400x128xf32, #tpu.memory_space<vmem>>, vector<1x16xf32>,
        %get3A_434 = vector.shape_cast %get3A_433 : vector<1x16xf32> to vector<16xf32>
        %add3A_435 = arith.addf %scan3A_391, %get3A_434 : vector<16xf32>
        %add3A_436 = arith.constant 200 : i32
        %add3A_437 = arith.addi %add3A_436, %scan3A_385 : i32
        %get3A_438 = arith.index_cast %add3A_437 : i32 to index
        %get3A_439 = arith.constant 96 : index
        %get3A_440 = tpu.vector_load %arg6[%get3A_438, %get3A_439] {strides = array<i32>} : memref<400x128xf32, #tpu.memory_space<vmem>>, vector<1x16xf32>,
        %get3A_441 = vector.shape_cast %get3A_440 : vector<1x16xf32> to vector<16xf32>
        %add3A_442 = arith.addf %scan3A_392, %get3A_441 : vector<16xf32>
        %add3A_443 = arith.constant 200 : i32
        %add3A_444 = arith.addi %add3A_443, %scan3A_385 : i32
        %get3A_445 = arith.index_cast %add3A_444 : i32 to index
        %get3A_446 = arith.constant 112 : index
        %get3A_447 = tpu.vector_load %arg6[%get3A_445, %get3A_446] {strides = array<i32>} : memref<400x128xf32, #tpu.memory_space<vmem>>, vector<1x16xf32>,
        %get3A_448 = vector.shape_cast %get3A_447 : vector<1x16xf32> to vector<16xf32>
        %add3A_449 = arith.addf %scan3A_393, %get3A_448 : vector<16xf32>
        %scan3A_450 = arith.constant 1 : i32
        %scan3A_451 = arith.addi %scan3A_385, %scan3A_450 : i32
        %add3A_452 = arith.constant 200 : i32
        %add3A_453 = arith.addi %add3A_452, %scan3A_451 : i32
        %get3A_454 = arith.index_cast %add3A_453 : i32 to index
        %get3A_455 = arith.constant 0 : index
        %get3A_456 = tpu.vector_load %arg6[%get3A_454, %get3A_455] {strides = array<i32>} : memref<400x128xf32, #tpu.memory_space<vmem>>, vector<1x16xf32>,
        %get3A_457 = vector.shape_cast %get3A_456 : vector<1x16xf32> to vector<16xf32>
        %add3A_458 = arith.addf %add3A_400, %get3A_457 : vector<16xf32>
        %add3A_459 = arith.constant 200 : i32
        %add3A_460 = arith.addi %add3A_459, %scan3A_451 : i32
        %get3A_461 = arith.index_cast %add3A_460 : i32 to index
        %get3A_462 = arith.constant 16 : index
        %get3A_463 = tpu.vector_load %arg6[%get3A_461, %get3A_462] {strides = array<i32>} : memref<400x128xf32, #tpu.memory_space<vmem>>, vector<1x16xf32>,
        %get3A_464 = vector.shape_cast %get3A_463 : vector<1x16xf32> to vector<16xf32>
        %add3A_465 = arith.addf %add3A_407, %get3A_464 : vector<16xf32>
        %add3A_466 = arith.constant 200 : i32
        %add3A_467 = arith.addi %add3A_466, %scan3A_451 : i32
        %get3A_468 = arith.index_cast %add3A_467 : i32 to index
        %get3A_469 = arith.constant 32 : index
        %get3A_470 = tpu.vector_load %arg6[%get3A_468, %get3A_469] {strides = array<i32>} : memref<400x128xf32, #tpu.memory_space<vmem>>, vector<1x16xf32>,
        %get3A_471 = vector.shape_cast %get3A_470 : vector<1x16xf32> to vector<16xf32>
        %add3A_472 = arith.addf %add3A_414, %get3A_471 : vector<16xf32>
        %add3A_473 = arith.constant 200 : i32
        %add3A_474 = arith.addi %add3A_473, %scan3A_451 : i32
        %get3A_475 = arith.index_cast %add3A_474 : i32 to index
        %get3A_476 = arith.constant 48 : index
        %get3A_477 = tpu.vector_load %arg6[%get3A_475, %get3A_476] {strides = array<i32>} : memref<400x128xf32, #tpu.memory_space<vmem>>, vector<1x16xf32>,
        %get3A_478 = vector.shape_cast %get3A_477 : vector<1x16xf32> to vector<16xf32>
        %add3A_479 = arith.addf %add3A_421, %get3A_478 : vector<16xf32>
        %add3A_480 = arith.constant 200 : i32
        %add3A_481 = arith.addi %add3A_480, %scan3A_451 : i32
        %get3A_482 = arith.index_cast %add3A_481 : i32 to index
        %get3A_483 = arith.constant 64 : index
        %get3A_484 = tpu.vector_load %arg6[%get3A_482, %get3A_483] {strides = array<i32>} : memref<400x128xf32, #tpu.memory_space<vmem>>, vector<1x16xf32>,
        %get3A_485 = vector.shape_cast %get3A_484 : vector<1x16xf32> to vector<16xf32>
        %add3A_486 = arith.addf %add3A_428, %get3A_485 : vector<16xf32>
        %add3A_487 = arith.constant 200 : i32
        %add3A_488 = arith.addi %add3A_487, %scan3A_451 : i32
        %get3A_489 = arith.index_cast %add3A_488 : i32 to index
        %get3A_490 = arith.constant 80 : index
        %get3A_491 = tpu.vector_load %arg6[%get3A_489, %get3A_490] {strides = array<i32>} : memref<400x128xf32, #tpu.memory_space<vmem>>, vector<1x16xf32>,
        %get3A_492 = vector.shape_cast %get3A_491 : vector<1x16xf32> to vector<16xf32>
        %add3A_493 = arith.addf %add3A_435, %get3A_492 : vector<16xf32>
        %add3A_494 = arith.constant 200 : i32
        %add3A_495 = arith.addi %add3A_494, %scan3A_451 : i32
        %get3A_496 = arith.index_cast %add3A_495 : i32 to index
        %get3A_497 = arith.constant 96 : index
        %get3A_498 = tpu.vector_load %arg6[%get3A_496, %get3A_497] {strides = array<i32>} : memref<400x128xf32, #tpu.memory_space<vmem>>, vector<1x16xf32>,
        %get3A_499 = vector.shape_cast %get3A_498 : vector<1x16xf32> to vector<16xf32>
        %add3A_500 = arith.addf %add3A_442, %get3A_499 : vector<16xf32>
        %add3A_501 = arith.constant 200 : i32
        %add3A_502 = arith.addi %add3A_501, %scan3A_451 : i32
        %get3A_503 = arith.index_cast %add3A_502 : i32 to index
        %get3A_504 = arith.constant 112 : index
        %get3A_505 = tpu.vector_load %arg6[%get3A_503, %get3A_504] {strides = array<i32>} : memref<400x128xf32, #tpu.memory_space<vmem>>, vector<1x16xf32>,
        %get3A_506 = vector.shape_cast %get3A_505 : vector<1x16xf32> to vector<16xf32>
        %add3A_507 = arith.addf %add3A_449, %get3A_506 : vector<16xf32>
        %scan3A_508 = arith.constant 2 : i32
        %scan3A_509 = arith.addi %scan3A_385, %scan3A_508 : i32
        %add3A_510 = arith.constant 200 : i32
        %add3A_511 = arith.addi %add3A_510, %scan3A_509 : i32
        %get3A_512 = arith.index_cast %add3A_511 : i32 to index
        %get3A_513 = arith.constant 0 : index
        %get3A_514 = tpu.vector_load %arg6[%get3A_512, %get3A_513] {strides = array<i32>} : memref<400x128xf32, #tpu.memory_space<vmem>>, vector<1x16xf32>,
        %get3A_515 = vector.shape_cast %get3A_514 : vector<1x16xf32> to vector<16xf32>
        %add3A_516 = arith.addf %add3A_458, %get3A_515 : vector<16xf32>
        %add3A_517 = arith.constant 200 : i32
        %add3A_518 = arith.addi %add3A_517, %scan3A_509 : i32
        %get3A_519 = arith.index_cast %add3A_518 : i32 to index
        %get3A_520 = arith.constant 16 : index
        %get3A_521 = tpu.vector_load %arg6[%get3A_519, %get3A_520] {strides = array<i32>} : memref<400x128xf32, #tpu.memory_space<vmem>>, vector<1x16xf32>,
        %get3A_522 = vector.shape_cast %get3A_521 : vector<1x16xf32> to vector<16xf32>
        %add3A_523 = arith.addf %add3A_465, %get3A_522 : vector<16xf32>
        %add3A_524 = arith.constant 200 : i32
        %add3A_525 = arith.addi %add3A_524, %scan3A_509 : i32
        %get3A_526 = arith.index_cast %add3A_525 : i32 to index
        %get3A_527 = arith.constant 32 : index
        %get3A_528 = tpu.vector_load %arg6[%get3A_526, %get3A_527] {strides = array<i32>} : memref<400x128xf32, #tpu.memory_space<vmem>>, vector<1x16xf32>,
        %get3A_529 = vector.shape_cast %get3A_528 : vector<1x16xf32> to vector<16xf32>
        %add3A_530 = arith.addf %add3A_472, %get3A_529 : vector<16xf32>
        %add3A_531 = arith.constant 200 : i32
        %add3A_532 = arith.addi %add3A_531, %scan3A_509 : i32
        %get3A_533 = arith.index_cast %add3A_532 : i32 to index
        %get3A_534 = arith.constant 48 : index
        %get3A_535 = tpu.vector_load %arg6[%get3A_533, %get3A_534] {strides = array<i32>} : memref<400x128xf32, #tpu.memory_space<vmem>>, vector<1x16xf32>,
        %get3A_536 = vector.shape_cast %get3A_535 : vector<1x16xf32> to vector<16xf32>
        %add3A_537 = arith.addf %add3A_479, %get3A_536 : vector<16xf32>
        %add3A_538 = arith.constant 200 : i32
        %add3A_539 = arith.addi %add3A_538, %scan3A_509 : i32
        %get3A_540 = arith.index_cast %add3A_539 : i32 to index
        %get3A_541 = arith.constant 64 : index
        %get3A_542 = tpu.vector_load %arg6[%get3A_540, %get3A_541] {strides = array<i32>} : memref<400x128xf32, #tpu.memory_space<vmem>>, vector<1x16xf32>,
        %get3A_543 = vector.shape_cast %get3A_542 : vector<1x16xf32> to vector<16xf32>
        %add3A_544 = arith.addf %add3A_486, %get3A_543 : vector<16xf32>
        %add3A_545 = arith.constant 200 : i32
        %add3A_546 = arith.addi %add3A_545, %scan3A_509 : i32
        %get3A_547 = arith.index_cast %add3A_546 : i32 to index
        %get3A_548 = arith.constant 80 : index
        %get3A_549 = tpu.vector_load %arg6[%get3A_547, %get3A_548] {strides = array<i32>} : memref<400x128xf32, #tpu.memory_space<vmem>>, vector<1x16xf32>,
        %get3A_550 = vector.shape_cast %get3A_549 : vector<1x16xf32> to vector<16xf32>
        %add3A_551 = arith.addf %add3A_493, %get3A_550 : vector<16xf32>
        %add3A_552 = arith.constant 200 : i32
        %add3A_553 = arith.addi %add3A_552, %scan3A_509 : i32
        %get3A_554 = arith.index_cast %add3A_553 : i32 to index
        %get3A_555 = arith.constant 96 : index
        %get3A_556 = tpu.vector_load %arg6[%get3A_554, %get3A_555] {strides = array<i32>} : memref<400x128xf32, #tpu.memory_space<vmem>>, vector<1x16xf32>,
        %get3A_557 = vector.shape_cast %get3A_556 : vector<1x16xf32> to vector<16xf32>
        %add3A_558 = arith.addf %add3A_500, %get3A_557 : vector<16xf32>
        %add3A_559 = arith.constant 200 : i32
        %add3A_560 = arith.addi %add3A_559, %scan3A_509 : i32
        %get3A_561 = arith.index_cast %add3A_560 : i32 to index
        %get3A_562 = arith.constant 112 : index
        %get3A_563 = tpu.vector_load %arg6[%get3A_561, %get3A_562] {strides = array<i32>} : memref<400x128xf32, #tpu.memory_space<vmem>>, vector<1x16xf32>,
        %get3A_564 = vector.shape_cast %get3A_563 : vector<1x16xf32> to vector<16xf32>
        %add3A_565 = arith.addf %add3A_507, %get3A_564 : vector<16xf32>
        %scan3A_566 = arith.constant 3 : i32
        %scan3A_567 = arith.addi %scan3A_385, %scan3A_566 : i32
        %add3A_568 = arith.constant 200 : i32
        %add3A_569 = arith.addi %add3A_568, %scan3A_567 : i32
        %get3A_570 = arith.index_cast %add3A_569 : i32 to index
        %get3A_571 = arith.constant 0 : index
        %get3A_572 = tpu.vector_load %arg6[%get3A_570, %get3A_571] {strides = array<i32>} : memref<400x128xf32, #tpu.memory_space<vmem>>, vector<1x16xf32>,
        %get3A_573 = vector.shape_cast %get3A_572 : vector<1x16xf32> to vector<16xf32>
        %add3A_574 = arith.addf %add3A_516, %get3A_573 : vector<16xf32>
        %add3A_575 = arith.constant 200 : i32
        %add3A_576 = arith.addi %add3A_575, %scan3A_567 : i32
        %get3A_577 = arith.index_cast %add3A_576 : i32 to index
        %get3A_578 = arith.constant 16 : index
        %get3A_579 = tpu.vector_load %arg6[%get3A_577, %get3A_578] {strides = array<i32>} : memref<400x128xf32, #tpu.memory_space<vmem>>, vector<1x16xf32>,
        %get3A_580 = vector.shape_cast %get3A_579 : vector<1x16xf32> to vector<16xf32>
        %add3A_581 = arith.addf %add3A_523, %get3A_580 : vector<16xf32>
        %add3A_582 = arith.constant 200 : i32
        %add3A_583 = arith.addi %add3A_582, %scan3A_567 : i32
        %get3A_584 = arith.index_cast %add3A_583 : i32 to index
        %get3A_585 = arith.constant 32 : index
        %get3A_586 = tpu.vector_load %arg6[%get3A_584, %get3A_585] {strides = array<i32>} : memref<400x128xf32, #tpu.memory_space<vmem>>, vector<1x16xf32>,
        %get3A_587 = vector.shape_cast %get3A_586 : vector<1x16xf32> to vector<16xf32>
        %add3A_588 = arith.addf %add3A_530, %get3A_587 : vector<16xf32>
        %add3A_589 = arith.constant 200 : i32
        %add3A_590 = arith.addi %add3A_589, %scan3A_567 : i32
        %get3A_591 = arith.index_cast %add3A_590 : i32 to index
        %get3A_592 = arith.constant 48 : index
        %get3A_593 = tpu.vector_load %arg6[%get3A_591, %get3A_592] {strides = array<i32>} : memref<400x128xf32, #tpu.memory_space<vmem>>, vector<1x16xf32>,
        %get3A_594 = vector.shape_cast %get3A_593 : vector<1x16xf32> to vector<16xf32>
        %add3A_595 = arith.addf %add3A_537, %get3A_594 : vector<16xf32>
        %add3A_596 = arith.constant 200 : i32
        %add3A_597 = arith.addi %add3A_596, %scan3A_567 : i32
        %get3A_598 = arith.index_cast %add3A_597 : i32 to index
        %get3A_599 = arith.constant 64 : index
        %get3A_600 = tpu.vector_load %arg6[%get3A_598, %get3A_599] {strides = array<i32>} : memref<400x128xf32, #tpu.memory_space<vmem>>, vector<1x16xf32>,
        %get3A_601 = vector.shape_cast %get3A_600 : vector<1x16xf32> to vector<16xf32>
        %add3A_602 = arith.addf %add3A_544, %get3A_601 : vector<16xf32>
        %add3A_603 = arith.constant 200 : i32
        %add3A_604 = arith.addi %add3A_603, %scan3A_567 : i32
        %get3A_605 = arith.index_cast %add3A_604 : i32 to index
        %get3A_606 = arith.constant 80 : index
        %get3A_607 = tpu.vector_load %arg6[%get3A_605, %get3A_606] {strides = array<i32>} : memref<400x128xf32, #tpu.memory_space<vmem>>, vector<1x16xf32>,
        %get3A_608 = vector.shape_cast %get3A_607 : vector<1x16xf32> to vector<16xf32>
        %add3A_609 = arith.addf %add3A_551, %get3A_608 : vector<16xf32>
        %add3A_610 = arith.constant 200 : i32
        %add3A_611 = arith.addi %add3A_610, %scan3A_567 : i32
        %get3A_612 = arith.index_cast %add3A_611 : i32 to index
        %get3A_613 = arith.constant 96 : index
        %get3A_614 = tpu.vector_load %arg6[%get3A_612, %get3A_613] {strides = array<i32>} : memref<400x128xf32, #tpu.memory_space<vmem>>, vector<1x16xf32>,
        %get3A_615 = vector.shape_cast %get3A_614 : vector<1x16xf32> to vector<16xf32>
        %add3A_616 = arith.addf %add3A_558, %get3A_615 : vector<16xf32>
        %add3A_617 = arith.constant 200 : i32
        %add3A_618 = arith.addi %add3A_617, %scan3A_567 : i32
        %get3A_619 = arith.index_cast %add3A_618 : i32 to index
        %get3A_620 = arith.constant 112 : index
        %get3A_621 = tpu.vector_load %arg6[%get3A_619, %get3A_620] {strides = array<i32>} : memref<400x128xf32, #tpu.memory_space<vmem>>, vector<1x16xf32>,
        %get3A_622 = vector.shape_cast %get3A_621 : vector<1x16xf32> to vector<16xf32>
        %add3A_623 = arith.addf %add3A_565, %get3A_622 : vector<16xf32>
        %scan3A_624 = arith.constant 4 : i32
        %scan3A_625 = arith.addi %scan3A_385, %scan3A_624 : i32
        %add3A_626 = arith.constant 200 : i32
        %add3A_627 = arith.addi %add3A_626, %scan3A_625 : i32
        %get3A_628 = arith.index_cast %add3A_627 : i32 to index
        %get3A_629 = arith.constant 0 : index
        %get3A_630 = tpu.vector_load %arg6[%get3A_628, %get3A_629] {strides = array<i32>} : memref<400x128xf32, #tpu.memory_space<vmem>>, vector<1x16xf32>,
        %get3A_631 = vector.shape_cast %get3A_630 : vector<1x16xf32> to vector<16xf32>
        %add3A_632 = arith.addf %add3A_574, %get3A_631 : vector<16xf32>
        %add3A_633 = arith.constant 200 : i32
        %add3A_634 = arith.addi %add3A_633, %scan3A_625 : i32
        %get3A_635 = arith.index_cast %add3A_634 : i32 to index
        %get3A_636 = arith.constant 16 : index
        %get3A_637 = tpu.vector_load %arg6[%get3A_635, %get3A_636] {strides = array<i32>} : memref<400x128xf32, #tpu.memory_space<vmem>>, vector<1x16xf32>,
        %get3A_638 = vector.shape_cast %get3A_637 : vector<1x16xf32> to vector<16xf32>
        %add3A_639 = arith.addf %add3A_581, %get3A_638 : vector<16xf32>
        %add3A_640 = arith.constant 200 : i32
        %add3A_641 = arith.addi %add3A_640, %scan3A_625 : i32
        %get3A_642 = arith.index_cast %add3A_641 : i32 to index
        %get3A_643 = arith.constant 32 : index
        %get3A_644 = tpu.vector_load %arg6[%get3A_642, %get3A_643] {strides = array<i32>} : memref<400x128xf32, #tpu.memory_space<vmem>>, vector<1x16xf32>,
        %get3A_645 = vector.shape_cast %get3A_644 : vector<1x16xf32> to vector<16xf32>
        %add3A_646 = arith.addf %add3A_588, %get3A_645 : vector<16xf32>
        %add3A_647 = arith.constant 200 : i32
        %add3A_648 = arith.addi %add3A_647, %scan3A_625 : i32
        %get3A_649 = arith.index_cast %add3A_648 : i32 to index
        %get3A_650 = arith.constant 48 : index
        %get3A_651 = tpu.vector_load %arg6[%get3A_649, %get3A_650] {strides = array<i32>} : memref<400x128xf32, #tpu.memory_space<vmem>>, vector<1x16xf32>,
        %get3A_652 = vector.shape_cast %get3A_651 : vector<1x16xf32> to vector<16xf32>
        %add3A_653 = arith.addf %add3A_595, %get3A_652 : vector<16xf32>
        %add3A_654 = arith.constant 200 : i32
        %add3A_655 = arith.addi %add3A_654, %scan3A_625 : i32
        %get3A_656 = arith.index_cast %add3A_655 : i32 to index
        %get3A_657 = arith.constant 64 : index
        %get3A_658 = tpu.vector_load %arg6[%get3A_656, %get3A_657] {strides = array<i32>} : memref<400x128xf32, #tpu.memory_space<vmem>>, vector<1x16xf32>,
        %get3A_659 = vector.shape_cast %get3A_658 : vector<1x16xf32> to vector<16xf32>
        %add3A_660 = arith.addf %add3A_602, %get3A_659 : vector<16xf32>
        %add3A_661 = arith.constant 200 : i32
        %add3A_662 = arith.addi %add3A_661, %scan3A_625 : i32
        %get3A_663 = arith.index_cast %add3A_662 : i32 to index
        %get3A_664 = arith.constant 80 : index
        %get3A_665 = tpu.vector_load %arg6[%get3A_663, %get3A_664] {strides = array<i32>} : memref<400x128xf32, #tpu.memory_space<vmem>>, vector<1x16xf32>,
        %get3A_666 = vector.shape_cast %get3A_665 : vector<1x16xf32> to vector<16xf32>
        %add3A_667 = arith.addf %add3A_609, %get3A_666 : vector<16xf32>
        %add3A_668 = arith.constant 200 : i32
        %add3A_669 = arith.addi %add3A_668, %scan3A_625 : i32
        %get3A_670 = arith.index_cast %add3A_669 : i32 to index
        %get3A_671 = arith.constant 96 : index
        %get3A_672 = tpu.vector_load %arg6[%get3A_670, %get3A_671] {strides = array<i32>} : memref<400x128xf32, #tpu.memory_space<vmem>>, vector<1x16xf32>,
        %get3A_673 = vector.shape_cast %get3A_672 : vector<1x16xf32> to vector<16xf32>
        %add3A_674 = arith.addf %add3A_616, %get3A_673 : vector<16xf32>
        %add3A_675 = arith.constant 200 : i32
        %add3A_676 = arith.addi %add3A_675, %scan3A_625 : i32
        %get3A_677 = arith.index_cast %add3A_676 : i32 to index
        %get3A_678 = arith.constant 112 : index
        %get3A_679 = tpu.vector_load %arg6[%get3A_677, %get3A_678] {strides = array<i32>} : memref<400x128xf32, #tpu.memory_space<vmem>>, vector<1x16xf32>,
        %get3A_680 = vector.shape_cast %get3A_679 : vector<1x16xf32> to vector<16xf32>
        %add3A_681 = arith.addf %add3A_623, %get3A_680 : vector<16xf32>
        %scan3A_682 = arith.constant 5 : i32
        %scan3A_683 = arith.addi %scan3A_385, %scan3A_682 : i32
        %add3A_684 = arith.constant 200 : i32
        %add3A_685 = arith.addi %add3A_684, %scan3A_683 : i32
        %get3A_686 = arith.index_cast %add3A_685 : i32 to index
        %get3A_687 = arith.constant 0 : index
        %get3A_688 = tpu.vector_load %arg6[%get3A_686, %get3A_687] {strides = array<i32>} : memref<400x128xf32, #tpu.memory_space<vmem>>, vector<1x16xf32>,
        %get3A_689 = vector.shape_cast %get3A_688 : vector<1x16xf32> to vector<16xf32>
        %add3A_690 = arith.addf %add3A_632, %get3A_689 : vector<16xf32>
        %add3A_691 = arith.constant 200 : i32
        %add3A_692 = arith.addi %add3A_691, %scan3A_683 : i32
        %get3A_693 = arith.index_cast %add3A_692 : i32 to index
        %get3A_694 = arith.constant 16 : index
        %get3A_695 = tpu.vector_load %arg6[%get3A_693, %get3A_694] {strides = array<i32>} : memref<400x128xf32, #tpu.memory_space<vmem>>, vector<1x16xf32>,
        %get3A_696 = vector.shape_cast %get3A_695 : vector<1x16xf32> to vector<16xf32>
        %add3A_697 = arith.addf %add3A_639, %get3A_696 : vector<16xf32>
        %add3A_698 = arith.constant 200 : i32
        %add3A_699 = arith.addi %add3A_698, %scan3A_683 : i32
        %get3A_700 = arith.index_cast %add3A_699 : i32 to index
        %get3A_701 = arith.constant 32 : index
        %get3A_702 = tpu.vector_load %arg6[%get3A_700, %get3A_701] {strides = array<i32>} : memref<400x128xf32, #tpu.memory_space<vmem>>, vector<1x16xf32>,
        %get3A_703 = vector.shape_cast %get3A_702 : vector<1x16xf32> to vector<16xf32>
        %add3A_704 = arith.addf %add3A_646, %get3A_703 : vector<16xf32>
        %add3A_705 = arith.constant 200 : i32
        %add3A_706 = arith.addi %add3A_705, %scan3A_683 : i32
        %get3A_707 = arith.index_cast %add3A_706 : i32 to index
        %get3A_708 = arith.constant 48 : index
        %get3A_709 = tpu.vector_load %arg6[%get3A_707, %get3A_708] {strides = array<i32>} : memref<400x128xf32, #tpu.memory_space<vmem>>, vector<1x16xf32>,
        %get3A_710 = vector.shape_cast %get3A_709 : vector<1x16xf32> to vector<16xf32>
        %add3A_711 = arith.addf %add3A_653, %get3A_710 : vector<16xf32>
        %add3A_712 = arith.constant 200 : i32
        %add3A_713 = arith.addi %add3A_712, %scan3A_683 : i32
        %get3A_714 = arith.index_cast %add3A_713 : i32 to index
        %get3A_715 = arith.constant 64 : index
        %get3A_716 = tpu.vector_load %arg6[%get3A_714, %get3A_715] {strides = array<i32>} : memref<400x128xf32, #tpu.memory_space<vmem>>, vector<1x16xf32>,
        %get3A_717 = vector.shape_cast %get3A_716 : vector<1x16xf32> to vector<16xf32>
        %add3A_718 = arith.addf %add3A_660, %get3A_717 : vector<16xf32>
        %add3A_719 = arith.constant 200 : i32
        %add3A_720 = arith.addi %add3A_719, %scan3A_683 : i32
        %get3A_721 = arith.index_cast %add3A_720 : i32 to index
        %get3A_722 = arith.constant 80 : index
        %get3A_723 = tpu.vector_load %arg6[%get3A_721, %get3A_722] {strides = array<i32>} : memref<400x128xf32, #tpu.memory_space<vmem>>, vector<1x16xf32>,
        %get3A_724 = vector.shape_cast %get3A_723 : vector<1x16xf32> to vector<16xf32>
        %add3A_725 = arith.addf %add3A_667, %get3A_724 : vector<16xf32>
        %add3A_726 = arith.constant 200 : i32
        %add3A_727 = arith.addi %add3A_726, %scan3A_683 : i32
        %get3A_728 = arith.index_cast %add3A_727 : i32 to index
        %get3A_729 = arith.constant 96 : index
        %get3A_730 = tpu.vector_load %arg6[%get3A_728, %get3A_729] {strides = array<i32>} : memref<400x128xf32, #tpu.memory_space<vmem>>, vector<1x16xf32>,
        %get3A_731 = vector.shape_cast %get3A_730 : vector<1x16xf32> to vector<16xf32>
        %add3A_732 = arith.addf %add3A_674, %get3A_731 : vector<16xf32>
        %add3A_733 = arith.constant 200 : i32
        %add3A_734 = arith.addi %add3A_733, %scan3A_683 : i32
        %get3A_735 = arith.index_cast %add3A_734 : i32 to index
        %get3A_736 = arith.constant 112 : index
        %get3A_737 = tpu.vector_load %arg6[%get3A_735, %get3A_736] {strides = array<i32>} : memref<400x128xf32, #tpu.memory_space<vmem>>, vector<1x16xf32>,
        %get3A_738 = vector.shape_cast %get3A_737 : vector<1x16xf32> to vector<16xf32>
        %add3A_739 = arith.addf %add3A_681, %get3A_738 : vector<16xf32>
        %scan3A_740 = arith.constant 6 : i32
        %scan3A_741 = arith.addi %scan3A_385, %scan3A_740 : i32
        %add3A_742 = arith.constant 200 : i32
        %add3A_743 = arith.addi %add3A_742, %scan3A_741 : i32
        %get3A_744 = arith.index_cast %add3A_743 : i32 to index
        %get3A_745 = arith.constant 0 : index
        %get3A_746 = tpu.vector_load %arg6[%get3A_744, %get3A_745] {strides = array<i32>} : memref<400x128xf32, #tpu.memory_space<vmem>>, vector<1x16xf32>,
        %get3A_747 = vector.shape_cast %get3A_746 : vector<1x16xf32> to vector<16xf32>
        %add3A_748 = arith.addf %add3A_690, %get3A_747 : vector<16xf32>
        %add3A_749 = arith.constant 200 : i32
        %add3A_750 = arith.addi %add3A_749, %scan3A_741 : i32
        %get3A_751 = arith.index_cast %add3A_750 : i32 to index
        %get3A_752 = arith.constant 16 : index
        %get3A_753 = tpu.vector_load %arg6[%get3A_751, %get3A_752] {strides = array<i32>} : memref<400x128xf32, #tpu.memory_space<vmem>>, vector<1x16xf32>,
        %get3A_754 = vector.shape_cast %get3A_753 : vector<1x16xf32> to vector<16xf32>
        %add3A_755 = arith.addf %add3A_697, %get3A_754 : vector<16xf32>
        %add3A_756 = arith.constant 200 : i32
        %add3A_757 = arith.addi %add3A_756, %scan3A_741 : i32
        %get3A_758 = arith.index_cast %add3A_757 : i32 to index
        %get3A_759 = arith.constant 32 : index
        %get3A_760 = tpu.vector_load %arg6[%get3A_758, %get3A_759] {strides = array<i32>} : memref<400x128xf32, #tpu.memory_space<vmem>>, vector<1x16xf32>,
        %get3A_761 = vector.shape_cast %get3A_760 : vector<1x16xf32> to vector<16xf32>
        %add3A_762 = arith.addf %add3A_704, %get3A_761 : vector<16xf32>
        %add3A_763 = arith.constant 200 : i32
        %add3A_764 = arith.addi %add3A_763, %scan3A_741 : i32
        %get3A_765 = arith.index_cast %add3A_764 : i32 to index
        %get3A_766 = arith.constant 48 : index
        %get3A_767 = tpu.vector_load %arg6[%get3A_765, %get3A_766] {strides = array<i32>} : memref<400x128xf32, #tpu.memory_space<vmem>>, vector<1x16xf32>,
        %get3A_768 = vector.shape_cast %get3A_767 : vector<1x16xf32> to vector<16xf32>
        %add3A_769 = arith.addf %add3A_711, %get3A_768 : vector<16xf32>
        %add3A_770 = arith.constant 200 : i32
        %add3A_771 = arith.addi %add3A_770, %scan3A_741 : i32
        %get3A_772 = arith.index_cast %add3A_771 : i32 to index
        %get3A_773 = arith.constant 64 : index
        %get3A_774 = tpu.vector_load %arg6[%get3A_772, %get3A_773] {strides = array<i32>} : memref<400x128xf32, #tpu.memory_space<vmem>>, vector<1x16xf32>,
        %get3A_775 = vector.shape_cast %get3A_774 : vector<1x16xf32> to vector<16xf32>
        %add3A_776 = arith.addf %add3A_718, %get3A_775 : vector<16xf32>
        %add3A_777 = arith.constant 200 : i32
        %add3A_778 = arith.addi %add3A_777, %scan3A_741 : i32
        %get3A_779 = arith.index_cast %add3A_778 : i32 to index
        %get3A_780 = arith.constant 80 : index
        %get3A_781 = tpu.vector_load %arg6[%get3A_779, %get3A_780] {strides = array<i32>} : memref<400x128xf32, #tpu.memory_space<vmem>>, vector<1x16xf32>,
        %get3A_782 = vector.shape_cast %get3A_781 : vector<1x16xf32> to vector<16xf32>
        %add3A_783 = arith.addf %add3A_725, %get3A_782 : vector<16xf32>
        %add3A_784 = arith.constant 200 : i32
        %add3A_785 = arith.addi %add3A_784, %scan3A_741 : i32
        %get3A_786 = arith.index_cast %add3A_785 : i32 to index
        %get3A_787 = arith.constant 96 : index
        %get3A_788 = tpu.vector_load %arg6[%get3A_786, %get3A_787] {strides = array<i32>} : memref<400x128xf32, #tpu.memory_space<vmem>>, vector<1x16xf32>,
        %get3A_789 = vector.shape_cast %get3A_788 : vector<1x16xf32> to vector<16xf32>
        %add3A_790 = arith.addf %add3A_732, %get3A_789 : vector<16xf32>
        %add3A_791 = arith.constant 200 : i32
        %add3A_792 = arith.addi %add3A_791, %scan3A_741 : i32
        %get3A_793 = arith.index_cast %add3A_792 : i32 to index
        %get3A_794 = arith.constant 112 : index
        %get3A_795 = tpu.vector_load %arg6[%get3A_793, %get3A_794] {strides = array<i32>} : memref<400x128xf32, #tpu.memory_space<vmem>>, vector<1x16xf32>,
        %get3A_796 = vector.shape_cast %get3A_795 : vector<1x16xf32> to vector<16xf32>
        %add3A_797 = arith.addf %add3A_739, %get3A_796 : vector<16xf32>
        %scan3A_798 = arith.constant 7 : i32
        %scan3A_799 = arith.addi %scan3A_385, %scan3A_798 : i32
        %add3A_800 = arith.constant 200 : i32
        %add3A_801 = arith.addi %add3A_800, %scan3A_799 : i32
        %get3A_802 = arith.index_cast %add3A_801 : i32 to index
        %get3A_803 = arith.constant 0 : index
        %get3A_804 = tpu.vector_load %arg6[%get3A_802, %get3A_803] {strides = array<i32>} : memref<400x128xf32, #tpu.memory_space<vmem>>, vector<1x16xf32>,
        %get3A_805 = vector.shape_cast %get3A_804 : vector<1x16xf32> to vector<16xf32>
        %add3A_806 = arith.addf %add3A_748, %get3A_805 : vector<16xf32>
        %add3A_807 = arith.constant 200 : i32
        %add3A_808 = arith.addi %add3A_807, %scan3A_799 : i32
        %get3A_809 = arith.index_cast %add3A_808 : i32 to index
        %get3A_810 = arith.constant 16 : index
        %get3A_811 = tpu.vector_load %arg6[%get3A_809, %get3A_810] {strides = array<i32>} : memref<400x128xf32, #tpu.memory_space<vmem>>, vector<1x16xf32>,
        %get3A_812 = vector.shape_cast %get3A_811 : vector<1x16xf32> to vector<16xf32>
        %add3A_813 = arith.addf %add3A_755, %get3A_812 : vector<16xf32>
        %add3A_814 = arith.constant 200 : i32
        %add3A_815 = arith.addi %add3A_814, %scan3A_799 : i32
        %get3A_816 = arith.index_cast %add3A_815 : i32 to index
        %get3A_817 = arith.constant 32 : index
        %get3A_818 = tpu.vector_load %arg6[%get3A_816, %get3A_817] {strides = array<i32>} : memref<400x128xf32, #tpu.memory_space<vmem>>, vector<1x16xf32>,
        %get3A_819 = vector.shape_cast %get3A_818 : vector<1x16xf32> to vector<16xf32>
        %add3A_820 = arith.addf %add3A_762, %get3A_819 : vector<16xf32>
        %add3A_821 = arith.constant 200 : i32
        %add3A_822 = arith.addi %add3A_821, %scan3A_799 : i32
        %get3A_823 = arith.index_cast %add3A_822 : i32 to index
        %get3A_824 = arith.constant 48 : index
        %get3A_825 = tpu.vector_load %arg6[%get3A_823, %get3A_824] {strides = array<i32>} : memref<400x128xf32, #tpu.memory_space<vmem>>, vector<1x16xf32>,
        %get3A_826 = vector.shape_cast %get3A_825 : vector<1x16xf32> to vector<16xf32>
        %add3A_827 = arith.addf %add3A_769, %get3A_826 : vector<16xf32>
        %add3A_828 = arith.constant 200 : i32
        %add3A_829 = arith.addi %add3A_828, %scan3A_799 : i32
        %get3A_830 = arith.index_cast %add3A_829 : i32 to index
        %get3A_831 = arith.constant 64 : index
        %get3A_832 = tpu.vector_load %arg6[%get3A_830, %get3A_831] {strides = array<i32>} : memref<400x128xf32, #tpu.memory_space<vmem>>, vector<1x16xf32>,
        %get3A_833 = vector.shape_cast %get3A_832 : vector<1x16xf32> to vector<16xf32>
        %add3A_834 = arith.addf %add3A_776, %get3A_833 : vector<16xf32>
        %add3A_835 = arith.constant 200 : i32
        %add3A_836 = arith.addi %add3A_835, %scan3A_799 : i32
        %get3A_837 = arith.index_cast %add3A_836 : i32 to index
        %get3A_838 = arith.constant 80 : index
        %get3A_839 = tpu.vector_load %arg6[%get3A_837, %get3A_838] {strides = array<i32>} : memref<400x128xf32, #tpu.memory_space<vmem>>, vector<1x16xf32>,
        %get3A_840 = vector.shape_cast %get3A_839 : vector<1x16xf32> to vector<16xf32>
        %add3A_841 = arith.addf %add3A_783, %get3A_840 : vector<16xf32>
        %add3A_842 = arith.constant 200 : i32
        %add3A_843 = arith.addi %add3A_842, %scan3A_799 : i32
        %get3A_844 = arith.index_cast %add3A_843 : i32 to index
        %get3A_845 = arith.constant 96 : index
        %get3A_846 = tpu.vector_load %arg6[%get3A_844, %get3A_845] {strides = array<i32>} : memref<400x128xf32, #tpu.memory_space<vmem>>, vector<1x16xf32>,
        %get3A_847 = vector.shape_cast %get3A_846 : vector<1x16xf32> to vector<16xf32>
        %add3A_848 = arith.addf %add3A_790, %get3A_847 : vector<16xf32>
        %add3A_849 = arith.constant 200 : i32
        %add3A_850 = arith.addi %add3A_849, %scan3A_799 : i32
        %get3A_851 = arith.index_cast %add3A_850 : i32 to index
        %get3A_852 = arith.constant 112 : index
        %get3A_853 = tpu.vector_load %arg6[%get3A_851, %get3A_852] {strides = array<i32>} : memref<400x128xf32, #tpu.memory_space<vmem>>, vector<1x16xf32>,
        %get3A_854 = vector.shape_cast %get3A_853 : vector<1x16xf32> to vector<16xf32>
        %add3A_855 = arith.addf %add3A_797, %get3A_854 : vector<16xf32>
        scf.yield %add3A_806, %add3A_813, %add3A_820, %add3A_827, %add3A_834, %add3A_841, %add3A_848, %add3A_855 : vector<16xf32>, vector<16xf32>, vector<16xf32>, vector<16xf32>, vector<16xf32>, vector<16xf32>, vector<16xf32>, vector<16xf32>
      }
      %scan3A_333 = arith.constant 200 : i32
      %div3A_334 = arith.constant 1.000000e+00 : f32
      %div3A_335 = vector.broadcast %div3A_334 : f32 to vector<16xf32>
      %div3A_336 = arith.divf %div3A_335, %max3A_293 : vector<16xf32>
      %mul3A_337 = arith.mulf %scan3A_332#0, %div3A_336 : vector<16xf32>
      %swap3A_338 = arith.index_cast %add3A_213 : i32 to index
      %swap3A_339 = arith.constant 0 : index
      %swap3A_340 = tpu.vector_load %arg7[%swap3A_338, %swap3A_339] {strides = array<i32>} : memref<128x128xf32, #tpu.memory_space<vmem>>, vector<1x16xf32>,
      %swap3A_341 = vector.shape_cast %swap3A_340 : vector<1x16xf32> to vector<16xf32>
      %swap3A_342 = vector.shape_cast %mul3A_337 : vector<16xf32> to vector<1x16xf32>
      tpu.vector_store %arg7[%swap3A_338, %swap3A_339], %swap3A_342 {strides = array<i32>} : memref<128x128xf32, #tpu.memory_space<vmem>>, vector<1x16xf32>,
      %mul3A_343 = arith.mulf %scan3A_332#1, %div3A_336 : vector<16xf32>
      %swap3A_344 = arith.index_cast %add3A_213 : i32 to index
      %swap3A_345 = arith.constant 16 : index
      %swap3A_346 = tpu.vector_load %arg7[%swap3A_344, %swap3A_345] {strides = array<i32>} : memref<128x128xf32, #tpu.memory_space<vmem>>, vector<1x16xf32>,
      %swap3A_347 = vector.shape_cast %swap3A_346 : vector<1x16xf32> to vector<16xf32>
      %swap3A_348 = vector.shape_cast %mul3A_343 : vector<16xf32> to vector<1x16xf32>
      tpu.vector_store %arg7[%swap3A_344, %swap3A_345], %swap3A_348 {strides = array<i32>} : memref<128x128xf32, #tpu.memory_space<vmem>>, vector<1x16xf32>,
      %mul3A_349 = arith.mulf %scan3A_332#2, %div3A_336 : vector<16xf32>
      %swap3A_350 = arith.index_cast %add3A_213 : i32 to index
      %swap3A_351 = arith.constant 32 : index
      %swap3A_352 = tpu.vector_load %arg7[%swap3A_350, %swap3A_351] {strides = array<i32>} : memref<128x128xf32, #tpu.memory_space<vmem>>, vector<1x16xf32>,
      %swap3A_353 = vector.shape_cast %swap3A_352 : vector<1x16xf32> to vector<16xf32>
      %swap3A_354 = vector.shape_cast %mul3A_349 : vector<16xf32> to vector<1x16xf32>
      tpu.vector_store %arg7[%swap3A_350, %swap3A_351], %swap3A_354 {strides = array<i32>} : memref<128x128xf32, #tpu.memory_space<vmem>>, vector<1x16xf32>,
      %mul3A_355 = arith.mulf %scan3A_332#3, %div3A_336 : vector<16xf32>
      %swap3A_356 = arith.index_cast %add3A_213 : i32 to index
      %swap3A_357 = arith.constant 48 : index
      %swap3A_358 = tpu.vector_load %arg7[%swap3A_356, %swap3A_357] {strides = array<i32>} : memref<128x128xf32, #tpu.memory_space<vmem>>, vector<1x16xf32>,
      %swap3A_359 = vector.shape_cast %swap3A_358 : vector<1x16xf32> to vector<16xf32>
      %swap3A_360 = vector.shape_cast %mul3A_355 : vector<16xf32> to vector<1x16xf32>
      tpu.vector_store %arg7[%swap3A_356, %swap3A_357], %swap3A_360 {strides = array<i32>} : memref<128x128xf32, #tpu.memory_space<vmem>>, vector<1x16xf32>,
      %mul3A_361 = arith.mulf %scan3A_332#4, %div3A_336 : vector<16xf32>
      %swap3A_362 = arith.index_cast %add3A_213 : i32 to index
      %swap3A_363 = arith.constant 64 : index
      %swap3A_364 = tpu.vector_load %arg7[%swap3A_362, %swap3A_363] {strides = array<i32>} : memref<128x128xf32, #tpu.memory_space<vmem>>, vector<1x16xf32>,
      %swap3A_365 = vector.shape_cast %swap3A_364 : vector<1x16xf32> to vector<16xf32>
      %swap3A_366 = vector.shape_cast %mul3A_361 : vector<16xf32> to vector<1x16xf32>
      tpu.vector_store %arg7[%swap3A_362, %swap3A_363], %swap3A_366 {strides = array<i32>} : memref<128x128xf32, #tpu.memory_space<vmem>>, vector<1x16xf32>,
      %mul3A_367 = arith.mulf %scan3A_332#5, %div3A_336 : vector<16xf32>
      %swap3A_368 = arith.index_cast %add3A_213 : i32 to index
      %swap3A_369 = arith.constant 80 : index
      %swap3A_370 = tpu.vector_load %arg7[%swap3A_368, %swap3A_369] {strides = array<i32>} : memref<128x128xf32, #tpu.memory_space<vmem>>, vector<1x16xf32>,
      %swap3A_371 = vector.shape_cast %swap3A_370 : vector<1x16xf32> to vector<16xf32>
      %swap3A_372 = vector.shape_cast %mul3A_367 : vector<16xf32> to vector<1x16xf32>
      tpu.vector_store %arg7[%swap3A_368, %swap3A_369], %swap3A_372 {strides = array<i32>} : memref<128x128xf32, #tpu.memory_space<vmem>>, vector<1x16xf32>,
      %mul3A_373 = arith.mulf %scan3A_332#6, %div3A_336 : vector<16xf32>
      %swap3A_374 = arith.index_cast %add3A_213 : i32 to index
      %swap3A_375 = arith.constant 96 : index
      %swap3A_376 = tpu.vector_load %arg7[%swap3A_374, %swap3A_375] {strides = array<i32>} : memref<128x128xf32, #tpu.memory_space<vmem>>, vector<1x16xf32>,
      %swap3A_377 = vector.shape_cast %swap3A_376 : vector<1x16xf32> to vector<16xf32>
      %swap3A_378 = vector.shape_cast %mul3A_373 : vector<16xf32> to vector<1x16xf32>
      tpu.vector_store %arg7[%swap3A_374, %swap3A_375], %swap3A_378 {strides = array<i32>} : memref<128x128xf32, #tpu.memory_space<vmem>>, vector<1x16xf32>,
      %mul3A_379 = arith.mulf %scan3A_332#7, %div3A_336 : vector<16xf32>
      %swap3A_380 = arith.index_cast %add3A_213 : i32 to index
      %swap3A_381 = arith.constant 112 : index
      %swap3A_382 = tpu.vector_load %arg7[%swap3A_380, %swap3A_381] {strides = array<i32>} : memref<128x128xf32, #tpu.memory_space<vmem>>, vector<1x16xf32>,
      %swap3A_383 = vector.shape_cast %swap3A_382 : vector<1x16xf32> to vector<16xf32>
      %swap3A_384 = vector.shape_cast %mul3A_379 : vector<16xf32> to vector<1x16xf32>
      tpu.vector_store %arg7[%swap3A_380, %swap3A_381], %swap3A_384 {strides = array<i32>} : memref<128x128xf32, #tpu.memory_space<vmem>>, vector<1x16xf32>,
    }
    %scan3A_24 = arith.constant 64 : i32
    "tpu.region"() ({
      %run_scoped3A = tpu.sem_alloc : memref<!tpu.dma_semaphore, #tpu.memory_space<semaphore_mem>>
      %dma_start3A_25 = arith.constant 0 : i32
      %dma_start3A_26 = tpu.memref_slice %arg4[%mul3A_2, %dma_start3A_25] : memref<4096x128xf32, #tpu.memory_space<hbm>> -> memref<128x128xf32, #tpu.memory_space<hbm>>
      %dma_start3A_27 = arith.constant 0 : i32
      %dma_start3A_28 = tpu.memref_slice %arg4[%mul3A_2, %dma_start3A_27] : memref<4096x128xf32, #tpu.memory_space<hbm>> -> memref<128x128xf32, #tpu.memory_space<hbm>>
      tpu.enqueue_dma source(%arg7 : memref<128x128xf32, #tpu.memory_space<vmem>>) target(%dma_start3A_28 : memref<128x128xf32, #tpu.memory_space<hbm>>) target_semaphore(%run_scoped3A : memref<!tpu.dma_semaphore, #tpu.memory_space<semaphore_mem>>)
      %dma_wait3A = arith.constant 0 : i32
      %dma_wait3A_29 = tpu.memref_slice %arg4[%mul3A_2, %dma_wait3A] : memref<4096x128xf32, #tpu.memory_space<hbm>> -> memref<128x128xf32, #tpu.memory_space<hbm>>
      %dma_wait3A_30 = arith.constant 0 : i32
      %dma_wait3A_31 = tpu.memref_slice %arg4[%mul3A_2, %dma_wait3A_30] : memref<4096x128xf32, #tpu.memory_space<hbm>> -> memref<128x128xf32, #tpu.memory_space<hbm>>
      tpu.wait_dma2 semaphore(%run_scoped3A : memref<!tpu.dma_semaphore, #tpu.memory_space<semaphore_mem>>) src(%arg7 : memref<128x128xf32, #tpu.memory_space<vmem>>) dst(%dma_wait3A_31 : memref<128x128xf32, #tpu.memory_space<hbm>>)
      tpu.yield
    }) : () -> ()
    return
  }
}

module attributes {stable_mosaic.version = 14 : i64} {
  func.func @_tc_perm_body(%arg0: i32, %arg1: memref<128x50xi32, #tpu.memory_space<vmem>>, %arg2: memref<1024x128xf32, #tpu.memory_space<vmem>>, %arg3: memref<128x128xf32, #tpu.memory_space<vmem>>) attributes {dimension_semantics = [#tpu.dimension_semantics<arbitrary>], iteration_bounds = array<i64: 32>, scalar_prefetch = 0 : i64, scratch_operands = 0 : i64, tpu.core_type = #tpu.core_type<tc>, window_params = [{transform_indices = @transform_0, window_bounds = array<i64: 128, 50>}, {pipeline_mode = #tpu.pipeline_mode<synchronous>, transform_indices = @transform_1, window_bounds = array<i64: 1024, 128>}, {transform_indices = @transform_2, window_bounds = array<i64: 128, 128>}]} {
    %get3A = arith.constant 0 : index
    %get3A_0 = arith.constant 0 : index
    %get3A_1 = vector.load %arg1[%get3A, %get3A_0] : memref<128x50xi32, #tpu.memory_space<vmem>>, vector<128x50xi32>
    %ne3A = arith.constant 0 : i32
    %ne3A_2 = vector.broadcast %ne3A : i32 to vector<128x50xi32>
    %ne3A_3 = arith.cmpi ne, %get3A_1, %ne3A_2 : vector<128x50xi32>
    %jit3A = arith.constant 1.000000e+00 : f32
    %jit3A_4 = arith.constant 0.000000e+00 : f32
    %broadcast_in_dim3A = vector.broadcast %jit3A : f32 to vector<128x50xf32>
    %broadcast_in_dim3A_5 = vector.broadcast %jit3A_4 : f32 to vector<128x50xf32>
    %select_n3A = arith.select %ne3A_3, %broadcast_in_dim3A, %broadcast_in_dim3A_5 : vector<128x50xi1>, vector<128x50xf32>
    %reduce_sum3A = arith.constant dense<0.000000e+00> : vector<128xf32>
    %reduce_sum3A_6 = vector.multi_reduction <add>, %select_n3A, %reduce_sum3A [1] : vector<128x50xf32> to vector<128xf32>
    %max3A = arith.constant 1.000000e+00 : f32
    %max3A_7 = vector.broadcast %max3A : f32 to vector<128xf32>
    %max3A_8 = arith.maximumf %reduce_sum3A_6, %max3A_7 : vector<128xf32>
    %div3A = arith.constant 1.000000e+00 : f32
    %div3A_9 = vector.broadcast %div3A : f32 to vector<128xf32>
    %div3A_10 = arith.divf %div3A_9, %max3A_8 : vector<128xf32>
    %convert_element_type3A = arith.trunci %get3A_1 : vector<128x50xi32> to vector<128x50xi16>
    %broadcast_in_dim3A_11 = arith.constant 0.000000e+00 : f32
    %broadcast_in_dim3A_12 = vector.broadcast %broadcast_in_dim3A_11 : f32 to vector<128x128xf32>
    %iota3A = tpu.iota {dimensions = array<i32: 1>} : vector<128x128xi16>
    %add3A = arith.constant 0 : i16
    %add3A_13 = vector.broadcast %add3A : i16 to vector<128x128xi16>
    %add3A_14 = arith.addi %iota3A, %add3A_13 : vector<128x128xi16>
    %broadcast_in_dim3A_15 = arith.constant 0 : i16
    %broadcast_in_dim3A_16 = vector.broadcast %broadcast_in_dim3A_15 : i16 to vector<128x128xi16>
    %slice3A = vector.extract_strided_slice %convert_element_type3A {offsets = [0, 0], sizes = [128, 1], strides = [1, 1]} : vector<128x50xi16> to vector<128x1xi16>
    %eq3A = vector.broadcast %slice3A : vector<128x1xi16> to vector<128x128xi16>
    %eq3A_17 = arith.cmpi eq, %eq3A, %add3A_14 : vector<128x128xi16>
    %convert_element_type3A_18 = arith.extui %eq3A_17 : vector<128x128xi1> to vector<128x128xi16>
    %add3A_19 = arith.addi %broadcast_in_dim3A_16, %convert_element_type3A_18 : vector<128x128xi16>
    %slice3A_20 = vector.extract_strided_slice %convert_element_type3A {offsets = [0, 1], sizes = [128, 1], strides = [1, 1]} : vector<128x50xi16> to vector<128x1xi16>
    %eq3A_21 = vector.broadcast %slice3A_20 : vector<128x1xi16> to vector<128x128xi16>
    %eq3A_22 = arith.cmpi eq, %eq3A_21, %add3A_14 : vector<128x128xi16>
    %convert_element_type3A_23 = arith.extui %eq3A_22 : vector<128x128xi1> to vector<128x128xi16>
    %add3A_24 = arith.addi %add3A_19, %convert_element_type3A_23 : vector<128x128xi16>
    %slice3A_25 = vector.extract_strided_slice %convert_element_type3A {offsets = [0, 2], sizes = [128, 1], strides = [1, 1]} : vector<128x50xi16> to vector<128x1xi16>
    %eq3A_26 = vector.broadcast %slice3A_25 : vector<128x1xi16> to vector<128x128xi16>
    %eq3A_27 = arith.cmpi eq, %eq3A_26, %add3A_14 : vector<128x128xi16>
    %convert_element_type3A_28 = arith.extui %eq3A_27 : vector<128x128xi1> to vector<128x128xi16>
    %add3A_29 = arith.addi %add3A_24, %convert_element_type3A_28 : vector<128x128xi16>
    %slice3A_30 = vector.extract_strided_slice %convert_element_type3A {offsets = [0, 3], sizes = [128, 1], strides = [1, 1]} : vector<128x50xi16> to vector<128x1xi16>
    %eq3A_31 = vector.broadcast %slice3A_30 : vector<128x1xi16> to vector<128x128xi16>
    %eq3A_32 = arith.cmpi eq, %eq3A_31, %add3A_14 : vector<128x128xi16>
    %convert_element_type3A_33 = arith.extui %eq3A_32 : vector<128x128xi1> to vector<128x128xi16>
    %add3A_34 = arith.addi %add3A_29, %convert_element_type3A_33 : vector<128x128xi16>
    %slice3A_35 = vector.extract_strided_slice %convert_element_type3A {offsets = [0, 4], sizes = [128, 1], strides = [1, 1]} : vector<128x50xi16> to vector<128x1xi16>
    %eq3A_36 = vector.broadcast %slice3A_35 : vector<128x1xi16> to vector<128x128xi16>
    %eq3A_37 = arith.cmpi eq, %eq3A_36, %add3A_14 : vector<128x128xi16>
    %convert_element_type3A_38 = arith.extui %eq3A_37 : vector<128x128xi1> to vector<128x128xi16>
    %add3A_39 = arith.addi %add3A_34, %convert_element_type3A_38 : vector<128x128xi16>
    %slice3A_40 = vector.extract_strided_slice %convert_element_type3A {offsets = [0, 5], sizes = [128, 1], strides = [1, 1]} : vector<128x50xi16> to vector<128x1xi16>
    %eq3A_41 = vector.broadcast %slice3A_40 : vector<128x1xi16> to vector<128x128xi16>
    %eq3A_42 = arith.cmpi eq, %eq3A_41, %add3A_14 : vector<128x128xi16>
    %convert_element_type3A_43 = arith.extui %eq3A_42 : vector<128x128xi1> to vector<128x128xi16>
    %add3A_44 = arith.addi %add3A_39, %convert_element_type3A_43 : vector<128x128xi16>
    %slice3A_45 = vector.extract_strided_slice %convert_element_type3A {offsets = [0, 6], sizes = [128, 1], strides = [1, 1]} : vector<128x50xi16> to vector<128x1xi16>
    %eq3A_46 = vector.broadcast %slice3A_45 : vector<128x1xi16> to vector<128x128xi16>
    %eq3A_47 = arith.cmpi eq, %eq3A_46, %add3A_14 : vector<128x128xi16>
    %convert_element_type3A_48 = arith.extui %eq3A_47 : vector<128x128xi1> to vector<128x128xi16>
    %add3A_49 = arith.addi %add3A_44, %convert_element_type3A_48 : vector<128x128xi16>
    %slice3A_50 = vector.extract_strided_slice %convert_element_type3A {offsets = [0, 7], sizes = [128, 1], strides = [1, 1]} : vector<128x50xi16> to vector<128x1xi16>
    %eq3A_51 = vector.broadcast %slice3A_50 : vector<128x1xi16> to vector<128x128xi16>
    %eq3A_52 = arith.cmpi eq, %eq3A_51, %add3A_14 : vector<128x128xi16>
    %convert_element_type3A_53 = arith.extui %eq3A_52 : vector<128x128xi1> to vector<128x128xi16>
    %add3A_54 = arith.addi %add3A_49, %convert_element_type3A_53 : vector<128x128xi16>
    %slice3A_55 = vector.extract_strided_slice %convert_element_type3A {offsets = [0, 8], sizes = [128, 1], strides = [1, 1]} : vector<128x50xi16> to vector<128x1xi16>
    %eq3A_56 = vector.broadcast %slice3A_55 : vector<128x1xi16> to vector<128x128xi16>
    %eq3A_57 = arith.cmpi eq, %eq3A_56, %add3A_14 : vector<128x128xi16>
    %convert_element_type3A_58 = arith.extui %eq3A_57 : vector<128x128xi1> to vector<128x128xi16>
    %add3A_59 = arith.addi %add3A_54, %convert_element_type3A_58 : vector<128x128xi16>
    %slice3A_60 = vector.extract_strided_slice %convert_element_type3A {offsets = [0, 9], sizes = [128, 1], strides = [1, 1]} : vector<128x50xi16> to vector<128x1xi16>
    %eq3A_61 = vector.broadcast %slice3A_60 : vector<128x1xi16> to vector<128x128xi16>
    %eq3A_62 = arith.cmpi eq, %eq3A_61, %add3A_14 : vector<128x128xi16>
    %convert_element_type3A_63 = arith.extui %eq3A_62 : vector<128x128xi1> to vector<128x128xi16>
    %add3A_64 = arith.addi %add3A_59, %convert_element_type3A_63 : vector<128x128xi16>
    %slice3A_65 = vector.extract_strided_slice %convert_element_type3A {offsets = [0, 10], sizes = [128, 1], strides = [1, 1]} : vector<128x50xi16> to vector<128x1xi16>
    %eq3A_66 = vector.broadcast %slice3A_65 : vector<128x1xi16> to vector<128x128xi16>
    %eq3A_67 = arith.cmpi eq, %eq3A_66, %add3A_14 : vector<128x128xi16>
    %convert_element_type3A_68 = arith.extui %eq3A_67 : vector<128x128xi1> to vector<128x128xi16>
    %add3A_69 = arith.addi %add3A_64, %convert_element_type3A_68 : vector<128x128xi16>
    %slice3A_70 = vector.extract_strided_slice %convert_element_type3A {offsets = [0, 11], sizes = [128, 1], strides = [1, 1]} : vector<128x50xi16> to vector<128x1xi16>
    %eq3A_71 = vector.broadcast %slice3A_70 : vector<128x1xi16> to vector<128x128xi16>
    %eq3A_72 = arith.cmpi eq, %eq3A_71, %add3A_14 : vector<128x128xi16>
    %convert_element_type3A_73 = arith.extui %eq3A_72 : vector<128x128xi1> to vector<128x128xi16>
    %add3A_74 = arith.addi %add3A_69, %convert_element_type3A_73 : vector<128x128xi16>
    %slice3A_75 = vector.extract_strided_slice %convert_element_type3A {offsets = [0, 12], sizes = [128, 1], strides = [1, 1]} : vector<128x50xi16> to vector<128x1xi16>
    %eq3A_76 = vector.broadcast %slice3A_75 : vector<128x1xi16> to vector<128x128xi16>
    %eq3A_77 = arith.cmpi eq, %eq3A_76, %add3A_14 : vector<128x128xi16>
    %convert_element_type3A_78 = arith.extui %eq3A_77 : vector<128x128xi1> to vector<128x128xi16>
    %add3A_79 = arith.addi %add3A_74, %convert_element_type3A_78 : vector<128x128xi16>
    %slice3A_80 = vector.extract_strided_slice %convert_element_type3A {offsets = [0, 13], sizes = [128, 1], strides = [1, 1]} : vector<128x50xi16> to vector<128x1xi16>
    %eq3A_81 = vector.broadcast %slice3A_80 : vector<128x1xi16> to vector<128x128xi16>
    %eq3A_82 = arith.cmpi eq, %eq3A_81, %add3A_14 : vector<128x128xi16>
    %convert_element_type3A_83 = arith.extui %eq3A_82 : vector<128x128xi1> to vector<128x128xi16>
    %add3A_84 = arith.addi %add3A_79, %convert_element_type3A_83 : vector<128x128xi16>
    %slice3A_85 = vector.extract_strided_slice %convert_element_type3A {offsets = [0, 14], sizes = [128, 1], strides = [1, 1]} : vector<128x50xi16> to vector<128x1xi16>
    %eq3A_86 = vector.broadcast %slice3A_85 : vector<128x1xi16> to vector<128x128xi16>
    %eq3A_87 = arith.cmpi eq, %eq3A_86, %add3A_14 : vector<128x128xi16>
    %convert_element_type3A_88 = arith.extui %eq3A_87 : vector<128x128xi1> to vector<128x128xi16>
    %add3A_89 = arith.addi %add3A_84, %convert_element_type3A_88 : vector<128x128xi16>
    %slice3A_90 = vector.extract_strided_slice %convert_element_type3A {offsets = [0, 15], sizes = [128, 1], strides = [1, 1]} : vector<128x50xi16> to vector<128x1xi16>
    %eq3A_91 = vector.broadcast %slice3A_90 : vector<128x1xi16> to vector<128x128xi16>
    %eq3A_92 = arith.cmpi eq, %eq3A_91, %add3A_14 : vector<128x128xi16>
    %convert_element_type3A_93 = arith.extui %eq3A_92 : vector<128x128xi1> to vector<128x128xi16>
    %add3A_94 = arith.addi %add3A_89, %convert_element_type3A_93 : vector<128x128xi16>
    %slice3A_95 = vector.extract_strided_slice %convert_element_type3A {offsets = [0, 16], sizes = [128, 1], strides = [1, 1]} : vector<128x50xi16> to vector<128x1xi16>
    %eq3A_96 = vector.broadcast %slice3A_95 : vector<128x1xi16> to vector<128x128xi16>
    %eq3A_97 = arith.cmpi eq, %eq3A_96, %add3A_14 : vector<128x128xi16>
    %convert_element_type3A_98 = arith.extui %eq3A_97 : vector<128x128xi1> to vector<128x128xi16>
    %add3A_99 = arith.addi %add3A_94, %convert_element_type3A_98 : vector<128x128xi16>
    %slice3A_100 = vector.extract_strided_slice %convert_element_type3A {offsets = [0, 17], sizes = [128, 1], strides = [1, 1]} : vector<128x50xi16> to vector<128x1xi16>
    %eq3A_101 = vector.broadcast %slice3A_100 : vector<128x1xi16> to vector<128x128xi16>
    %eq3A_102 = arith.cmpi eq, %eq3A_101, %add3A_14 : vector<128x128xi16>
    %convert_element_type3A_103 = arith.extui %eq3A_102 : vector<128x128xi1> to vector<128x128xi16>
    %add3A_104 = arith.addi %add3A_99, %convert_element_type3A_103 : vector<128x128xi16>
    %slice3A_105 = vector.extract_strided_slice %convert_element_type3A {offsets = [0, 18], sizes = [128, 1], strides = [1, 1]} : vector<128x50xi16> to vector<128x1xi16>
    %eq3A_106 = vector.broadcast %slice3A_105 : vector<128x1xi16> to vector<128x128xi16>
    %eq3A_107 = arith.cmpi eq, %eq3A_106, %add3A_14 : vector<128x128xi16>
    %convert_element_type3A_108 = arith.extui %eq3A_107 : vector<128x128xi1> to vector<128x128xi16>
    %add3A_109 = arith.addi %add3A_104, %convert_element_type3A_108 : vector<128x128xi16>
    %slice3A_110 = vector.extract_strided_slice %convert_element_type3A {offsets = [0, 19], sizes = [128, 1], strides = [1, 1]} : vector<128x50xi16> to vector<128x1xi16>
    %eq3A_111 = vector.broadcast %slice3A_110 : vector<128x1xi16> to vector<128x128xi16>
    %eq3A_112 = arith.cmpi eq, %eq3A_111, %add3A_14 : vector<128x128xi16>
    %convert_element_type3A_113 = arith.extui %eq3A_112 : vector<128x128xi1> to vector<128x128xi16>
    %add3A_114 = arith.addi %add3A_109, %convert_element_type3A_113 : vector<128x128xi16>
    %slice3A_115 = vector.extract_strided_slice %convert_element_type3A {offsets = [0, 20], sizes = [128, 1], strides = [1, 1]} : vector<128x50xi16> to vector<128x1xi16>
    %eq3A_116 = vector.broadcast %slice3A_115 : vector<128x1xi16> to vector<128x128xi16>
    %eq3A_117 = arith.cmpi eq, %eq3A_116, %add3A_14 : vector<128x128xi16>
    %convert_element_type3A_118 = arith.extui %eq3A_117 : vector<128x128xi1> to vector<128x128xi16>
    %add3A_119 = arith.addi %add3A_114, %convert_element_type3A_118 : vector<128x128xi16>
    %slice3A_120 = vector.extract_strided_slice %convert_element_type3A {offsets = [0, 21], sizes = [128, 1], strides = [1, 1]} : vector<128x50xi16> to vector<128x1xi16>
    %eq3A_121 = vector.broadcast %slice3A_120 : vector<128x1xi16> to vector<128x128xi16>
    %eq3A_122 = arith.cmpi eq, %eq3A_121, %add3A_14 : vector<128x128xi16>
    %convert_element_type3A_123 = arith.extui %eq3A_122 : vector<128x128xi1> to vector<128x128xi16>
    %add3A_124 = arith.addi %add3A_119, %convert_element_type3A_123 : vector<128x128xi16>
    %slice3A_125 = vector.extract_strided_slice %convert_element_type3A {offsets = [0, 22], sizes = [128, 1], strides = [1, 1]} : vector<128x50xi16> to vector<128x1xi16>
    %eq3A_126 = vector.broadcast %slice3A_125 : vector<128x1xi16> to vector<128x128xi16>
    %eq3A_127 = arith.cmpi eq, %eq3A_126, %add3A_14 : vector<128x128xi16>
    %convert_element_type3A_128 = arith.extui %eq3A_127 : vector<128x128xi1> to vector<128x128xi16>
    %add3A_129 = arith.addi %add3A_124, %convert_element_type3A_128 : vector<128x128xi16>
    %slice3A_130 = vector.extract_strided_slice %convert_element_type3A {offsets = [0, 23], sizes = [128, 1], strides = [1, 1]} : vector<128x50xi16> to vector<128x1xi16>
    %eq3A_131 = vector.broadcast %slice3A_130 : vector<128x1xi16> to vector<128x128xi16>
    %eq3A_132 = arith.cmpi eq, %eq3A_131, %add3A_14 : vector<128x128xi16>
    %convert_element_type3A_133 = arith.extui %eq3A_132 : vector<128x128xi1> to vector<128x128xi16>
    %add3A_134 = arith.addi %add3A_129, %convert_element_type3A_133 : vector<128x128xi16>
    %slice3A_135 = vector.extract_strided_slice %convert_element_type3A {offsets = [0, 24], sizes = [128, 1], strides = [1, 1]} : vector<128x50xi16> to vector<128x1xi16>
    %eq3A_136 = vector.broadcast %slice3A_135 : vector<128x1xi16> to vector<128x128xi16>
    %eq3A_137 = arith.cmpi eq, %eq3A_136, %add3A_14 : vector<128x128xi16>
    %convert_element_type3A_138 = arith.extui %eq3A_137 : vector<128x128xi1> to vector<128x128xi16>
    %add3A_139 = arith.addi %add3A_134, %convert_element_type3A_138 : vector<128x128xi16>
    %slice3A_140 = vector.extract_strided_slice %convert_element_type3A {offsets = [0, 25], sizes = [128, 1], strides = [1, 1]} : vector<128x50xi16> to vector<128x1xi16>
    %eq3A_141 = vector.broadcast %slice3A_140 : vector<128x1xi16> to vector<128x128xi16>
    %eq3A_142 = arith.cmpi eq, %eq3A_141, %add3A_14 : vector<128x128xi16>
    %convert_element_type3A_143 = arith.extui %eq3A_142 : vector<128x128xi1> to vector<128x128xi16>
    %add3A_144 = arith.addi %add3A_139, %convert_element_type3A_143 : vector<128x128xi16>
    %slice3A_145 = vector.extract_strided_slice %convert_element_type3A {offsets = [0, 26], sizes = [128, 1], strides = [1, 1]} : vector<128x50xi16> to vector<128x1xi16>
    %eq3A_146 = vector.broadcast %slice3A_145 : vector<128x1xi16> to vector<128x128xi16>
    %eq3A_147 = arith.cmpi eq, %eq3A_146, %add3A_14 : vector<128x128xi16>
    %convert_element_type3A_148 = arith.extui %eq3A_147 : vector<128x128xi1> to vector<128x128xi16>
    %add3A_149 = arith.addi %add3A_144, %convert_element_type3A_148 : vector<128x128xi16>
    %slice3A_150 = vector.extract_strided_slice %convert_element_type3A {offsets = [0, 27], sizes = [128, 1], strides = [1, 1]} : vector<128x50xi16> to vector<128x1xi16>
    %eq3A_151 = vector.broadcast %slice3A_150 : vector<128x1xi16> to vector<128x128xi16>
    %eq3A_152 = arith.cmpi eq, %eq3A_151, %add3A_14 : vector<128x128xi16>
    %convert_element_type3A_153 = arith.extui %eq3A_152 : vector<128x128xi1> to vector<128x128xi16>
    %add3A_154 = arith.addi %add3A_149, %convert_element_type3A_153 : vector<128x128xi16>
    %slice3A_155 = vector.extract_strided_slice %convert_element_type3A {offsets = [0, 28], sizes = [128, 1], strides = [1, 1]} : vector<128x50xi16> to vector<128x1xi16>
    %eq3A_156 = vector.broadcast %slice3A_155 : vector<128x1xi16> to vector<128x128xi16>
    %eq3A_157 = arith.cmpi eq, %eq3A_156, %add3A_14 : vector<128x128xi16>
    %convert_element_type3A_158 = arith.extui %eq3A_157 : vector<128x128xi1> to vector<128x128xi16>
    %add3A_159 = arith.addi %add3A_154, %convert_element_type3A_158 : vector<128x128xi16>
    %slice3A_160 = vector.extract_strided_slice %convert_element_type3A {offsets = [0, 29], sizes = [128, 1], strides = [1, 1]} : vector<128x50xi16> to vector<128x1xi16>
    %eq3A_161 = vector.broadcast %slice3A_160 : vector<128x1xi16> to vector<128x128xi16>
    %eq3A_162 = arith.cmpi eq, %eq3A_161, %add3A_14 : vector<128x128xi16>
    %convert_element_type3A_163 = arith.extui %eq3A_162 : vector<128x128xi1> to vector<128x128xi16>
    %add3A_164 = arith.addi %add3A_159, %convert_element_type3A_163 : vector<128x128xi16>
    %slice3A_165 = vector.extract_strided_slice %convert_element_type3A {offsets = [0, 30], sizes = [128, 1], strides = [1, 1]} : vector<128x50xi16> to vector<128x1xi16>
    %eq3A_166 = vector.broadcast %slice3A_165 : vector<128x1xi16> to vector<128x128xi16>
    %eq3A_167 = arith.cmpi eq, %eq3A_166, %add3A_14 : vector<128x128xi16>
    %convert_element_type3A_168 = arith.extui %eq3A_167 : vector<128x128xi1> to vector<128x128xi16>
    %add3A_169 = arith.addi %add3A_164, %convert_element_type3A_168 : vector<128x128xi16>
    %slice3A_170 = vector.extract_strided_slice %convert_element_type3A {offsets = [0, 31], sizes = [128, 1], strides = [1, 1]} : vector<128x50xi16> to vector<128x1xi16>
    %eq3A_171 = vector.broadcast %slice3A_170 : vector<128x1xi16> to vector<128x128xi16>
    %eq3A_172 = arith.cmpi eq, %eq3A_171, %add3A_14 : vector<128x128xi16>
    %convert_element_type3A_173 = arith.extui %eq3A_172 : vector<128x128xi1> to vector<128x128xi16>
    %add3A_174 = arith.addi %add3A_169, %convert_element_type3A_173 : vector<128x128xi16>
    %slice3A_175 = vector.extract_strided_slice %convert_element_type3A {offsets = [0, 32], sizes = [128, 1], strides = [1, 1]} : vector<128x50xi16> to vector<128x1xi16>
    %eq3A_176 = vector.broadcast %slice3A_175 : vector<128x1xi16> to vector<128x128xi16>
    %eq3A_177 = arith.cmpi eq, %eq3A_176, %add3A_14 : vector<128x128xi16>
    %convert_element_type3A_178 = arith.extui %eq3A_177 : vector<128x128xi1> to vector<128x128xi16>
    %add3A_179 = arith.addi %add3A_174, %convert_element_type3A_178 : vector<128x128xi16>
    %slice3A_180 = vector.extract_strided_slice %convert_element_type3A {offsets = [0, 33], sizes = [128, 1], strides = [1, 1]} : vector<128x50xi16> to vector<128x1xi16>
    %eq3A_181 = vector.broadcast %slice3A_180 : vector<128x1xi16> to vector<128x128xi16>
    %eq3A_182 = arith.cmpi eq, %eq3A_181, %add3A_14 : vector<128x128xi16>
    %convert_element_type3A_183 = arith.extui %eq3A_182 : vector<128x128xi1> to vector<128x128xi16>
    %add3A_184 = arith.addi %add3A_179, %convert_element_type3A_183 : vector<128x128xi16>
    %slice3A_185 = vector.extract_strided_slice %convert_element_type3A {offsets = [0, 34], sizes = [128, 1], strides = [1, 1]} : vector<128x50xi16> to vector<128x1xi16>
    %eq3A_186 = vector.broadcast %slice3A_185 : vector<128x1xi16> to vector<128x128xi16>
    %eq3A_187 = arith.cmpi eq, %eq3A_186, %add3A_14 : vector<128x128xi16>
    %convert_element_type3A_188 = arith.extui %eq3A_187 : vector<128x128xi1> to vector<128x128xi16>
    %add3A_189 = arith.addi %add3A_184, %convert_element_type3A_188 : vector<128x128xi16>
    %slice3A_190 = vector.extract_strided_slice %convert_element_type3A {offsets = [0, 35], sizes = [128, 1], strides = [1, 1]} : vector<128x50xi16> to vector<128x1xi16>
    %eq3A_191 = vector.broadcast %slice3A_190 : vector<128x1xi16> to vector<128x128xi16>
    %eq3A_192 = arith.cmpi eq, %eq3A_191, %add3A_14 : vector<128x128xi16>
    %convert_element_type3A_193 = arith.extui %eq3A_192 : vector<128x128xi1> to vector<128x128xi16>
    %add3A_194 = arith.addi %add3A_189, %convert_element_type3A_193 : vector<128x128xi16>
    %slice3A_195 = vector.extract_strided_slice %convert_element_type3A {offsets = [0, 36], sizes = [128, 1], strides = [1, 1]} : vector<128x50xi16> to vector<128x1xi16>
    %eq3A_196 = vector.broadcast %slice3A_195 : vector<128x1xi16> to vector<128x128xi16>
    %eq3A_197 = arith.cmpi eq, %eq3A_196, %add3A_14 : vector<128x128xi16>
    %convert_element_type3A_198 = arith.extui %eq3A_197 : vector<128x128xi1> to vector<128x128xi16>
    %add3A_199 = arith.addi %add3A_194, %convert_element_type3A_198 : vector<128x128xi16>
    %slice3A_200 = vector.extract_strided_slice %convert_element_type3A {offsets = [0, 37], sizes = [128, 1], strides = [1, 1]} : vector<128x50xi16> to vector<128x1xi16>
    %eq3A_201 = vector.broadcast %slice3A_200 : vector<128x1xi16> to vector<128x128xi16>
    %eq3A_202 = arith.cmpi eq, %eq3A_201, %add3A_14 : vector<128x128xi16>
    %convert_element_type3A_203 = arith.extui %eq3A_202 : vector<128x128xi1> to vector<128x128xi16>
    %add3A_204 = arith.addi %add3A_199, %convert_element_type3A_203 : vector<128x128xi16>
    %slice3A_205 = vector.extract_strided_slice %convert_element_type3A {offsets = [0, 38], sizes = [128, 1], strides = [1, 1]} : vector<128x50xi16> to vector<128x1xi16>
    %eq3A_206 = vector.broadcast %slice3A_205 : vector<128x1xi16> to vector<128x128xi16>
    %eq3A_207 = arith.cmpi eq, %eq3A_206, %add3A_14 : vector<128x128xi16>
    %convert_element_type3A_208 = arith.extui %eq3A_207 : vector<128x128xi1> to vector<128x128xi16>
    %add3A_209 = arith.addi %add3A_204, %convert_element_type3A_208 : vector<128x128xi16>
    %slice3A_210 = vector.extract_strided_slice %convert_element_type3A {offsets = [0, 39], sizes = [128, 1], strides = [1, 1]} : vector<128x50xi16> to vector<128x1xi16>
    %eq3A_211 = vector.broadcast %slice3A_210 : vector<128x1xi16> to vector<128x128xi16>
    %eq3A_212 = arith.cmpi eq, %eq3A_211, %add3A_14 : vector<128x128xi16>
    %convert_element_type3A_213 = arith.extui %eq3A_212 : vector<128x128xi1> to vector<128x128xi16>
    %add3A_214 = arith.addi %add3A_209, %convert_element_type3A_213 : vector<128x128xi16>
    %slice3A_215 = vector.extract_strided_slice %convert_element_type3A {offsets = [0, 40], sizes = [128, 1], strides = [1, 1]} : vector<128x50xi16> to vector<128x1xi16>
    %eq3A_216 = vector.broadcast %slice3A_215 : vector<128x1xi16> to vector<128x128xi16>
    %eq3A_217 = arith.cmpi eq, %eq3A_216, %add3A_14 : vector<128x128xi16>
    %convert_element_type3A_218 = arith.extui %eq3A_217 : vector<128x128xi1> to vector<128x128xi16>
    %add3A_219 = arith.addi %add3A_214, %convert_element_type3A_218 : vector<128x128xi16>
    %slice3A_220 = vector.extract_strided_slice %convert_element_type3A {offsets = [0, 41], sizes = [128, 1], strides = [1, 1]} : vector<128x50xi16> to vector<128x1xi16>
    %eq3A_221 = vector.broadcast %slice3A_220 : vector<128x1xi16> to vector<128x128xi16>
    %eq3A_222 = arith.cmpi eq, %eq3A_221, %add3A_14 : vector<128x128xi16>
    %convert_element_type3A_223 = arith.extui %eq3A_222 : vector<128x128xi1> to vector<128x128xi16>
    %add3A_224 = arith.addi %add3A_219, %convert_element_type3A_223 : vector<128x128xi16>
    %slice3A_225 = vector.extract_strided_slice %convert_element_type3A {offsets = [0, 42], sizes = [128, 1], strides = [1, 1]} : vector<128x50xi16> to vector<128x1xi16>
    %eq3A_226 = vector.broadcast %slice3A_225 : vector<128x1xi16> to vector<128x128xi16>
    %eq3A_227 = arith.cmpi eq, %eq3A_226, %add3A_14 : vector<128x128xi16>
    %convert_element_type3A_228 = arith.extui %eq3A_227 : vector<128x128xi1> to vector<128x128xi16>
    %add3A_229 = arith.addi %add3A_224, %convert_element_type3A_228 : vector<128x128xi16>
    %slice3A_230 = vector.extract_strided_slice %convert_element_type3A {offsets = [0, 43], sizes = [128, 1], strides = [1, 1]} : vector<128x50xi16> to vector<128x1xi16>
    %eq3A_231 = vector.broadcast %slice3A_230 : vector<128x1xi16> to vector<128x128xi16>
    %eq3A_232 = arith.cmpi eq, %eq3A_231, %add3A_14 : vector<128x128xi16>
    %convert_element_type3A_233 = arith.extui %eq3A_232 : vector<128x128xi1> to vector<128x128xi16>
    %add3A_234 = arith.addi %add3A_229, %convert_element_type3A_233 : vector<128x128xi16>
    %slice3A_235 = vector.extract_strided_slice %convert_element_type3A {offsets = [0, 44], sizes = [128, 1], strides = [1, 1]} : vector<128x50xi16> to vector<128x1xi16>
    %eq3A_236 = vector.broadcast %slice3A_235 : vector<128x1xi16> to vector<128x128xi16>
    %eq3A_237 = arith.cmpi eq, %eq3A_236, %add3A_14 : vector<128x128xi16>
    %convert_element_type3A_238 = arith.extui %eq3A_237 : vector<128x128xi1> to vector<128x128xi16>
    %add3A_239 = arith.addi %add3A_234, %convert_element_type3A_238 : vector<128x128xi16>
    %slice3A_240 = vector.extract_strided_slice %convert_element_type3A {offsets = [0, 45], sizes = [128, 1], strides = [1, 1]} : vector<128x50xi16> to vector<128x1xi16>
    %eq3A_241 = vector.broadcast %slice3A_240 : vector<128x1xi16> to vector<128x128xi16>
    %eq3A_242 = arith.cmpi eq, %eq3A_241, %add3A_14 : vector<128x128xi16>
    %convert_element_type3A_243 = arith.extui %eq3A_242 : vector<128x128xi1> to vector<128x128xi16>
    %add3A_244 = arith.addi %add3A_239, %convert_element_type3A_243 : vector<128x128xi16>
    %slice3A_245 = vector.extract_strided_slice %convert_element_type3A {offsets = [0, 46], sizes = [128, 1], strides = [1, 1]} : vector<128x50xi16> to vector<128x1xi16>
    %eq3A_246 = vector.broadcast %slice3A_245 : vector<128x1xi16> to vector<128x128xi16>
    %eq3A_247 = arith.cmpi eq, %eq3A_246, %add3A_14 : vector<128x128xi16>
    %convert_element_type3A_248 = arith.extui %eq3A_247 : vector<128x128xi1> to vector<128x128xi16>
    %add3A_249 = arith.addi %add3A_244, %convert_element_type3A_248 : vector<128x128xi16>
    %slice3A_250 = vector.extract_strided_slice %convert_element_type3A {offsets = [0, 47], sizes = [128, 1], strides = [1, 1]} : vector<128x50xi16> to vector<128x1xi16>
    %eq3A_251 = vector.broadcast %slice3A_250 : vector<128x1xi16> to vector<128x128xi16>
    %eq3A_252 = arith.cmpi eq, %eq3A_251, %add3A_14 : vector<128x128xi16>
    %convert_element_type3A_253 = arith.extui %eq3A_252 : vector<128x128xi1> to vector<128x128xi16>
    %add3A_254 = arith.addi %add3A_249, %convert_element_type3A_253 : vector<128x128xi16>
    %slice3A_255 = vector.extract_strided_slice %convert_element_type3A {offsets = [0, 48], sizes = [128, 1], strides = [1, 1]} : vector<128x50xi16> to vector<128x1xi16>
    %eq3A_256 = vector.broadcast %slice3A_255 : vector<128x1xi16> to vector<128x128xi16>
    %eq3A_257 = arith.cmpi eq, %eq3A_256, %add3A_14 : vector<128x128xi16>
    %convert_element_type3A_258 = arith.extui %eq3A_257 : vector<128x128xi1> to vector<128x128xi16>
    %add3A_259 = arith.addi %add3A_254, %convert_element_type3A_258 : vector<128x128xi16>
    %slice3A_260 = vector.extract_strided_slice %convert_element_type3A {offsets = [0, 49], sizes = [128, 1], strides = [1, 1]} : vector<128x50xi16> to vector<128x1xi16>
    %eq3A_261 = vector.broadcast %slice3A_260 : vector<128x1xi16> to vector<128x128xi16>
    %eq3A_262 = arith.cmpi eq, %eq3A_261, %add3A_14 : vector<128x128xi16>
    %convert_element_type3A_263 = arith.extui %eq3A_262 : vector<128x128xi1> to vector<128x128xi16>
    %add3A_264 = arith.addi %add3A_259, %convert_element_type3A_263 : vector<128x128xi16>
    %convert_element_type3A_265 = arith.sitofp %add3A_264 : vector<128x128xi16> to vector<128x128xf32>
    %get3A_266 = arith.constant 0 : index
    %get3A_267 = arith.constant 0 : index
    %get3A_268 = vector.load %arg2[%get3A_266, %get3A_267] : memref<1024x128xf32, #tpu.memory_space<vmem>>, vector<128x128xf32>
    %dot_general3A = arith.constant dense<0.000000e+00> : vector<128x128xf32>
    %dot_general3A_269 = tpu.matmul %convert_element_type3A_265, %get3A_268, %dot_general3A {dimension_numbers = #tpu.dot_dimension_numbers<[1], [0], [0], [1], [0, 0, 1, 1], [], []>, transpose_lhs_hint = false} : vector<128x128xf32>, vector<128x128xf32>, vector<128x128xf32> -> vector<128x128xf32>
    %add3A_270 = arith.addf %broadcast_in_dim3A_12, %dot_general3A_269 : vector<128x128xf32>
    %iota3A_271 = tpu.iota {dimensions = array<i32: 1>} : vector<128x128xi16>
    %add3A_272 = arith.constant 128 : i16
    %add3A_273 = vector.broadcast %add3A_272 : i16 to vector<128x128xi16>
    %add3A_274 = arith.addi %iota3A_271, %add3A_273 : vector<128x128xi16>
    %broadcast_in_dim3A_275 = arith.constant 0 : i16
    %broadcast_in_dim3A_276 = vector.broadcast %broadcast_in_dim3A_275 : i16 to vector<128x128xi16>
    %slice3A_277 = vector.extract_strided_slice %convert_element_type3A {offsets = [0, 0], sizes = [128, 1], strides = [1, 1]} : vector<128x50xi16> to vector<128x1xi16>
    %eq3A_278 = vector.broadcast %slice3A_277 : vector<128x1xi16> to vector<128x128xi16>
    %eq3A_279 = arith.cmpi eq, %eq3A_278, %add3A_274 : vector<128x128xi16>
    %convert_element_type3A_280 = arith.extui %eq3A_279 : vector<128x128xi1> to vector<128x128xi16>
    %add3A_281 = arith.addi %broadcast_in_dim3A_276, %convert_element_type3A_280 : vector<128x128xi16>
    %slice3A_282 = vector.extract_strided_slice %convert_element_type3A {offsets = [0, 1], sizes = [128, 1], strides = [1, 1]} : vector<128x50xi16> to vector<128x1xi16>
    %eq3A_283 = vector.broadcast %slice3A_282 : vector<128x1xi16> to vector<128x128xi16>
    %eq3A_284 = arith.cmpi eq, %eq3A_283, %add3A_274 : vector<128x128xi16>
    %convert_element_type3A_285 = arith.extui %eq3A_284 : vector<128x128xi1> to vector<128x128xi16>
    %add3A_286 = arith.addi %add3A_281, %convert_element_type3A_285 : vector<128x128xi16>
    %slice3A_287 = vector.extract_strided_slice %convert_element_type3A {offsets = [0, 2], sizes = [128, 1], strides = [1, 1]} : vector<128x50xi16> to vector<128x1xi16>
    %eq3A_288 = vector.broadcast %slice3A_287 : vector<128x1xi16> to vector<128x128xi16>
    %eq3A_289 = arith.cmpi eq, %eq3A_288, %add3A_274 : vector<128x128xi16>
    %convert_element_type3A_290 = arith.extui %eq3A_289 : vector<128x128xi1> to vector<128x128xi16>
    %add3A_291 = arith.addi %add3A_286, %convert_element_type3A_290 : vector<128x128xi16>
    %slice3A_292 = vector.extract_strided_slice %convert_element_type3A {offsets = [0, 3], sizes = [128, 1], strides = [1, 1]} : vector<128x50xi16> to vector<128x1xi16>
    %eq3A_293 = vector.broadcast %slice3A_292 : vector<128x1xi16> to vector<128x128xi16>
    %eq3A_294 = arith.cmpi eq, %eq3A_293, %add3A_274 : vector<128x128xi16>
    %convert_element_type3A_295 = arith.extui %eq3A_294 : vector<128x128xi1> to vector<128x128xi16>
    %add3A_296 = arith.addi %add3A_291, %convert_element_type3A_295 : vector<128x128xi16>
    %slice3A_297 = vector.extract_strided_slice %convert_element_type3A {offsets = [0, 4], sizes = [128, 1], strides = [1, 1]} : vector<128x50xi16> to vector<128x1xi16>
    %eq3A_298 = vector.broadcast %slice3A_297 : vector<128x1xi16> to vector<128x128xi16>
    %eq3A_299 = arith.cmpi eq, %eq3A_298, %add3A_274 : vector<128x128xi16>
    %convert_element_type3A_300 = arith.extui %eq3A_299 : vector<128x128xi1> to vector<128x128xi16>
    %add3A_301 = arith.addi %add3A_296, %convert_element_type3A_300 : vector<128x128xi16>
    %slice3A_302 = vector.extract_strided_slice %convert_element_type3A {offsets = [0, 5], sizes = [128, 1], strides = [1, 1]} : vector<128x50xi16> to vector<128x1xi16>
    %eq3A_303 = vector.broadcast %slice3A_302 : vector<128x1xi16> to vector<128x128xi16>
    %eq3A_304 = arith.cmpi eq, %eq3A_303, %add3A_274 : vector<128x128xi16>
    %convert_element_type3A_305 = arith.extui %eq3A_304 : vector<128x128xi1> to vector<128x128xi16>
    %add3A_306 = arith.addi %add3A_301, %convert_element_type3A_305 : vector<128x128xi16>
    %slice3A_307 = vector.extract_strided_slice %convert_element_type3A {offsets = [0, 6], sizes = [128, 1], strides = [1, 1]} : vector<128x50xi16> to vector<128x1xi16>
    %eq3A_308 = vector.broadcast %slice3A_307 : vector<128x1xi16> to vector<128x128xi16>
    %eq3A_309 = arith.cmpi eq, %eq3A_308, %add3A_274 : vector<128x128xi16>
    %convert_element_type3A_310 = arith.extui %eq3A_309 : vector<128x128xi1> to vector<128x128xi16>
    %add3A_311 = arith.addi %add3A_306, %convert_element_type3A_310 : vector<128x128xi16>
    %slice3A_312 = vector.extract_strided_slice %convert_element_type3A {offsets = [0, 7], sizes = [128, 1], strides = [1, 1]} : vector<128x50xi16> to vector<128x1xi16>
    %eq3A_313 = vector.broadcast %slice3A_312 : vector<128x1xi16> to vector<128x128xi16>
    %eq3A_314 = arith.cmpi eq, %eq3A_313, %add3A_274 : vector<128x128xi16>
    %convert_element_type3A_315 = arith.extui %eq3A_314 : vector<128x128xi1> to vector<128x128xi16>
    %add3A_316 = arith.addi %add3A_311, %convert_element_type3A_315 : vector<128x128xi16>
    %slice3A_317 = vector.extract_strided_slice %convert_element_type3A {offsets = [0, 8], sizes = [128, 1], strides = [1, 1]} : vector<128x50xi16> to vector<128x1xi16>
    %eq3A_318 = vector.broadcast %slice3A_317 : vector<128x1xi16> to vector<128x128xi16>
    %eq3A_319 = arith.cmpi eq, %eq3A_318, %add3A_274 : vector<128x128xi16>
    %convert_element_type3A_320 = arith.extui %eq3A_319 : vector<128x128xi1> to vector<128x128xi16>
    %add3A_321 = arith.addi %add3A_316, %convert_element_type3A_320 : vector<128x128xi16>
    %slice3A_322 = vector.extract_strided_slice %convert_element_type3A {offsets = [0, 9], sizes = [128, 1], strides = [1, 1]} : vector<128x50xi16> to vector<128x1xi16>
    %eq3A_323 = vector.broadcast %slice3A_322 : vector<128x1xi16> to vector<128x128xi16>
    %eq3A_324 = arith.cmpi eq, %eq3A_323, %add3A_274 : vector<128x128xi16>
    %convert_element_type3A_325 = arith.extui %eq3A_324 : vector<128x128xi1> to vector<128x128xi16>
    %add3A_326 = arith.addi %add3A_321, %convert_element_type3A_325 : vector<128x128xi16>
    %slice3A_327 = vector.extract_strided_slice %convert_element_type3A {offsets = [0, 10], sizes = [128, 1], strides = [1, 1]} : vector<128x50xi16> to vector<128x1xi16>
    %eq3A_328 = vector.broadcast %slice3A_327 : vector<128x1xi16> to vector<128x128xi16>
    %eq3A_329 = arith.cmpi eq, %eq3A_328, %add3A_274 : vector<128x128xi16>
    %convert_element_type3A_330 = arith.extui %eq3A_329 : vector<128x128xi1> to vector<128x128xi16>
    %add3A_331 = arith.addi %add3A_326, %convert_element_type3A_330 : vector<128x128xi16>
    %slice3A_332 = vector.extract_strided_slice %convert_element_type3A {offsets = [0, 11], sizes = [128, 1], strides = [1, 1]} : vector<128x50xi16> to vector<128x1xi16>
    %eq3A_333 = vector.broadcast %slice3A_332 : vector<128x1xi16> to vector<128x128xi16>
    %eq3A_334 = arith.cmpi eq, %eq3A_333, %add3A_274 : vector<128x128xi16>
    %convert_element_type3A_335 = arith.extui %eq3A_334 : vector<128x128xi1> to vector<128x128xi16>
    %add3A_336 = arith.addi %add3A_331, %convert_element_type3A_335 : vector<128x128xi16>
    %slice3A_337 = vector.extract_strided_slice %convert_element_type3A {offsets = [0, 12], sizes = [128, 1], strides = [1, 1]} : vector<128x50xi16> to vector<128x1xi16>
    %eq3A_338 = vector.broadcast %slice3A_337 : vector<128x1xi16> to vector<128x128xi16>
    %eq3A_339 = arith.cmpi eq, %eq3A_338, %add3A_274 : vector<128x128xi16>
    %convert_element_type3A_340 = arith.extui %eq3A_339 : vector<128x128xi1> to vector<128x128xi16>
    %add3A_341 = arith.addi %add3A_336, %convert_element_type3A_340 : vector<128x128xi16>
    %slice3A_342 = vector.extract_strided_slice %convert_element_type3A {offsets = [0, 13], sizes = [128, 1], strides = [1, 1]} : vector<128x50xi16> to vector<128x1xi16>
    %eq3A_343 = vector.broadcast %slice3A_342 : vector<128x1xi16> to vector<128x128xi16>
    %eq3A_344 = arith.cmpi eq, %eq3A_343, %add3A_274 : vector<128x128xi16>
    %convert_element_type3A_345 = arith.extui %eq3A_344 : vector<128x128xi1> to vector<128x128xi16>
    %add3A_346 = arith.addi %add3A_341, %convert_element_type3A_345 : vector<128x128xi16>
    %slice3A_347 = vector.extract_strided_slice %convert_element_type3A {offsets = [0, 14], sizes = [128, 1], strides = [1, 1]} : vector<128x50xi16> to vector<128x1xi16>
    %eq3A_348 = vector.broadcast %slice3A_347 : vector<128x1xi16> to vector<128x128xi16>
    %eq3A_349 = arith.cmpi eq, %eq3A_348, %add3A_274 : vector<128x128xi16>
    %convert_element_type3A_350 = arith.extui %eq3A_349 : vector<128x128xi1> to vector<128x128xi16>
    %add3A_351 = arith.addi %add3A_346, %convert_element_type3A_350 : vector<128x128xi16>
    %slice3A_352 = vector.extract_strided_slice %convert_element_type3A {offsets = [0, 15], sizes = [128, 1], strides = [1, 1]} : vector<128x50xi16> to vector<128x1xi16>
    %eq3A_353 = vector.broadcast %slice3A_352 : vector<128x1xi16> to vector<128x128xi16>
    %eq3A_354 = arith.cmpi eq, %eq3A_353, %add3A_274 : vector<128x128xi16>
    %convert_element_type3A_355 = arith.extui %eq3A_354 : vector<128x128xi1> to vector<128x128xi16>
    %add3A_356 = arith.addi %add3A_351, %convert_element_type3A_355 : vector<128x128xi16>
    %slice3A_357 = vector.extract_strided_slice %convert_element_type3A {offsets = [0, 16], sizes = [128, 1], strides = [1, 1]} : vector<128x50xi16> to vector<128x1xi16>
    %eq3A_358 = vector.broadcast %slice3A_357 : vector<128x1xi16> to vector<128x128xi16>
    %eq3A_359 = arith.cmpi eq, %eq3A_358, %add3A_274 : vector<128x128xi16>
    %convert_element_type3A_360 = arith.extui %eq3A_359 : vector<128x128xi1> to vector<128x128xi16>
    %add3A_361 = arith.addi %add3A_356, %convert_element_type3A_360 : vector<128x128xi16>
    %slice3A_362 = vector.extract_strided_slice %convert_element_type3A {offsets = [0, 17], sizes = [128, 1], strides = [1, 1]} : vector<128x50xi16> to vector<128x1xi16>
    %eq3A_363 = vector.broadcast %slice3A_362 : vector<128x1xi16> to vector<128x128xi16>
    %eq3A_364 = arith.cmpi eq, %eq3A_363, %add3A_274 : vector<128x128xi16>
    %convert_element_type3A_365 = arith.extui %eq3A_364 : vector<128x128xi1> to vector<128x128xi16>
    %add3A_366 = arith.addi %add3A_361, %convert_element_type3A_365 : vector<128x128xi16>
    %slice3A_367 = vector.extract_strided_slice %convert_element_type3A {offsets = [0, 18], sizes = [128, 1], strides = [1, 1]} : vector<128x50xi16> to vector<128x1xi16>
    %eq3A_368 = vector.broadcast %slice3A_367 : vector<128x1xi16> to vector<128x128xi16>
    %eq3A_369 = arith.cmpi eq, %eq3A_368, %add3A_274 : vector<128x128xi16>
    %convert_element_type3A_370 = arith.extui %eq3A_369 : vector<128x128xi1> to vector<128x128xi16>
    %add3A_371 = arith.addi %add3A_366, %convert_element_type3A_370 : vector<128x128xi16>
    %slice3A_372 = vector.extract_strided_slice %convert_element_type3A {offsets = [0, 19], sizes = [128, 1], strides = [1, 1]} : vector<128x50xi16> to vector<128x1xi16>
    %eq3A_373 = vector.broadcast %slice3A_372 : vector<128x1xi16> to vector<128x128xi16>
    %eq3A_374 = arith.cmpi eq, %eq3A_373, %add3A_274 : vector<128x128xi16>
    %convert_element_type3A_375 = arith.extui %eq3A_374 : vector<128x128xi1> to vector<128x128xi16>
    %add3A_376 = arith.addi %add3A_371, %convert_element_type3A_375 : vector<128x128xi16>
    %slice3A_377 = vector.extract_strided_slice %convert_element_type3A {offsets = [0, 20], sizes = [128, 1], strides = [1, 1]} : vector<128x50xi16> to vector<128x1xi16>
    %eq3A_378 = vector.broadcast %slice3A_377 : vector<128x1xi16> to vector<128x128xi16>
    %eq3A_379 = arith.cmpi eq, %eq3A_378, %add3A_274 : vector<128x128xi16>
    %convert_element_type3A_380 = arith.extui %eq3A_379 : vector<128x128xi1> to vector<128x128xi16>
    %add3A_381 = arith.addi %add3A_376, %convert_element_type3A_380 : vector<128x128xi16>
    %slice3A_382 = vector.extract_strided_slice %convert_element_type3A {offsets = [0, 21], sizes = [128, 1], strides = [1, 1]} : vector<128x50xi16> to vector<128x1xi16>
    %eq3A_383 = vector.broadcast %slice3A_382 : vector<128x1xi16> to vector<128x128xi16>
    %eq3A_384 = arith.cmpi eq, %eq3A_383, %add3A_274 : vector<128x128xi16>
    %convert_element_type3A_385 = arith.extui %eq3A_384 : vector<128x128xi1> to vector<128x128xi16>
    %add3A_386 = arith.addi %add3A_381, %convert_element_type3A_385 : vector<128x128xi16>
    %slice3A_387 = vector.extract_strided_slice %convert_element_type3A {offsets = [0, 22], sizes = [128, 1], strides = [1, 1]} : vector<128x50xi16> to vector<128x1xi16>
    %eq3A_388 = vector.broadcast %slice3A_387 : vector<128x1xi16> to vector<128x128xi16>
    %eq3A_389 = arith.cmpi eq, %eq3A_388, %add3A_274 : vector<128x128xi16>
    %convert_element_type3A_390 = arith.extui %eq3A_389 : vector<128x128xi1> to vector<128x128xi16>
    %add3A_391 = arith.addi %add3A_386, %convert_element_type3A_390 : vector<128x128xi16>
    %slice3A_392 = vector.extract_strided_slice %convert_element_type3A {offsets = [0, 23], sizes = [128, 1], strides = [1, 1]} : vector<128x50xi16> to vector<128x1xi16>
    %eq3A_393 = vector.broadcast %slice3A_392 : vector<128x1xi16> to vector<128x128xi16>
    %eq3A_394 = arith.cmpi eq, %eq3A_393, %add3A_274 : vector<128x128xi16>
    %convert_element_type3A_395 = arith.extui %eq3A_394 : vector<128x128xi1> to vector<128x128xi16>
    %add3A_396 = arith.addi %add3A_391, %convert_element_type3A_395 : vector<128x128xi16>
    %slice3A_397 = vector.extract_strided_slice %convert_element_type3A {offsets = [0, 24], sizes = [128, 1], strides = [1, 1]} : vector<128x50xi16> to vector<128x1xi16>
    %eq3A_398 = vector.broadcast %slice3A_397 : vector<128x1xi16> to vector<128x128xi16>
    %eq3A_399 = arith.cmpi eq, %eq3A_398, %add3A_274 : vector<128x128xi16>
    %convert_element_type3A_400 = arith.extui %eq3A_399 : vector<128x128xi1> to vector<128x128xi16>
    %add3A_401 = arith.addi %add3A_396, %convert_element_type3A_400 : vector<128x128xi16>
    %slice3A_402 = vector.extract_strided_slice %convert_element_type3A {offsets = [0, 25], sizes = [128, 1], strides = [1, 1]} : vector<128x50xi16> to vector<128x1xi16>
    %eq3A_403 = vector.broadcast %slice3A_402 : vector<128x1xi16> to vector<128x128xi16>
    %eq3A_404 = arith.cmpi eq, %eq3A_403, %add3A_274 : vector<128x128xi16>
    %convert_element_type3A_405 = arith.extui %eq3A_404 : vector<128x128xi1> to vector<128x128xi16>
    %add3A_406 = arith.addi %add3A_401, %convert_element_type3A_405 : vector<128x128xi16>
    %slice3A_407 = vector.extract_strided_slice %convert_element_type3A {offsets = [0, 26], sizes = [128, 1], strides = [1, 1]} : vector<128x50xi16> to vector<128x1xi16>
    %eq3A_408 = vector.broadcast %slice3A_407 : vector<128x1xi16> to vector<128x128xi16>
    %eq3A_409 = arith.cmpi eq, %eq3A_408, %add3A_274 : vector<128x128xi16>
    %convert_element_type3A_410 = arith.extui %eq3A_409 : vector<128x128xi1> to vector<128x128xi16>
    %add3A_411 = arith.addi %add3A_406, %convert_element_type3A_410 : vector<128x128xi16>
    %slice3A_412 = vector.extract_strided_slice %convert_element_type3A {offsets = [0, 27], sizes = [128, 1], strides = [1, 1]} : vector<128x50xi16> to vector<128x1xi16>
    %eq3A_413 = vector.broadcast %slice3A_412 : vector<128x1xi16> to vector<128x128xi16>
    %eq3A_414 = arith.cmpi eq, %eq3A_413, %add3A_274 : vector<128x128xi16>
    %convert_element_type3A_415 = arith.extui %eq3A_414 : vector<128x128xi1> to vector<128x128xi16>
    %add3A_416 = arith.addi %add3A_411, %convert_element_type3A_415 : vector<128x128xi16>
    %slice3A_417 = vector.extract_strided_slice %convert_element_type3A {offsets = [0, 28], sizes = [128, 1], strides = [1, 1]} : vector<128x50xi16> to vector<128x1xi16>
    %eq3A_418 = vector.broadcast %slice3A_417 : vector<128x1xi16> to vector<128x128xi16>
    %eq3A_419 = arith.cmpi eq, %eq3A_418, %add3A_274 : vector<128x128xi16>
    %convert_element_type3A_420 = arith.extui %eq3A_419 : vector<128x128xi1> to vector<128x128xi16>
    %add3A_421 = arith.addi %add3A_416, %convert_element_type3A_420 : vector<128x128xi16>
    %slice3A_422 = vector.extract_strided_slice %convert_element_type3A {offsets = [0, 29], sizes = [128, 1], strides = [1, 1]} : vector<128x50xi16> to vector<128x1xi16>
    %eq3A_423 = vector.broadcast %slice3A_422 : vector<128x1xi16> to vector<128x128xi16>
    %eq3A_424 = arith.cmpi eq, %eq3A_423, %add3A_274 : vector<128x128xi16>
    %convert_element_type3A_425 = arith.extui %eq3A_424 : vector<128x128xi1> to vector<128x128xi16>
    %add3A_426 = arith.addi %add3A_421, %convert_element_type3A_425 : vector<128x128xi16>
    %slice3A_427 = vector.extract_strided_slice %convert_element_type3A {offsets = [0, 30], sizes = [128, 1], strides = [1, 1]} : vector<128x50xi16> to vector<128x1xi16>
    %eq3A_428 = vector.broadcast %slice3A_427 : vector<128x1xi16> to vector<128x128xi16>
    %eq3A_429 = arith.cmpi eq, %eq3A_428, %add3A_274 : vector<128x128xi16>
    %convert_element_type3A_430 = arith.extui %eq3A_429 : vector<128x128xi1> to vector<128x128xi16>
    %add3A_431 = arith.addi %add3A_426, %convert_element_type3A_430 : vector<128x128xi16>
    %slice3A_432 = vector.extract_strided_slice %convert_element_type3A {offsets = [0, 31], sizes = [128, 1], strides = [1, 1]} : vector<128x50xi16> to vector<128x1xi16>
    %eq3A_433 = vector.broadcast %slice3A_432 : vector<128x1xi16> to vector<128x128xi16>
    %eq3A_434 = arith.cmpi eq, %eq3A_433, %add3A_274 : vector<128x128xi16>
    %convert_element_type3A_435 = arith.extui %eq3A_434 : vector<128x128xi1> to vector<128x128xi16>
    %add3A_436 = arith.addi %add3A_431, %convert_element_type3A_435 : vector<128x128xi16>
    %slice3A_437 = vector.extract_strided_slice %convert_element_type3A {offsets = [0, 32], sizes = [128, 1], strides = [1, 1]} : vector<128x50xi16> to vector<128x1xi16>
    %eq3A_438 = vector.broadcast %slice3A_437 : vector<128x1xi16> to vector<128x128xi16>
    %eq3A_439 = arith.cmpi eq, %eq3A_438, %add3A_274 : vector<128x128xi16>
    %convert_element_type3A_440 = arith.extui %eq3A_439 : vector<128x128xi1> to vector<128x128xi16>
    %add3A_441 = arith.addi %add3A_436, %convert_element_type3A_440 : vector<128x128xi16>
    %slice3A_442 = vector.extract_strided_slice %convert_element_type3A {offsets = [0, 33], sizes = [128, 1], strides = [1, 1]} : vector<128x50xi16> to vector<128x1xi16>
    %eq3A_443 = vector.broadcast %slice3A_442 : vector<128x1xi16> to vector<128x128xi16>
    %eq3A_444 = arith.cmpi eq, %eq3A_443, %add3A_274 : vector<128x128xi16>
    %convert_element_type3A_445 = arith.extui %eq3A_444 : vector<128x128xi1> to vector<128x128xi16>
    %add3A_446 = arith.addi %add3A_441, %convert_element_type3A_445 : vector<128x128xi16>
    %slice3A_447 = vector.extract_strided_slice %convert_element_type3A {offsets = [0, 34], sizes = [128, 1], strides = [1, 1]} : vector<128x50xi16> to vector<128x1xi16>
    %eq3A_448 = vector.broadcast %slice3A_447 : vector<128x1xi16> to vector<128x128xi16>
    %eq3A_449 = arith.cmpi eq, %eq3A_448, %add3A_274 : vector<128x128xi16>
    %convert_element_type3A_450 = arith.extui %eq3A_449 : vector<128x128xi1> to vector<128x128xi16>
    %add3A_451 = arith.addi %add3A_446, %convert_element_type3A_450 : vector<128x128xi16>
    %slice3A_452 = vector.extract_strided_slice %convert_element_type3A {offsets = [0, 35], sizes = [128, 1], strides = [1, 1]} : vector<128x50xi16> to vector<128x1xi16>
    %eq3A_453 = vector.broadcast %slice3A_452 : vector<128x1xi16> to vector<128x128xi16>
    %eq3A_454 = arith.cmpi eq, %eq3A_453, %add3A_274 : vector<128x128xi16>
    %convert_element_type3A_455 = arith.extui %eq3A_454 : vector<128x128xi1> to vector<128x128xi16>
    %add3A_456 = arith.addi %add3A_451, %convert_element_type3A_455 : vector<128x128xi16>
    %slice3A_457 = vector.extract_strided_slice %convert_element_type3A {offsets = [0, 36], sizes = [128, 1], strides = [1, 1]} : vector<128x50xi16> to vector<128x1xi16>
    %eq3A_458 = vector.broadcast %slice3A_457 : vector<128x1xi16> to vector<128x128xi16>
    %eq3A_459 = arith.cmpi eq, %eq3A_458, %add3A_274 : vector<128x128xi16>
    %convert_element_type3A_460 = arith.extui %eq3A_459 : vector<128x128xi1> to vector<128x128xi16>
    %add3A_461 = arith.addi %add3A_456, %convert_element_type3A_460 : vector<128x128xi16>
    %slice3A_462 = vector.extract_strided_slice %convert_element_type3A {offsets = [0, 37], sizes = [128, 1], strides = [1, 1]} : vector<128x50xi16> to vector<128x1xi16>
    %eq3A_463 = vector.broadcast %slice3A_462 : vector<128x1xi16> to vector<128x128xi16>
    %eq3A_464 = arith.cmpi eq, %eq3A_463, %add3A_274 : vector<128x128xi16>
    %convert_element_type3A_465 = arith.extui %eq3A_464 : vector<128x128xi1> to vector<128x128xi16>
    %add3A_466 = arith.addi %add3A_461, %convert_element_type3A_465 : vector<128x128xi16>
    %slice3A_467 = vector.extract_strided_slice %convert_element_type3A {offsets = [0, 38], sizes = [128, 1], strides = [1, 1]} : vector<128x50xi16> to vector<128x1xi16>
    %eq3A_468 = vector.broadcast %slice3A_467 : vector<128x1xi16> to vector<128x128xi16>
    %eq3A_469 = arith.cmpi eq, %eq3A_468, %add3A_274 : vector<128x128xi16>
    %convert_element_type3A_470 = arith.extui %eq3A_469 : vector<128x128xi1> to vector<128x128xi16>
    %add3A_471 = arith.addi %add3A_466, %convert_element_type3A_470 : vector<128x128xi16>
    %slice3A_472 = vector.extract_strided_slice %convert_element_type3A {offsets = [0, 39], sizes = [128, 1], strides = [1, 1]} : vector<128x50xi16> to vector<128x1xi16>
    %eq3A_473 = vector.broadcast %slice3A_472 : vector<128x1xi16> to vector<128x128xi16>
    %eq3A_474 = arith.cmpi eq, %eq3A_473, %add3A_274 : vector<128x128xi16>
    %convert_element_type3A_475 = arith.extui %eq3A_474 : vector<128x128xi1> to vector<128x128xi16>
    %add3A_476 = arith.addi %add3A_471, %convert_element_type3A_475 : vector<128x128xi16>
    %slice3A_477 = vector.extract_strided_slice %convert_element_type3A {offsets = [0, 40], sizes = [128, 1], strides = [1, 1]} : vector<128x50xi16> to vector<128x1xi16>
    %eq3A_478 = vector.broadcast %slice3A_477 : vector<128x1xi16> to vector<128x128xi16>
    %eq3A_479 = arith.cmpi eq, %eq3A_478, %add3A_274 : vector<128x128xi16>
    %convert_element_type3A_480 = arith.extui %eq3A_479 : vector<128x128xi1> to vector<128x128xi16>
    %add3A_481 = arith.addi %add3A_476, %convert_element_type3A_480 : vector<128x128xi16>
    %slice3A_482 = vector.extract_strided_slice %convert_element_type3A {offsets = [0, 41], sizes = [128, 1], strides = [1, 1]} : vector<128x50xi16> to vector<128x1xi16>
    %eq3A_483 = vector.broadcast %slice3A_482 : vector<128x1xi16> to vector<128x128xi16>
    %eq3A_484 = arith.cmpi eq, %eq3A_483, %add3A_274 : vector<128x128xi16>
    %convert_element_type3A_485 = arith.extui %eq3A_484 : vector<128x128xi1> to vector<128x128xi16>
    %add3A_486 = arith.addi %add3A_481, %convert_element_type3A_485 : vector<128x128xi16>
    %slice3A_487 = vector.extract_strided_slice %convert_element_type3A {offsets = [0, 42], sizes = [128, 1], strides = [1, 1]} : vector<128x50xi16> to vector<128x1xi16>
    %eq3A_488 = vector.broadcast %slice3A_487 : vector<128x1xi16> to vector<128x128xi16>
    %eq3A_489 = arith.cmpi eq, %eq3A_488, %add3A_274 : vector<128x128xi16>
    %convert_element_type3A_490 = arith.extui %eq3A_489 : vector<128x128xi1> to vector<128x128xi16>
    %add3A_491 = arith.addi %add3A_486, %convert_element_type3A_490 : vector<128x128xi16>
    %slice3A_492 = vector.extract_strided_slice %convert_element_type3A {offsets = [0, 43], sizes = [128, 1], strides = [1, 1]} : vector<128x50xi16> to vector<128x1xi16>
    %eq3A_493 = vector.broadcast %slice3A_492 : vector<128x1xi16> to vector<128x128xi16>
    %eq3A_494 = arith.cmpi eq, %eq3A_493, %add3A_274 : vector<128x128xi16>
    %convert_element_type3A_495 = arith.extui %eq3A_494 : vector<128x128xi1> to vector<128x128xi16>
    %add3A_496 = arith.addi %add3A_491, %convert_element_type3A_495 : vector<128x128xi16>
    %slice3A_497 = vector.extract_strided_slice %convert_element_type3A {offsets = [0, 44], sizes = [128, 1], strides = [1, 1]} : vector<128x50xi16> to vector<128x1xi16>
    %eq3A_498 = vector.broadcast %slice3A_497 : vector<128x1xi16> to vector<128x128xi16>
    %eq3A_499 = arith.cmpi eq, %eq3A_498, %add3A_274 : vector<128x128xi16>
    %convert_element_type3A_500 = arith.extui %eq3A_499 : vector<128x128xi1> to vector<128x128xi16>
    %add3A_501 = arith.addi %add3A_496, %convert_element_type3A_500 : vector<128x128xi16>
    %slice3A_502 = vector.extract_strided_slice %convert_element_type3A {offsets = [0, 45], sizes = [128, 1], strides = [1, 1]} : vector<128x50xi16> to vector<128x1xi16>
    %eq3A_503 = vector.broadcast %slice3A_502 : vector<128x1xi16> to vector<128x128xi16>
    %eq3A_504 = arith.cmpi eq, %eq3A_503, %add3A_274 : vector<128x128xi16>
    %convert_element_type3A_505 = arith.extui %eq3A_504 : vector<128x128xi1> to vector<128x128xi16>
    %add3A_506 = arith.addi %add3A_501, %convert_element_type3A_505 : vector<128x128xi16>
    %slice3A_507 = vector.extract_strided_slice %convert_element_type3A {offsets = [0, 46], sizes = [128, 1], strides = [1, 1]} : vector<128x50xi16> to vector<128x1xi16>
    %eq3A_508 = vector.broadcast %slice3A_507 : vector<128x1xi16> to vector<128x128xi16>
    %eq3A_509 = arith.cmpi eq, %eq3A_508, %add3A_274 : vector<128x128xi16>
    %convert_element_type3A_510 = arith.extui %eq3A_509 : vector<128x128xi1> to vector<128x128xi16>
    %add3A_511 = arith.addi %add3A_506, %convert_element_type3A_510 : vector<128x128xi16>
    %slice3A_512 = vector.extract_strided_slice %convert_element_type3A {offsets = [0, 47], sizes = [128, 1], strides = [1, 1]} : vector<128x50xi16> to vector<128x1xi16>
    %eq3A_513 = vector.broadcast %slice3A_512 : vector<128x1xi16> to vector<128x128xi16>
    %eq3A_514 = arith.cmpi eq, %eq3A_513, %add3A_274 : vector<128x128xi16>
    %convert_element_type3A_515 = arith.extui %eq3A_514 : vector<128x128xi1> to vector<128x128xi16>
    %add3A_516 = arith.addi %add3A_511, %convert_element_type3A_515 : vector<128x128xi16>
    %slice3A_517 = vector.extract_strided_slice %convert_element_type3A {offsets = [0, 48], sizes = [128, 1], strides = [1, 1]} : vector<128x50xi16> to vector<128x1xi16>
    %eq3A_518 = vector.broadcast %slice3A_517 : vector<128x1xi16> to vector<128x128xi16>
    %eq3A_519 = arith.cmpi eq, %eq3A_518, %add3A_274 : vector<128x128xi16>
    %convert_element_type3A_520 = arith.extui %eq3A_519 : vector<128x128xi1> to vector<128x128xi16>
    %add3A_521 = arith.addi %add3A_516, %convert_element_type3A_520 : vector<128x128xi16>
    %slice3A_522 = vector.extract_strided_slice %convert_element_type3A {offsets = [0, 49], sizes = [128, 1], strides = [1, 1]} : vector<128x50xi16> to vector<128x1xi16>
    %eq3A_523 = vector.broadcast %slice3A_522 : vector<128x1xi16> to vector<128x128xi16>
    %eq3A_524 = arith.cmpi eq, %eq3A_523, %add3A_274 : vector<128x128xi16>
    %convert_element_type3A_525 = arith.extui %eq3A_524 : vector<128x128xi1> to vector<128x128xi16>
    %add3A_526 = arith.addi %add3A_521, %convert_element_type3A_525 : vector<128x128xi16>
    %convert_element_type3A_527 = arith.sitofp %add3A_526 : vector<128x128xi16> to vector<128x128xf32>
    %get3A_528 = arith.constant 128 : index
    %get3A_529 = arith.constant 0 : index
    %get3A_530 = vector.load %arg2[%get3A_528, %get3A_529] : memref<1024x128xf32, #tpu.memory_space<vmem>>, vector<128x128xf32>
    %dot_general3A_531 = arith.constant dense<0.000000e+00> : vector<128x128xf32>
    %dot_general3A_532 = tpu.matmul %convert_element_type3A_527, %get3A_530, %dot_general3A_531 {dimension_numbers = #tpu.dot_dimension_numbers<[1], [0], [0], [1], [0, 0, 1, 1], [], []>, transpose_lhs_hint = false} : vector<128x128xf32>, vector<128x128xf32>, vector<128x128xf32> -> vector<128x128xf32>
    %add3A_533 = arith.addf %add3A_270, %dot_general3A_532 : vector<128x128xf32>
    %iota3A_534 = tpu.iota {dimensions = array<i32: 1>} : vector<128x128xi16>
    %add3A_535 = arith.constant 256 : i16
    %add3A_536 = vector.broadcast %add3A_535 : i16 to vector<128x128xi16>
    %add3A_537 = arith.addi %iota3A_534, %add3A_536 : vector<128x128xi16>
    %broadcast_in_dim3A_538 = arith.constant 0 : i16
    %broadcast_in_dim3A_539 = vector.broadcast %broadcast_in_dim3A_538 : i16 to vector<128x128xi16>
    %slice3A_540 = vector.extract_strided_slice %convert_element_type3A {offsets = [0, 0], sizes = [128, 1], strides = [1, 1]} : vector<128x50xi16> to vector<128x1xi16>
    %eq3A_541 = vector.broadcast %slice3A_540 : vector<128x1xi16> to vector<128x128xi16>
    %eq3A_542 = arith.cmpi eq, %eq3A_541, %add3A_537 : vector<128x128xi16>
    %convert_element_type3A_543 = arith.extui %eq3A_542 : vector<128x128xi1> to vector<128x128xi16>
    %add3A_544 = arith.addi %broadcast_in_dim3A_539, %convert_element_type3A_543 : vector<128x128xi16>
    %slice3A_545 = vector.extract_strided_slice %convert_element_type3A {offsets = [0, 1], sizes = [128, 1], strides = [1, 1]} : vector<128x50xi16> to vector<128x1xi16>
    %eq3A_546 = vector.broadcast %slice3A_545 : vector<128x1xi16> to vector<128x128xi16>
    %eq3A_547 = arith.cmpi eq, %eq3A_546, %add3A_537 : vector<128x128xi16>
    %convert_element_type3A_548 = arith.extui %eq3A_547 : vector<128x128xi1> to vector<128x128xi16>
    %add3A_549 = arith.addi %add3A_544, %convert_element_type3A_548 : vector<128x128xi16>
    %slice3A_550 = vector.extract_strided_slice %convert_element_type3A {offsets = [0, 2], sizes = [128, 1], strides = [1, 1]} : vector<128x50xi16> to vector<128x1xi16>
    %eq3A_551 = vector.broadcast %slice3A_550 : vector<128x1xi16> to vector<128x128xi16>
    %eq3A_552 = arith.cmpi eq, %eq3A_551, %add3A_537 : vector<128x128xi16>
    %convert_element_type3A_553 = arith.extui %eq3A_552 : vector<128x128xi1> to vector<128x128xi16>
    %add3A_554 = arith.addi %add3A_549, %convert_element_type3A_553 : vector<128x128xi16>
    %slice3A_555 = vector.extract_strided_slice %convert_element_type3A {offsets = [0, 3], sizes = [128, 1], strides = [1, 1]} : vector<128x50xi16> to vector<128x1xi16>
    %eq3A_556 = vector.broadcast %slice3A_555 : vector<128x1xi16> to vector<128x128xi16>
    %eq3A_557 = arith.cmpi eq, %eq3A_556, %add3A_537 : vector<128x128xi16>
    %convert_element_type3A_558 = arith.extui %eq3A_557 : vector<128x128xi1> to vector<128x128xi16>
    %add3A_559 = arith.addi %add3A_554, %convert_element_type3A_558 : vector<128x128xi16>
    %slice3A_560 = vector.extract_strided_slice %convert_element_type3A {offsets = [0, 4], sizes = [128, 1], strides = [1, 1]} : vector<128x50xi16> to vector<128x1xi16>
    %eq3A_561 = vector.broadcast %slice3A_560 : vector<128x1xi16> to vector<128x128xi16>
    %eq3A_562 = arith.cmpi eq, %eq3A_561, %add3A_537 : vector<128x128xi16>
    %convert_element_type3A_563 = arith.extui %eq3A_562 : vector<128x128xi1> to vector<128x128xi16>
    %add3A_564 = arith.addi %add3A_559, %convert_element_type3A_563 : vector<128x128xi16>
    %slice3A_565 = vector.extract_strided_slice %convert_element_type3A {offsets = [0, 5], sizes = [128, 1], strides = [1, 1]} : vector<128x50xi16> to vector<128x1xi16>
    %eq3A_566 = vector.broadcast %slice3A_565 : vector<128x1xi16> to vector<128x128xi16>
    %eq3A_567 = arith.cmpi eq, %eq3A_566, %add3A_537 : vector<128x128xi16>
    %convert_element_type3A_568 = arith.extui %eq3A_567 : vector<128x128xi1> to vector<128x128xi16>
    %add3A_569 = arith.addi %add3A_564, %convert_element_type3A_568 : vector<128x128xi16>
    %slice3A_570 = vector.extract_strided_slice %convert_element_type3A {offsets = [0, 6], sizes = [128, 1], strides = [1, 1]} : vector<128x50xi16> to vector<128x1xi16>
    %eq3A_571 = vector.broadcast %slice3A_570 : vector<128x1xi16> to vector<128x128xi16>
    %eq3A_572 = arith.cmpi eq, %eq3A_571, %add3A_537 : vector<128x128xi16>
    %convert_element_type3A_573 = arith.extui %eq3A_572 : vector<128x128xi1> to vector<128x128xi16>
    %add3A_574 = arith.addi %add3A_569, %convert_element_type3A_573 : vector<128x128xi16>
    %slice3A_575 = vector.extract_strided_slice %convert_element_type3A {offsets = [0, 7], sizes = [128, 1], strides = [1, 1]} : vector<128x50xi16> to vector<128x1xi16>
    %eq3A_576 = vector.broadcast %slice3A_575 : vector<128x1xi16> to vector<128x128xi16>
    %eq3A_577 = arith.cmpi eq, %eq3A_576, %add3A_537 : vector<128x128xi16>
    %convert_element_type3A_578 = arith.extui %eq3A_577 : vector<128x128xi1> to vector<128x128xi16>
    %add3A_579 = arith.addi %add3A_574, %convert_element_type3A_578 : vector<128x128xi16>
    %slice3A_580 = vector.extract_strided_slice %convert_element_type3A {offsets = [0, 8], sizes = [128, 1], strides = [1, 1]} : vector<128x50xi16> to vector<128x1xi16>
    %eq3A_581 = vector.broadcast %slice3A_580 : vector<128x1xi16> to vector<128x128xi16>
    %eq3A_582 = arith.cmpi eq, %eq3A_581, %add3A_537 : vector<128x128xi16>
    %convert_element_type3A_583 = arith.extui %eq3A_582 : vector<128x128xi1> to vector<128x128xi16>
    %add3A_584 = arith.addi %add3A_579, %convert_element_type3A_583 : vector<128x128xi16>
    %slice3A_585 = vector.extract_strided_slice %convert_element_type3A {offsets = [0, 9], sizes = [128, 1], strides = [1, 1]} : vector<128x50xi16> to vector<128x1xi16>
    %eq3A_586 = vector.broadcast %slice3A_585 : vector<128x1xi16> to vector<128x128xi16>
    %eq3A_587 = arith.cmpi eq, %eq3A_586, %add3A_537 : vector<128x128xi16>
    %convert_element_type3A_588 = arith.extui %eq3A_587 : vector<128x128xi1> to vector<128x128xi16>
    %add3A_589 = arith.addi %add3A_584, %convert_element_type3A_588 : vector<128x128xi16>
    %slice3A_590 = vector.extract_strided_slice %convert_element_type3A {offsets = [0, 10], sizes = [128, 1], strides = [1, 1]} : vector<128x50xi16> to vector<128x1xi16>
    %eq3A_591 = vector.broadcast %slice3A_590 : vector<128x1xi16> to vector<128x128xi16>
    %eq3A_592 = arith.cmpi eq, %eq3A_591, %add3A_537 : vector<128x128xi16>
    %convert_element_type3A_593 = arith.extui %eq3A_592 : vector<128x128xi1> to vector<128x128xi16>
    %add3A_594 = arith.addi %add3A_589, %convert_element_type3A_593 : vector<128x128xi16>
    %slice3A_595 = vector.extract_strided_slice %convert_element_type3A {offsets = [0, 11], sizes = [128, 1], strides = [1, 1]} : vector<128x50xi16> to vector<128x1xi16>
    %eq3A_596 = vector.broadcast %slice3A_595 : vector<128x1xi16> to vector<128x128xi16>
    %eq3A_597 = arith.cmpi eq, %eq3A_596, %add3A_537 : vector<128x128xi16>
    %convert_element_type3A_598 = arith.extui %eq3A_597 : vector<128x128xi1> to vector<128x128xi16>
    %add3A_599 = arith.addi %add3A_594, %convert_element_type3A_598 : vector<128x128xi16>
    %slice3A_600 = vector.extract_strided_slice %convert_element_type3A {offsets = [0, 12], sizes = [128, 1], strides = [1, 1]} : vector<128x50xi16> to vector<128x1xi16>
    %eq3A_601 = vector.broadcast %slice3A_600 : vector<128x1xi16> to vector<128x128xi16>
    %eq3A_602 = arith.cmpi eq, %eq3A_601, %add3A_537 : vector<128x128xi16>
    %convert_element_type3A_603 = arith.extui %eq3A_602 : vector<128x128xi1> to vector<128x128xi16>
    %add3A_604 = arith.addi %add3A_599, %convert_element_type3A_603 : vector<128x128xi16>
    %slice3A_605 = vector.extract_strided_slice %convert_element_type3A {offsets = [0, 13], sizes = [128, 1], strides = [1, 1]} : vector<128x50xi16> to vector<128x1xi16>
    %eq3A_606 = vector.broadcast %slice3A_605 : vector<128x1xi16> to vector<128x128xi16>
    %eq3A_607 = arith.cmpi eq, %eq3A_606, %add3A_537 : vector<128x128xi16>
    %convert_element_type3A_608 = arith.extui %eq3A_607 : vector<128x128xi1> to vector<128x128xi16>
    %add3A_609 = arith.addi %add3A_604, %convert_element_type3A_608 : vector<128x128xi16>
    %slice3A_610 = vector.extract_strided_slice %convert_element_type3A {offsets = [0, 14], sizes = [128, 1], strides = [1, 1]} : vector<128x50xi16> to vector<128x1xi16>
    %eq3A_611 = vector.broadcast %slice3A_610 : vector<128x1xi16> to vector<128x128xi16>
    %eq3A_612 = arith.cmpi eq, %eq3A_611, %add3A_537 : vector<128x128xi16>
    %convert_element_type3A_613 = arith.extui %eq3A_612 : vector<128x128xi1> to vector<128x128xi16>
    %add3A_614 = arith.addi %add3A_609, %convert_element_type3A_613 : vector<128x128xi16>
    %slice3A_615 = vector.extract_strided_slice %convert_element_type3A {offsets = [0, 15], sizes = [128, 1], strides = [1, 1]} : vector<128x50xi16> to vector<128x1xi16>
    %eq3A_616 = vector.broadcast %slice3A_615 : vector<128x1xi16> to vector<128x128xi16>
    %eq3A_617 = arith.cmpi eq, %eq3A_616, %add3A_537 : vector<128x128xi16>
    %convert_element_type3A_618 = arith.extui %eq3A_617 : vector<128x128xi1> to vector<128x128xi16>
    %add3A_619 = arith.addi %add3A_614, %convert_element_type3A_618 : vector<128x128xi16>
    %slice3A_620 = vector.extract_strided_slice %convert_element_type3A {offsets = [0, 16], sizes = [128, 1], strides = [1, 1]} : vector<128x50xi16> to vector<128x1xi16>
    %eq3A_621 = vector.broadcast %slice3A_620 : vector<128x1xi16> to vector<128x128xi16>
    %eq3A_622 = arith.cmpi eq, %eq3A_621, %add3A_537 : vector<128x128xi16>
    %convert_element_type3A_623 = arith.extui %eq3A_622 : vector<128x128xi1> to vector<128x128xi16>
    %add3A_624 = arith.addi %add3A_619, %convert_element_type3A_623 : vector<128x128xi16>
    %slice3A_625 = vector.extract_strided_slice %convert_element_type3A {offsets = [0, 17], sizes = [128, 1], strides = [1, 1]} : vector<128x50xi16> to vector<128x1xi16>
    %eq3A_626 = vector.broadcast %slice3A_625 : vector<128x1xi16> to vector<128x128xi16>
    %eq3A_627 = arith.cmpi eq, %eq3A_626, %add3A_537 : vector<128x128xi16>
    %convert_element_type3A_628 = arith.extui %eq3A_627 : vector<128x128xi1> to vector<128x128xi16>
    %add3A_629 = arith.addi %add3A_624, %convert_element_type3A_628 : vector<128x128xi16>
    %slice3A_630 = vector.extract_strided_slice %convert_element_type3A {offsets = [0, 18], sizes = [128, 1], strides = [1, 1]} : vector<128x50xi16> to vector<128x1xi16>
    %eq3A_631 = vector.broadcast %slice3A_630 : vector<128x1xi16> to vector<128x128xi16>
    %eq3A_632 = arith.cmpi eq, %eq3A_631, %add3A_537 : vector<128x128xi16>
    %convert_element_type3A_633 = arith.extui %eq3A_632 : vector<128x128xi1> to vector<128x128xi16>
    %add3A_634 = arith.addi %add3A_629, %convert_element_type3A_633 : vector<128x128xi16>
    %slice3A_635 = vector.extract_strided_slice %convert_element_type3A {offsets = [0, 19], sizes = [128, 1], strides = [1, 1]} : vector<128x50xi16> to vector<128x1xi16>
    %eq3A_636 = vector.broadcast %slice3A_635 : vector<128x1xi16> to vector<128x128xi16>
    %eq3A_637 = arith.cmpi eq, %eq3A_636, %add3A_537 : vector<128x128xi16>
    %convert_element_type3A_638 = arith.extui %eq3A_637 : vector<128x128xi1> to vector<128x128xi16>
    %add3A_639 = arith.addi %add3A_634, %convert_element_type3A_638 : vector<128x128xi16>
    %slice3A_640 = vector.extract_strided_slice %convert_element_type3A {offsets = [0, 20], sizes = [128, 1], strides = [1, 1]} : vector<128x50xi16> to vector<128x1xi16>
    %eq3A_641 = vector.broadcast %slice3A_640 : vector<128x1xi16> to vector<128x128xi16>
    %eq3A_642 = arith.cmpi eq, %eq3A_641, %add3A_537 : vector<128x128xi16>
    %convert_element_type3A_643 = arith.extui %eq3A_642 : vector<128x128xi1> to vector<128x128xi16>
    %add3A_644 = arith.addi %add3A_639, %convert_element_type3A_643 : vector<128x128xi16>
    %slice3A_645 = vector.extract_strided_slice %convert_element_type3A {offsets = [0, 21], sizes = [128, 1], strides = [1, 1]} : vector<128x50xi16> to vector<128x1xi16>
    %eq3A_646 = vector.broadcast %slice3A_645 : vector<128x1xi16> to vector<128x128xi16>
    %eq3A_647 = arith.cmpi eq, %eq3A_646, %add3A_537 : vector<128x128xi16>
    %convert_element_type3A_648 = arith.extui %eq3A_647 : vector<128x128xi1> to vector<128x128xi16>
    %add3A_649 = arith.addi %add3A_644, %convert_element_type3A_648 : vector<128x128xi16>
    %slice3A_650 = vector.extract_strided_slice %convert_element_type3A {offsets = [0, 22], sizes = [128, 1], strides = [1, 1]} : vector<128x50xi16> to vector<128x1xi16>
    %eq3A_651 = vector.broadcast %slice3A_650 : vector<128x1xi16> to vector<128x128xi16>
    %eq3A_652 = arith.cmpi eq, %eq3A_651, %add3A_537 : vector<128x128xi16>
    %convert_element_type3A_653 = arith.extui %eq3A_652 : vector<128x128xi1> to vector<128x128xi16>
    %add3A_654 = arith.addi %add3A_649, %convert_element_type3A_653 : vector<128x128xi16>
    %slice3A_655 = vector.extract_strided_slice %convert_element_type3A {offsets = [0, 23], sizes = [128, 1], strides = [1, 1]} : vector<128x50xi16> to vector<128x1xi16>
    %eq3A_656 = vector.broadcast %slice3A_655 : vector<128x1xi16> to vector<128x128xi16>
    %eq3A_657 = arith.cmpi eq, %eq3A_656, %add3A_537 : vector<128x128xi16>
    %convert_element_type3A_658 = arith.extui %eq3A_657 : vector<128x128xi1> to vector<128x128xi16>
    %add3A_659 = arith.addi %add3A_654, %convert_element_type3A_658 : vector<128x128xi16>
    %slice3A_660 = vector.extract_strided_slice %convert_element_type3A {offsets = [0, 24], sizes = [128, 1], strides = [1, 1]} : vector<128x50xi16> to vector<128x1xi16>
    %eq3A_661 = vector.broadcast %slice3A_660 : vector<128x1xi16> to vector<128x128xi16>
    %eq3A_662 = arith.cmpi eq, %eq3A_661, %add3A_537 : vector<128x128xi16>
    %convert_element_type3A_663 = arith.extui %eq3A_662 : vector<128x128xi1> to vector<128x128xi16>
    %add3A_664 = arith.addi %add3A_659, %convert_element_type3A_663 : vector<128x128xi16>
    %slice3A_665 = vector.extract_strided_slice %convert_element_type3A {offsets = [0, 25], sizes = [128, 1], strides = [1, 1]} : vector<128x50xi16> to vector<128x1xi16>
    %eq3A_666 = vector.broadcast %slice3A_665 : vector<128x1xi16> to vector<128x128xi16>
    %eq3A_667 = arith.cmpi eq, %eq3A_666, %add3A_537 : vector<128x128xi16>
    %convert_element_type3A_668 = arith.extui %eq3A_667 : vector<128x128xi1> to vector<128x128xi16>
    %add3A_669 = arith.addi %add3A_664, %convert_element_type3A_668 : vector<128x128xi16>
    %slice3A_670 = vector.extract_strided_slice %convert_element_type3A {offsets = [0, 26], sizes = [128, 1], strides = [1, 1]} : vector<128x50xi16> to vector<128x1xi16>
    %eq3A_671 = vector.broadcast %slice3A_670 : vector<128x1xi16> to vector<128x128xi16>
    %eq3A_672 = arith.cmpi eq, %eq3A_671, %add3A_537 : vector<128x128xi16>
    %convert_element_type3A_673 = arith.extui %eq3A_672 : vector<128x128xi1> to vector<128x128xi16>
    %add3A_674 = arith.addi %add3A_669, %convert_element_type3A_673 : vector<128x128xi16>
    %slice3A_675 = vector.extract_strided_slice %convert_element_type3A {offsets = [0, 27], sizes = [128, 1], strides = [1, 1]} : vector<128x50xi16> to vector<128x1xi16>
    %eq3A_676 = vector.broadcast %slice3A_675 : vector<128x1xi16> to vector<128x128xi16>
    %eq3A_677 = arith.cmpi eq, %eq3A_676, %add3A_537 : vector<128x128xi16>
    %convert_element_type3A_678 = arith.extui %eq3A_677 : vector<128x128xi1> to vector<128x128xi16>
    %add3A_679 = arith.addi %add3A_674, %convert_element_type3A_678 : vector<128x128xi16>
    %slice3A_680 = vector.extract_strided_slice %convert_element_type3A {offsets = [0, 28], sizes = [128, 1], strides = [1, 1]} : vector<128x50xi16> to vector<128x1xi16>
    %eq3A_681 = vector.broadcast %slice3A_680 : vector<128x1xi16> to vector<128x128xi16>
    %eq3A_682 = arith.cmpi eq, %eq3A_681, %add3A_537 : vector<128x128xi16>
    %convert_element_type3A_683 = arith.extui %eq3A_682 : vector<128x128xi1> to vector<128x128xi16>
    %add3A_684 = arith.addi %add3A_679, %convert_element_type3A_683 : vector<128x128xi16>
    %slice3A_685 = vector.extract_strided_slice %convert_element_type3A {offsets = [0, 29], sizes = [128, 1], strides = [1, 1]} : vector<128x50xi16> to vector<128x1xi16>
    %eq3A_686 = vector.broadcast %slice3A_685 : vector<128x1xi16> to vector<128x128xi16>
    %eq3A_687 = arith.cmpi eq, %eq3A_686, %add3A_537 : vector<128x128xi16>
    %convert_element_type3A_688 = arith.extui %eq3A_687 : vector<128x128xi1> to vector<128x128xi16>
    %add3A_689 = arith.addi %add3A_684, %convert_element_type3A_688 : vector<128x128xi16>
    %slice3A_690 = vector.extract_strided_slice %convert_element_type3A {offsets = [0, 30], sizes = [128, 1], strides = [1, 1]} : vector<128x50xi16> to vector<128x1xi16>
    %eq3A_691 = vector.broadcast %slice3A_690 : vector<128x1xi16> to vector<128x128xi16>
    %eq3A_692 = arith.cmpi eq, %eq3A_691, %add3A_537 : vector<128x128xi16>
    %convert_element_type3A_693 = arith.extui %eq3A_692 : vector<128x128xi1> to vector<128x128xi16>
    %add3A_694 = arith.addi %add3A_689, %convert_element_type3A_693 : vector<128x128xi16>
    %slice3A_695 = vector.extract_strided_slice %convert_element_type3A {offsets = [0, 31], sizes = [128, 1], strides = [1, 1]} : vector<128x50xi16> to vector<128x1xi16>
    %eq3A_696 = vector.broadcast %slice3A_695 : vector<128x1xi16> to vector<128x128xi16>
    %eq3A_697 = arith.cmpi eq, %eq3A_696, %add3A_537 : vector<128x128xi16>
    %convert_element_type3A_698 = arith.extui %eq3A_697 : vector<128x128xi1> to vector<128x128xi16>
    %add3A_699 = arith.addi %add3A_694, %convert_element_type3A_698 : vector<128x128xi16>
    %slice3A_700 = vector.extract_strided_slice %convert_element_type3A {offsets = [0, 32], sizes = [128, 1], strides = [1, 1]} : vector<128x50xi16> to vector<128x1xi16>
    %eq3A_701 = vector.broadcast %slice3A_700 : vector<128x1xi16> to vector<128x128xi16>
    %eq3A_702 = arith.cmpi eq, %eq3A_701, %add3A_537 : vector<128x128xi16>
    %convert_element_type3A_703 = arith.extui %eq3A_702 : vector<128x128xi1> to vector<128x128xi16>
    %add3A_704 = arith.addi %add3A_699, %convert_element_type3A_703 : vector<128x128xi16>
    %slice3A_705 = vector.extract_strided_slice %convert_element_type3A {offsets = [0, 33], sizes = [128, 1], strides = [1, 1]} : vector<128x50xi16> to vector<128x1xi16>
    %eq3A_706 = vector.broadcast %slice3A_705 : vector<128x1xi16> to vector<128x128xi16>
    %eq3A_707 = arith.cmpi eq, %eq3A_706, %add3A_537 : vector<128x128xi16>
    %convert_element_type3A_708 = arith.extui %eq3A_707 : vector<128x128xi1> to vector<128x128xi16>
    %add3A_709 = arith.addi %add3A_704, %convert_element_type3A_708 : vector<128x128xi16>
    %slice3A_710 = vector.extract_strided_slice %convert_element_type3A {offsets = [0, 34], sizes = [128, 1], strides = [1, 1]} : vector<128x50xi16> to vector<128x1xi16>
    %eq3A_711 = vector.broadcast %slice3A_710 : vector<128x1xi16> to vector<128x128xi16>
    %eq3A_712 = arith.cmpi eq, %eq3A_711, %add3A_537 : vector<128x128xi16>
    %convert_element_type3A_713 = arith.extui %eq3A_712 : vector<128x128xi1> to vector<128x128xi16>
    %add3A_714 = arith.addi %add3A_709, %convert_element_type3A_713 : vector<128x128xi16>
    %slice3A_715 = vector.extract_strided_slice %convert_element_type3A {offsets = [0, 35], sizes = [128, 1], strides = [1, 1]} : vector<128x50xi16> to vector<128x1xi16>
    %eq3A_716 = vector.broadcast %slice3A_715 : vector<128x1xi16> to vector<128x128xi16>
    %eq3A_717 = arith.cmpi eq, %eq3A_716, %add3A_537 : vector<128x128xi16>
    %convert_element_type3A_718 = arith.extui %eq3A_717 : vector<128x128xi1> to vector<128x128xi16>
    %add3A_719 = arith.addi %add3A_714, %convert_element_type3A_718 : vector<128x128xi16>
    %slice3A_720 = vector.extract_strided_slice %convert_element_type3A {offsets = [0, 36], sizes = [128, 1], strides = [1, 1]} : vector<128x50xi16> to vector<128x1xi16>
    %eq3A_721 = vector.broadcast %slice3A_720 : vector<128x1xi16> to vector<128x128xi16>
    %eq3A_722 = arith.cmpi eq, %eq3A_721, %add3A_537 : vector<128x128xi16>
    %convert_element_type3A_723 = arith.extui %eq3A_722 : vector<128x128xi1> to vector<128x128xi16>
    %add3A_724 = arith.addi %add3A_719, %convert_element_type3A_723 : vector<128x128xi16>
    %slice3A_725 = vector.extract_strided_slice %convert_element_type3A {offsets = [0, 37], sizes = [128, 1], strides = [1, 1]} : vector<128x50xi16> to vector<128x1xi16>
    %eq3A_726 = vector.broadcast %slice3A_725 : vector<128x1xi16> to vector<128x128xi16>
    %eq3A_727 = arith.cmpi eq, %eq3A_726, %add3A_537 : vector<128x128xi16>
    %convert_element_type3A_728 = arith.extui %eq3A_727 : vector<128x128xi1> to vector<128x128xi16>
    %add3A_729 = arith.addi %add3A_724, %convert_element_type3A_728 : vector<128x128xi16>
    %slice3A_730 = vector.extract_strided_slice %convert_element_type3A {offsets = [0, 38], sizes = [128, 1], strides = [1, 1]} : vector<128x50xi16> to vector<128x1xi16>
    %eq3A_731 = vector.broadcast %slice3A_730 : vector<128x1xi16> to vector<128x128xi16>
    %eq3A_732 = arith.cmpi eq, %eq3A_731, %add3A_537 : vector<128x128xi16>
    %convert_element_type3A_733 = arith.extui %eq3A_732 : vector<128x128xi1> to vector<128x128xi16>
    %add3A_734 = arith.addi %add3A_729, %convert_element_type3A_733 : vector<128x128xi16>
    %slice3A_735 = vector.extract_strided_slice %convert_element_type3A {offsets = [0, 39], sizes = [128, 1], strides = [1, 1]} : vector<128x50xi16> to vector<128x1xi16>
    %eq3A_736 = vector.broadcast %slice3A_735 : vector<128x1xi16> to vector<128x128xi16>
    %eq3A_737 = arith.cmpi eq, %eq3A_736, %add3A_537 : vector<128x128xi16>
    %convert_element_type3A_738 = arith.extui %eq3A_737 : vector<128x128xi1> to vector<128x128xi16>
    %add3A_739 = arith.addi %add3A_734, %convert_element_type3A_738 : vector<128x128xi16>
    %slice3A_740 = vector.extract_strided_slice %convert_element_type3A {offsets = [0, 40], sizes = [128, 1], strides = [1, 1]} : vector<128x50xi16> to vector<128x1xi16>
    %eq3A_741 = vector.broadcast %slice3A_740 : vector<128x1xi16> to vector<128x128xi16>
    %eq3A_742 = arith.cmpi eq, %eq3A_741, %add3A_537 : vector<128x128xi16>
    %convert_element_type3A_743 = arith.extui %eq3A_742 : vector<128x128xi1> to vector<128x128xi16>
    %add3A_744 = arith.addi %add3A_739, %convert_element_type3A_743 : vector<128x128xi16>
    %slice3A_745 = vector.extract_strided_slice %convert_element_type3A {offsets = [0, 41], sizes = [128, 1], strides = [1, 1]} : vector<128x50xi16> to vector<128x1xi16>
    %eq3A_746 = vector.broadcast %slice3A_745 : vector<128x1xi16> to vector<128x128xi16>
    %eq3A_747 = arith.cmpi eq, %eq3A_746, %add3A_537 : vector<128x128xi16>
    %convert_element_type3A_748 = arith.extui %eq3A_747 : vector<128x128xi1> to vector<128x128xi16>
    %add3A_749 = arith.addi %add3A_744, %convert_element_type3A_748 : vector<128x128xi16>
    %slice3A_750 = vector.extract_strided_slice %convert_element_type3A {offsets = [0, 42], sizes = [128, 1], strides = [1, 1]} : vector<128x50xi16> to vector<128x1xi16>
    %eq3A_751 = vector.broadcast %slice3A_750 : vector<128x1xi16> to vector<128x128xi16>
    %eq3A_752 = arith.cmpi eq, %eq3A_751, %add3A_537 : vector<128x128xi16>
    %convert_element_type3A_753 = arith.extui %eq3A_752 : vector<128x128xi1> to vector<128x128xi16>
    %add3A_754 = arith.addi %add3A_749, %convert_element_type3A_753 : vector<128x128xi16>
    %slice3A_755 = vector.extract_strided_slice %convert_element_type3A {offsets = [0, 43], sizes = [128, 1], strides = [1, 1]} : vector<128x50xi16> to vector<128x1xi16>
    %eq3A_756 = vector.broadcast %slice3A_755 : vector<128x1xi16> to vector<128x128xi16>
    %eq3A_757 = arith.cmpi eq, %eq3A_756, %add3A_537 : vector<128x128xi16>
    %convert_element_type3A_758 = arith.extui %eq3A_757 : vector<128x128xi1> to vector<128x128xi16>
    %add3A_759 = arith.addi %add3A_754, %convert_element_type3A_758 : vector<128x128xi16>
    %slice3A_760 = vector.extract_strided_slice %convert_element_type3A {offsets = [0, 44], sizes = [128, 1], strides = [1, 1]} : vector<128x50xi16> to vector<128x1xi16>
    %eq3A_761 = vector.broadcast %slice3A_760 : vector<128x1xi16> to vector<128x128xi16>
    %eq3A_762 = arith.cmpi eq, %eq3A_761, %add3A_537 : vector<128x128xi16>
    %convert_element_type3A_763 = arith.extui %eq3A_762 : vector<128x128xi1> to vector<128x128xi16>
    %add3A_764 = arith.addi %add3A_759, %convert_element_type3A_763 : vector<128x128xi16>
    %slice3A_765 = vector.extract_strided_slice %convert_element_type3A {offsets = [0, 45], sizes = [128, 1], strides = [1, 1]} : vector<128x50xi16> to vector<128x1xi16>
    %eq3A_766 = vector.broadcast %slice3A_765 : vector<128x1xi16> to vector<128x128xi16>
    %eq3A_767 = arith.cmpi eq, %eq3A_766, %add3A_537 : vector<128x128xi16>
    %convert_element_type3A_768 = arith.extui %eq3A_767 : vector<128x128xi1> to vector<128x128xi16>
    %add3A_769 = arith.addi %add3A_764, %convert_element_type3A_768 : vector<128x128xi16>
    %slice3A_770 = vector.extract_strided_slice %convert_element_type3A {offsets = [0, 46], sizes = [128, 1], strides = [1, 1]} : vector<128x50xi16> to vector<128x1xi16>
    %eq3A_771 = vector.broadcast %slice3A_770 : vector<128x1xi16> to vector<128x128xi16>
    %eq3A_772 = arith.cmpi eq, %eq3A_771, %add3A_537 : vector<128x128xi16>
    %convert_element_type3A_773 = arith.extui %eq3A_772 : vector<128x128xi1> to vector<128x128xi16>
    %add3A_774 = arith.addi %add3A_769, %convert_element_type3A_773 : vector<128x128xi16>
    %slice3A_775 = vector.extract_strided_slice %convert_element_type3A {offsets = [0, 47], sizes = [128, 1], strides = [1, 1]} : vector<128x50xi16> to vector<128x1xi16>
    %eq3A_776 = vector.broadcast %slice3A_775 : vector<128x1xi16> to vector<128x128xi16>
    %eq3A_777 = arith.cmpi eq, %eq3A_776, %add3A_537 : vector<128x128xi16>
    %convert_element_type3A_778 = arith.extui %eq3A_777 : vector<128x128xi1> to vector<128x128xi16>
    %add3A_779 = arith.addi %add3A_774, %convert_element_type3A_778 : vector<128x128xi16>
    %slice3A_780 = vector.extract_strided_slice %convert_element_type3A {offsets = [0, 48], sizes = [128, 1], strides = [1, 1]} : vector<128x50xi16> to vector<128x1xi16>
    %eq3A_781 = vector.broadcast %slice3A_780 : vector<128x1xi16> to vector<128x128xi16>
    %eq3A_782 = arith.cmpi eq, %eq3A_781, %add3A_537 : vector<128x128xi16>
    %convert_element_type3A_783 = arith.extui %eq3A_782 : vector<128x128xi1> to vector<128x128xi16>
    %add3A_784 = arith.addi %add3A_779, %convert_element_type3A_783 : vector<128x128xi16>
    %slice3A_785 = vector.extract_strided_slice %convert_element_type3A {offsets = [0, 49], sizes = [128, 1], strides = [1, 1]} : vector<128x50xi16> to vector<128x1xi16>
    %eq3A_786 = vector.broadcast %slice3A_785 : vector<128x1xi16> to vector<128x128xi16>
    %eq3A_787 = arith.cmpi eq, %eq3A_786, %add3A_537 : vector<128x128xi16>
    %convert_element_type3A_788 = arith.extui %eq3A_787 : vector<128x128xi1> to vector<128x128xi16>
    %add3A_789 = arith.addi %add3A_784, %convert_element_type3A_788 : vector<128x128xi16>
    %convert_element_type3A_790 = arith.sitofp %add3A_789 : vector<128x128xi16> to vector<128x128xf32>
    %get3A_791 = arith.constant 256 : index
    %get3A_792 = arith.constant 0 : index
    %get3A_793 = vector.load %arg2[%get3A_791, %get3A_792] : memref<1024x128xf32, #tpu.memory_space<vmem>>, vector<128x128xf32>
    %dot_general3A_794 = arith.constant dense<0.000000e+00> : vector<128x128xf32>
    %dot_general3A_795 = tpu.matmul %convert_element_type3A_790, %get3A_793, %dot_general3A_794 {dimension_numbers = #tpu.dot_dimension_numbers<[1], [0], [0], [1], [0, 0, 1, 1], [], []>, transpose_lhs_hint = false} : vector<128x128xf32>, vector<128x128xf32>, vector<128x128xf32> -> vector<128x128xf32>
    %add3A_796 = arith.addf %add3A_533, %dot_general3A_795 : vector<128x128xf32>
    %iota3A_797 = tpu.iota {dimensions = array<i32: 1>} : vector<128x128xi16>
    %add3A_798 = arith.constant 384 : i16
    %add3A_799 = vector.broadcast %add3A_798 : i16 to vector<128x128xi16>
    %add3A_800 = arith.addi %iota3A_797, %add3A_799 : vector<128x128xi16>
    %broadcast_in_dim3A_801 = arith.constant 0 : i16
    %broadcast_in_dim3A_802 = vector.broadcast %broadcast_in_dim3A_801 : i16 to vector<128x128xi16>
    %slice3A_803 = vector.extract_strided_slice %convert_element_type3A {offsets = [0, 0], sizes = [128, 1], strides = [1, 1]} : vector<128x50xi16> to vector<128x1xi16>
    %eq3A_804 = vector.broadcast %slice3A_803 : vector<128x1xi16> to vector<128x128xi16>
    %eq3A_805 = arith.cmpi eq, %eq3A_804, %add3A_800 : vector<128x128xi16>
    %convert_element_type3A_806 = arith.extui %eq3A_805 : vector<128x128xi1> to vector<128x128xi16>
    %add3A_807 = arith.addi %broadcast_in_dim3A_802, %convert_element_type3A_806 : vector<128x128xi16>
    %slice3A_808 = vector.extract_strided_slice %convert_element_type3A {offsets = [0, 1], sizes = [128, 1], strides = [1, 1]} : vector<128x50xi16> to vector<128x1xi16>
    %eq3A_809 = vector.broadcast %slice3A_808 : vector<128x1xi16> to vector<128x128xi16>
    %eq3A_810 = arith.cmpi eq, %eq3A_809, %add3A_800 : vector<128x128xi16>
    %convert_element_type3A_811 = arith.extui %eq3A_810 : vector<128x128xi1> to vector<128x128xi16>
    %add3A_812 = arith.addi %add3A_807, %convert_element_type3A_811 : vector<128x128xi16>
    %slice3A_813 = vector.extract_strided_slice %convert_element_type3A {offsets = [0, 2], sizes = [128, 1], strides = [1, 1]} : vector<128x50xi16> to vector<128x1xi16>
    %eq3A_814 = vector.broadcast %slice3A_813 : vector<128x1xi16> to vector<128x128xi16>
    %eq3A_815 = arith.cmpi eq, %eq3A_814, %add3A_800 : vector<128x128xi16>
    %convert_element_type3A_816 = arith.extui %eq3A_815 : vector<128x128xi1> to vector<128x128xi16>
    %add3A_817 = arith.addi %add3A_812, %convert_element_type3A_816 : vector<128x128xi16>
    %slice3A_818 = vector.extract_strided_slice %convert_element_type3A {offsets = [0, 3], sizes = [128, 1], strides = [1, 1]} : vector<128x50xi16> to vector<128x1xi16>
    %eq3A_819 = vector.broadcast %slice3A_818 : vector<128x1xi16> to vector<128x128xi16>
    %eq3A_820 = arith.cmpi eq, %eq3A_819, %add3A_800 : vector<128x128xi16>
    %convert_element_type3A_821 = arith.extui %eq3A_820 : vector<128x128xi1> to vector<128x128xi16>
    %add3A_822 = arith.addi %add3A_817, %convert_element_type3A_821 : vector<128x128xi16>
    %slice3A_823 = vector.extract_strided_slice %convert_element_type3A {offsets = [0, 4], sizes = [128, 1], strides = [1, 1]} : vector<128x50xi16> to vector<128x1xi16>
    %eq3A_824 = vector.broadcast %slice3A_823 : vector<128x1xi16> to vector<128x128xi16>
    %eq3A_825 = arith.cmpi eq, %eq3A_824, %add3A_800 : vector<128x128xi16>
    %convert_element_type3A_826 = arith.extui %eq3A_825 : vector<128x128xi1> to vector<128x128xi16>
    %add3A_827 = arith.addi %add3A_822, %convert_element_type3A_826 : vector<128x128xi16>
    %slice3A_828 = vector.extract_strided_slice %convert_element_type3A {offsets = [0, 5], sizes = [128, 1], strides = [1, 1]} : vector<128x50xi16> to vector<128x1xi16>
    %eq3A_829 = vector.broadcast %slice3A_828 : vector<128x1xi16> to vector<128x128xi16>
    %eq3A_830 = arith.cmpi eq, %eq3A_829, %add3A_800 : vector<128x128xi16>
    %convert_element_type3A_831 = arith.extui %eq3A_830 : vector<128x128xi1> to vector<128x128xi16>
    %add3A_832 = arith.addi %add3A_827, %convert_element_type3A_831 : vector<128x128xi16>
    %slice3A_833 = vector.extract_strided_slice %convert_element_type3A {offsets = [0, 6], sizes = [128, 1], strides = [1, 1]} : vector<128x50xi16> to vector<128x1xi16>
    %eq3A_834 = vector.broadcast %slice3A_833 : vector<128x1xi16> to vector<128x128xi16>
    %eq3A_835 = arith.cmpi eq, %eq3A_834, %add3A_800 : vector<128x128xi16>
    %convert_element_type3A_836 = arith.extui %eq3A_835 : vector<128x128xi1> to vector<128x128xi16>
    %add3A_837 = arith.addi %add3A_832, %convert_element_type3A_836 : vector<128x128xi16>
    %slice3A_838 = vector.extract_strided_slice %convert_element_type3A {offsets = [0, 7], sizes = [128, 1], strides = [1, 1]} : vector<128x50xi16> to vector<128x1xi16>
    %eq3A_839 = vector.broadcast %slice3A_838 : vector<128x1xi16> to vector<128x128xi16>
    %eq3A_840 = arith.cmpi eq, %eq3A_839, %add3A_800 : vector<128x128xi16>
    %convert_element_type3A_841 = arith.extui %eq3A_840 : vector<128x128xi1> to vector<128x128xi16>
    %add3A_842 = arith.addi %add3A_837, %convert_element_type3A_841 : vector<128x128xi16>
    %slice3A_843 = vector.extract_strided_slice %convert_element_type3A {offsets = [0, 8], sizes = [128, 1], strides = [1, 1]} : vector<128x50xi16> to vector<128x1xi16>
    %eq3A_844 = vector.broadcast %slice3A_843 : vector<128x1xi16> to vector<128x128xi16>
    %eq3A_845 = arith.cmpi eq, %eq3A_844, %add3A_800 : vector<128x128xi16>
    %convert_element_type3A_846 = arith.extui %eq3A_845 : vector<128x128xi1> to vector<128x128xi16>
    %add3A_847 = arith.addi %add3A_842, %convert_element_type3A_846 : vector<128x128xi16>
    %slice3A_848 = vector.extract_strided_slice %convert_element_type3A {offsets = [0, 9], sizes = [128, 1], strides = [1, 1]} : vector<128x50xi16> to vector<128x1xi16>
    %eq3A_849 = vector.broadcast %slice3A_848 : vector<128x1xi16> to vector<128x128xi16>
    %eq3A_850 = arith.cmpi eq, %eq3A_849, %add3A_800 : vector<128x128xi16>
    %convert_element_type3A_851 = arith.extui %eq3A_850 : vector<128x128xi1> to vector<128x128xi16>
    %add3A_852 = arith.addi %add3A_847, %convert_element_type3A_851 : vector<128x128xi16>
    %slice3A_853 = vector.extract_strided_slice %convert_element_type3A {offsets = [0, 10], sizes = [128, 1], strides = [1, 1]} : vector<128x50xi16> to vector<128x1xi16>
    %eq3A_854 = vector.broadcast %slice3A_853 : vector<128x1xi16> to vector<128x128xi16>
    %eq3A_855 = arith.cmpi eq, %eq3A_854, %add3A_800 : vector<128x128xi16>
    %convert_element_type3A_856 = arith.extui %eq3A_855 : vector<128x128xi1> to vector<128x128xi16>
    %add3A_857 = arith.addi %add3A_852, %convert_element_type3A_856 : vector<128x128xi16>
    %slice3A_858 = vector.extract_strided_slice %convert_element_type3A {offsets = [0, 11], sizes = [128, 1], strides = [1, 1]} : vector<128x50xi16> to vector<128x1xi16>
    %eq3A_859 = vector.broadcast %slice3A_858 : vector<128x1xi16> to vector<128x128xi16>
    %eq3A_860 = arith.cmpi eq, %eq3A_859, %add3A_800 : vector<128x128xi16>
    %convert_element_type3A_861 = arith.extui %eq3A_860 : vector<128x128xi1> to vector<128x128xi16>
    %add3A_862 = arith.addi %add3A_857, %convert_element_type3A_861 : vector<128x128xi16>
    %slice3A_863 = vector.extract_strided_slice %convert_element_type3A {offsets = [0, 12], sizes = [128, 1], strides = [1, 1]} : vector<128x50xi16> to vector<128x1xi16>
    %eq3A_864 = vector.broadcast %slice3A_863 : vector<128x1xi16> to vector<128x128xi16>
    %eq3A_865 = arith.cmpi eq, %eq3A_864, %add3A_800 : vector<128x128xi16>
    %convert_element_type3A_866 = arith.extui %eq3A_865 : vector<128x128xi1> to vector<128x128xi16>
    %add3A_867 = arith.addi %add3A_862, %convert_element_type3A_866 : vector<128x128xi16>
    %slice3A_868 = vector.extract_strided_slice %convert_element_type3A {offsets = [0, 13], sizes = [128, 1], strides = [1, 1]} : vector<128x50xi16> to vector<128x1xi16>
    %eq3A_869 = vector.broadcast %slice3A_868 : vector<128x1xi16> to vector<128x128xi16>
    %eq3A_870 = arith.cmpi eq, %eq3A_869, %add3A_800 : vector<128x128xi16>
    %convert_element_type3A_871 = arith.extui %eq3A_870 : vector<128x128xi1> to vector<128x128xi16>
    %add3A_872 = arith.addi %add3A_867, %convert_element_type3A_871 : vector<128x128xi16>
    %slice3A_873 = vector.extract_strided_slice %convert_element_type3A {offsets = [0, 14], sizes = [128, 1], strides = [1, 1]} : vector<128x50xi16> to vector<128x1xi16>
    %eq3A_874 = vector.broadcast %slice3A_873 : vector<128x1xi16> to vector<128x128xi16>
    %eq3A_875 = arith.cmpi eq, %eq3A_874, %add3A_800 : vector<128x128xi16>
    %convert_element_type3A_876 = arith.extui %eq3A_875 : vector<128x128xi1> to vector<128x128xi16>
    %add3A_877 = arith.addi %add3A_872, %convert_element_type3A_876 : vector<128x128xi16>
    %slice3A_878 = vector.extract_strided_slice %convert_element_type3A {offsets = [0, 15], sizes = [128, 1], strides = [1, 1]} : vector<128x50xi16> to vector<128x1xi16>
    %eq3A_879 = vector.broadcast %slice3A_878 : vector<128x1xi16> to vector<128x128xi16>
    %eq3A_880 = arith.cmpi eq, %eq3A_879, %add3A_800 : vector<128x128xi16>
    %convert_element_type3A_881 = arith.extui %eq3A_880 : vector<128x128xi1> to vector<128x128xi16>
    %add3A_882 = arith.addi %add3A_877, %convert_element_type3A_881 : vector<128x128xi16>
    %slice3A_883 = vector.extract_strided_slice %convert_element_type3A {offsets = [0, 16], sizes = [128, 1], strides = [1, 1]} : vector<128x50xi16> to vector<128x1xi16>
    %eq3A_884 = vector.broadcast %slice3A_883 : vector<128x1xi16> to vector<128x128xi16>
    %eq3A_885 = arith.cmpi eq, %eq3A_884, %add3A_800 : vector<128x128xi16>
    %convert_element_type3A_886 = arith.extui %eq3A_885 : vector<128x128xi1> to vector<128x128xi16>
    %add3A_887 = arith.addi %add3A_882, %convert_element_type3A_886 : vector<128x128xi16>
    %slice3A_888 = vector.extract_strided_slice %convert_element_type3A {offsets = [0, 17], sizes = [128, 1], strides = [1, 1]} : vector<128x50xi16> to vector<128x1xi16>
    %eq3A_889 = vector.broadcast %slice3A_888 : vector<128x1xi16> to vector<128x128xi16>
    %eq3A_890 = arith.cmpi eq, %eq3A_889, %add3A_800 : vector<128x128xi16>
    %convert_element_type3A_891 = arith.extui %eq3A_890 : vector<128x128xi1> to vector<128x128xi16>
    %add3A_892 = arith.addi %add3A_887, %convert_element_type3A_891 : vector<128x128xi16>
    %slice3A_893 = vector.extract_strided_slice %convert_element_type3A {offsets = [0, 18], sizes = [128, 1], strides = [1, 1]} : vector<128x50xi16> to vector<128x1xi16>
    %eq3A_894 = vector.broadcast %slice3A_893 : vector<128x1xi16> to vector<128x128xi16>
    %eq3A_895 = arith.cmpi eq, %eq3A_894, %add3A_800 : vector<128x128xi16>
    %convert_element_type3A_896 = arith.extui %eq3A_895 : vector<128x128xi1> to vector<128x128xi16>
    %add3A_897 = arith.addi %add3A_892, %convert_element_type3A_896 : vector<128x128xi16>
    %slice3A_898 = vector.extract_strided_slice %convert_element_type3A {offsets = [0, 19], sizes = [128, 1], strides = [1, 1]} : vector<128x50xi16> to vector<128x1xi16>
    %eq3A_899 = vector.broadcast %slice3A_898 : vector<128x1xi16> to vector<128x128xi16>
    %eq3A_900 = arith.cmpi eq, %eq3A_899, %add3A_800 : vector<128x128xi16>
    %convert_element_type3A_901 = arith.extui %eq3A_900 : vector<128x128xi1> to vector<128x128xi16>
    %add3A_902 = arith.addi %add3A_897, %convert_element_type3A_901 : vector<128x128xi16>
    %slice3A_903 = vector.extract_strided_slice %convert_element_type3A {offsets = [0, 20], sizes = [128, 1], strides = [1, 1]} : vector<128x50xi16> to vector<128x1xi16>
    %eq3A_904 = vector.broadcast %slice3A_903 : vector<128x1xi16> to vector<128x128xi16>
    %eq3A_905 = arith.cmpi eq, %eq3A_904, %add3A_800 : vector<128x128xi16>
    %convert_element_type3A_906 = arith.extui %eq3A_905 : vector<128x128xi1> to vector<128x128xi16>
    %add3A_907 = arith.addi %add3A_902, %convert_element_type3A_906 : vector<128x128xi16>
    %slice3A_908 = vector.extract_strided_slice %convert_element_type3A {offsets = [0, 21], sizes = [128, 1], strides = [1, 1]} : vector<128x50xi16> to vector<128x1xi16>
    %eq3A_909 = vector.broadcast %slice3A_908 : vector<128x1xi16> to vector<128x128xi16>
    %eq3A_910 = arith.cmpi eq, %eq3A_909, %add3A_800 : vector<128x128xi16>
    %convert_element_type3A_911 = arith.extui %eq3A_910 : vector<128x128xi1> to vector<128x128xi16>
    %add3A_912 = arith.addi %add3A_907, %convert_element_type3A_911 : vector<128x128xi16>
    %slice3A_913 = vector.extract_strided_slice %convert_element_type3A {offsets = [0, 22], sizes = [128, 1], strides = [1, 1]} : vector<128x50xi16> to vector<128x1xi16>
    %eq3A_914 = vector.broadcast %slice3A_913 : vector<128x1xi16> to vector<128x128xi16>
    %eq3A_915 = arith.cmpi eq, %eq3A_914, %add3A_800 : vector<128x128xi16>
    %convert_element_type3A_916 = arith.extui %eq3A_915 : vector<128x128xi1> to vector<128x128xi16>
    %add3A_917 = arith.addi %add3A_912, %convert_element_type3A_916 : vector<128x128xi16>
    %slice3A_918 = vector.extract_strided_slice %convert_element_type3A {offsets = [0, 23], sizes = [128, 1], strides = [1, 1]} : vector<128x50xi16> to vector<128x1xi16>
    %eq3A_919 = vector.broadcast %slice3A_918 : vector<128x1xi16> to vector<128x128xi16>
    %eq3A_920 = arith.cmpi eq, %eq3A_919, %add3A_800 : vector<128x128xi16>
    %convert_element_type3A_921 = arith.extui %eq3A_920 : vector<128x128xi1> to vector<128x128xi16>
    %add3A_922 = arith.addi %add3A_917, %convert_element_type3A_921 : vector<128x128xi16>
    %slice3A_923 = vector.extract_strided_slice %convert_element_type3A {offsets = [0, 24], sizes = [128, 1], strides = [1, 1]} : vector<128x50xi16> to vector<128x1xi16>
    %eq3A_924 = vector.broadcast %slice3A_923 : vector<128x1xi16> to vector<128x128xi16>
    %eq3A_925 = arith.cmpi eq, %eq3A_924, %add3A_800 : vector<128x128xi16>
    %convert_element_type3A_926 = arith.extui %eq3A_925 : vector<128x128xi1> to vector<128x128xi16>
    %add3A_927 = arith.addi %add3A_922, %convert_element_type3A_926 : vector<128x128xi16>
    %slice3A_928 = vector.extract_strided_slice %convert_element_type3A {offsets = [0, 25], sizes = [128, 1], strides = [1, 1]} : vector<128x50xi16> to vector<128x1xi16>
    %eq3A_929 = vector.broadcast %slice3A_928 : vector<128x1xi16> to vector<128x128xi16>
    %eq3A_930 = arith.cmpi eq, %eq3A_929, %add3A_800 : vector<128x128xi16>
    %convert_element_type3A_931 = arith.extui %eq3A_930 : vector<128x128xi1> to vector<128x128xi16>
    %add3A_932 = arith.addi %add3A_927, %convert_element_type3A_931 : vector<128x128xi16>
    %slice3A_933 = vector.extract_strided_slice %convert_element_type3A {offsets = [0, 26], sizes = [128, 1], strides = [1, 1]} : vector<128x50xi16> to vector<128x1xi16>
    %eq3A_934 = vector.broadcast %slice3A_933 : vector<128x1xi16> to vector<128x128xi16>
    %eq3A_935 = arith.cmpi eq, %eq3A_934, %add3A_800 : vector<128x128xi16>
    %convert_element_type3A_936 = arith.extui %eq3A_935 : vector<128x128xi1> to vector<128x128xi16>
    %add3A_937 = arith.addi %add3A_932, %convert_element_type3A_936 : vector<128x128xi16>
    %slice3A_938 = vector.extract_strided_slice %convert_element_type3A {offsets = [0, 27], sizes = [128, 1], strides = [1, 1]} : vector<128x50xi16> to vector<128x1xi16>
    %eq3A_939 = vector.broadcast %slice3A_938 : vector<128x1xi16> to vector<128x128xi16>
    %eq3A_940 = arith.cmpi eq, %eq3A_939, %add3A_800 : vector<128x128xi16>
    %convert_element_type3A_941 = arith.extui %eq3A_940 : vector<128x128xi1> to vector<128x128xi16>
    %add3A_942 = arith.addi %add3A_937, %convert_element_type3A_941 : vector<128x128xi16>
    %slice3A_943 = vector.extract_strided_slice %convert_element_type3A {offsets = [0, 28], sizes = [128, 1], strides = [1, 1]} : vector<128x50xi16> to vector<128x1xi16>
    %eq3A_944 = vector.broadcast %slice3A_943 : vector<128x1xi16> to vector<128x128xi16>
    %eq3A_945 = arith.cmpi eq, %eq3A_944, %add3A_800 : vector<128x128xi16>
    %convert_element_type3A_946 = arith.extui %eq3A_945 : vector<128x128xi1> to vector<128x128xi16>
    %add3A_947 = arith.addi %add3A_942, %convert_element_type3A_946 : vector<128x128xi16>
    %slice3A_948 = vector.extract_strided_slice %convert_element_type3A {offsets = [0, 29], sizes = [128, 1], strides = [1, 1]} : vector<128x50xi16> to vector<128x1xi16>
    %eq3A_949 = vector.broadcast %slice3A_948 : vector<128x1xi16> to vector<128x128xi16>
    %eq3A_950 = arith.cmpi eq, %eq3A_949, %add3A_800 : vector<128x128xi16>
    %convert_element_type3A_951 = arith.extui %eq3A_950 : vector<128x128xi1> to vector<128x128xi16>
    %add3A_952 = arith.addi %add3A_947, %convert_element_type3A_951 : vector<128x128xi16>
    %slice3A_953 = vector.extract_strided_slice %convert_element_type3A {offsets = [0, 30], sizes = [128, 1], strides = [1, 1]} : vector<128x50xi16> to vector<128x1xi16>
    %eq3A_954 = vector.broadcast %slice3A_953 : vector<128x1xi16> to vector<128x128xi16>
    %eq3A_955 = arith.cmpi eq, %eq3A_954, %add3A_800 : vector<128x128xi16>
    %convert_element_type3A_956 = arith.extui %eq3A_955 : vector<128x128xi1> to vector<128x128xi16>
    %add3A_957 = arith.addi %add3A_952, %convert_element_type3A_956 : vector<128x128xi16>
    %slice3A_958 = vector.extract_strided_slice %convert_element_type3A {offsets = [0, 31], sizes = [128, 1], strides = [1, 1]} : vector<128x50xi16> to vector<128x1xi16>
    %eq3A_959 = vector.broadcast %slice3A_958 : vector<128x1xi16> to vector<128x128xi16>
    %eq3A_960 = arith.cmpi eq, %eq3A_959, %add3A_800 : vector<128x128xi16>
    %convert_element_type3A_961 = arith.extui %eq3A_960 : vector<128x128xi1> to vector<128x128xi16>
    %add3A_962 = arith.addi %add3A_957, %convert_element_type3A_961 : vector<128x128xi16>
    %slice3A_963 = vector.extract_strided_slice %convert_element_type3A {offsets = [0, 32], sizes = [128, 1], strides = [1, 1]} : vector<128x50xi16> to vector<128x1xi16>
    %eq3A_964 = vector.broadcast %slice3A_963 : vector<128x1xi16> to vector<128x128xi16>
    %eq3A_965 = arith.cmpi eq, %eq3A_964, %add3A_800 : vector<128x128xi16>
    %convert_element_type3A_966 = arith.extui %eq3A_965 : vector<128x128xi1> to vector<128x128xi16>
    %add3A_967 = arith.addi %add3A_962, %convert_element_type3A_966 : vector<128x128xi16>
    %slice3A_968 = vector.extract_strided_slice %convert_element_type3A {offsets = [0, 33], sizes = [128, 1], strides = [1, 1]} : vector<128x50xi16> to vector<128x1xi16>
    %eq3A_969 = vector.broadcast %slice3A_968 : vector<128x1xi16> to vector<128x128xi16>
    %eq3A_970 = arith.cmpi eq, %eq3A_969, %add3A_800 : vector<128x128xi16>
    %convert_element_type3A_971 = arith.extui %eq3A_970 : vector<128x128xi1> to vector<128x128xi16>
    %add3A_972 = arith.addi %add3A_967, %convert_element_type3A_971 : vector<128x128xi16>
    %slice3A_973 = vector.extract_strided_slice %convert_element_type3A {offsets = [0, 34], sizes = [128, 1], strides = [1, 1]} : vector<128x50xi16> to vector<128x1xi16>
    %eq3A_974 = vector.broadcast %slice3A_973 : vector<128x1xi16> to vector<128x128xi16>
    %eq3A_975 = arith.cmpi eq, %eq3A_974, %add3A_800 : vector<128x128xi16>
    %convert_element_type3A_976 = arith.extui %eq3A_975 : vector<128x128xi1> to vector<128x128xi16>
    %add3A_977 = arith.addi %add3A_972, %convert_element_type3A_976 : vector<128x128xi16>
    %slice3A_978 = vector.extract_strided_slice %convert_element_type3A {offsets = [0, 35], sizes = [128, 1], strides = [1, 1]} : vector<128x50xi16> to vector<128x1xi16>
    %eq3A_979 = vector.broadcast %slice3A_978 : vector<128x1xi16> to vector<128x128xi16>
    %eq3A_980 = arith.cmpi eq, %eq3A_979, %add3A_800 : vector<128x128xi16>
    %convert_element_type3A_981 = arith.extui %eq3A_980 : vector<128x128xi1> to vector<128x128xi16>
    %add3A_982 = arith.addi %add3A_977, %convert_element_type3A_981 : vector<128x128xi16>
    %slice3A_983 = vector.extract_strided_slice %convert_element_type3A {offsets = [0, 36], sizes = [128, 1], strides = [1, 1]} : vector<128x50xi16> to vector<128x1xi16>
    %eq3A_984 = vector.broadcast %slice3A_983 : vector<128x1xi16> to vector<128x128xi16>
    %eq3A_985 = arith.cmpi eq, %eq3A_984, %add3A_800 : vector<128x128xi16>
    %convert_element_type3A_986 = arith.extui %eq3A_985 : vector<128x128xi1> to vector<128x128xi16>
    %add3A_987 = arith.addi %add3A_982, %convert_element_type3A_986 : vector<128x128xi16>
    %slice3A_988 = vector.extract_strided_slice %convert_element_type3A {offsets = [0, 37], sizes = [128, 1], strides = [1, 1]} : vector<128x50xi16> to vector<128x1xi16>
    %eq3A_989 = vector.broadcast %slice3A_988 : vector<128x1xi16> to vector<128x128xi16>
    %eq3A_990 = arith.cmpi eq, %eq3A_989, %add3A_800 : vector<128x128xi16>
    %convert_element_type3A_991 = arith.extui %eq3A_990 : vector<128x128xi1> to vector<128x128xi16>
    %add3A_992 = arith.addi %add3A_987, %convert_element_type3A_991 : vector<128x128xi16>
    %slice3A_993 = vector.extract_strided_slice %convert_element_type3A {offsets = [0, 38], sizes = [128, 1], strides = [1, 1]} : vector<128x50xi16> to vector<128x1xi16>
    %eq3A_994 = vector.broadcast %slice3A_993 : vector<128x1xi16> to vector<128x128xi16>
    %eq3A_995 = arith.cmpi eq, %eq3A_994, %add3A_800 : vector<128x128xi16>
    %convert_element_type3A_996 = arith.extui %eq3A_995 : vector<128x128xi1> to vector<128x128xi16>
    %add3A_997 = arith.addi %add3A_992, %convert_element_type3A_996 : vector<128x128xi16>
    %slice3A_998 = vector.extract_strided_slice %convert_element_type3A {offsets = [0, 39], sizes = [128, 1], strides = [1, 1]} : vector<128x50xi16> to vector<128x1xi16>
    %eq3A_999 = vector.broadcast %slice3A_998 : vector<128x1xi16> to vector<128x128xi16>
    %eq3A_1000 = arith.cmpi eq, %eq3A_999, %add3A_800 : vector<128x128xi16>
    %convert_element_type3A_1001 = arith.extui %eq3A_1000 : vector<128x128xi1> to vector<128x128xi16>
    %add3A_1002 = arith.addi %add3A_997, %convert_element_type3A_1001 : vector<128x128xi16>
    %slice3A_1003 = vector.extract_strided_slice %convert_element_type3A {offsets = [0, 40], sizes = [128, 1], strides = [1, 1]} : vector<128x50xi16> to vector<128x1xi16>
    %eq3A_1004 = vector.broadcast %slice3A_1003 : vector<128x1xi16> to vector<128x128xi16>
    %eq3A_1005 = arith.cmpi eq, %eq3A_1004, %add3A_800 : vector<128x128xi16>
    %convert_element_type3A_1006 = arith.extui %eq3A_1005 : vector<128x128xi1> to vector<128x128xi16>
    %add3A_1007 = arith.addi %add3A_1002, %convert_element_type3A_1006 : vector<128x128xi16>
    %slice3A_1008 = vector.extract_strided_slice %convert_element_type3A {offsets = [0, 41], sizes = [128, 1], strides = [1, 1]} : vector<128x50xi16> to vector<128x1xi16>
    %eq3A_1009 = vector.broadcast %slice3A_1008 : vector<128x1xi16> to vector<128x128xi16>
    %eq3A_1010 = arith.cmpi eq, %eq3A_1009, %add3A_800 : vector<128x128xi16>
    %convert_element_type3A_1011 = arith.extui %eq3A_1010 : vector<128x128xi1> to vector<128x128xi16>
    %add3A_1012 = arith.addi %add3A_1007, %convert_element_type3A_1011 : vector<128x128xi16>
    %slice3A_1013 = vector.extract_strided_slice %convert_element_type3A {offsets = [0, 42], sizes = [128, 1], strides = [1, 1]} : vector<128x50xi16> to vector<128x1xi16>
    %eq3A_1014 = vector.broadcast %slice3A_1013 : vector<128x1xi16> to vector<128x128xi16>
    %eq3A_1015 = arith.cmpi eq, %eq3A_1014, %add3A_800 : vector<128x128xi16>
    %convert_element_type3A_1016 = arith.extui %eq3A_1015 : vector<128x128xi1> to vector<128x128xi16>
    %add3A_1017 = arith.addi %add3A_1012, %convert_element_type3A_1016 : vector<128x128xi16>
    %slice3A_1018 = vector.extract_strided_slice %convert_element_type3A {offsets = [0, 43], sizes = [128, 1], strides = [1, 1]} : vector<128x50xi16> to vector<128x1xi16>
    %eq3A_1019 = vector.broadcast %slice3A_1018 : vector<128x1xi16> to vector<128x128xi16>
    %eq3A_1020 = arith.cmpi eq, %eq3A_1019, %add3A_800 : vector<128x128xi16>
    %convert_element_type3A_1021 = arith.extui %eq3A_1020 : vector<128x128xi1> to vector<128x128xi16>
    %add3A_1022 = arith.addi %add3A_1017, %convert_element_type3A_1021 : vector<128x128xi16>
    %slice3A_1023 = vector.extract_strided_slice %convert_element_type3A {offsets = [0, 44], sizes = [128, 1], strides = [1, 1]} : vector<128x50xi16> to vector<128x1xi16>
    %eq3A_1024 = vector.broadcast %slice3A_1023 : vector<128x1xi16> to vector<128x128xi16>
    %eq3A_1025 = arith.cmpi eq, %eq3A_1024, %add3A_800 : vector<128x128xi16>
    %convert_element_type3A_1026 = arith.extui %eq3A_1025 : vector<128x128xi1> to vector<128x128xi16>
    %add3A_1027 = arith.addi %add3A_1022, %convert_element_type3A_1026 : vector<128x128xi16>
    %slice3A_1028 = vector.extract_strided_slice %convert_element_type3A {offsets = [0, 45], sizes = [128, 1], strides = [1, 1]} : vector<128x50xi16> to vector<128x1xi16>
    %eq3A_1029 = vector.broadcast %slice3A_1028 : vector<128x1xi16> to vector<128x128xi16>
    %eq3A_1030 = arith.cmpi eq, %eq3A_1029, %add3A_800 : vector<128x128xi16>
    %convert_element_type3A_1031 = arith.extui %eq3A_1030 : vector<128x128xi1> to vector<128x128xi16>
    %add3A_1032 = arith.addi %add3A_1027, %convert_element_type3A_1031 : vector<128x128xi16>
    %slice3A_1033 = vector.extract_strided_slice %convert_element_type3A {offsets = [0, 46], sizes = [128, 1], strides = [1, 1]} : vector<128x50xi16> to vector<128x1xi16>
    %eq3A_1034 = vector.broadcast %slice3A_1033 : vector<128x1xi16> to vector<128x128xi16>
    %eq3A_1035 = arith.cmpi eq, %eq3A_1034, %add3A_800 : vector<128x128xi16>
    %convert_element_type3A_1036 = arith.extui %eq3A_1035 : vector<128x128xi1> to vector<128x128xi16>
    %add3A_1037 = arith.addi %add3A_1032, %convert_element_type3A_1036 : vector<128x128xi16>
    %slice3A_1038 = vector.extract_strided_slice %convert_element_type3A {offsets = [0, 47], sizes = [128, 1], strides = [1, 1]} : vector<128x50xi16> to vector<128x1xi16>
    %eq3A_1039 = vector.broadcast %slice3A_1038 : vector<128x1xi16> to vector<128x128xi16>
    %eq3A_1040 = arith.cmpi eq, %eq3A_1039, %add3A_800 : vector<128x128xi16>
    %convert_element_type3A_1041 = arith.extui %eq3A_1040 : vector<128x128xi1> to vector<128x128xi16>
    %add3A_1042 = arith.addi %add3A_1037, %convert_element_type3A_1041 : vector<128x128xi16>
    %slice3A_1043 = vector.extract_strided_slice %convert_element_type3A {offsets = [0, 48], sizes = [128, 1], strides = [1, 1]} : vector<128x50xi16> to vector<128x1xi16>
    %eq3A_1044 = vector.broadcast %slice3A_1043 : vector<128x1xi16> to vector<128x128xi16>
    %eq3A_1045 = arith.cmpi eq, %eq3A_1044, %add3A_800 : vector<128x128xi16>
    %convert_element_type3A_1046 = arith.extui %eq3A_1045 : vector<128x128xi1> to vector<128x128xi16>
    %add3A_1047 = arith.addi %add3A_1042, %convert_element_type3A_1046 : vector<128x128xi16>
    %slice3A_1048 = vector.extract_strided_slice %convert_element_type3A {offsets = [0, 49], sizes = [128, 1], strides = [1, 1]} : vector<128x50xi16> to vector<128x1xi16>
    %eq3A_1049 = vector.broadcast %slice3A_1048 : vector<128x1xi16> to vector<128x128xi16>
    %eq3A_1050 = arith.cmpi eq, %eq3A_1049, %add3A_800 : vector<128x128xi16>
    %convert_element_type3A_1051 = arith.extui %eq3A_1050 : vector<128x128xi1> to vector<128x128xi16>
    %add3A_1052 = arith.addi %add3A_1047, %convert_element_type3A_1051 : vector<128x128xi16>
    %convert_element_type3A_1053 = arith.sitofp %add3A_1052 : vector<128x128xi16> to vector<128x128xf32>
    %get3A_1054 = arith.constant 384 : index
    %get3A_1055 = arith.constant 0 : index
    %get3A_1056 = vector.load %arg2[%get3A_1054, %get3A_1055] : memref<1024x128xf32, #tpu.memory_space<vmem>>, vector<128x128xf32>
    %dot_general3A_1057 = arith.constant dense<0.000000e+00> : vector<128x128xf32>
    %dot_general3A_1058 = tpu.matmul %convert_element_type3A_1053, %get3A_1056, %dot_general3A_1057 {dimension_numbers = #tpu.dot_dimension_numbers<[1], [0], [0], [1], [0, 0, 1, 1], [], []>, transpose_lhs_hint = false} : vector<128x128xf32>, vector<128x128xf32>, vector<128x128xf32> -> vector<128x128xf32>
    %add3A_1059 = arith.addf %add3A_796, %dot_general3A_1058 : vector<128x128xf32>
    %iota3A_1060 = tpu.iota {dimensions = array<i32: 1>} : vector<128x128xi16>
    %add3A_1061 = arith.constant 512 : i16
    %add3A_1062 = vector.broadcast %add3A_1061 : i16 to vector<128x128xi16>
    %add3A_1063 = arith.addi %iota3A_1060, %add3A_1062 : vector<128x128xi16>
    %broadcast_in_dim3A_1064 = arith.constant 0 : i16
    %broadcast_in_dim3A_1065 = vector.broadcast %broadcast_in_dim3A_1064 : i16 to vector<128x128xi16>
    %slice3A_1066 = vector.extract_strided_slice %convert_element_type3A {offsets = [0, 0], sizes = [128, 1], strides = [1, 1]} : vector<128x50xi16> to vector<128x1xi16>
    %eq3A_1067 = vector.broadcast %slice3A_1066 : vector<128x1xi16> to vector<128x128xi16>
    %eq3A_1068 = arith.cmpi eq, %eq3A_1067, %add3A_1063 : vector<128x128xi16>
    %convert_element_type3A_1069 = arith.extui %eq3A_1068 : vector<128x128xi1> to vector<128x128xi16>
    %add3A_1070 = arith.addi %broadcast_in_dim3A_1065, %convert_element_type3A_1069 : vector<128x128xi16>
    %slice3A_1071 = vector.extract_strided_slice %convert_element_type3A {offsets = [0, 1], sizes = [128, 1], strides = [1, 1]} : vector<128x50xi16> to vector<128x1xi16>
    %eq3A_1072 = vector.broadcast %slice3A_1071 : vector<128x1xi16> to vector<128x128xi16>
    %eq3A_1073 = arith.cmpi eq, %eq3A_1072, %add3A_1063 : vector<128x128xi16>
    %convert_element_type3A_1074 = arith.extui %eq3A_1073 : vector<128x128xi1> to vector<128x128xi16>
    %add3A_1075 = arith.addi %add3A_1070, %convert_element_type3A_1074 : vector<128x128xi16>
    %slice3A_1076 = vector.extract_strided_slice %convert_element_type3A {offsets = [0, 2], sizes = [128, 1], strides = [1, 1]} : vector<128x50xi16> to vector<128x1xi16>
    %eq3A_1077 = vector.broadcast %slice3A_1076 : vector<128x1xi16> to vector<128x128xi16>
    %eq3A_1078 = arith.cmpi eq, %eq3A_1077, %add3A_1063 : vector<128x128xi16>
    %convert_element_type3A_1079 = arith.extui %eq3A_1078 : vector<128x128xi1> to vector<128x128xi16>
    %add3A_1080 = arith.addi %add3A_1075, %convert_element_type3A_1079 : vector<128x128xi16>
    %slice3A_1081 = vector.extract_strided_slice %convert_element_type3A {offsets = [0, 3], sizes = [128, 1], strides = [1, 1]} : vector<128x50xi16> to vector<128x1xi16>
    %eq3A_1082 = vector.broadcast %slice3A_1081 : vector<128x1xi16> to vector<128x128xi16>
    %eq3A_1083 = arith.cmpi eq, %eq3A_1082, %add3A_1063 : vector<128x128xi16>
    %convert_element_type3A_1084 = arith.extui %eq3A_1083 : vector<128x128xi1> to vector<128x128xi16>
    %add3A_1085 = arith.addi %add3A_1080, %convert_element_type3A_1084 : vector<128x128xi16>
    %slice3A_1086 = vector.extract_strided_slice %convert_element_type3A {offsets = [0, 4], sizes = [128, 1], strides = [1, 1]} : vector<128x50xi16> to vector<128x1xi16>
    %eq3A_1087 = vector.broadcast %slice3A_1086 : vector<128x1xi16> to vector<128x128xi16>
    %eq3A_1088 = arith.cmpi eq, %eq3A_1087, %add3A_1063 : vector<128x128xi16>
    %convert_element_type3A_1089 = arith.extui %eq3A_1088 : vector<128x128xi1> to vector<128x128xi16>
    %add3A_1090 = arith.addi %add3A_1085, %convert_element_type3A_1089 : vector<128x128xi16>
    %slice3A_1091 = vector.extract_strided_slice %convert_element_type3A {offsets = [0, 5], sizes = [128, 1], strides = [1, 1]} : vector<128x50xi16> to vector<128x1xi16>
    %eq3A_1092 = vector.broadcast %slice3A_1091 : vector<128x1xi16> to vector<128x128xi16>
    %eq3A_1093 = arith.cmpi eq, %eq3A_1092, %add3A_1063 : vector<128x128xi16>
    %convert_element_type3A_1094 = arith.extui %eq3A_1093 : vector<128x128xi1> to vector<128x128xi16>
    %add3A_1095 = arith.addi %add3A_1090, %convert_element_type3A_1094 : vector<128x128xi16>
    %slice3A_1096 = vector.extract_strided_slice %convert_element_type3A {offsets = [0, 6], sizes = [128, 1], strides = [1, 1]} : vector<128x50xi16> to vector<128x1xi16>
    %eq3A_1097 = vector.broadcast %slice3A_1096 : vector<128x1xi16> to vector<128x128xi16>
    %eq3A_1098 = arith.cmpi eq, %eq3A_1097, %add3A_1063 : vector<128x128xi16>
    %convert_element_type3A_1099 = arith.extui %eq3A_1098 : vector<128x128xi1> to vector<128x128xi16>
    %add3A_1100 = arith.addi %add3A_1095, %convert_element_type3A_1099 : vector<128x128xi16>
    %slice3A_1101 = vector.extract_strided_slice %convert_element_type3A {offsets = [0, 7], sizes = [128, 1], strides = [1, 1]} : vector<128x50xi16> to vector<128x1xi16>
    %eq3A_1102 = vector.broadcast %slice3A_1101 : vector<128x1xi16> to vector<128x128xi16>
    %eq3A_1103 = arith.cmpi eq, %eq3A_1102, %add3A_1063 : vector<128x128xi16>
    %convert_element_type3A_1104 = arith.extui %eq3A_1103 : vector<128x128xi1> to vector<128x128xi16>
    %add3A_1105 = arith.addi %add3A_1100, %convert_element_type3A_1104 : vector<128x128xi16>
    %slice3A_1106 = vector.extract_strided_slice %convert_element_type3A {offsets = [0, 8], sizes = [128, 1], strides = [1, 1]} : vector<128x50xi16> to vector<128x1xi16>
    %eq3A_1107 = vector.broadcast %slice3A_1106 : vector<128x1xi16> to vector<128x128xi16>
    %eq3A_1108 = arith.cmpi eq, %eq3A_1107, %add3A_1063 : vector<128x128xi16>
    %convert_element_type3A_1109 = arith.extui %eq3A_1108 : vector<128x128xi1> to vector<128x128xi16>
    %add3A_1110 = arith.addi %add3A_1105, %convert_element_type3A_1109 : vector<128x128xi16>
    %slice3A_1111 = vector.extract_strided_slice %convert_element_type3A {offsets = [0, 9], sizes = [128, 1], strides = [1, 1]} : vector<128x50xi16> to vector<128x1xi16>
    %eq3A_1112 = vector.broadcast %slice3A_1111 : vector<128x1xi16> to vector<128x128xi16>
    %eq3A_1113 = arith.cmpi eq, %eq3A_1112, %add3A_1063 : vector<128x128xi16>
    %convert_element_type3A_1114 = arith.extui %eq3A_1113 : vector<128x128xi1> to vector<128x128xi16>
    %add3A_1115 = arith.addi %add3A_1110, %convert_element_type3A_1114 : vector<128x128xi16>
    %slice3A_1116 = vector.extract_strided_slice %convert_element_type3A {offsets = [0, 10], sizes = [128, 1], strides = [1, 1]} : vector<128x50xi16> to vector<128x1xi16>
    %eq3A_1117 = vector.broadcast %slice3A_1116 : vector<128x1xi16> to vector<128x128xi16>
    %eq3A_1118 = arith.cmpi eq, %eq3A_1117, %add3A_1063 : vector<128x128xi16>
    %convert_element_type3A_1119 = arith.extui %eq3A_1118 : vector<128x128xi1> to vector<128x128xi16>
    %add3A_1120 = arith.addi %add3A_1115, %convert_element_type3A_1119 : vector<128x128xi16>
    %slice3A_1121 = vector.extract_strided_slice %convert_element_type3A {offsets = [0, 11], sizes = [128, 1], strides = [1, 1]} : vector<128x50xi16> to vector<128x1xi16>
    %eq3A_1122 = vector.broadcast %slice3A_1121 : vector<128x1xi16> to vector<128x128xi16>
    %eq3A_1123 = arith.cmpi eq, %eq3A_1122, %add3A_1063 : vector<128x128xi16>
    %convert_element_type3A_1124 = arith.extui %eq3A_1123 : vector<128x128xi1> to vector<128x128xi16>
    %add3A_1125 = arith.addi %add3A_1120, %convert_element_type3A_1124 : vector<128x128xi16>
    %slice3A_1126 = vector.extract_strided_slice %convert_element_type3A {offsets = [0, 12], sizes = [128, 1], strides = [1, 1]} : vector<128x50xi16> to vector<128x1xi16>
    %eq3A_1127 = vector.broadcast %slice3A_1126 : vector<128x1xi16> to vector<128x128xi16>
    %eq3A_1128 = arith.cmpi eq, %eq3A_1127, %add3A_1063 : vector<128x128xi16>
    %convert_element_type3A_1129 = arith.extui %eq3A_1128 : vector<128x128xi1> to vector<128x128xi16>
    %add3A_1130 = arith.addi %add3A_1125, %convert_element_type3A_1129 : vector<128x128xi16>
    %slice3A_1131 = vector.extract_strided_slice %convert_element_type3A {offsets = [0, 13], sizes = [128, 1], strides = [1, 1]} : vector<128x50xi16> to vector<128x1xi16>
    %eq3A_1132 = vector.broadcast %slice3A_1131 : vector<128x1xi16> to vector<128x128xi16>
    %eq3A_1133 = arith.cmpi eq, %eq3A_1132, %add3A_1063 : vector<128x128xi16>
    %convert_element_type3A_1134 = arith.extui %eq3A_1133 : vector<128x128xi1> to vector<128x128xi16>
    %add3A_1135 = arith.addi %add3A_1130, %convert_element_type3A_1134 : vector<128x128xi16>
    %slice3A_1136 = vector.extract_strided_slice %convert_element_type3A {offsets = [0, 14], sizes = [128, 1], strides = [1, 1]} : vector<128x50xi16> to vector<128x1xi16>
    %eq3A_1137 = vector.broadcast %slice3A_1136 : vector<128x1xi16> to vector<128x128xi16>
    %eq3A_1138 = arith.cmpi eq, %eq3A_1137, %add3A_1063 : vector<128x128xi16>
    %convert_element_type3A_1139 = arith.extui %eq3A_1138 : vector<128x128xi1> to vector<128x128xi16>
    %add3A_1140 = arith.addi %add3A_1135, %convert_element_type3A_1139 : vector<128x128xi16>
    %slice3A_1141 = vector.extract_strided_slice %convert_element_type3A {offsets = [0, 15], sizes = [128, 1], strides = [1, 1]} : vector<128x50xi16> to vector<128x1xi16>
    %eq3A_1142 = vector.broadcast %slice3A_1141 : vector<128x1xi16> to vector<128x128xi16>
    %eq3A_1143 = arith.cmpi eq, %eq3A_1142, %add3A_1063 : vector<128x128xi16>
    %convert_element_type3A_1144 = arith.extui %eq3A_1143 : vector<128x128xi1> to vector<128x128xi16>
    %add3A_1145 = arith.addi %add3A_1140, %convert_element_type3A_1144 : vector<128x128xi16>
    %slice3A_1146 = vector.extract_strided_slice %convert_element_type3A {offsets = [0, 16], sizes = [128, 1], strides = [1, 1]} : vector<128x50xi16> to vector<128x1xi16>
    %eq3A_1147 = vector.broadcast %slice3A_1146 : vector<128x1xi16> to vector<128x128xi16>
    %eq3A_1148 = arith.cmpi eq, %eq3A_1147, %add3A_1063 : vector<128x128xi16>
    %convert_element_type3A_1149 = arith.extui %eq3A_1148 : vector<128x128xi1> to vector<128x128xi16>
    %add3A_1150 = arith.addi %add3A_1145, %convert_element_type3A_1149 : vector<128x128xi16>
    %slice3A_1151 = vector.extract_strided_slice %convert_element_type3A {offsets = [0, 17], sizes = [128, 1], strides = [1, 1]} : vector<128x50xi16> to vector<128x1xi16>
    %eq3A_1152 = vector.broadcast %slice3A_1151 : vector<128x1xi16> to vector<128x128xi16>
    %eq3A_1153 = arith.cmpi eq, %eq3A_1152, %add3A_1063 : vector<128x128xi16>
    %convert_element_type3A_1154 = arith.extui %eq3A_1153 : vector<128x128xi1> to vector<128x128xi16>
    %add3A_1155 = arith.addi %add3A_1150, %convert_element_type3A_1154 : vector<128x128xi16>
    %slice3A_1156 = vector.extract_strided_slice %convert_element_type3A {offsets = [0, 18], sizes = [128, 1], strides = [1, 1]} : vector<128x50xi16> to vector<128x1xi16>
    %eq3A_1157 = vector.broadcast %slice3A_1156 : vector<128x1xi16> to vector<128x128xi16>
    %eq3A_1158 = arith.cmpi eq, %eq3A_1157, %add3A_1063 : vector<128x128xi16>
    %convert_element_type3A_1159 = arith.extui %eq3A_1158 : vector<128x128xi1> to vector<128x128xi16>
    %add3A_1160 = arith.addi %add3A_1155, %convert_element_type3A_1159 : vector<128x128xi16>
    %slice3A_1161 = vector.extract_strided_slice %convert_element_type3A {offsets = [0, 19], sizes = [128, 1], strides = [1, 1]} : vector<128x50xi16> to vector<128x1xi16>
    %eq3A_1162 = vector.broadcast %slice3A_1161 : vector<128x1xi16> to vector<128x128xi16>
    %eq3A_1163 = arith.cmpi eq, %eq3A_1162, %add3A_1063 : vector<128x128xi16>
    %convert_element_type3A_1164 = arith.extui %eq3A_1163 : vector<128x128xi1> to vector<128x128xi16>
    %add3A_1165 = arith.addi %add3A_1160, %convert_element_type3A_1164 : vector<128x128xi16>
    %slice3A_1166 = vector.extract_strided_slice %convert_element_type3A {offsets = [0, 20], sizes = [128, 1], strides = [1, 1]} : vector<128x50xi16> to vector<128x1xi16>
    %eq3A_1167 = vector.broadcast %slice3A_1166 : vector<128x1xi16> to vector<128x128xi16>
    %eq3A_1168 = arith.cmpi eq, %eq3A_1167, %add3A_1063 : vector<128x128xi16>
    %convert_element_type3A_1169 = arith.extui %eq3A_1168 : vector<128x128xi1> to vector<128x128xi16>
    %add3A_1170 = arith.addi %add3A_1165, %convert_element_type3A_1169 : vector<128x128xi16>
    %slice3A_1171 = vector.extract_strided_slice %convert_element_type3A {offsets = [0, 21], sizes = [128, 1], strides = [1, 1]} : vector<128x50xi16> to vector<128x1xi16>
    %eq3A_1172 = vector.broadcast %slice3A_1171 : vector<128x1xi16> to vector<128x128xi16>
    %eq3A_1173 = arith.cmpi eq, %eq3A_1172, %add3A_1063 : vector<128x128xi16>
    %convert_element_type3A_1174 = arith.extui %eq3A_1173 : vector<128x128xi1> to vector<128x128xi16>
    %add3A_1175 = arith.addi %add3A_1170, %convert_element_type3A_1174 : vector<128x128xi16>
    %slice3A_1176 = vector.extract_strided_slice %convert_element_type3A {offsets = [0, 22], sizes = [128, 1], strides = [1, 1]} : vector<128x50xi16> to vector<128x1xi16>
    %eq3A_1177 = vector.broadcast %slice3A_1176 : vector<128x1xi16> to vector<128x128xi16>
    %eq3A_1178 = arith.cmpi eq, %eq3A_1177, %add3A_1063 : vector<128x128xi16>
    %convert_element_type3A_1179 = arith.extui %eq3A_1178 : vector<128x128xi1> to vector<128x128xi16>
    %add3A_1180 = arith.addi %add3A_1175, %convert_element_type3A_1179 : vector<128x128xi16>
    %slice3A_1181 = vector.extract_strided_slice %convert_element_type3A {offsets = [0, 23], sizes = [128, 1], strides = [1, 1]} : vector<128x50xi16> to vector<128x1xi16>
    %eq3A_1182 = vector.broadcast %slice3A_1181 : vector<128x1xi16> to vector<128x128xi16>
    %eq3A_1183 = arith.cmpi eq, %eq3A_1182, %add3A_1063 : vector<128x128xi16>
    %convert_element_type3A_1184 = arith.extui %eq3A_1183 : vector<128x128xi1> to vector<128x128xi16>
    %add3A_1185 = arith.addi %add3A_1180, %convert_element_type3A_1184 : vector<128x128xi16>
    %slice3A_1186 = vector.extract_strided_slice %convert_element_type3A {offsets = [0, 24], sizes = [128, 1], strides = [1, 1]} : vector<128x50xi16> to vector<128x1xi16>
    %eq3A_1187 = vector.broadcast %slice3A_1186 : vector<128x1xi16> to vector<128x128xi16>
    %eq3A_1188 = arith.cmpi eq, %eq3A_1187, %add3A_1063 : vector<128x128xi16>
    %convert_element_type3A_1189 = arith.extui %eq3A_1188 : vector<128x128xi1> to vector<128x128xi16>
    %add3A_1190 = arith.addi %add3A_1185, %convert_element_type3A_1189 : vector<128x128xi16>
    %slice3A_1191 = vector.extract_strided_slice %convert_element_type3A {offsets = [0, 25], sizes = [128, 1], strides = [1, 1]} : vector<128x50xi16> to vector<128x1xi16>
    %eq3A_1192 = vector.broadcast %slice3A_1191 : vector<128x1xi16> to vector<128x128xi16>
    %eq3A_1193 = arith.cmpi eq, %eq3A_1192, %add3A_1063 : vector<128x128xi16>
    %convert_element_type3A_1194 = arith.extui %eq3A_1193 : vector<128x128xi1> to vector<128x128xi16>
    %add3A_1195 = arith.addi %add3A_1190, %convert_element_type3A_1194 : vector<128x128xi16>
    %slice3A_1196 = vector.extract_strided_slice %convert_element_type3A {offsets = [0, 26], sizes = [128, 1], strides = [1, 1]} : vector<128x50xi16> to vector<128x1xi16>
    %eq3A_1197 = vector.broadcast %slice3A_1196 : vector<128x1xi16> to vector<128x128xi16>
    %eq3A_1198 = arith.cmpi eq, %eq3A_1197, %add3A_1063 : vector<128x128xi16>
    %convert_element_type3A_1199 = arith.extui %eq3A_1198 : vector<128x128xi1> to vector<128x128xi16>
    %add3A_1200 = arith.addi %add3A_1195, %convert_element_type3A_1199 : vector<128x128xi16>
    %slice3A_1201 = vector.extract_strided_slice %convert_element_type3A {offsets = [0, 27], sizes = [128, 1], strides = [1, 1]} : vector<128x50xi16> to vector<128x1xi16>
    %eq3A_1202 = vector.broadcast %slice3A_1201 : vector<128x1xi16> to vector<128x128xi16>
    %eq3A_1203 = arith.cmpi eq, %eq3A_1202, %add3A_1063 : vector<128x128xi16>
    %convert_element_type3A_1204 = arith.extui %eq3A_1203 : vector<128x128xi1> to vector<128x128xi16>
    %add3A_1205 = arith.addi %add3A_1200, %convert_element_type3A_1204 : vector<128x128xi16>
    %slice3A_1206 = vector.extract_strided_slice %convert_element_type3A {offsets = [0, 28], sizes = [128, 1], strides = [1, 1]} : vector<128x50xi16> to vector<128x1xi16>
    %eq3A_1207 = vector.broadcast %slice3A_1206 : vector<128x1xi16> to vector<128x128xi16>
    %eq3A_1208 = arith.cmpi eq, %eq3A_1207, %add3A_1063 : vector<128x128xi16>
    %convert_element_type3A_1209 = arith.extui %eq3A_1208 : vector<128x128xi1> to vector<128x128xi16>
    %add3A_1210 = arith.addi %add3A_1205, %convert_element_type3A_1209 : vector<128x128xi16>
    %slice3A_1211 = vector.extract_strided_slice %convert_element_type3A {offsets = [0, 29], sizes = [128, 1], strides = [1, 1]} : vector<128x50xi16> to vector<128x1xi16>
    %eq3A_1212 = vector.broadcast %slice3A_1211 : vector<128x1xi16> to vector<128x128xi16>
    %eq3A_1213 = arith.cmpi eq, %eq3A_1212, %add3A_1063 : vector<128x128xi16>
    %convert_element_type3A_1214 = arith.extui %eq3A_1213 : vector<128x128xi1> to vector<128x128xi16>
    %add3A_1215 = arith.addi %add3A_1210, %convert_element_type3A_1214 : vector<128x128xi16>
    %slice3A_1216 = vector.extract_strided_slice %convert_element_type3A {offsets = [0, 30], sizes = [128, 1], strides = [1, 1]} : vector<128x50xi16> to vector<128x1xi16>
    %eq3A_1217 = vector.broadcast %slice3A_1216 : vector<128x1xi16> to vector<128x128xi16>
    %eq3A_1218 = arith.cmpi eq, %eq3A_1217, %add3A_1063 : vector<128x128xi16>
    %convert_element_type3A_1219 = arith.extui %eq3A_1218 : vector<128x128xi1> to vector<128x128xi16>
    %add3A_1220 = arith.addi %add3A_1215, %convert_element_type3A_1219 : vector<128x128xi16>
    %slice3A_1221 = vector.extract_strided_slice %convert_element_type3A {offsets = [0, 31], sizes = [128, 1], strides = [1, 1]} : vector<128x50xi16> to vector<128x1xi16>
    %eq3A_1222 = vector.broadcast %slice3A_1221 : vector<128x1xi16> to vector<128x128xi16>
    %eq3A_1223 = arith.cmpi eq, %eq3A_1222, %add3A_1063 : vector<128x128xi16>
    %convert_element_type3A_1224 = arith.extui %eq3A_1223 : vector<128x128xi1> to vector<128x128xi16>
    %add3A_1225 = arith.addi %add3A_1220, %convert_element_type3A_1224 : vector<128x128xi16>
    %slice3A_1226 = vector.extract_strided_slice %convert_element_type3A {offsets = [0, 32], sizes = [128, 1], strides = [1, 1]} : vector<128x50xi16> to vector<128x1xi16>
    %eq3A_1227 = vector.broadcast %slice3A_1226 : vector<128x1xi16> to vector<128x128xi16>
    %eq3A_1228 = arith.cmpi eq, %eq3A_1227, %add3A_1063 : vector<128x128xi16>
    %convert_element_type3A_1229 = arith.extui %eq3A_1228 : vector<128x128xi1> to vector<128x128xi16>
    %add3A_1230 = arith.addi %add3A_1225, %convert_element_type3A_1229 : vector<128x128xi16>
    %slice3A_1231 = vector.extract_strided_slice %convert_element_type3A {offsets = [0, 33], sizes = [128, 1], strides = [1, 1]} : vector<128x50xi16> to vector<128x1xi16>
    %eq3A_1232 = vector.broadcast %slice3A_1231 : vector<128x1xi16> to vector<128x128xi16>
    %eq3A_1233 = arith.cmpi eq, %eq3A_1232, %add3A_1063 : vector<128x128xi16>
    %convert_element_type3A_1234 = arith.extui %eq3A_1233 : vector<128x128xi1> to vector<128x128xi16>
    %add3A_1235 = arith.addi %add3A_1230, %convert_element_type3A_1234 : vector<128x128xi16>
    %slice3A_1236 = vector.extract_strided_slice %convert_element_type3A {offsets = [0, 34], sizes = [128, 1], strides = [1, 1]} : vector<128x50xi16> to vector<128x1xi16>
    %eq3A_1237 = vector.broadcast %slice3A_1236 : vector<128x1xi16> to vector<128x128xi16>
    %eq3A_1238 = arith.cmpi eq, %eq3A_1237, %add3A_1063 : vector<128x128xi16>
    %convert_element_type3A_1239 = arith.extui %eq3A_1238 : vector<128x128xi1> to vector<128x128xi16>
    %add3A_1240 = arith.addi %add3A_1235, %convert_element_type3A_1239 : vector<128x128xi16>
    %slice3A_1241 = vector.extract_strided_slice %convert_element_type3A {offsets = [0, 35], sizes = [128, 1], strides = [1, 1]} : vector<128x50xi16> to vector<128x1xi16>
    %eq3A_1242 = vector.broadcast %slice3A_1241 : vector<128x1xi16> to vector<128x128xi16>
    %eq3A_1243 = arith.cmpi eq, %eq3A_1242, %add3A_1063 : vector<128x128xi16>
    %convert_element_type3A_1244 = arith.extui %eq3A_1243 : vector<128x128xi1> to vector<128x128xi16>
    %add3A_1245 = arith.addi %add3A_1240, %convert_element_type3A_1244 : vector<128x128xi16>
    %slice3A_1246 = vector.extract_strided_slice %convert_element_type3A {offsets = [0, 36], sizes = [128, 1], strides = [1, 1]} : vector<128x50xi16> to vector<128x1xi16>
    %eq3A_1247 = vector.broadcast %slice3A_1246 : vector<128x1xi16> to vector<128x128xi16>
    %eq3A_1248 = arith.cmpi eq, %eq3A_1247, %add3A_1063 : vector<128x128xi16>
    %convert_element_type3A_1249 = arith.extui %eq3A_1248 : vector<128x128xi1> to vector<128x128xi16>
    %add3A_1250 = arith.addi %add3A_1245, %convert_element_type3A_1249 : vector<128x128xi16>
    %slice3A_1251 = vector.extract_strided_slice %convert_element_type3A {offsets = [0, 37], sizes = [128, 1], strides = [1, 1]} : vector<128x50xi16> to vector<128x1xi16>
    %eq3A_1252 = vector.broadcast %slice3A_1251 : vector<128x1xi16> to vector<128x128xi16>
    %eq3A_1253 = arith.cmpi eq, %eq3A_1252, %add3A_1063 : vector<128x128xi16>
    %convert_element_type3A_1254 = arith.extui %eq3A_1253 : vector<128x128xi1> to vector<128x128xi16>
    %add3A_1255 = arith.addi %add3A_1250, %convert_element_type3A_1254 : vector<128x128xi16>
    %slice3A_1256 = vector.extract_strided_slice %convert_element_type3A {offsets = [0, 38], sizes = [128, 1], strides = [1, 1]} : vector<128x50xi16> to vector<128x1xi16>
    %eq3A_1257 = vector.broadcast %slice3A_1256 : vector<128x1xi16> to vector<128x128xi16>
    %eq3A_1258 = arith.cmpi eq, %eq3A_1257, %add3A_1063 : vector<128x128xi16>
    %convert_element_type3A_1259 = arith.extui %eq3A_1258 : vector<128x128xi1> to vector<128x128xi16>
    %add3A_1260 = arith.addi %add3A_1255, %convert_element_type3A_1259 : vector<128x128xi16>
    %slice3A_1261 = vector.extract_strided_slice %convert_element_type3A {offsets = [0, 39], sizes = [128, 1], strides = [1, 1]} : vector<128x50xi16> to vector<128x1xi16>
    %eq3A_1262 = vector.broadcast %slice3A_1261 : vector<128x1xi16> to vector<128x128xi16>
    %eq3A_1263 = arith.cmpi eq, %eq3A_1262, %add3A_1063 : vector<128x128xi16>
    %convert_element_type3A_1264 = arith.extui %eq3A_1263 : vector<128x128xi1> to vector<128x128xi16>
    %add3A_1265 = arith.addi %add3A_1260, %convert_element_type3A_1264 : vector<128x128xi16>
    %slice3A_1266 = vector.extract_strided_slice %convert_element_type3A {offsets = [0, 40], sizes = [128, 1], strides = [1, 1]} : vector<128x50xi16> to vector<128x1xi16>
    %eq3A_1267 = vector.broadcast %slice3A_1266 : vector<128x1xi16> to vector<128x128xi16>
    %eq3A_1268 = arith.cmpi eq, %eq3A_1267, %add3A_1063 : vector<128x128xi16>
    %convert_element_type3A_1269 = arith.extui %eq3A_1268 : vector<128x128xi1> to vector<128x128xi16>
    %add3A_1270 = arith.addi %add3A_1265, %convert_element_type3A_1269 : vector<128x128xi16>
    %slice3A_1271 = vector.extract_strided_slice %convert_element_type3A {offsets = [0, 41], sizes = [128, 1], strides = [1, 1]} : vector<128x50xi16> to vector<128x1xi16>
    %eq3A_1272 = vector.broadcast %slice3A_1271 : vector<128x1xi16> to vector<128x128xi16>
    %eq3A_1273 = arith.cmpi eq, %eq3A_1272, %add3A_1063 : vector<128x128xi16>
    %convert_element_type3A_1274 = arith.extui %eq3A_1273 : vector<128x128xi1> to vector<128x128xi16>
    %add3A_1275 = arith.addi %add3A_1270, %convert_element_type3A_1274 : vector<128x128xi16>
    %slice3A_1276 = vector.extract_strided_slice %convert_element_type3A {offsets = [0, 42], sizes = [128, 1], strides = [1, 1]} : vector<128x50xi16> to vector<128x1xi16>
    %eq3A_1277 = vector.broadcast %slice3A_1276 : vector<128x1xi16> to vector<128x128xi16>
    %eq3A_1278 = arith.cmpi eq, %eq3A_1277, %add3A_1063 : vector<128x128xi16>
    %convert_element_type3A_1279 = arith.extui %eq3A_1278 : vector<128x128xi1> to vector<128x128xi16>
    %add3A_1280 = arith.addi %add3A_1275, %convert_element_type3A_1279 : vector<128x128xi16>
    %slice3A_1281 = vector.extract_strided_slice %convert_element_type3A {offsets = [0, 43], sizes = [128, 1], strides = [1, 1]} : vector<128x50xi16> to vector<128x1xi16>
    %eq3A_1282 = vector.broadcast %slice3A_1281 : vector<128x1xi16> to vector<128x128xi16>
    %eq3A_1283 = arith.cmpi eq, %eq3A_1282, %add3A_1063 : vector<128x128xi16>
    %convert_element_type3A_1284 = arith.extui %eq3A_1283 : vector<128x128xi1> to vector<128x128xi16>
    %add3A_1285 = arith.addi %add3A_1280, %convert_element_type3A_1284 : vector<128x128xi16>
    %slice3A_1286 = vector.extract_strided_slice %convert_element_type3A {offsets = [0, 44], sizes = [128, 1], strides = [1, 1]} : vector<128x50xi16> to vector<128x1xi16>
    %eq3A_1287 = vector.broadcast %slice3A_1286 : vector<128x1xi16> to vector<128x128xi16>
    %eq3A_1288 = arith.cmpi eq, %eq3A_1287, %add3A_1063 : vector<128x128xi16>
    %convert_element_type3A_1289 = arith.extui %eq3A_1288 : vector<128x128xi1> to vector<128x128xi16>
    %add3A_1290 = arith.addi %add3A_1285, %convert_element_type3A_1289 : vector<128x128xi16>
    %slice3A_1291 = vector.extract_strided_slice %convert_element_type3A {offsets = [0, 45], sizes = [128, 1], strides = [1, 1]} : vector<128x50xi16> to vector<128x1xi16>
    %eq3A_1292 = vector.broadcast %slice3A_1291 : vector<128x1xi16> to vector<128x128xi16>
    %eq3A_1293 = arith.cmpi eq, %eq3A_1292, %add3A_1063 : vector<128x128xi16>
    %convert_element_type3A_1294 = arith.extui %eq3A_1293 : vector<128x128xi1> to vector<128x128xi16>
    %add3A_1295 = arith.addi %add3A_1290, %convert_element_type3A_1294 : vector<128x128xi16>
    %slice3A_1296 = vector.extract_strided_slice %convert_element_type3A {offsets = [0, 46], sizes = [128, 1], strides = [1, 1]} : vector<128x50xi16> to vector<128x1xi16>
    %eq3A_1297 = vector.broadcast %slice3A_1296 : vector<128x1xi16> to vector<128x128xi16>
    %eq3A_1298 = arith.cmpi eq, %eq3A_1297, %add3A_1063 : vector<128x128xi16>
    %convert_element_type3A_1299 = arith.extui %eq3A_1298 : vector<128x128xi1> to vector<128x128xi16>
    %add3A_1300 = arith.addi %add3A_1295, %convert_element_type3A_1299 : vector<128x128xi16>
    %slice3A_1301 = vector.extract_strided_slice %convert_element_type3A {offsets = [0, 47], sizes = [128, 1], strides = [1, 1]} : vector<128x50xi16> to vector<128x1xi16>
    %eq3A_1302 = vector.broadcast %slice3A_1301 : vector<128x1xi16> to vector<128x128xi16>
    %eq3A_1303 = arith.cmpi eq, %eq3A_1302, %add3A_1063 : vector<128x128xi16>
    %convert_element_type3A_1304 = arith.extui %eq3A_1303 : vector<128x128xi1> to vector<128x128xi16>
    %add3A_1305 = arith.addi %add3A_1300, %convert_element_type3A_1304 : vector<128x128xi16>
    %slice3A_1306 = vector.extract_strided_slice %convert_element_type3A {offsets = [0, 48], sizes = [128, 1], strides = [1, 1]} : vector<128x50xi16> to vector<128x1xi16>
    %eq3A_1307 = vector.broadcast %slice3A_1306 : vector<128x1xi16> to vector<128x128xi16>
    %eq3A_1308 = arith.cmpi eq, %eq3A_1307, %add3A_1063 : vector<128x128xi16>
    %convert_element_type3A_1309 = arith.extui %eq3A_1308 : vector<128x128xi1> to vector<128x128xi16>
    %add3A_1310 = arith.addi %add3A_1305, %convert_element_type3A_1309 : vector<128x128xi16>
    %slice3A_1311 = vector.extract_strided_slice %convert_element_type3A {offsets = [0, 49], sizes = [128, 1], strides = [1, 1]} : vector<128x50xi16> to vector<128x1xi16>
    %eq3A_1312 = vector.broadcast %slice3A_1311 : vector<128x1xi16> to vector<128x128xi16>
    %eq3A_1313 = arith.cmpi eq, %eq3A_1312, %add3A_1063 : vector<128x128xi16>
    %convert_element_type3A_1314 = arith.extui %eq3A_1313 : vector<128x128xi1> to vector<128x128xi16>
    %add3A_1315 = arith.addi %add3A_1310, %convert_element_type3A_1314 : vector<128x128xi16>
    %convert_element_type3A_1316 = arith.sitofp %add3A_1315 : vector<128x128xi16> to vector<128x128xf32>
    %get3A_1317 = arith.constant 512 : index
    %get3A_1318 = arith.constant 0 : index
    %get3A_1319 = vector.load %arg2[%get3A_1317, %get3A_1318] : memref<1024x128xf32, #tpu.memory_space<vmem>>, vector<128x128xf32>
    %dot_general3A_1320 = arith.constant dense<0.000000e+00> : vector<128x128xf32>
    %dot_general3A_1321 = tpu.matmul %convert_element_type3A_1316, %get3A_1319, %dot_general3A_1320 {dimension_numbers = #tpu.dot_dimension_numbers<[1], [0], [0], [1], [0, 0, 1, 1], [], []>, transpose_lhs_hint = false} : vector<128x128xf32>, vector<128x128xf32>, vector<128x128xf32> -> vector<128x128xf32>
    %add3A_1322 = arith.addf %add3A_1059, %dot_general3A_1321 : vector<128x128xf32>
    %iota3A_1323 = tpu.iota {dimensions = array<i32: 1>} : vector<128x128xi16>
    %add3A_1324 = arith.constant 640 : i16
    %add3A_1325 = vector.broadcast %add3A_1324 : i16 to vector<128x128xi16>
    %add3A_1326 = arith.addi %iota3A_1323, %add3A_1325 : vector<128x128xi16>
    %broadcast_in_dim3A_1327 = arith.constant 0 : i16
    %broadcast_in_dim3A_1328 = vector.broadcast %broadcast_in_dim3A_1327 : i16 to vector<128x128xi16>
    %slice3A_1329 = vector.extract_strided_slice %convert_element_type3A {offsets = [0, 0], sizes = [128, 1], strides = [1, 1]} : vector<128x50xi16> to vector<128x1xi16>
    %eq3A_1330 = vector.broadcast %slice3A_1329 : vector<128x1xi16> to vector<128x128xi16>
    %eq3A_1331 = arith.cmpi eq, %eq3A_1330, %add3A_1326 : vector<128x128xi16>
    %convert_element_type3A_1332 = arith.extui %eq3A_1331 : vector<128x128xi1> to vector<128x128xi16>
    %add3A_1333 = arith.addi %broadcast_in_dim3A_1328, %convert_element_type3A_1332 : vector<128x128xi16>
    %slice3A_1334 = vector.extract_strided_slice %convert_element_type3A {offsets = [0, 1], sizes = [128, 1], strides = [1, 1]} : vector<128x50xi16> to vector<128x1xi16>
    %eq3A_1335 = vector.broadcast %slice3A_1334 : vector<128x1xi16> to vector<128x128xi16>
    %eq3A_1336 = arith.cmpi eq, %eq3A_1335, %add3A_1326 : vector<128x128xi16>
    %convert_element_type3A_1337 = arith.extui %eq3A_1336 : vector<128x128xi1> to vector<128x128xi16>
    %add3A_1338 = arith.addi %add3A_1333, %convert_element_type3A_1337 : vector<128x128xi16>
    %slice3A_1339 = vector.extract_strided_slice %convert_element_type3A {offsets = [0, 2], sizes = [128, 1], strides = [1, 1]} : vector<128x50xi16> to vector<128x1xi16>
    %eq3A_1340 = vector.broadcast %slice3A_1339 : vector<128x1xi16> to vector<128x128xi16>
    %eq3A_1341 = arith.cmpi eq, %eq3A_1340, %add3A_1326 : vector<128x128xi16>
    %convert_element_type3A_1342 = arith.extui %eq3A_1341 : vector<128x128xi1> to vector<128x128xi16>
    %add3A_1343 = arith.addi %add3A_1338, %convert_element_type3A_1342 : vector<128x128xi16>
    %slice3A_1344 = vector.extract_strided_slice %convert_element_type3A {offsets = [0, 3], sizes = [128, 1], strides = [1, 1]} : vector<128x50xi16> to vector<128x1xi16>
    %eq3A_1345 = vector.broadcast %slice3A_1344 : vector<128x1xi16> to vector<128x128xi16>
    %eq3A_1346 = arith.cmpi eq, %eq3A_1345, %add3A_1326 : vector<128x128xi16>
    %convert_element_type3A_1347 = arith.extui %eq3A_1346 : vector<128x128xi1> to vector<128x128xi16>
    %add3A_1348 = arith.addi %add3A_1343, %convert_element_type3A_1347 : vector<128x128xi16>
    %slice3A_1349 = vector.extract_strided_slice %convert_element_type3A {offsets = [0, 4], sizes = [128, 1], strides = [1, 1]} : vector<128x50xi16> to vector<128x1xi16>
    %eq3A_1350 = vector.broadcast %slice3A_1349 : vector<128x1xi16> to vector<128x128xi16>
    %eq3A_1351 = arith.cmpi eq, %eq3A_1350, %add3A_1326 : vector<128x128xi16>
    %convert_element_type3A_1352 = arith.extui %eq3A_1351 : vector<128x128xi1> to vector<128x128xi16>
    %add3A_1353 = arith.addi %add3A_1348, %convert_element_type3A_1352 : vector<128x128xi16>
    %slice3A_1354 = vector.extract_strided_slice %convert_element_type3A {offsets = [0, 5], sizes = [128, 1], strides = [1, 1]} : vector<128x50xi16> to vector<128x1xi16>
    %eq3A_1355 = vector.broadcast %slice3A_1354 : vector<128x1xi16> to vector<128x128xi16>
    %eq3A_1356 = arith.cmpi eq, %eq3A_1355, %add3A_1326 : vector<128x128xi16>
    %convert_element_type3A_1357 = arith.extui %eq3A_1356 : vector<128x128xi1> to vector<128x128xi16>
    %add3A_1358 = arith.addi %add3A_1353, %convert_element_type3A_1357 : vector<128x128xi16>
    %slice3A_1359 = vector.extract_strided_slice %convert_element_type3A {offsets = [0, 6], sizes = [128, 1], strides = [1, 1]} : vector<128x50xi16> to vector<128x1xi16>
    %eq3A_1360 = vector.broadcast %slice3A_1359 : vector<128x1xi16> to vector<128x128xi16>
    %eq3A_1361 = arith.cmpi eq, %eq3A_1360, %add3A_1326 : vector<128x128xi16>
    %convert_element_type3A_1362 = arith.extui %eq3A_1361 : vector<128x128xi1> to vector<128x128xi16>
    %add3A_1363 = arith.addi %add3A_1358, %convert_element_type3A_1362 : vector<128x128xi16>
    %slice3A_1364 = vector.extract_strided_slice %convert_element_type3A {offsets = [0, 7], sizes = [128, 1], strides = [1, 1]} : vector<128x50xi16> to vector<128x1xi16>
    %eq3A_1365 = vector.broadcast %slice3A_1364 : vector<128x1xi16> to vector<128x128xi16>
    %eq3A_1366 = arith.cmpi eq, %eq3A_1365, %add3A_1326 : vector<128x128xi16>
    %convert_element_type3A_1367 = arith.extui %eq3A_1366 : vector<128x128xi1> to vector<128x128xi16>
    %add3A_1368 = arith.addi %add3A_1363, %convert_element_type3A_1367 : vector<128x128xi16>
    %slice3A_1369 = vector.extract_strided_slice %convert_element_type3A {offsets = [0, 8], sizes = [128, 1], strides = [1, 1]} : vector<128x50xi16> to vector<128x1xi16>
    %eq3A_1370 = vector.broadcast %slice3A_1369 : vector<128x1xi16> to vector<128x128xi16>
    %eq3A_1371 = arith.cmpi eq, %eq3A_1370, %add3A_1326 : vector<128x128xi16>
    %convert_element_type3A_1372 = arith.extui %eq3A_1371 : vector<128x128xi1> to vector<128x128xi16>
    %add3A_1373 = arith.addi %add3A_1368, %convert_element_type3A_1372 : vector<128x128xi16>
    %slice3A_1374 = vector.extract_strided_slice %convert_element_type3A {offsets = [0, 9], sizes = [128, 1], strides = [1, 1]} : vector<128x50xi16> to vector<128x1xi16>
    %eq3A_1375 = vector.broadcast %slice3A_1374 : vector<128x1xi16> to vector<128x128xi16>
    %eq3A_1376 = arith.cmpi eq, %eq3A_1375, %add3A_1326 : vector<128x128xi16>
    %convert_element_type3A_1377 = arith.extui %eq3A_1376 : vector<128x128xi1> to vector<128x128xi16>
    %add3A_1378 = arith.addi %add3A_1373, %convert_element_type3A_1377 : vector<128x128xi16>
    %slice3A_1379 = vector.extract_strided_slice %convert_element_type3A {offsets = [0, 10], sizes = [128, 1], strides = [1, 1]} : vector<128x50xi16> to vector<128x1xi16>
    %eq3A_1380 = vector.broadcast %slice3A_1379 : vector<128x1xi16> to vector<128x128xi16>
    %eq3A_1381 = arith.cmpi eq, %eq3A_1380, %add3A_1326 : vector<128x128xi16>
    %convert_element_type3A_1382 = arith.extui %eq3A_1381 : vector<128x128xi1> to vector<128x128xi16>
    %add3A_1383 = arith.addi %add3A_1378, %convert_element_type3A_1382 : vector<128x128xi16>
    %slice3A_1384 = vector.extract_strided_slice %convert_element_type3A {offsets = [0, 11], sizes = [128, 1], strides = [1, 1]} : vector<128x50xi16> to vector<128x1xi16>
    %eq3A_1385 = vector.broadcast %slice3A_1384 : vector<128x1xi16> to vector<128x128xi16>
    %eq3A_1386 = arith.cmpi eq, %eq3A_1385, %add3A_1326 : vector<128x128xi16>
    %convert_element_type3A_1387 = arith.extui %eq3A_1386 : vector<128x128xi1> to vector<128x128xi16>
    %add3A_1388 = arith.addi %add3A_1383, %convert_element_type3A_1387 : vector<128x128xi16>
    %slice3A_1389 = vector.extract_strided_slice %convert_element_type3A {offsets = [0, 12], sizes = [128, 1], strides = [1, 1]} : vector<128x50xi16> to vector<128x1xi16>
    %eq3A_1390 = vector.broadcast %slice3A_1389 : vector<128x1xi16> to vector<128x128xi16>
    %eq3A_1391 = arith.cmpi eq, %eq3A_1390, %add3A_1326 : vector<128x128xi16>
    %convert_element_type3A_1392 = arith.extui %eq3A_1391 : vector<128x128xi1> to vector<128x128xi16>
    %add3A_1393 = arith.addi %add3A_1388, %convert_element_type3A_1392 : vector<128x128xi16>
    %slice3A_1394 = vector.extract_strided_slice %convert_element_type3A {offsets = [0, 13], sizes = [128, 1], strides = [1, 1]} : vector<128x50xi16> to vector<128x1xi16>
    %eq3A_1395 = vector.broadcast %slice3A_1394 : vector<128x1xi16> to vector<128x128xi16>
    %eq3A_1396 = arith.cmpi eq, %eq3A_1395, %add3A_1326 : vector<128x128xi16>
    %convert_element_type3A_1397 = arith.extui %eq3A_1396 : vector<128x128xi1> to vector<128x128xi16>
    %add3A_1398 = arith.addi %add3A_1393, %convert_element_type3A_1397 : vector<128x128xi16>
    %slice3A_1399 = vector.extract_strided_slice %convert_element_type3A {offsets = [0, 14], sizes = [128, 1], strides = [1, 1]} : vector<128x50xi16> to vector<128x1xi16>
    %eq3A_1400 = vector.broadcast %slice3A_1399 : vector<128x1xi16> to vector<128x128xi16>
    %eq3A_1401 = arith.cmpi eq, %eq3A_1400, %add3A_1326 : vector<128x128xi16>
    %convert_element_type3A_1402 = arith.extui %eq3A_1401 : vector<128x128xi1> to vector<128x128xi16>
    %add3A_1403 = arith.addi %add3A_1398, %convert_element_type3A_1402 : vector<128x128xi16>
    %slice3A_1404 = vector.extract_strided_slice %convert_element_type3A {offsets = [0, 15], sizes = [128, 1], strides = [1, 1]} : vector<128x50xi16> to vector<128x1xi16>
    %eq3A_1405 = vector.broadcast %slice3A_1404 : vector<128x1xi16> to vector<128x128xi16>
    %eq3A_1406 = arith.cmpi eq, %eq3A_1405, %add3A_1326 : vector<128x128xi16>
    %convert_element_type3A_1407 = arith.extui %eq3A_1406 : vector<128x128xi1> to vector<128x128xi16>
    %add3A_1408 = arith.addi %add3A_1403, %convert_element_type3A_1407 : vector<128x128xi16>
    %slice3A_1409 = vector.extract_strided_slice %convert_element_type3A {offsets = [0, 16], sizes = [128, 1], strides = [1, 1]} : vector<128x50xi16> to vector<128x1xi16>
    %eq3A_1410 = vector.broadcast %slice3A_1409 : vector<128x1xi16> to vector<128x128xi16>
    %eq3A_1411 = arith.cmpi eq, %eq3A_1410, %add3A_1326 : vector<128x128xi16>
    %convert_element_type3A_1412 = arith.extui %eq3A_1411 : vector<128x128xi1> to vector<128x128xi16>
    %add3A_1413 = arith.addi %add3A_1408, %convert_element_type3A_1412 : vector<128x128xi16>
    %slice3A_1414 = vector.extract_strided_slice %convert_element_type3A {offsets = [0, 17], sizes = [128, 1], strides = [1, 1]} : vector<128x50xi16> to vector<128x1xi16>
    %eq3A_1415 = vector.broadcast %slice3A_1414 : vector<128x1xi16> to vector<128x128xi16>
    %eq3A_1416 = arith.cmpi eq, %eq3A_1415, %add3A_1326 : vector<128x128xi16>
    %convert_element_type3A_1417 = arith.extui %eq3A_1416 : vector<128x128xi1> to vector<128x128xi16>
    %add3A_1418 = arith.addi %add3A_1413, %convert_element_type3A_1417 : vector<128x128xi16>
    %slice3A_1419 = vector.extract_strided_slice %convert_element_type3A {offsets = [0, 18], sizes = [128, 1], strides = [1, 1]} : vector<128x50xi16> to vector<128x1xi16>
    %eq3A_1420 = vector.broadcast %slice3A_1419 : vector<128x1xi16> to vector<128x128xi16>
    %eq3A_1421 = arith.cmpi eq, %eq3A_1420, %add3A_1326 : vector<128x128xi16>
    %convert_element_type3A_1422 = arith.extui %eq3A_1421 : vector<128x128xi1> to vector<128x128xi16>
    %add3A_1423 = arith.addi %add3A_1418, %convert_element_type3A_1422 : vector<128x128xi16>
    %slice3A_1424 = vector.extract_strided_slice %convert_element_type3A {offsets = [0, 19], sizes = [128, 1], strides = [1, 1]} : vector<128x50xi16> to vector<128x1xi16>
    %eq3A_1425 = vector.broadcast %slice3A_1424 : vector<128x1xi16> to vector<128x128xi16>
    %eq3A_1426 = arith.cmpi eq, %eq3A_1425, %add3A_1326 : vector<128x128xi16>
    %convert_element_type3A_1427 = arith.extui %eq3A_1426 : vector<128x128xi1> to vector<128x128xi16>
    %add3A_1428 = arith.addi %add3A_1423, %convert_element_type3A_1427 : vector<128x128xi16>
    %slice3A_1429 = vector.extract_strided_slice %convert_element_type3A {offsets = [0, 20], sizes = [128, 1], strides = [1, 1]} : vector<128x50xi16> to vector<128x1xi16>
    %eq3A_1430 = vector.broadcast %slice3A_1429 : vector<128x1xi16> to vector<128x128xi16>
    %eq3A_1431 = arith.cmpi eq, %eq3A_1430, %add3A_1326 : vector<128x128xi16>
    %convert_element_type3A_1432 = arith.extui %eq3A_1431 : vector<128x128xi1> to vector<128x128xi16>
    %add3A_1433 = arith.addi %add3A_1428, %convert_element_type3A_1432 : vector<128x128xi16>
    %slice3A_1434 = vector.extract_strided_slice %convert_element_type3A {offsets = [0, 21], sizes = [128, 1], strides = [1, 1]} : vector<128x50xi16> to vector<128x1xi16>
    %eq3A_1435 = vector.broadcast %slice3A_1434 : vector<128x1xi16> to vector<128x128xi16>
    %eq3A_1436 = arith.cmpi eq, %eq3A_1435, %add3A_1326 : vector<128x128xi16>
    %convert_element_type3A_1437 = arith.extui %eq3A_1436 : vector<128x128xi1> to vector<128x128xi16>
    %add3A_1438 = arith.addi %add3A_1433, %convert_element_type3A_1437 : vector<128x128xi16>
    %slice3A_1439 = vector.extract_strided_slice %convert_element_type3A {offsets = [0, 22], sizes = [128, 1], strides = [1, 1]} : vector<128x50xi16> to vector<128x1xi16>
    %eq3A_1440 = vector.broadcast %slice3A_1439 : vector<128x1xi16> to vector<128x128xi16>
    %eq3A_1441 = arith.cmpi eq, %eq3A_1440, %add3A_1326 : vector<128x128xi16>
    %convert_element_type3A_1442 = arith.extui %eq3A_1441 : vector<128x128xi1> to vector<128x128xi16>
    %add3A_1443 = arith.addi %add3A_1438, %convert_element_type3A_1442 : vector<128x128xi16>
    %slice3A_1444 = vector.extract_strided_slice %convert_element_type3A {offsets = [0, 23], sizes = [128, 1], strides = [1, 1]} : vector<128x50xi16> to vector<128x1xi16>
    %eq3A_1445 = vector.broadcast %slice3A_1444 : vector<128x1xi16> to vector<128x128xi16>
    %eq3A_1446 = arith.cmpi eq, %eq3A_1445, %add3A_1326 : vector<128x128xi16>
    %convert_element_type3A_1447 = arith.extui %eq3A_1446 : vector<128x128xi1> to vector<128x128xi16>
    %add3A_1448 = arith.addi %add3A_1443, %convert_element_type3A_1447 : vector<128x128xi16>
    %slice3A_1449 = vector.extract_strided_slice %convert_element_type3A {offsets = [0, 24], sizes = [128, 1], strides = [1, 1]} : vector<128x50xi16> to vector<128x1xi16>
    %eq3A_1450 = vector.broadcast %slice3A_1449 : vector<128x1xi16> to vector<128x128xi16>
    %eq3A_1451 = arith.cmpi eq, %eq3A_1450, %add3A_1326 : vector<128x128xi16>
    %convert_element_type3A_1452 = arith.extui %eq3A_1451 : vector<128x128xi1> to vector<128x128xi16>
    %add3A_1453 = arith.addi %add3A_1448, %convert_element_type3A_1452 : vector<128x128xi16>
    %slice3A_1454 = vector.extract_strided_slice %convert_element_type3A {offsets = [0, 25], sizes = [128, 1], strides = [1, 1]} : vector<128x50xi16> to vector<128x1xi16>
    %eq3A_1455 = vector.broadcast %slice3A_1454 : vector<128x1xi16> to vector<128x128xi16>
    %eq3A_1456 = arith.cmpi eq, %eq3A_1455, %add3A_1326 : vector<128x128xi16>
    %convert_element_type3A_1457 = arith.extui %eq3A_1456 : vector<128x128xi1> to vector<128x128xi16>
    %add3A_1458 = arith.addi %add3A_1453, %convert_element_type3A_1457 : vector<128x128xi16>
    %slice3A_1459 = vector.extract_strided_slice %convert_element_type3A {offsets = [0, 26], sizes = [128, 1], strides = [1, 1]} : vector<128x50xi16> to vector<128x1xi16>
    %eq3A_1460 = vector.broadcast %slice3A_1459 : vector<128x1xi16> to vector<128x128xi16>
    %eq3A_1461 = arith.cmpi eq, %eq3A_1460, %add3A_1326 : vector<128x128xi16>
    %convert_element_type3A_1462 = arith.extui %eq3A_1461 : vector<128x128xi1> to vector<128x128xi16>
    %add3A_1463 = arith.addi %add3A_1458, %convert_element_type3A_1462 : vector<128x128xi16>
    %slice3A_1464 = vector.extract_strided_slice %convert_element_type3A {offsets = [0, 27], sizes = [128, 1], strides = [1, 1]} : vector<128x50xi16> to vector<128x1xi16>
    %eq3A_1465 = vector.broadcast %slice3A_1464 : vector<128x1xi16> to vector<128x128xi16>
    %eq3A_1466 = arith.cmpi eq, %eq3A_1465, %add3A_1326 : vector<128x128xi16>
    %convert_element_type3A_1467 = arith.extui %eq3A_1466 : vector<128x128xi1> to vector<128x128xi16>
    %add3A_1468 = arith.addi %add3A_1463, %convert_element_type3A_1467 : vector<128x128xi16>
    %slice3A_1469 = vector.extract_strided_slice %convert_element_type3A {offsets = [0, 28], sizes = [128, 1], strides = [1, 1]} : vector<128x50xi16> to vector<128x1xi16>
    %eq3A_1470 = vector.broadcast %slice3A_1469 : vector<128x1xi16> to vector<128x128xi16>
    %eq3A_1471 = arith.cmpi eq, %eq3A_1470, %add3A_1326 : vector<128x128xi16>
    %convert_element_type3A_1472 = arith.extui %eq3A_1471 : vector<128x128xi1> to vector<128x128xi16>
    %add3A_1473 = arith.addi %add3A_1468, %convert_element_type3A_1472 : vector<128x128xi16>
    %slice3A_1474 = vector.extract_strided_slice %convert_element_type3A {offsets = [0, 29], sizes = [128, 1], strides = [1, 1]} : vector<128x50xi16> to vector<128x1xi16>
    %eq3A_1475 = vector.broadcast %slice3A_1474 : vector<128x1xi16> to vector<128x128xi16>
    %eq3A_1476 = arith.cmpi eq, %eq3A_1475, %add3A_1326 : vector<128x128xi16>
    %convert_element_type3A_1477 = arith.extui %eq3A_1476 : vector<128x128xi1> to vector<128x128xi16>
    %add3A_1478 = arith.addi %add3A_1473, %convert_element_type3A_1477 : vector<128x128xi16>
    %slice3A_1479 = vector.extract_strided_slice %convert_element_type3A {offsets = [0, 30], sizes = [128, 1], strides = [1, 1]} : vector<128x50xi16> to vector<128x1xi16>
    %eq3A_1480 = vector.broadcast %slice3A_1479 : vector<128x1xi16> to vector<128x128xi16>
    %eq3A_1481 = arith.cmpi eq, %eq3A_1480, %add3A_1326 : vector<128x128xi16>
    %convert_element_type3A_1482 = arith.extui %eq3A_1481 : vector<128x128xi1> to vector<128x128xi16>
    %add3A_1483 = arith.addi %add3A_1478, %convert_element_type3A_1482 : vector<128x128xi16>
    %slice3A_1484 = vector.extract_strided_slice %convert_element_type3A {offsets = [0, 31], sizes = [128, 1], strides = [1, 1]} : vector<128x50xi16> to vector<128x1xi16>
    %eq3A_1485 = vector.broadcast %slice3A_1484 : vector<128x1xi16> to vector<128x128xi16>
    %eq3A_1486 = arith.cmpi eq, %eq3A_1485, %add3A_1326 : vector<128x128xi16>
    %convert_element_type3A_1487 = arith.extui %eq3A_1486 : vector<128x128xi1> to vector<128x128xi16>
    %add3A_1488 = arith.addi %add3A_1483, %convert_element_type3A_1487 : vector<128x128xi16>
    %slice3A_1489 = vector.extract_strided_slice %convert_element_type3A {offsets = [0, 32], sizes = [128, 1], strides = [1, 1]} : vector<128x50xi16> to vector<128x1xi16>
    %eq3A_1490 = vector.broadcast %slice3A_1489 : vector<128x1xi16> to vector<128x128xi16>
    %eq3A_1491 = arith.cmpi eq, %eq3A_1490, %add3A_1326 : vector<128x128xi16>
    %convert_element_type3A_1492 = arith.extui %eq3A_1491 : vector<128x128xi1> to vector<128x128xi16>
    %add3A_1493 = arith.addi %add3A_1488, %convert_element_type3A_1492 : vector<128x128xi16>
    %slice3A_1494 = vector.extract_strided_slice %convert_element_type3A {offsets = [0, 33], sizes = [128, 1], strides = [1, 1]} : vector<128x50xi16> to vector<128x1xi16>
    %eq3A_1495 = vector.broadcast %slice3A_1494 : vector<128x1xi16> to vector<128x128xi16>
    %eq3A_1496 = arith.cmpi eq, %eq3A_1495, %add3A_1326 : vector<128x128xi16>
    %convert_element_type3A_1497 = arith.extui %eq3A_1496 : vector<128x128xi1> to vector<128x128xi16>
    %add3A_1498 = arith.addi %add3A_1493, %convert_element_type3A_1497 : vector<128x128xi16>
    %slice3A_1499 = vector.extract_strided_slice %convert_element_type3A {offsets = [0, 34], sizes = [128, 1], strides = [1, 1]} : vector<128x50xi16> to vector<128x1xi16>
    %eq3A_1500 = vector.broadcast %slice3A_1499 : vector<128x1xi16> to vector<128x128xi16>
    %eq3A_1501 = arith.cmpi eq, %eq3A_1500, %add3A_1326 : vector<128x128xi16>
    %convert_element_type3A_1502 = arith.extui %eq3A_1501 : vector<128x128xi1> to vector<128x128xi16>
    %add3A_1503 = arith.addi %add3A_1498, %convert_element_type3A_1502 : vector<128x128xi16>
    %slice3A_1504 = vector.extract_strided_slice %convert_element_type3A {offsets = [0, 35], sizes = [128, 1], strides = [1, 1]} : vector<128x50xi16> to vector<128x1xi16>
    %eq3A_1505 = vector.broadcast %slice3A_1504 : vector<128x1xi16> to vector<128x128xi16>
    %eq3A_1506 = arith.cmpi eq, %eq3A_1505, %add3A_1326 : vector<128x128xi16>
    %convert_element_type3A_1507 = arith.extui %eq3A_1506 : vector<128x128xi1> to vector<128x128xi16>
    %add3A_1508 = arith.addi %add3A_1503, %convert_element_type3A_1507 : vector<128x128xi16>
    %slice3A_1509 = vector.extract_strided_slice %convert_element_type3A {offsets = [0, 36], sizes = [128, 1], strides = [1, 1]} : vector<128x50xi16> to vector<128x1xi16>
    %eq3A_1510 = vector.broadcast %slice3A_1509 : vector<128x1xi16> to vector<128x128xi16>
    %eq3A_1511 = arith.cmpi eq, %eq3A_1510, %add3A_1326 : vector<128x128xi16>
    %convert_element_type3A_1512 = arith.extui %eq3A_1511 : vector<128x128xi1> to vector<128x128xi16>
    %add3A_1513 = arith.addi %add3A_1508, %convert_element_type3A_1512 : vector<128x128xi16>
    %slice3A_1514 = vector.extract_strided_slice %convert_element_type3A {offsets = [0, 37], sizes = [128, 1], strides = [1, 1]} : vector<128x50xi16> to vector<128x1xi16>
    %eq3A_1515 = vector.broadcast %slice3A_1514 : vector<128x1xi16> to vector<128x128xi16>
    %eq3A_1516 = arith.cmpi eq, %eq3A_1515, %add3A_1326 : vector<128x128xi16>
    %convert_element_type3A_1517 = arith.extui %eq3A_1516 : vector<128x128xi1> to vector<128x128xi16>
    %add3A_1518 = arith.addi %add3A_1513, %convert_element_type3A_1517 : vector<128x128xi16>
    %slice3A_1519 = vector.extract_strided_slice %convert_element_type3A {offsets = [0, 38], sizes = [128, 1], strides = [1, 1]} : vector<128x50xi16> to vector<128x1xi16>
    %eq3A_1520 = vector.broadcast %slice3A_1519 : vector<128x1xi16> to vector<128x128xi16>
    %eq3A_1521 = arith.cmpi eq, %eq3A_1520, %add3A_1326 : vector<128x128xi16>
    %convert_element_type3A_1522 = arith.extui %eq3A_1521 : vector<128x128xi1> to vector<128x128xi16>
    %add3A_1523 = arith.addi %add3A_1518, %convert_element_type3A_1522 : vector<128x128xi16>
    %slice3A_1524 = vector.extract_strided_slice %convert_element_type3A {offsets = [0, 39], sizes = [128, 1], strides = [1, 1]} : vector<128x50xi16> to vector<128x1xi16>
    %eq3A_1525 = vector.broadcast %slice3A_1524 : vector<128x1xi16> to vector<128x128xi16>
    %eq3A_1526 = arith.cmpi eq, %eq3A_1525, %add3A_1326 : vector<128x128xi16>
    %convert_element_type3A_1527 = arith.extui %eq3A_1526 : vector<128x128xi1> to vector<128x128xi16>
    %add3A_1528 = arith.addi %add3A_1523, %convert_element_type3A_1527 : vector<128x128xi16>
    %slice3A_1529 = vector.extract_strided_slice %convert_element_type3A {offsets = [0, 40], sizes = [128, 1], strides = [1, 1]} : vector<128x50xi16> to vector<128x1xi16>
    %eq3A_1530 = vector.broadcast %slice3A_1529 : vector<128x1xi16> to vector<128x128xi16>
    %eq3A_1531 = arith.cmpi eq, %eq3A_1530, %add3A_1326 : vector<128x128xi16>
    %convert_element_type3A_1532 = arith.extui %eq3A_1531 : vector<128x128xi1> to vector<128x128xi16>
    %add3A_1533 = arith.addi %add3A_1528, %convert_element_type3A_1532 : vector<128x128xi16>
    %slice3A_1534 = vector.extract_strided_slice %convert_element_type3A {offsets = [0, 41], sizes = [128, 1], strides = [1, 1]} : vector<128x50xi16> to vector<128x1xi16>
    %eq3A_1535 = vector.broadcast %slice3A_1534 : vector<128x1xi16> to vector<128x128xi16>
    %eq3A_1536 = arith.cmpi eq, %eq3A_1535, %add3A_1326 : vector<128x128xi16>
    %convert_element_type3A_1537 = arith.extui %eq3A_1536 : vector<128x128xi1> to vector<128x128xi16>
    %add3A_1538 = arith.addi %add3A_1533, %convert_element_type3A_1537 : vector<128x128xi16>
    %slice3A_1539 = vector.extract_strided_slice %convert_element_type3A {offsets = [0, 42], sizes = [128, 1], strides = [1, 1]} : vector<128x50xi16> to vector<128x1xi16>
    %eq3A_1540 = vector.broadcast %slice3A_1539 : vector<128x1xi16> to vector<128x128xi16>
    %eq3A_1541 = arith.cmpi eq, %eq3A_1540, %add3A_1326 : vector<128x128xi16>
    %convert_element_type3A_1542 = arith.extui %eq3A_1541 : vector<128x128xi1> to vector<128x128xi16>
    %add3A_1543 = arith.addi %add3A_1538, %convert_element_type3A_1542 : vector<128x128xi16>
    %slice3A_1544 = vector.extract_strided_slice %convert_element_type3A {offsets = [0, 43], sizes = [128, 1], strides = [1, 1]} : vector<128x50xi16> to vector<128x1xi16>
    %eq3A_1545 = vector.broadcast %slice3A_1544 : vector<128x1xi16> to vector<128x128xi16>
    %eq3A_1546 = arith.cmpi eq, %eq3A_1545, %add3A_1326 : vector<128x128xi16>
    %convert_element_type3A_1547 = arith.extui %eq3A_1546 : vector<128x128xi1> to vector<128x128xi16>
    %add3A_1548 = arith.addi %add3A_1543, %convert_element_type3A_1547 : vector<128x128xi16>
    %slice3A_1549 = vector.extract_strided_slice %convert_element_type3A {offsets = [0, 44], sizes = [128, 1], strides = [1, 1]} : vector<128x50xi16> to vector<128x1xi16>
    %eq3A_1550 = vector.broadcast %slice3A_1549 : vector<128x1xi16> to vector<128x128xi16>
    %eq3A_1551 = arith.cmpi eq, %eq3A_1550, %add3A_1326 : vector<128x128xi16>
    %convert_element_type3A_1552 = arith.extui %eq3A_1551 : vector<128x128xi1> to vector<128x128xi16>
    %add3A_1553 = arith.addi %add3A_1548, %convert_element_type3A_1552 : vector<128x128xi16>
    %slice3A_1554 = vector.extract_strided_slice %convert_element_type3A {offsets = [0, 45], sizes = [128, 1], strides = [1, 1]} : vector<128x50xi16> to vector<128x1xi16>
    %eq3A_1555 = vector.broadcast %slice3A_1554 : vector<128x1xi16> to vector<128x128xi16>
    %eq3A_1556 = arith.cmpi eq, %eq3A_1555, %add3A_1326 : vector<128x128xi16>
    %convert_element_type3A_1557 = arith.extui %eq3A_1556 : vector<128x128xi1> to vector<128x128xi16>
    %add3A_1558 = arith.addi %add3A_1553, %convert_element_type3A_1557 : vector<128x128xi16>
    %slice3A_1559 = vector.extract_strided_slice %convert_element_type3A {offsets = [0, 46], sizes = [128, 1], strides = [1, 1]} : vector<128x50xi16> to vector<128x1xi16>
    %eq3A_1560 = vector.broadcast %slice3A_1559 : vector<128x1xi16> to vector<128x128xi16>
    %eq3A_1561 = arith.cmpi eq, %eq3A_1560, %add3A_1326 : vector<128x128xi16>
    %convert_element_type3A_1562 = arith.extui %eq3A_1561 : vector<128x128xi1> to vector<128x128xi16>
    %add3A_1563 = arith.addi %add3A_1558, %convert_element_type3A_1562 : vector<128x128xi16>
    %slice3A_1564 = vector.extract_strided_slice %convert_element_type3A {offsets = [0, 47], sizes = [128, 1], strides = [1, 1]} : vector<128x50xi16> to vector<128x1xi16>
    %eq3A_1565 = vector.broadcast %slice3A_1564 : vector<128x1xi16> to vector<128x128xi16>
    %eq3A_1566 = arith.cmpi eq, %eq3A_1565, %add3A_1326 : vector<128x128xi16>
    %convert_element_type3A_1567 = arith.extui %eq3A_1566 : vector<128x128xi1> to vector<128x128xi16>
    %add3A_1568 = arith.addi %add3A_1563, %convert_element_type3A_1567 : vector<128x128xi16>
    %slice3A_1569 = vector.extract_strided_slice %convert_element_type3A {offsets = [0, 48], sizes = [128, 1], strides = [1, 1]} : vector<128x50xi16> to vector<128x1xi16>
    %eq3A_1570 = vector.broadcast %slice3A_1569 : vector<128x1xi16> to vector<128x128xi16>
    %eq3A_1571 = arith.cmpi eq, %eq3A_1570, %add3A_1326 : vector<128x128xi16>
    %convert_element_type3A_1572 = arith.extui %eq3A_1571 : vector<128x128xi1> to vector<128x128xi16>
    %add3A_1573 = arith.addi %add3A_1568, %convert_element_type3A_1572 : vector<128x128xi16>
    %slice3A_1574 = vector.extract_strided_slice %convert_element_type3A {offsets = [0, 49], sizes = [128, 1], strides = [1, 1]} : vector<128x50xi16> to vector<128x1xi16>
    %eq3A_1575 = vector.broadcast %slice3A_1574 : vector<128x1xi16> to vector<128x128xi16>
    %eq3A_1576 = arith.cmpi eq, %eq3A_1575, %add3A_1326 : vector<128x128xi16>
    %convert_element_type3A_1577 = arith.extui %eq3A_1576 : vector<128x128xi1> to vector<128x128xi16>
    %add3A_1578 = arith.addi %add3A_1573, %convert_element_type3A_1577 : vector<128x128xi16>
    %convert_element_type3A_1579 = arith.sitofp %add3A_1578 : vector<128x128xi16> to vector<128x128xf32>
    %get3A_1580 = arith.constant 640 : index
    %get3A_1581 = arith.constant 0 : index
    %get3A_1582 = vector.load %arg2[%get3A_1580, %get3A_1581] : memref<1024x128xf32, #tpu.memory_space<vmem>>, vector<128x128xf32>
    %dot_general3A_1583 = arith.constant dense<0.000000e+00> : vector<128x128xf32>
    %dot_general3A_1584 = tpu.matmul %convert_element_type3A_1579, %get3A_1582, %dot_general3A_1583 {dimension_numbers = #tpu.dot_dimension_numbers<[1], [0], [0], [1], [0, 0, 1, 1], [], []>, transpose_lhs_hint = false} : vector<128x128xf32>, vector<128x128xf32>, vector<128x128xf32> -> vector<128x128xf32>
    %add3A_1585 = arith.addf %add3A_1322, %dot_general3A_1584 : vector<128x128xf32>
    %iota3A_1586 = tpu.iota {dimensions = array<i32: 1>} : vector<128x128xi16>
    %add3A_1587 = arith.constant 768 : i16
    %add3A_1588 = vector.broadcast %add3A_1587 : i16 to vector<128x128xi16>
    %add3A_1589 = arith.addi %iota3A_1586, %add3A_1588 : vector<128x128xi16>
    %broadcast_in_dim3A_1590 = arith.constant 0 : i16
    %broadcast_in_dim3A_1591 = vector.broadcast %broadcast_in_dim3A_1590 : i16 to vector<128x128xi16>
    %slice3A_1592 = vector.extract_strided_slice %convert_element_type3A {offsets = [0, 0], sizes = [128, 1], strides = [1, 1]} : vector<128x50xi16> to vector<128x1xi16>
    %eq3A_1593 = vector.broadcast %slice3A_1592 : vector<128x1xi16> to vector<128x128xi16>
    %eq3A_1594 = arith.cmpi eq, %eq3A_1593, %add3A_1589 : vector<128x128xi16>
    %convert_element_type3A_1595 = arith.extui %eq3A_1594 : vector<128x128xi1> to vector<128x128xi16>
    %add3A_1596 = arith.addi %broadcast_in_dim3A_1591, %convert_element_type3A_1595 : vector<128x128xi16>
    %slice3A_1597 = vector.extract_strided_slice %convert_element_type3A {offsets = [0, 1], sizes = [128, 1], strides = [1, 1]} : vector<128x50xi16> to vector<128x1xi16>
    %eq3A_1598 = vector.broadcast %slice3A_1597 : vector<128x1xi16> to vector<128x128xi16>
    %eq3A_1599 = arith.cmpi eq, %eq3A_1598, %add3A_1589 : vector<128x128xi16>
    %convert_element_type3A_1600 = arith.extui %eq3A_1599 : vector<128x128xi1> to vector<128x128xi16>
    %add3A_1601 = arith.addi %add3A_1596, %convert_element_type3A_1600 : vector<128x128xi16>
    %slice3A_1602 = vector.extract_strided_slice %convert_element_type3A {offsets = [0, 2], sizes = [128, 1], strides = [1, 1]} : vector<128x50xi16> to vector<128x1xi16>
    %eq3A_1603 = vector.broadcast %slice3A_1602 : vector<128x1xi16> to vector<128x128xi16>
    %eq3A_1604 = arith.cmpi eq, %eq3A_1603, %add3A_1589 : vector<128x128xi16>
    %convert_element_type3A_1605 = arith.extui %eq3A_1604 : vector<128x128xi1> to vector<128x128xi16>
    %add3A_1606 = arith.addi %add3A_1601, %convert_element_type3A_1605 : vector<128x128xi16>
    %slice3A_1607 = vector.extract_strided_slice %convert_element_type3A {offsets = [0, 3], sizes = [128, 1], strides = [1, 1]} : vector<128x50xi16> to vector<128x1xi16>
    %eq3A_1608 = vector.broadcast %slice3A_1607 : vector<128x1xi16> to vector<128x128xi16>
    %eq3A_1609 = arith.cmpi eq, %eq3A_1608, %add3A_1589 : vector<128x128xi16>
    %convert_element_type3A_1610 = arith.extui %eq3A_1609 : vector<128x128xi1> to vector<128x128xi16>
    %add3A_1611 = arith.addi %add3A_1606, %convert_element_type3A_1610 : vector<128x128xi16>
    %slice3A_1612 = vector.extract_strided_slice %convert_element_type3A {offsets = [0, 4], sizes = [128, 1], strides = [1, 1]} : vector<128x50xi16> to vector<128x1xi16>
    %eq3A_1613 = vector.broadcast %slice3A_1612 : vector<128x1xi16> to vector<128x128xi16>
    %eq3A_1614 = arith.cmpi eq, %eq3A_1613, %add3A_1589 : vector<128x128xi16>
    %convert_element_type3A_1615 = arith.extui %eq3A_1614 : vector<128x128xi1> to vector<128x128xi16>
    %add3A_1616 = arith.addi %add3A_1611, %convert_element_type3A_1615 : vector<128x128xi16>
    %slice3A_1617 = vector.extract_strided_slice %convert_element_type3A {offsets = [0, 5], sizes = [128, 1], strides = [1, 1]} : vector<128x50xi16> to vector<128x1xi16>
    %eq3A_1618 = vector.broadcast %slice3A_1617 : vector<128x1xi16> to vector<128x128xi16>
    %eq3A_1619 = arith.cmpi eq, %eq3A_1618, %add3A_1589 : vector<128x128xi16>
    %convert_element_type3A_1620 = arith.extui %eq3A_1619 : vector<128x128xi1> to vector<128x128xi16>
    %add3A_1621 = arith.addi %add3A_1616, %convert_element_type3A_1620 : vector<128x128xi16>
    %slice3A_1622 = vector.extract_strided_slice %convert_element_type3A {offsets = [0, 6], sizes = [128, 1], strides = [1, 1]} : vector<128x50xi16> to vector<128x1xi16>
    %eq3A_1623 = vector.broadcast %slice3A_1622 : vector<128x1xi16> to vector<128x128xi16>
    %eq3A_1624 = arith.cmpi eq, %eq3A_1623, %add3A_1589 : vector<128x128xi16>
    %convert_element_type3A_1625 = arith.extui %eq3A_1624 : vector<128x128xi1> to vector<128x128xi16>
    %add3A_1626 = arith.addi %add3A_1621, %convert_element_type3A_1625 : vector<128x128xi16>
    %slice3A_1627 = vector.extract_strided_slice %convert_element_type3A {offsets = [0, 7], sizes = [128, 1], strides = [1, 1]} : vector<128x50xi16> to vector<128x1xi16>
    %eq3A_1628 = vector.broadcast %slice3A_1627 : vector<128x1xi16> to vector<128x128xi16>
    %eq3A_1629 = arith.cmpi eq, %eq3A_1628, %add3A_1589 : vector<128x128xi16>
    %convert_element_type3A_1630 = arith.extui %eq3A_1629 : vector<128x128xi1> to vector<128x128xi16>
    %add3A_1631 = arith.addi %add3A_1626, %convert_element_type3A_1630 : vector<128x128xi16>
    %slice3A_1632 = vector.extract_strided_slice %convert_element_type3A {offsets = [0, 8], sizes = [128, 1], strides = [1, 1]} : vector<128x50xi16> to vector<128x1xi16>
    %eq3A_1633 = vector.broadcast %slice3A_1632 : vector<128x1xi16> to vector<128x128xi16>
    %eq3A_1634 = arith.cmpi eq, %eq3A_1633, %add3A_1589 : vector<128x128xi16>
    %convert_element_type3A_1635 = arith.extui %eq3A_1634 : vector<128x128xi1> to vector<128x128xi16>
    %add3A_1636 = arith.addi %add3A_1631, %convert_element_type3A_1635 : vector<128x128xi16>
    %slice3A_1637 = vector.extract_strided_slice %convert_element_type3A {offsets = [0, 9], sizes = [128, 1], strides = [1, 1]} : vector<128x50xi16> to vector<128x1xi16>
    %eq3A_1638 = vector.broadcast %slice3A_1637 : vector<128x1xi16> to vector<128x128xi16>
    %eq3A_1639 = arith.cmpi eq, %eq3A_1638, %add3A_1589 : vector<128x128xi16>
    %convert_element_type3A_1640 = arith.extui %eq3A_1639 : vector<128x128xi1> to vector<128x128xi16>
    %add3A_1641 = arith.addi %add3A_1636, %convert_element_type3A_1640 : vector<128x128xi16>
    %slice3A_1642 = vector.extract_strided_slice %convert_element_type3A {offsets = [0, 10], sizes = [128, 1], strides = [1, 1]} : vector<128x50xi16> to vector<128x1xi16>
    %eq3A_1643 = vector.broadcast %slice3A_1642 : vector<128x1xi16> to vector<128x128xi16>
    %eq3A_1644 = arith.cmpi eq, %eq3A_1643, %add3A_1589 : vector<128x128xi16>
    %convert_element_type3A_1645 = arith.extui %eq3A_1644 : vector<128x128xi1> to vector<128x128xi16>
    %add3A_1646 = arith.addi %add3A_1641, %convert_element_type3A_1645 : vector<128x128xi16>
    %slice3A_1647 = vector.extract_strided_slice %convert_element_type3A {offsets = [0, 11], sizes = [128, 1], strides = [1, 1]} : vector<128x50xi16> to vector<128x1xi16>
    %eq3A_1648 = vector.broadcast %slice3A_1647 : vector<128x1xi16> to vector<128x128xi16>
    %eq3A_1649 = arith.cmpi eq, %eq3A_1648, %add3A_1589 : vector<128x128xi16>
    %convert_element_type3A_1650 = arith.extui %eq3A_1649 : vector<128x128xi1> to vector<128x128xi16>
    %add3A_1651 = arith.addi %add3A_1646, %convert_element_type3A_1650 : vector<128x128xi16>
    %slice3A_1652 = vector.extract_strided_slice %convert_element_type3A {offsets = [0, 12], sizes = [128, 1], strides = [1, 1]} : vector<128x50xi16> to vector<128x1xi16>
    %eq3A_1653 = vector.broadcast %slice3A_1652 : vector<128x1xi16> to vector<128x128xi16>
    %eq3A_1654 = arith.cmpi eq, %eq3A_1653, %add3A_1589 : vector<128x128xi16>
    %convert_element_type3A_1655 = arith.extui %eq3A_1654 : vector<128x128xi1> to vector<128x128xi16>
    %add3A_1656 = arith.addi %add3A_1651, %convert_element_type3A_1655 : vector<128x128xi16>
    %slice3A_1657 = vector.extract_strided_slice %convert_element_type3A {offsets = [0, 13], sizes = [128, 1], strides = [1, 1]} : vector<128x50xi16> to vector<128x1xi16>
    %eq3A_1658 = vector.broadcast %slice3A_1657 : vector<128x1xi16> to vector<128x128xi16>
    %eq3A_1659 = arith.cmpi eq, %eq3A_1658, %add3A_1589 : vector<128x128xi16>
    %convert_element_type3A_1660 = arith.extui %eq3A_1659 : vector<128x128xi1> to vector<128x128xi16>
    %add3A_1661 = arith.addi %add3A_1656, %convert_element_type3A_1660 : vector<128x128xi16>
    %slice3A_1662 = vector.extract_strided_slice %convert_element_type3A {offsets = [0, 14], sizes = [128, 1], strides = [1, 1]} : vector<128x50xi16> to vector<128x1xi16>
    %eq3A_1663 = vector.broadcast %slice3A_1662 : vector<128x1xi16> to vector<128x128xi16>
    %eq3A_1664 = arith.cmpi eq, %eq3A_1663, %add3A_1589 : vector<128x128xi16>
    %convert_element_type3A_1665 = arith.extui %eq3A_1664 : vector<128x128xi1> to vector<128x128xi16>
    %add3A_1666 = arith.addi %add3A_1661, %convert_element_type3A_1665 : vector<128x128xi16>
    %slice3A_1667 = vector.extract_strided_slice %convert_element_type3A {offsets = [0, 15], sizes = [128, 1], strides = [1, 1]} : vector<128x50xi16> to vector<128x1xi16>
    %eq3A_1668 = vector.broadcast %slice3A_1667 : vector<128x1xi16> to vector<128x128xi16>
    %eq3A_1669 = arith.cmpi eq, %eq3A_1668, %add3A_1589 : vector<128x128xi16>
    %convert_element_type3A_1670 = arith.extui %eq3A_1669 : vector<128x128xi1> to vector<128x128xi16>
    %add3A_1671 = arith.addi %add3A_1666, %convert_element_type3A_1670 : vector<128x128xi16>
    %slice3A_1672 = vector.extract_strided_slice %convert_element_type3A {offsets = [0, 16], sizes = [128, 1], strides = [1, 1]} : vector<128x50xi16> to vector<128x1xi16>
    %eq3A_1673 = vector.broadcast %slice3A_1672 : vector<128x1xi16> to vector<128x128xi16>
    %eq3A_1674 = arith.cmpi eq, %eq3A_1673, %add3A_1589 : vector<128x128xi16>
    %convert_element_type3A_1675 = arith.extui %eq3A_1674 : vector<128x128xi1> to vector<128x128xi16>
    %add3A_1676 = arith.addi %add3A_1671, %convert_element_type3A_1675 : vector<128x128xi16>
    %slice3A_1677 = vector.extract_strided_slice %convert_element_type3A {offsets = [0, 17], sizes = [128, 1], strides = [1, 1]} : vector<128x50xi16> to vector<128x1xi16>
    %eq3A_1678 = vector.broadcast %slice3A_1677 : vector<128x1xi16> to vector<128x128xi16>
    %eq3A_1679 = arith.cmpi eq, %eq3A_1678, %add3A_1589 : vector<128x128xi16>
    %convert_element_type3A_1680 = arith.extui %eq3A_1679 : vector<128x128xi1> to vector<128x128xi16>
    %add3A_1681 = arith.addi %add3A_1676, %convert_element_type3A_1680 : vector<128x128xi16>
    %slice3A_1682 = vector.extract_strided_slice %convert_element_type3A {offsets = [0, 18], sizes = [128, 1], strides = [1, 1]} : vector<128x50xi16> to vector<128x1xi16>
    %eq3A_1683 = vector.broadcast %slice3A_1682 : vector<128x1xi16> to vector<128x128xi16>
    %eq3A_1684 = arith.cmpi eq, %eq3A_1683, %add3A_1589 : vector<128x128xi16>
    %convert_element_type3A_1685 = arith.extui %eq3A_1684 : vector<128x128xi1> to vector<128x128xi16>
    %add3A_1686 = arith.addi %add3A_1681, %convert_element_type3A_1685 : vector<128x128xi16>
    %slice3A_1687 = vector.extract_strided_slice %convert_element_type3A {offsets = [0, 19], sizes = [128, 1], strides = [1, 1]} : vector<128x50xi16> to vector<128x1xi16>
    %eq3A_1688 = vector.broadcast %slice3A_1687 : vector<128x1xi16> to vector<128x128xi16>
    %eq3A_1689 = arith.cmpi eq, %eq3A_1688, %add3A_1589 : vector<128x128xi16>
    %convert_element_type3A_1690 = arith.extui %eq3A_1689 : vector<128x128xi1> to vector<128x128xi16>
    %add3A_1691 = arith.addi %add3A_1686, %convert_element_type3A_1690 : vector<128x128xi16>
    %slice3A_1692 = vector.extract_strided_slice %convert_element_type3A {offsets = [0, 20], sizes = [128, 1], strides = [1, 1]} : vector<128x50xi16> to vector<128x1xi16>
    %eq3A_1693 = vector.broadcast %slice3A_1692 : vector<128x1xi16> to vector<128x128xi16>
    %eq3A_1694 = arith.cmpi eq, %eq3A_1693, %add3A_1589 : vector<128x128xi16>
    %convert_element_type3A_1695 = arith.extui %eq3A_1694 : vector<128x128xi1> to vector<128x128xi16>
    %add3A_1696 = arith.addi %add3A_1691, %convert_element_type3A_1695 : vector<128x128xi16>
    %slice3A_1697 = vector.extract_strided_slice %convert_element_type3A {offsets = [0, 21], sizes = [128, 1], strides = [1, 1]} : vector<128x50xi16> to vector<128x1xi16>
    %eq3A_1698 = vector.broadcast %slice3A_1697 : vector<128x1xi16> to vector<128x128xi16>
    %eq3A_1699 = arith.cmpi eq, %eq3A_1698, %add3A_1589 : vector<128x128xi16>
    %convert_element_type3A_1700 = arith.extui %eq3A_1699 : vector<128x128xi1> to vector<128x128xi16>
    %add3A_1701 = arith.addi %add3A_1696, %convert_element_type3A_1700 : vector<128x128xi16>
    %slice3A_1702 = vector.extract_strided_slice %convert_element_type3A {offsets = [0, 22], sizes = [128, 1], strides = [1, 1]} : vector<128x50xi16> to vector<128x1xi16>
    %eq3A_1703 = vector.broadcast %slice3A_1702 : vector<128x1xi16> to vector<128x128xi16>
    %eq3A_1704 = arith.cmpi eq, %eq3A_1703, %add3A_1589 : vector<128x128xi16>
    %convert_element_type3A_1705 = arith.extui %eq3A_1704 : vector<128x128xi1> to vector<128x128xi16>
    %add3A_1706 = arith.addi %add3A_1701, %convert_element_type3A_1705 : vector<128x128xi16>
    %slice3A_1707 = vector.extract_strided_slice %convert_element_type3A {offsets = [0, 23], sizes = [128, 1], strides = [1, 1]} : vector<128x50xi16> to vector<128x1xi16>
    %eq3A_1708 = vector.broadcast %slice3A_1707 : vector<128x1xi16> to vector<128x128xi16>
    %eq3A_1709 = arith.cmpi eq, %eq3A_1708, %add3A_1589 : vector<128x128xi16>
    %convert_element_type3A_1710 = arith.extui %eq3A_1709 : vector<128x128xi1> to vector<128x128xi16>
    %add3A_1711 = arith.addi %add3A_1706, %convert_element_type3A_1710 : vector<128x128xi16>
    %slice3A_1712 = vector.extract_strided_slice %convert_element_type3A {offsets = [0, 24], sizes = [128, 1], strides = [1, 1]} : vector<128x50xi16> to vector<128x1xi16>
    %eq3A_1713 = vector.broadcast %slice3A_1712 : vector<128x1xi16> to vector<128x128xi16>
    %eq3A_1714 = arith.cmpi eq, %eq3A_1713, %add3A_1589 : vector<128x128xi16>
    %convert_element_type3A_1715 = arith.extui %eq3A_1714 : vector<128x128xi1> to vector<128x128xi16>
    %add3A_1716 = arith.addi %add3A_1711, %convert_element_type3A_1715 : vector<128x128xi16>
    %slice3A_1717 = vector.extract_strided_slice %convert_element_type3A {offsets = [0, 25], sizes = [128, 1], strides = [1, 1]} : vector<128x50xi16> to vector<128x1xi16>
    %eq3A_1718 = vector.broadcast %slice3A_1717 : vector<128x1xi16> to vector<128x128xi16>
    %eq3A_1719 = arith.cmpi eq, %eq3A_1718, %add3A_1589 : vector<128x128xi16>
    %convert_element_type3A_1720 = arith.extui %eq3A_1719 : vector<128x128xi1> to vector<128x128xi16>
    %add3A_1721 = arith.addi %add3A_1716, %convert_element_type3A_1720 : vector<128x128xi16>
    %slice3A_1722 = vector.extract_strided_slice %convert_element_type3A {offsets = [0, 26], sizes = [128, 1], strides = [1, 1]} : vector<128x50xi16> to vector<128x1xi16>
    %eq3A_1723 = vector.broadcast %slice3A_1722 : vector<128x1xi16> to vector<128x128xi16>
    %eq3A_1724 = arith.cmpi eq, %eq3A_1723, %add3A_1589 : vector<128x128xi16>
    %convert_element_type3A_1725 = arith.extui %eq3A_1724 : vector<128x128xi1> to vector<128x128xi16>
    %add3A_1726 = arith.addi %add3A_1721, %convert_element_type3A_1725 : vector<128x128xi16>
    %slice3A_1727 = vector.extract_strided_slice %convert_element_type3A {offsets = [0, 27], sizes = [128, 1], strides = [1, 1]} : vector<128x50xi16> to vector<128x1xi16>
    %eq3A_1728 = vector.broadcast %slice3A_1727 : vector<128x1xi16> to vector<128x128xi16>
    %eq3A_1729 = arith.cmpi eq, %eq3A_1728, %add3A_1589 : vector<128x128xi16>
    %convert_element_type3A_1730 = arith.extui %eq3A_1729 : vector<128x128xi1> to vector<128x128xi16>
    %add3A_1731 = arith.addi %add3A_1726, %convert_element_type3A_1730 : vector<128x128xi16>
    %slice3A_1732 = vector.extract_strided_slice %convert_element_type3A {offsets = [0, 28], sizes = [128, 1], strides = [1, 1]} : vector<128x50xi16> to vector<128x1xi16>
    %eq3A_1733 = vector.broadcast %slice3A_1732 : vector<128x1xi16> to vector<128x128xi16>
    %eq3A_1734 = arith.cmpi eq, %eq3A_1733, %add3A_1589 : vector<128x128xi16>
    %convert_element_type3A_1735 = arith.extui %eq3A_1734 : vector<128x128xi1> to vector<128x128xi16>
    %add3A_1736 = arith.addi %add3A_1731, %convert_element_type3A_1735 : vector<128x128xi16>
    %slice3A_1737 = vector.extract_strided_slice %convert_element_type3A {offsets = [0, 29], sizes = [128, 1], strides = [1, 1]} : vector<128x50xi16> to vector<128x1xi16>
    %eq3A_1738 = vector.broadcast %slice3A_1737 : vector<128x1xi16> to vector<128x128xi16>
    %eq3A_1739 = arith.cmpi eq, %eq3A_1738, %add3A_1589 : vector<128x128xi16>
    %convert_element_type3A_1740 = arith.extui %eq3A_1739 : vector<128x128xi1> to vector<128x128xi16>
    %add3A_1741 = arith.addi %add3A_1736, %convert_element_type3A_1740 : vector<128x128xi16>
    %slice3A_1742 = vector.extract_strided_slice %convert_element_type3A {offsets = [0, 30], sizes = [128, 1], strides = [1, 1]} : vector<128x50xi16> to vector<128x1xi16>
    %eq3A_1743 = vector.broadcast %slice3A_1742 : vector<128x1xi16> to vector<128x128xi16>
    %eq3A_1744 = arith.cmpi eq, %eq3A_1743, %add3A_1589 : vector<128x128xi16>
    %convert_element_type3A_1745 = arith.extui %eq3A_1744 : vector<128x128xi1> to vector<128x128xi16>
    %add3A_1746 = arith.addi %add3A_1741, %convert_element_type3A_1745 : vector<128x128xi16>
    %slice3A_1747 = vector.extract_strided_slice %convert_element_type3A {offsets = [0, 31], sizes = [128, 1], strides = [1, 1]} : vector<128x50xi16> to vector<128x1xi16>
    %eq3A_1748 = vector.broadcast %slice3A_1747 : vector<128x1xi16> to vector<128x128xi16>
    %eq3A_1749 = arith.cmpi eq, %eq3A_1748, %add3A_1589 : vector<128x128xi16>
    %convert_element_type3A_1750 = arith.extui %eq3A_1749 : vector<128x128xi1> to vector<128x128xi16>
    %add3A_1751 = arith.addi %add3A_1746, %convert_element_type3A_1750 : vector<128x128xi16>
    %slice3A_1752 = vector.extract_strided_slice %convert_element_type3A {offsets = [0, 32], sizes = [128, 1], strides = [1, 1]} : vector<128x50xi16> to vector<128x1xi16>
    %eq3A_1753 = vector.broadcast %slice3A_1752 : vector<128x1xi16> to vector<128x128xi16>
    %eq3A_1754 = arith.cmpi eq, %eq3A_1753, %add3A_1589 : vector<128x128xi16>
    %convert_element_type3A_1755 = arith.extui %eq3A_1754 : vector<128x128xi1> to vector<128x128xi16>
    %add3A_1756 = arith.addi %add3A_1751, %convert_element_type3A_1755 : vector<128x128xi16>
    %slice3A_1757 = vector.extract_strided_slice %convert_element_type3A {offsets = [0, 33], sizes = [128, 1], strides = [1, 1]} : vector<128x50xi16> to vector<128x1xi16>
    %eq3A_1758 = vector.broadcast %slice3A_1757 : vector<128x1xi16> to vector<128x128xi16>
    %eq3A_1759 = arith.cmpi eq, %eq3A_1758, %add3A_1589 : vector<128x128xi16>
    %convert_element_type3A_1760 = arith.extui %eq3A_1759 : vector<128x128xi1> to vector<128x128xi16>
    %add3A_1761 = arith.addi %add3A_1756, %convert_element_type3A_1760 : vector<128x128xi16>
    %slice3A_1762 = vector.extract_strided_slice %convert_element_type3A {offsets = [0, 34], sizes = [128, 1], strides = [1, 1]} : vector<128x50xi16> to vector<128x1xi16>
    %eq3A_1763 = vector.broadcast %slice3A_1762 : vector<128x1xi16> to vector<128x128xi16>
    %eq3A_1764 = arith.cmpi eq, %eq3A_1763, %add3A_1589 : vector<128x128xi16>
    %convert_element_type3A_1765 = arith.extui %eq3A_1764 : vector<128x128xi1> to vector<128x128xi16>
    %add3A_1766 = arith.addi %add3A_1761, %convert_element_type3A_1765 : vector<128x128xi16>
    %slice3A_1767 = vector.extract_strided_slice %convert_element_type3A {offsets = [0, 35], sizes = [128, 1], strides = [1, 1]} : vector<128x50xi16> to vector<128x1xi16>
    %eq3A_1768 = vector.broadcast %slice3A_1767 : vector<128x1xi16> to vector<128x128xi16>
    %eq3A_1769 = arith.cmpi eq, %eq3A_1768, %add3A_1589 : vector<128x128xi16>
    %convert_element_type3A_1770 = arith.extui %eq3A_1769 : vector<128x128xi1> to vector<128x128xi16>
    %add3A_1771 = arith.addi %add3A_1766, %convert_element_type3A_1770 : vector<128x128xi16>
    %slice3A_1772 = vector.extract_strided_slice %convert_element_type3A {offsets = [0, 36], sizes = [128, 1], strides = [1, 1]} : vector<128x50xi16> to vector<128x1xi16>
    %eq3A_1773 = vector.broadcast %slice3A_1772 : vector<128x1xi16> to vector<128x128xi16>
    %eq3A_1774 = arith.cmpi eq, %eq3A_1773, %add3A_1589 : vector<128x128xi16>
    %convert_element_type3A_1775 = arith.extui %eq3A_1774 : vector<128x128xi1> to vector<128x128xi16>
    %add3A_1776 = arith.addi %add3A_1771, %convert_element_type3A_1775 : vector<128x128xi16>
    %slice3A_1777 = vector.extract_strided_slice %convert_element_type3A {offsets = [0, 37], sizes = [128, 1], strides = [1, 1]} : vector<128x50xi16> to vector<128x1xi16>
    %eq3A_1778 = vector.broadcast %slice3A_1777 : vector<128x1xi16> to vector<128x128xi16>
    %eq3A_1779 = arith.cmpi eq, %eq3A_1778, %add3A_1589 : vector<128x128xi16>
    %convert_element_type3A_1780 = arith.extui %eq3A_1779 : vector<128x128xi1> to vector<128x128xi16>
    %add3A_1781 = arith.addi %add3A_1776, %convert_element_type3A_1780 : vector<128x128xi16>
    %slice3A_1782 = vector.extract_strided_slice %convert_element_type3A {offsets = [0, 38], sizes = [128, 1], strides = [1, 1]} : vector<128x50xi16> to vector<128x1xi16>
    %eq3A_1783 = vector.broadcast %slice3A_1782 : vector<128x1xi16> to vector<128x128xi16>
    %eq3A_1784 = arith.cmpi eq, %eq3A_1783, %add3A_1589 : vector<128x128xi16>
    %convert_element_type3A_1785 = arith.extui %eq3A_1784 : vector<128x128xi1> to vector<128x128xi16>
    %add3A_1786 = arith.addi %add3A_1781, %convert_element_type3A_1785 : vector<128x128xi16>
    %slice3A_1787 = vector.extract_strided_slice %convert_element_type3A {offsets = [0, 39], sizes = [128, 1], strides = [1, 1]} : vector<128x50xi16> to vector<128x1xi16>
    %eq3A_1788 = vector.broadcast %slice3A_1787 : vector<128x1xi16> to vector<128x128xi16>
    %eq3A_1789 = arith.cmpi eq, %eq3A_1788, %add3A_1589 : vector<128x128xi16>
    %convert_element_type3A_1790 = arith.extui %eq3A_1789 : vector<128x128xi1> to vector<128x128xi16>
    %add3A_1791 = arith.addi %add3A_1786, %convert_element_type3A_1790 : vector<128x128xi16>
    %slice3A_1792 = vector.extract_strided_slice %convert_element_type3A {offsets = [0, 40], sizes = [128, 1], strides = [1, 1]} : vector<128x50xi16> to vector<128x1xi16>
    %eq3A_1793 = vector.broadcast %slice3A_1792 : vector<128x1xi16> to vector<128x128xi16>
    %eq3A_1794 = arith.cmpi eq, %eq3A_1793, %add3A_1589 : vector<128x128xi16>
    %convert_element_type3A_1795 = arith.extui %eq3A_1794 : vector<128x128xi1> to vector<128x128xi16>
    %add3A_1796 = arith.addi %add3A_1791, %convert_element_type3A_1795 : vector<128x128xi16>
    %slice3A_1797 = vector.extract_strided_slice %convert_element_type3A {offsets = [0, 41], sizes = [128, 1], strides = [1, 1]} : vector<128x50xi16> to vector<128x1xi16>
    %eq3A_1798 = vector.broadcast %slice3A_1797 : vector<128x1xi16> to vector<128x128xi16>
    %eq3A_1799 = arith.cmpi eq, %eq3A_1798, %add3A_1589 : vector<128x128xi16>
    %convert_element_type3A_1800 = arith.extui %eq3A_1799 : vector<128x128xi1> to vector<128x128xi16>
    %add3A_1801 = arith.addi %add3A_1796, %convert_element_type3A_1800 : vector<128x128xi16>
    %slice3A_1802 = vector.extract_strided_slice %convert_element_type3A {offsets = [0, 42], sizes = [128, 1], strides = [1, 1]} : vector<128x50xi16> to vector<128x1xi16>
    %eq3A_1803 = vector.broadcast %slice3A_1802 : vector<128x1xi16> to vector<128x128xi16>
    %eq3A_1804 = arith.cmpi eq, %eq3A_1803, %add3A_1589 : vector<128x128xi16>
    %convert_element_type3A_1805 = arith.extui %eq3A_1804 : vector<128x128xi1> to vector<128x128xi16>
    %add3A_1806 = arith.addi %add3A_1801, %convert_element_type3A_1805 : vector<128x128xi16>
    %slice3A_1807 = vector.extract_strided_slice %convert_element_type3A {offsets = [0, 43], sizes = [128, 1], strides = [1, 1]} : vector<128x50xi16> to vector<128x1xi16>
    %eq3A_1808 = vector.broadcast %slice3A_1807 : vector<128x1xi16> to vector<128x128xi16>
    %eq3A_1809 = arith.cmpi eq, %eq3A_1808, %add3A_1589 : vector<128x128xi16>
    %convert_element_type3A_1810 = arith.extui %eq3A_1809 : vector<128x128xi1> to vector<128x128xi16>
    %add3A_1811 = arith.addi %add3A_1806, %convert_element_type3A_1810 : vector<128x128xi16>
    %slice3A_1812 = vector.extract_strided_slice %convert_element_type3A {offsets = [0, 44], sizes = [128, 1], strides = [1, 1]} : vector<128x50xi16> to vector<128x1xi16>
    %eq3A_1813 = vector.broadcast %slice3A_1812 : vector<128x1xi16> to vector<128x128xi16>
    %eq3A_1814 = arith.cmpi eq, %eq3A_1813, %add3A_1589 : vector<128x128xi16>
    %convert_element_type3A_1815 = arith.extui %eq3A_1814 : vector<128x128xi1> to vector<128x128xi16>
    %add3A_1816 = arith.addi %add3A_1811, %convert_element_type3A_1815 : vector<128x128xi16>
    %slice3A_1817 = vector.extract_strided_slice %convert_element_type3A {offsets = [0, 45], sizes = [128, 1], strides = [1, 1]} : vector<128x50xi16> to vector<128x1xi16>
    %eq3A_1818 = vector.broadcast %slice3A_1817 : vector<128x1xi16> to vector<128x128xi16>
    %eq3A_1819 = arith.cmpi eq, %eq3A_1818, %add3A_1589 : vector<128x128xi16>
    %convert_element_type3A_1820 = arith.extui %eq3A_1819 : vector<128x128xi1> to vector<128x128xi16>
    %add3A_1821 = arith.addi %add3A_1816, %convert_element_type3A_1820 : vector<128x128xi16>
    %slice3A_1822 = vector.extract_strided_slice %convert_element_type3A {offsets = [0, 46], sizes = [128, 1], strides = [1, 1]} : vector<128x50xi16> to vector<128x1xi16>
    %eq3A_1823 = vector.broadcast %slice3A_1822 : vector<128x1xi16> to vector<128x128xi16>
    %eq3A_1824 = arith.cmpi eq, %eq3A_1823, %add3A_1589 : vector<128x128xi16>
    %convert_element_type3A_1825 = arith.extui %eq3A_1824 : vector<128x128xi1> to vector<128x128xi16>
    %add3A_1826 = arith.addi %add3A_1821, %convert_element_type3A_1825 : vector<128x128xi16>
    %slice3A_1827 = vector.extract_strided_slice %convert_element_type3A {offsets = [0, 47], sizes = [128, 1], strides = [1, 1]} : vector<128x50xi16> to vector<128x1xi16>
    %eq3A_1828 = vector.broadcast %slice3A_1827 : vector<128x1xi16> to vector<128x128xi16>
    %eq3A_1829 = arith.cmpi eq, %eq3A_1828, %add3A_1589 : vector<128x128xi16>
    %convert_element_type3A_1830 = arith.extui %eq3A_1829 : vector<128x128xi1> to vector<128x128xi16>
    %add3A_1831 = arith.addi %add3A_1826, %convert_element_type3A_1830 : vector<128x128xi16>
    %slice3A_1832 = vector.extract_strided_slice %convert_element_type3A {offsets = [0, 48], sizes = [128, 1], strides = [1, 1]} : vector<128x50xi16> to vector<128x1xi16>
    %eq3A_1833 = vector.broadcast %slice3A_1832 : vector<128x1xi16> to vector<128x128xi16>
    %eq3A_1834 = arith.cmpi eq, %eq3A_1833, %add3A_1589 : vector<128x128xi16>
    %convert_element_type3A_1835 = arith.extui %eq3A_1834 : vector<128x128xi1> to vector<128x128xi16>
    %add3A_1836 = arith.addi %add3A_1831, %convert_element_type3A_1835 : vector<128x128xi16>
    %slice3A_1837 = vector.extract_strided_slice %convert_element_type3A {offsets = [0, 49], sizes = [128, 1], strides = [1, 1]} : vector<128x50xi16> to vector<128x1xi16>
    %eq3A_1838 = vector.broadcast %slice3A_1837 : vector<128x1xi16> to vector<128x128xi16>
    %eq3A_1839 = arith.cmpi eq, %eq3A_1838, %add3A_1589 : vector<128x128xi16>
    %convert_element_type3A_1840 = arith.extui %eq3A_1839 : vector<128x128xi1> to vector<128x128xi16>
    %add3A_1841 = arith.addi %add3A_1836, %convert_element_type3A_1840 : vector<128x128xi16>
    %convert_element_type3A_1842 = arith.sitofp %add3A_1841 : vector<128x128xi16> to vector<128x128xf32>
    %get3A_1843 = arith.constant 768 : index
    %get3A_1844 = arith.constant 0 : index
    %get3A_1845 = vector.load %arg2[%get3A_1843, %get3A_1844] : memref<1024x128xf32, #tpu.memory_space<vmem>>, vector<128x128xf32>
    %dot_general3A_1846 = arith.constant dense<0.000000e+00> : vector<128x128xf32>
    %dot_general3A_1847 = tpu.matmul %convert_element_type3A_1842, %get3A_1845, %dot_general3A_1846 {dimension_numbers = #tpu.dot_dimension_numbers<[1], [0], [0], [1], [0, 0, 1, 1], [], []>, transpose_lhs_hint = false} : vector<128x128xf32>, vector<128x128xf32>, vector<128x128xf32> -> vector<128x128xf32>
    %add3A_1848 = arith.addf %add3A_1585, %dot_general3A_1847 : vector<128x128xf32>
    %iota3A_1849 = tpu.iota {dimensions = array<i32: 1>} : vector<128x128xi16>
    %add3A_1850 = arith.constant 896 : i16
    %add3A_1851 = vector.broadcast %add3A_1850 : i16 to vector<128x128xi16>
    %add3A_1852 = arith.addi %iota3A_1849, %add3A_1851 : vector<128x128xi16>
    %broadcast_in_dim3A_1853 = arith.constant 0 : i16
    %broadcast_in_dim3A_1854 = vector.broadcast %broadcast_in_dim3A_1853 : i16 to vector<128x128xi16>
    %slice3A_1855 = vector.extract_strided_slice %convert_element_type3A {offsets = [0, 0], sizes = [128, 1], strides = [1, 1]} : vector<128x50xi16> to vector<128x1xi16>
    %eq3A_1856 = vector.broadcast %slice3A_1855 : vector<128x1xi16> to vector<128x128xi16>
    %eq3A_1857 = arith.cmpi eq, %eq3A_1856, %add3A_1852 : vector<128x128xi16>
    %convert_element_type3A_1858 = arith.extui %eq3A_1857 : vector<128x128xi1> to vector<128x128xi16>
    %add3A_1859 = arith.addi %broadcast_in_dim3A_1854, %convert_element_type3A_1858 : vector<128x128xi16>
    %slice3A_1860 = vector.extract_strided_slice %convert_element_type3A {offsets = [0, 1], sizes = [128, 1], strides = [1, 1]} : vector<128x50xi16> to vector<128x1xi16>
    %eq3A_1861 = vector.broadcast %slice3A_1860 : vector<128x1xi16> to vector<128x128xi16>
    %eq3A_1862 = arith.cmpi eq, %eq3A_1861, %add3A_1852 : vector<128x128xi16>
    %convert_element_type3A_1863 = arith.extui %eq3A_1862 : vector<128x128xi1> to vector<128x128xi16>
    %add3A_1864 = arith.addi %add3A_1859, %convert_element_type3A_1863 : vector<128x128xi16>
    %slice3A_1865 = vector.extract_strided_slice %convert_element_type3A {offsets = [0, 2], sizes = [128, 1], strides = [1, 1]} : vector<128x50xi16> to vector<128x1xi16>
    %eq3A_1866 = vector.broadcast %slice3A_1865 : vector<128x1xi16> to vector<128x128xi16>
    %eq3A_1867 = arith.cmpi eq, %eq3A_1866, %add3A_1852 : vector<128x128xi16>
    %convert_element_type3A_1868 = arith.extui %eq3A_1867 : vector<128x128xi1> to vector<128x128xi16>
    %add3A_1869 = arith.addi %add3A_1864, %convert_element_type3A_1868 : vector<128x128xi16>
    %slice3A_1870 = vector.extract_strided_slice %convert_element_type3A {offsets = [0, 3], sizes = [128, 1], strides = [1, 1]} : vector<128x50xi16> to vector<128x1xi16>
    %eq3A_1871 = vector.broadcast %slice3A_1870 : vector<128x1xi16> to vector<128x128xi16>
    %eq3A_1872 = arith.cmpi eq, %eq3A_1871, %add3A_1852 : vector<128x128xi16>
    %convert_element_type3A_1873 = arith.extui %eq3A_1872 : vector<128x128xi1> to vector<128x128xi16>
    %add3A_1874 = arith.addi %add3A_1869, %convert_element_type3A_1873 : vector<128x128xi16>
    %slice3A_1875 = vector.extract_strided_slice %convert_element_type3A {offsets = [0, 4], sizes = [128, 1], strides = [1, 1]} : vector<128x50xi16> to vector<128x1xi16>
    %eq3A_1876 = vector.broadcast %slice3A_1875 : vector<128x1xi16> to vector<128x128xi16>
    %eq3A_1877 = arith.cmpi eq, %eq3A_1876, %add3A_1852 : vector<128x128xi16>
    %convert_element_type3A_1878 = arith.extui %eq3A_1877 : vector<128x128xi1> to vector<128x128xi16>
    %add3A_1879 = arith.addi %add3A_1874, %convert_element_type3A_1878 : vector<128x128xi16>
    %slice3A_1880 = vector.extract_strided_slice %convert_element_type3A {offsets = [0, 5], sizes = [128, 1], strides = [1, 1]} : vector<128x50xi16> to vector<128x1xi16>
    %eq3A_1881 = vector.broadcast %slice3A_1880 : vector<128x1xi16> to vector<128x128xi16>
    %eq3A_1882 = arith.cmpi eq, %eq3A_1881, %add3A_1852 : vector<128x128xi16>
    %convert_element_type3A_1883 = arith.extui %eq3A_1882 : vector<128x128xi1> to vector<128x128xi16>
    %add3A_1884 = arith.addi %add3A_1879, %convert_element_type3A_1883 : vector<128x128xi16>
    %slice3A_1885 = vector.extract_strided_slice %convert_element_type3A {offsets = [0, 6], sizes = [128, 1], strides = [1, 1]} : vector<128x50xi16> to vector<128x1xi16>
    %eq3A_1886 = vector.broadcast %slice3A_1885 : vector<128x1xi16> to vector<128x128xi16>
    %eq3A_1887 = arith.cmpi eq, %eq3A_1886, %add3A_1852 : vector<128x128xi16>
    %convert_element_type3A_1888 = arith.extui %eq3A_1887 : vector<128x128xi1> to vector<128x128xi16>
    %add3A_1889 = arith.addi %add3A_1884, %convert_element_type3A_1888 : vector<128x128xi16>
    %slice3A_1890 = vector.extract_strided_slice %convert_element_type3A {offsets = [0, 7], sizes = [128, 1], strides = [1, 1]} : vector<128x50xi16> to vector<128x1xi16>
    %eq3A_1891 = vector.broadcast %slice3A_1890 : vector<128x1xi16> to vector<128x128xi16>
    %eq3A_1892 = arith.cmpi eq, %eq3A_1891, %add3A_1852 : vector<128x128xi16>
    %convert_element_type3A_1893 = arith.extui %eq3A_1892 : vector<128x128xi1> to vector<128x128xi16>
    %add3A_1894 = arith.addi %add3A_1889, %convert_element_type3A_1893 : vector<128x128xi16>
    %slice3A_1895 = vector.extract_strided_slice %convert_element_type3A {offsets = [0, 8], sizes = [128, 1], strides = [1, 1]} : vector<128x50xi16> to vector<128x1xi16>
    %eq3A_1896 = vector.broadcast %slice3A_1895 : vector<128x1xi16> to vector<128x128xi16>
    %eq3A_1897 = arith.cmpi eq, %eq3A_1896, %add3A_1852 : vector<128x128xi16>
    %convert_element_type3A_1898 = arith.extui %eq3A_1897 : vector<128x128xi1> to vector<128x128xi16>
    %add3A_1899 = arith.addi %add3A_1894, %convert_element_type3A_1898 : vector<128x128xi16>
    %slice3A_1900 = vector.extract_strided_slice %convert_element_type3A {offsets = [0, 9], sizes = [128, 1], strides = [1, 1]} : vector<128x50xi16> to vector<128x1xi16>
    %eq3A_1901 = vector.broadcast %slice3A_1900 : vector<128x1xi16> to vector<128x128xi16>
    %eq3A_1902 = arith.cmpi eq, %eq3A_1901, %add3A_1852 : vector<128x128xi16>
    %convert_element_type3A_1903 = arith.extui %eq3A_1902 : vector<128x128xi1> to vector<128x128xi16>
    %add3A_1904 = arith.addi %add3A_1899, %convert_element_type3A_1903 : vector<128x128xi16>
    %slice3A_1905 = vector.extract_strided_slice %convert_element_type3A {offsets = [0, 10], sizes = [128, 1], strides = [1, 1]} : vector<128x50xi16> to vector<128x1xi16>
    %eq3A_1906 = vector.broadcast %slice3A_1905 : vector<128x1xi16> to vector<128x128xi16>
    %eq3A_1907 = arith.cmpi eq, %eq3A_1906, %add3A_1852 : vector<128x128xi16>
    %convert_element_type3A_1908 = arith.extui %eq3A_1907 : vector<128x128xi1> to vector<128x128xi16>
    %add3A_1909 = arith.addi %add3A_1904, %convert_element_type3A_1908 : vector<128x128xi16>
    %slice3A_1910 = vector.extract_strided_slice %convert_element_type3A {offsets = [0, 11], sizes = [128, 1], strides = [1, 1]} : vector<128x50xi16> to vector<128x1xi16>
    %eq3A_1911 = vector.broadcast %slice3A_1910 : vector<128x1xi16> to vector<128x128xi16>
    %eq3A_1912 = arith.cmpi eq, %eq3A_1911, %add3A_1852 : vector<128x128xi16>
    %convert_element_type3A_1913 = arith.extui %eq3A_1912 : vector<128x128xi1> to vector<128x128xi16>
    %add3A_1914 = arith.addi %add3A_1909, %convert_element_type3A_1913 : vector<128x128xi16>
    %slice3A_1915 = vector.extract_strided_slice %convert_element_type3A {offsets = [0, 12], sizes = [128, 1], strides = [1, 1]} : vector<128x50xi16> to vector<128x1xi16>
    %eq3A_1916 = vector.broadcast %slice3A_1915 : vector<128x1xi16> to vector<128x128xi16>
    %eq3A_1917 = arith.cmpi eq, %eq3A_1916, %add3A_1852 : vector<128x128xi16>
    %convert_element_type3A_1918 = arith.extui %eq3A_1917 : vector<128x128xi1> to vector<128x128xi16>
    %add3A_1919 = arith.addi %add3A_1914, %convert_element_type3A_1918 : vector<128x128xi16>
    %slice3A_1920 = vector.extract_strided_slice %convert_element_type3A {offsets = [0, 13], sizes = [128, 1], strides = [1, 1]} : vector<128x50xi16> to vector<128x1xi16>
    %eq3A_1921 = vector.broadcast %slice3A_1920 : vector<128x1xi16> to vector<128x128xi16>
    %eq3A_1922 = arith.cmpi eq, %eq3A_1921, %add3A_1852 : vector<128x128xi16>
    %convert_element_type3A_1923 = arith.extui %eq3A_1922 : vector<128x128xi1> to vector<128x128xi16>
    %add3A_1924 = arith.addi %add3A_1919, %convert_element_type3A_1923 : vector<128x128xi16>
    %slice3A_1925 = vector.extract_strided_slice %convert_element_type3A {offsets = [0, 14], sizes = [128, 1], strides = [1, 1]} : vector<128x50xi16> to vector<128x1xi16>
    %eq3A_1926 = vector.broadcast %slice3A_1925 : vector<128x1xi16> to vector<128x128xi16>
    %eq3A_1927 = arith.cmpi eq, %eq3A_1926, %add3A_1852 : vector<128x128xi16>
    %convert_element_type3A_1928 = arith.extui %eq3A_1927 : vector<128x128xi1> to vector<128x128xi16>
    %add3A_1929 = arith.addi %add3A_1924, %convert_element_type3A_1928 : vector<128x128xi16>
    %slice3A_1930 = vector.extract_strided_slice %convert_element_type3A {offsets = [0, 15], sizes = [128, 1], strides = [1, 1]} : vector<128x50xi16> to vector<128x1xi16>
    %eq3A_1931 = vector.broadcast %slice3A_1930 : vector<128x1xi16> to vector<128x128xi16>
    %eq3A_1932 = arith.cmpi eq, %eq3A_1931, %add3A_1852 : vector<128x128xi16>
    %convert_element_type3A_1933 = arith.extui %eq3A_1932 : vector<128x128xi1> to vector<128x128xi16>
    %add3A_1934 = arith.addi %add3A_1929, %convert_element_type3A_1933 : vector<128x128xi16>
    %slice3A_1935 = vector.extract_strided_slice %convert_element_type3A {offsets = [0, 16], sizes = [128, 1], strides = [1, 1]} : vector<128x50xi16> to vector<128x1xi16>
    %eq3A_1936 = vector.broadcast %slice3A_1935 : vector<128x1xi16> to vector<128x128xi16>
    %eq3A_1937 = arith.cmpi eq, %eq3A_1936, %add3A_1852 : vector<128x128xi16>
    %convert_element_type3A_1938 = arith.extui %eq3A_1937 : vector<128x128xi1> to vector<128x128xi16>
    %add3A_1939 = arith.addi %add3A_1934, %convert_element_type3A_1938 : vector<128x128xi16>
    %slice3A_1940 = vector.extract_strided_slice %convert_element_type3A {offsets = [0, 17], sizes = [128, 1], strides = [1, 1]} : vector<128x50xi16> to vector<128x1xi16>
    %eq3A_1941 = vector.broadcast %slice3A_1940 : vector<128x1xi16> to vector<128x128xi16>
    %eq3A_1942 = arith.cmpi eq, %eq3A_1941, %add3A_1852 : vector<128x128xi16>
    %convert_element_type3A_1943 = arith.extui %eq3A_1942 : vector<128x128xi1> to vector<128x128xi16>
    %add3A_1944 = arith.addi %add3A_1939, %convert_element_type3A_1943 : vector<128x128xi16>
    %slice3A_1945 = vector.extract_strided_slice %convert_element_type3A {offsets = [0, 18], sizes = [128, 1], strides = [1, 1]} : vector<128x50xi16> to vector<128x1xi16>
    %eq3A_1946 = vector.broadcast %slice3A_1945 : vector<128x1xi16> to vector<128x128xi16>
    %eq3A_1947 = arith.cmpi eq, %eq3A_1946, %add3A_1852 : vector<128x128xi16>
    %convert_element_type3A_1948 = arith.extui %eq3A_1947 : vector<128x128xi1> to vector<128x128xi16>
    %add3A_1949 = arith.addi %add3A_1944, %convert_element_type3A_1948 : vector<128x128xi16>
    %slice3A_1950 = vector.extract_strided_slice %convert_element_type3A {offsets = [0, 19], sizes = [128, 1], strides = [1, 1]} : vector<128x50xi16> to vector<128x1xi16>
    %eq3A_1951 = vector.broadcast %slice3A_1950 : vector<128x1xi16> to vector<128x128xi16>
    %eq3A_1952 = arith.cmpi eq, %eq3A_1951, %add3A_1852 : vector<128x128xi16>
    %convert_element_type3A_1953 = arith.extui %eq3A_1952 : vector<128x128xi1> to vector<128x128xi16>
    %add3A_1954 = arith.addi %add3A_1949, %convert_element_type3A_1953 : vector<128x128xi16>
    %slice3A_1955 = vector.extract_strided_slice %convert_element_type3A {offsets = [0, 20], sizes = [128, 1], strides = [1, 1]} : vector<128x50xi16> to vector<128x1xi16>
    %eq3A_1956 = vector.broadcast %slice3A_1955 : vector<128x1xi16> to vector<128x128xi16>
    %eq3A_1957 = arith.cmpi eq, %eq3A_1956, %add3A_1852 : vector<128x128xi16>
    %convert_element_type3A_1958 = arith.extui %eq3A_1957 : vector<128x128xi1> to vector<128x128xi16>
    %add3A_1959 = arith.addi %add3A_1954, %convert_element_type3A_1958 : vector<128x128xi16>
    %slice3A_1960 = vector.extract_strided_slice %convert_element_type3A {offsets = [0, 21], sizes = [128, 1], strides = [1, 1]} : vector<128x50xi16> to vector<128x1xi16>
    %eq3A_1961 = vector.broadcast %slice3A_1960 : vector<128x1xi16> to vector<128x128xi16>
    %eq3A_1962 = arith.cmpi eq, %eq3A_1961, %add3A_1852 : vector<128x128xi16>
    %convert_element_type3A_1963 = arith.extui %eq3A_1962 : vector<128x128xi1> to vector<128x128xi16>
    %add3A_1964 = arith.addi %add3A_1959, %convert_element_type3A_1963 : vector<128x128xi16>
    %slice3A_1965 = vector.extract_strided_slice %convert_element_type3A {offsets = [0, 22], sizes = [128, 1], strides = [1, 1]} : vector<128x50xi16> to vector<128x1xi16>
    %eq3A_1966 = vector.broadcast %slice3A_1965 : vector<128x1xi16> to vector<128x128xi16>
    %eq3A_1967 = arith.cmpi eq, %eq3A_1966, %add3A_1852 : vector<128x128xi16>
    %convert_element_type3A_1968 = arith.extui %eq3A_1967 : vector<128x128xi1> to vector<128x128xi16>
    %add3A_1969 = arith.addi %add3A_1964, %convert_element_type3A_1968 : vector<128x128xi16>
    %slice3A_1970 = vector.extract_strided_slice %convert_element_type3A {offsets = [0, 23], sizes = [128, 1], strides = [1, 1]} : vector<128x50xi16> to vector<128x1xi16>
    %eq3A_1971 = vector.broadcast %slice3A_1970 : vector<128x1xi16> to vector<128x128xi16>
    %eq3A_1972 = arith.cmpi eq, %eq3A_1971, %add3A_1852 : vector<128x128xi16>
    %convert_element_type3A_1973 = arith.extui %eq3A_1972 : vector<128x128xi1> to vector<128x128xi16>
    %add3A_1974 = arith.addi %add3A_1969, %convert_element_type3A_1973 : vector<128x128xi16>
    %slice3A_1975 = vector.extract_strided_slice %convert_element_type3A {offsets = [0, 24], sizes = [128, 1], strides = [1, 1]} : vector<128x50xi16> to vector<128x1xi16>
    %eq3A_1976 = vector.broadcast %slice3A_1975 : vector<128x1xi16> to vector<128x128xi16>
    %eq3A_1977 = arith.cmpi eq, %eq3A_1976, %add3A_1852 : vector<128x128xi16>
    %convert_element_type3A_1978 = arith.extui %eq3A_1977 : vector<128x128xi1> to vector<128x128xi16>
    %add3A_1979 = arith.addi %add3A_1974, %convert_element_type3A_1978 : vector<128x128xi16>
    %slice3A_1980 = vector.extract_strided_slice %convert_element_type3A {offsets = [0, 25], sizes = [128, 1], strides = [1, 1]} : vector<128x50xi16> to vector<128x1xi16>
    %eq3A_1981 = vector.broadcast %slice3A_1980 : vector<128x1xi16> to vector<128x128xi16>
    %eq3A_1982 = arith.cmpi eq, %eq3A_1981, %add3A_1852 : vector<128x128xi16>
    %convert_element_type3A_1983 = arith.extui %eq3A_1982 : vector<128x128xi1> to vector<128x128xi16>
    %add3A_1984 = arith.addi %add3A_1979, %convert_element_type3A_1983 : vector<128x128xi16>
    %slice3A_1985 = vector.extract_strided_slice %convert_element_type3A {offsets = [0, 26], sizes = [128, 1], strides = [1, 1]} : vector<128x50xi16> to vector<128x1xi16>
    %eq3A_1986 = vector.broadcast %slice3A_1985 : vector<128x1xi16> to vector<128x128xi16>
    %eq3A_1987 = arith.cmpi eq, %eq3A_1986, %add3A_1852 : vector<128x128xi16>
    %convert_element_type3A_1988 = arith.extui %eq3A_1987 : vector<128x128xi1> to vector<128x128xi16>
    %add3A_1989 = arith.addi %add3A_1984, %convert_element_type3A_1988 : vector<128x128xi16>
    %slice3A_1990 = vector.extract_strided_slice %convert_element_type3A {offsets = [0, 27], sizes = [128, 1], strides = [1, 1]} : vector<128x50xi16> to vector<128x1xi16>
    %eq3A_1991 = vector.broadcast %slice3A_1990 : vector<128x1xi16> to vector<128x128xi16>
    %eq3A_1992 = arith.cmpi eq, %eq3A_1991, %add3A_1852 : vector<128x128xi16>
    %convert_element_type3A_1993 = arith.extui %eq3A_1992 : vector<128x128xi1> to vector<128x128xi16>
    %add3A_1994 = arith.addi %add3A_1989, %convert_element_type3A_1993 : vector<128x128xi16>
    %slice3A_1995 = vector.extract_strided_slice %convert_element_type3A {offsets = [0, 28], sizes = [128, 1], strides = [1, 1]} : vector<128x50xi16> to vector<128x1xi16>
    %eq3A_1996 = vector.broadcast %slice3A_1995 : vector<128x1xi16> to vector<128x128xi16>
    %eq3A_1997 = arith.cmpi eq, %eq3A_1996, %add3A_1852 : vector<128x128xi16>
    %convert_element_type3A_1998 = arith.extui %eq3A_1997 : vector<128x128xi1> to vector<128x128xi16>
    %add3A_1999 = arith.addi %add3A_1994, %convert_element_type3A_1998 : vector<128x128xi16>
    %slice3A_2000 = vector.extract_strided_slice %convert_element_type3A {offsets = [0, 29], sizes = [128, 1], strides = [1, 1]} : vector<128x50xi16> to vector<128x1xi16>
    %eq3A_2001 = vector.broadcast %slice3A_2000 : vector<128x1xi16> to vector<128x128xi16>
    %eq3A_2002 = arith.cmpi eq, %eq3A_2001, %add3A_1852 : vector<128x128xi16>
    %convert_element_type3A_2003 = arith.extui %eq3A_2002 : vector<128x128xi1> to vector<128x128xi16>
    %add3A_2004 = arith.addi %add3A_1999, %convert_element_type3A_2003 : vector<128x128xi16>
    %slice3A_2005 = vector.extract_strided_slice %convert_element_type3A {offsets = [0, 30], sizes = [128, 1], strides = [1, 1]} : vector<128x50xi16> to vector<128x1xi16>
    %eq3A_2006 = vector.broadcast %slice3A_2005 : vector<128x1xi16> to vector<128x128xi16>
    %eq3A_2007 = arith.cmpi eq, %eq3A_2006, %add3A_1852 : vector<128x128xi16>
    %convert_element_type3A_2008 = arith.extui %eq3A_2007 : vector<128x128xi1> to vector<128x128xi16>
    %add3A_2009 = arith.addi %add3A_2004, %convert_element_type3A_2008 : vector<128x128xi16>
    %slice3A_2010 = vector.extract_strided_slice %convert_element_type3A {offsets = [0, 31], sizes = [128, 1], strides = [1, 1]} : vector<128x50xi16> to vector<128x1xi16>
    %eq3A_2011 = vector.broadcast %slice3A_2010 : vector<128x1xi16> to vector<128x128xi16>
    %eq3A_2012 = arith.cmpi eq, %eq3A_2011, %add3A_1852 : vector<128x128xi16>
    %convert_element_type3A_2013 = arith.extui %eq3A_2012 : vector<128x128xi1> to vector<128x128xi16>
    %add3A_2014 = arith.addi %add3A_2009, %convert_element_type3A_2013 : vector<128x128xi16>
    %slice3A_2015 = vector.extract_strided_slice %convert_element_type3A {offsets = [0, 32], sizes = [128, 1], strides = [1, 1]} : vector<128x50xi16> to vector<128x1xi16>
    %eq3A_2016 = vector.broadcast %slice3A_2015 : vector<128x1xi16> to vector<128x128xi16>
    %eq3A_2017 = arith.cmpi eq, %eq3A_2016, %add3A_1852 : vector<128x128xi16>
    %convert_element_type3A_2018 = arith.extui %eq3A_2017 : vector<128x128xi1> to vector<128x128xi16>
    %add3A_2019 = arith.addi %add3A_2014, %convert_element_type3A_2018 : vector<128x128xi16>
    %slice3A_2020 = vector.extract_strided_slice %convert_element_type3A {offsets = [0, 33], sizes = [128, 1], strides = [1, 1]} : vector<128x50xi16> to vector<128x1xi16>
    %eq3A_2021 = vector.broadcast %slice3A_2020 : vector<128x1xi16> to vector<128x128xi16>
    %eq3A_2022 = arith.cmpi eq, %eq3A_2021, %add3A_1852 : vector<128x128xi16>
    %convert_element_type3A_2023 = arith.extui %eq3A_2022 : vector<128x128xi1> to vector<128x128xi16>
    %add3A_2024 = arith.addi %add3A_2019, %convert_element_type3A_2023 : vector<128x128xi16>
    %slice3A_2025 = vector.extract_strided_slice %convert_element_type3A {offsets = [0, 34], sizes = [128, 1], strides = [1, 1]} : vector<128x50xi16> to vector<128x1xi16>
    %eq3A_2026 = vector.broadcast %slice3A_2025 : vector<128x1xi16> to vector<128x128xi16>
    %eq3A_2027 = arith.cmpi eq, %eq3A_2026, %add3A_1852 : vector<128x128xi16>
    %convert_element_type3A_2028 = arith.extui %eq3A_2027 : vector<128x128xi1> to vector<128x128xi16>
    %add3A_2029 = arith.addi %add3A_2024, %convert_element_type3A_2028 : vector<128x128xi16>
    %slice3A_2030 = vector.extract_strided_slice %convert_element_type3A {offsets = [0, 35], sizes = [128, 1], strides = [1, 1]} : vector<128x50xi16> to vector<128x1xi16>
    %eq3A_2031 = vector.broadcast %slice3A_2030 : vector<128x1xi16> to vector<128x128xi16>
    %eq3A_2032 = arith.cmpi eq, %eq3A_2031, %add3A_1852 : vector<128x128xi16>
    %convert_element_type3A_2033 = arith.extui %eq3A_2032 : vector<128x128xi1> to vector<128x128xi16>
    %add3A_2034 = arith.addi %add3A_2029, %convert_element_type3A_2033 : vector<128x128xi16>
    %slice3A_2035 = vector.extract_strided_slice %convert_element_type3A {offsets = [0, 36], sizes = [128, 1], strides = [1, 1]} : vector<128x50xi16> to vector<128x1xi16>
    %eq3A_2036 = vector.broadcast %slice3A_2035 : vector<128x1xi16> to vector<128x128xi16>
    %eq3A_2037 = arith.cmpi eq, %eq3A_2036, %add3A_1852 : vector<128x128xi16>
    %convert_element_type3A_2038 = arith.extui %eq3A_2037 : vector<128x128xi1> to vector<128x128xi16>
    %add3A_2039 = arith.addi %add3A_2034, %convert_element_type3A_2038 : vector<128x128xi16>
    %slice3A_2040 = vector.extract_strided_slice %convert_element_type3A {offsets = [0, 37], sizes = [128, 1], strides = [1, 1]} : vector<128x50xi16> to vector<128x1xi16>
    %eq3A_2041 = vector.broadcast %slice3A_2040 : vector<128x1xi16> to vector<128x128xi16>
    %eq3A_2042 = arith.cmpi eq, %eq3A_2041, %add3A_1852 : vector<128x128xi16>
    %convert_element_type3A_2043 = arith.extui %eq3A_2042 : vector<128x128xi1> to vector<128x128xi16>
    %add3A_2044 = arith.addi %add3A_2039, %convert_element_type3A_2043 : vector<128x128xi16>
    %slice3A_2045 = vector.extract_strided_slice %convert_element_type3A {offsets = [0, 38], sizes = [128, 1], strides = [1, 1]} : vector<128x50xi16> to vector<128x1xi16>
    %eq3A_2046 = vector.broadcast %slice3A_2045 : vector<128x1xi16> to vector<128x128xi16>
    %eq3A_2047 = arith.cmpi eq, %eq3A_2046, %add3A_1852 : vector<128x128xi16>
    %convert_element_type3A_2048 = arith.extui %eq3A_2047 : vector<128x128xi1> to vector<128x128xi16>
    %add3A_2049 = arith.addi %add3A_2044, %convert_element_type3A_2048 : vector<128x128xi16>
    %slice3A_2050 = vector.extract_strided_slice %convert_element_type3A {offsets = [0, 39], sizes = [128, 1], strides = [1, 1]} : vector<128x50xi16> to vector<128x1xi16>
    %eq3A_2051 = vector.broadcast %slice3A_2050 : vector<128x1xi16> to vector<128x128xi16>
    %eq3A_2052 = arith.cmpi eq, %eq3A_2051, %add3A_1852 : vector<128x128xi16>
    %convert_element_type3A_2053 = arith.extui %eq3A_2052 : vector<128x128xi1> to vector<128x128xi16>
    %add3A_2054 = arith.addi %add3A_2049, %convert_element_type3A_2053 : vector<128x128xi16>
    %slice3A_2055 = vector.extract_strided_slice %convert_element_type3A {offsets = [0, 40], sizes = [128, 1], strides = [1, 1]} : vector<128x50xi16> to vector<128x1xi16>
    %eq3A_2056 = vector.broadcast %slice3A_2055 : vector<128x1xi16> to vector<128x128xi16>
    %eq3A_2057 = arith.cmpi eq, %eq3A_2056, %add3A_1852 : vector<128x128xi16>
    %convert_element_type3A_2058 = arith.extui %eq3A_2057 : vector<128x128xi1> to vector<128x128xi16>
    %add3A_2059 = arith.addi %add3A_2054, %convert_element_type3A_2058 : vector<128x128xi16>
    %slice3A_2060 = vector.extract_strided_slice %convert_element_type3A {offsets = [0, 41], sizes = [128, 1], strides = [1, 1]} : vector<128x50xi16> to vector<128x1xi16>
    %eq3A_2061 = vector.broadcast %slice3A_2060 : vector<128x1xi16> to vector<128x128xi16>
    %eq3A_2062 = arith.cmpi eq, %eq3A_2061, %add3A_1852 : vector<128x128xi16>
    %convert_element_type3A_2063 = arith.extui %eq3A_2062 : vector<128x128xi1> to vector<128x128xi16>
    %add3A_2064 = arith.addi %add3A_2059, %convert_element_type3A_2063 : vector<128x128xi16>
    %slice3A_2065 = vector.extract_strided_slice %convert_element_type3A {offsets = [0, 42], sizes = [128, 1], strides = [1, 1]} : vector<128x50xi16> to vector<128x1xi16>
    %eq3A_2066 = vector.broadcast %slice3A_2065 : vector<128x1xi16> to vector<128x128xi16>
    %eq3A_2067 = arith.cmpi eq, %eq3A_2066, %add3A_1852 : vector<128x128xi16>
    %convert_element_type3A_2068 = arith.extui %eq3A_2067 : vector<128x128xi1> to vector<128x128xi16>
    %add3A_2069 = arith.addi %add3A_2064, %convert_element_type3A_2068 : vector<128x128xi16>
    %slice3A_2070 = vector.extract_strided_slice %convert_element_type3A {offsets = [0, 43], sizes = [128, 1], strides = [1, 1]} : vector<128x50xi16> to vector<128x1xi16>
    %eq3A_2071 = vector.broadcast %slice3A_2070 : vector<128x1xi16> to vector<128x128xi16>
    %eq3A_2072 = arith.cmpi eq, %eq3A_2071, %add3A_1852 : vector<128x128xi16>
    %convert_element_type3A_2073 = arith.extui %eq3A_2072 : vector<128x128xi1> to vector<128x128xi16>
    %add3A_2074 = arith.addi %add3A_2069, %convert_element_type3A_2073 : vector<128x128xi16>
    %slice3A_2075 = vector.extract_strided_slice %convert_element_type3A {offsets = [0, 44], sizes = [128, 1], strides = [1, 1]} : vector<128x50xi16> to vector<128x1xi16>
    %eq3A_2076 = vector.broadcast %slice3A_2075 : vector<128x1xi16> to vector<128x128xi16>
    %eq3A_2077 = arith.cmpi eq, %eq3A_2076, %add3A_1852 : vector<128x128xi16>
    %convert_element_type3A_2078 = arith.extui %eq3A_2077 : vector<128x128xi1> to vector<128x128xi16>
    %add3A_2079 = arith.addi %add3A_2074, %convert_element_type3A_2078 : vector<128x128xi16>
    %slice3A_2080 = vector.extract_strided_slice %convert_element_type3A {offsets = [0, 45], sizes = [128, 1], strides = [1, 1]} : vector<128x50xi16> to vector<128x1xi16>
    %eq3A_2081 = vector.broadcast %slice3A_2080 : vector<128x1xi16> to vector<128x128xi16>
    %eq3A_2082 = arith.cmpi eq, %eq3A_2081, %add3A_1852 : vector<128x128xi16>
    %convert_element_type3A_2083 = arith.extui %eq3A_2082 : vector<128x128xi1> to vector<128x128xi16>
    %add3A_2084 = arith.addi %add3A_2079, %convert_element_type3A_2083 : vector<128x128xi16>
    %slice3A_2085 = vector.extract_strided_slice %convert_element_type3A {offsets = [0, 46], sizes = [128, 1], strides = [1, 1]} : vector<128x50xi16> to vector<128x1xi16>
    %eq3A_2086 = vector.broadcast %slice3A_2085 : vector<128x1xi16> to vector<128x128xi16>
    %eq3A_2087 = arith.cmpi eq, %eq3A_2086, %add3A_1852 : vector<128x128xi16>
    %convert_element_type3A_2088 = arith.extui %eq3A_2087 : vector<128x128xi1> to vector<128x128xi16>
    %add3A_2089 = arith.addi %add3A_2084, %convert_element_type3A_2088 : vector<128x128xi16>
    %slice3A_2090 = vector.extract_strided_slice %convert_element_type3A {offsets = [0, 47], sizes = [128, 1], strides = [1, 1]} : vector<128x50xi16> to vector<128x1xi16>
    %eq3A_2091 = vector.broadcast %slice3A_2090 : vector<128x1xi16> to vector<128x128xi16>
    %eq3A_2092 = arith.cmpi eq, %eq3A_2091, %add3A_1852 : vector<128x128xi16>
    %convert_element_type3A_2093 = arith.extui %eq3A_2092 : vector<128x128xi1> to vector<128x128xi16>
    %add3A_2094 = arith.addi %add3A_2089, %convert_element_type3A_2093 : vector<128x128xi16>
    %slice3A_2095 = vector.extract_strided_slice %convert_element_type3A {offsets = [0, 48], sizes = [128, 1], strides = [1, 1]} : vector<128x50xi16> to vector<128x1xi16>
    %eq3A_2096 = vector.broadcast %slice3A_2095 : vector<128x1xi16> to vector<128x128xi16>
    %eq3A_2097 = arith.cmpi eq, %eq3A_2096, %add3A_1852 : vector<128x128xi16>
    %convert_element_type3A_2098 = arith.extui %eq3A_2097 : vector<128x128xi1> to vector<128x128xi16>
    %add3A_2099 = arith.addi %add3A_2094, %convert_element_type3A_2098 : vector<128x128xi16>
    %slice3A_2100 = vector.extract_strided_slice %convert_element_type3A {offsets = [0, 49], sizes = [128, 1], strides = [1, 1]} : vector<128x50xi16> to vector<128x1xi16>
    %eq3A_2101 = vector.broadcast %slice3A_2100 : vector<128x1xi16> to vector<128x128xi16>
    %eq3A_2102 = arith.cmpi eq, %eq3A_2101, %add3A_1852 : vector<128x128xi16>
    %convert_element_type3A_2103 = arith.extui %eq3A_2102 : vector<128x128xi1> to vector<128x128xi16>
    %add3A_2104 = arith.addi %add3A_2099, %convert_element_type3A_2103 : vector<128x128xi16>
    %convert_element_type3A_2105 = arith.sitofp %add3A_2104 : vector<128x128xi16> to vector<128x128xf32>
    %get3A_2106 = arith.constant 896 : index
    %get3A_2107 = arith.constant 0 : index
    %get3A_2108 = vector.load %arg2[%get3A_2106, %get3A_2107] : memref<1024x128xf32, #tpu.memory_space<vmem>>, vector<128x128xf32>
    %dot_general3A_2109 = arith.constant dense<0.000000e+00> : vector<128x128xf32>
    %dot_general3A_2110 = tpu.matmul %convert_element_type3A_2105, %get3A_2108, %dot_general3A_2109 {dimension_numbers = #tpu.dot_dimension_numbers<[1], [0], [0], [1], [0, 0, 1, 1], [], []>, transpose_lhs_hint = false} : vector<128x128xf32>, vector<128x128xf32>, vector<128x128xf32> -> vector<128x128xf32>
    %add3A_2111 = arith.addf %add3A_1848, %dot_general3A_2110 : vector<128x128xf32>
    %broadcast_in_dim3A_2112 = vector.shape_cast %div3A_10 : vector<128xf32> to vector<128x1xf32>
    %mul3A = vector.broadcast %broadcast_in_dim3A_2112 : vector<128x1xf32> to vector<128x128xf32>
    %mul3A_2113 = arith.mulf %add3A_2111, %mul3A : vector<128x128xf32>
    %swap3A = arith.constant 0 : index
    %swap3A_2114 = arith.constant 0 : index
    %swap3A_2115 = vector.load %arg3[%swap3A, %swap3A_2114] : memref<128x128xf32, #tpu.memory_space<vmem>>, vector<128x128xf32>
    tpu.vector_store %arg3[%swap3A, %swap3A_2114], %mul3A_2113 {strides = array<i32>} : memref<128x128xf32, #tpu.memory_space<vmem>>, vector<128x128xf32>,
    return
  }
  func.func @transform_0(%arg0: i32) -> (i32, i32) {
    %c0_i32 = arith.constant 0 : i32
    %c0_i32_0 = arith.constant 0 : i32
    return %arg0, %c0_i32 : i32, i32
  }
  func.func @transform_1(%arg0: i32) -> (i32, i32) {
    %c0_i32 = arith.constant 0 : i32
    %c0_i32_0 = arith.constant 0 : i32
    %c0_i32_1 = arith.constant 0 : i32
    return %c0_i32, %c0_i32_0 : i32, i32
  }
  func.func @transform_2(%arg0: i32) -> (i32, i32) {
    %c0_i32 = arith.constant 0 : i32
    %c0_i32_0 = arith.constant 0 : i32
    return %arg0, %c0_i32 : i32, i32
  }
}

</mosaic_0001>

<sc_bundles>
// kernel: kernel.4.cloned.1.call-start
scs
__scs_entry_jumppad:
0x0: {  	(pc) =	sbr.rel $0x88, $3  }
0x1: {  	(tag) =	ssettag $0x0;
	lr =	simm.s32 $0x1  }
0x2: {  	[smem:$0x3F9D] =	sst lr;
	_ =	strace $0xD0000000  }
0x3: {  	_ = 	snop  }
0x4: {  	_ = 	snop  }
0x5: {  	_ = 	snop  }
0x6: {  	_ = 	snop  }
0x7: {  	_ = 	snop  }
__scs_overlays_trampoline_lowered:
0x8: {  	[smem:$0x3FAC] =	sst s0  }
0x9: {  	[smem:$0x3FAD] =	sst s1  }
0xa: {  	[smem:$0x3FAE] =	sst s2  }
0xb: {  	[smem:$0x3FAF] =	sst s3  }
0xc: {  	[smem:$0x3FB0] =	sst s4  }
0xd: {  	[smem:$0x3FB1] =	sst s5  }
0xe: {  	[smem:$0x3FB2] =	sst s6  }
0xf: {  	[smem:$0x3FB3] =	sst s7  }
0x10: {  	[smem:$0x3FB4] =	sst s8  }
0x11: {  	[smem:$0x3FB5] =	sst s9;
	s0 =	simm.s32 @!p0 $0x0  }
0x12: {  	s1 =	sld [smem:$0x3F9B];
	s0 =	simm.s32 @p0 $0x1  }
0x13: {  	[smem:$0x3FB6] =	sst s0;
	s0 =	simm.s32 @!p1 $0x0  }
0x14: {  	s2 =	sld [smem:$0x3F9A];
	s0 =	simm.s32 @p1 $0x1  }
0x15: {  	[smem:$0x3FB7] =	sst s0;
	s0 =	simm.s32 @!p2 $0x0  }
0x16: {  	s3 =	sld [smem:$0x3FDB];
	s0 =	simm.s32 @p2 $0x1  }
0x17: {  	s4 =	simm.s32 $0x1BF5;
	[smem:$0x3FB9] =	sst s0  }
0x18: {  	s0 =	sld [smem:$0x3F9C];
	_ =	swait.ge [sflag:s4], $0x0  }
0x19: {  	s7 =	sld [smem:$0x3F9D]  }
0x1a: {  	s8 =	sadd.s32 $0xFFFFE003, lr  }
0x1b: {  	s9 =	sadd.s32 $0xFFFFFEF7, lr;
	s5 =	simm.s32 $0xFFFFFFFF;
	p2 =	slt.u32 s8, $0xFFFFF086  }
0x1c: {  	p1 =	slt.u32 s9, $0xF7A;
	s5 =	simm.s32 @!p2 $0x0  }
0x1d: {  	s5 =	simm.s32 @p1 $0x1;
	p0 =	seq.s32 s7, s2  }
0x1e: {  	s7 =	smul.u32 @!p0 $0xF7A, s2;
	p2 =	seq.s32 @!p0 s5, $0x0  }
0x1f: {  	s9 =	smul.u32 $0xF7A, s1;
	s8 =	simm.s32 @!p0 $0x1BF5;
	p2 =	por !p2, p0  }
0x20: {  	[sflag:s8] =	ssyncset.s32 @!p0 $0xFFFFF086;
	s6 =	sadd.s32 @!p0 s3, s7;
	s7 =	simm.s32 @!p0 $0x108  }
0x21: {  	s3 =	sadd.s32 s3, s9;
	s6 =	sadd.s32 @!p0 $0x88, s6;
	s7 =	simm.s32 @p2 $0x1082  }
0x22: {  	[simem:s7], [sflag:s8] =	dma.local @!p0 [hbm:s6], $0xF7A  }
0x23: {  	s9 =	sor.u32 $0xD0000000, s2;
	s6 =	simm.s32 $0x108;
	_ =	swait.ge @!p0 [sflag:s8], $0x0  }
0x24: {  	s3 =	sadd.s32 $0x88, s3;
	s6 =	simm.s32 @!p1 $0x1082;
	[sflag:s4] =	ssyncset.s32 $0xFFFFF086  }
0x25: {  	[simem:s6], [sflag:s4] =	dma.local [hbm:s3], $0xF7A  }
0x26: {  	[smem:$0x3F9D] =	sst s1;
	(tag) =	ssettag s2;
	_ =	strace s9  }
0x27: {  	s1 =	sld [smem:$0x3FAD]  }
0x28: {  	s2 =	sld [smem:$0x3FAE]  }
0x29: {  	s4 =	sld [smem:$0x3FB0]  }
0x2a: {  	p0 =	seq.s32 s5, $0x0;
	s5 =	sld [smem:$0x3FB1]  }
0x2b: {  	s6 =	sld [smem:$0x3FB2]  }
0x2c: {  	s7 =	sld [smem:$0x3FB3]  }
0x2d: {  	s3 =	simm.s32 $0x108;
	s8 =	sld [smem:$0x3FB4]  }
0x2e: {  	s3 =	simm.s32 @!p0 $0x1082;
	s9 =	sld [smem:$0x3FB5]  }
0x2f: {  	lr =	sadd.s32 s0, s3;
	s0 =	sld [smem:$0x3FAC]  }
0x30: {  	s3 =	sld [smem:$0x3FAF]  }
0x31: {  	[smem:$0x3FB8] =	sst s10  }
0x32: {  	s10 =	sld [smem:$0x3FB6];
	_ =	sdelay $0x3  }
0x33: {  	p0 =	seq.s32 s10, $0x1;
	s10 =	sld [smem:$0x3FB8];
	_ =	sdelay $0x3  }
0x34: {  	[smem:$0x3FB8] =	sst s10  }
0x35: {  	s10 =	sld [smem:$0x3FB7];
	_ =	sdelay $0x3  }
0x36: {  	p1 =	seq.s32 s10, $0x1;
	s10 =	sld [smem:$0x3FB8];
	_ =	sdelay $0x3  }
0x37: {  	[smem:$0x3FB8] =	sst s10  }
0x38: {  	s10 =	sld [smem:$0x3FB9]  }
0x39: {  	_ = 	snop;
	(pc) =	sbr.ind lr, $3  }
0x3a: {  	_ = 	snop  }
0x3b: {  	_ = 	snop  }
0x3c: {  	p2 =	seq.s32 s10, $0x1;
	s10 =	sld [smem:$0x3FB8]  }
0x3d: {  	_ =	shalt  }
0x3e: {  	_ =	shalt  }
0x3f: {  	_ =	shalt  }
0x40: {  	_ =	shalt  }
0x41: {  	_ =	shalt  }
0x42: {  	_ =	shalt  }
0x43: {  	_ =	shalt  }
0x44: {  	_ =	shalt  }
0x45: {  	_ =	shalt  }
0x46: {  	_ =	shalt  }
0x47: {  	_ =	shalt  }
0x48: {  	_ =	shalt  }
0x49: {  	_ =	shalt  }
0x4a: {  	_ =	shalt  }
0x4b: {  	_ =	shalt  }
0x4c: {  	_ =	shalt  }
0x4d: {  	_ =	shalt  }
0x4e: {  	_ =	shalt  }
0x4f: {  	_ =	shalt  }
0x50: {  	_ =	shalt  }
0x51: {  	_ =	shalt  }
0x52: {  	_ =	shalt  }
0x53: {  	_ =	shalt  }
0x54: {  	_ =	shalt  }
0x55: {  	_ =	shalt  }
0x56: {  	_ =	shalt  }
0x57: {  	_ =	shalt  }
0x58: {  	_ =	shalt  }
0x59: {  	_ =	shalt  }
0x5a: {  	_ =	shalt  }
0x5b: {  	_ =	shalt  }
0x5c: {  	_ =	shalt  }
0x5d: {  	_ =	shalt  }
0x5e: {  	_ =	shalt  }
0x5f: {  	_ =	shalt  }
0x60: {  	_ =	shalt  }
0x61: {  	_ =	shalt  }
0x62: {  	_ =	shalt  }
0x63: {  	_ =	shalt  }
0x64: {  	_ =	shalt  }
0x65: {  	_ =	shalt  }
0x66: {  	_ =	shalt  }
0x67: {  	_ =	shalt  }
0x68: {  	_ =	shalt  }
0x69: {  	_ =	shalt  }
0x6a: {  	_ =	shalt  }
0x6b: {  	_ =	shalt  }
0x6c: {  	_ =	shalt  }
0x6d: {  	_ =	shalt  }
0x6e: {  	_ =	shalt  }
0x6f: {  	_ =	shalt  }
0x70: {  	_ =	shalt  }
0x71: {  	_ =	shalt  }
0x72: {  	_ =	shalt  }
0x73: {  	_ =	shalt  }
0x74: {  	_ =	shalt  }
0x75: {  	_ =	shalt  }
0x76: {  	_ =	shalt  }
0x77: {  	_ =	shalt  }
0x78: {  	_ =	shalt  }
0x79: {  	_ =	shalt  }
0x7a: {  	_ =	shalt  }
0x7b: {  	_ =	shalt  }
0x7c: {  	_ =	shalt  }
0x7d: {  	_ =	shalt  }
0x7e: {  	_ =	shalt  }
0x7f: {  	_ =	shalt  }
0x80: {  	_ =	shalt  }
0x81: {  	_ =	shalt  }
0x82: {  	_ =	shalt  }
0x83: {  	_ =	shalt  }
0x84: {  	_ =	shalt  }
0x85: {  	_ =	shalt  }
0x86: {  	_ =	shalt  }
0x87: {  	_ =	shalt  }
.Lfunc_end0:
.L_simem_size_0:
called_computation_lowered:
.L_overlay_start_0:
0x88: {  	s2 =	sld [smem:$0x3FD9]  }
0x89: {  	s3 =	sld [smem:$0x3FFE];
	_ =	sdelay $0x1  }
0x8a: {  	s1 =	srdreg.scid  }
0x8b: {  	s0 =	sand.u32 $0x1, s1  }
0x8c: {  	s17 =	sshll.u32 s0, $0xA;
	s2 =	sadd.s32 s3, s2  }
0x8d: {  	s2 =	sadd.s32 s2, s17  }
0x8e: {  	[smem:$0x3FC4] =	sst s2  }
0x8f: {  	_ = 	snop  }
0x90: {  	s2 =	sld [smem:$0x3FC7]  }
0x91: {  	s18 =	sld [smem:$0x3FD0];
	(tm) =	ssettm $0x1  }
0x92: {  	s4 =	sld [smem:$0x3FFB];
	_ =	sdelay $0x3  }
0x93: {  	_ =	strace s4  }
0x94: {  	s4 =	sld [smem:$0x3FFC];
	_ =	sdelay $0x3  }
0x95: {  	_ =	strace s4  }
0x96: {  	s4 =	sld [smem:$0x3FFD];
	_ =	sdelay $0x3  }
0x97: {  	_ =	strace s4  }
0x98: {  	_ =	strace $0x8FFFFFFF  }
0x99: {  	s19 =	sld [smem:$0x3FDB];
	_ =	sdelay $0x1  }
0x9a: {  	s5 =	simm.s32 $_scs_section_size  }
0x9b: {  	s6 =	simm.s32 $_size__tile_overlayer_lowered;
	s7 =	simm.s32 $_tile_overlayer_lowered  }
0x9c: {  	s22 =	simm.s32 $0x1BFF;
	s21 =	sshll.u32 s7, $0x1;
	s4 =	sadd.s32 s5, s19  }
0x9d: {  	s8 =	simm.s32 $0x0;
	s20 =	sshll.u32 s6, $0x1;
	s6 =	sadd.s32 s21, s4  }
0x9e: {  	[timem:s8], [sflag:s22] =	dma.local [hbm:s6], s20  }
0x9f: {  	_ =	swait.ge [sflag:s22], s20  }
0xa0: {  	s5 =	ssub.s32 $0x0, s20;
	[sflag:s22] =	ssyncset.done $0x0  }
0xa1: {  	[sflag:s22] =	ssyncadd.s32 s5;
	_ =	sdelay $0x1  }
0xa2: {  	s23 =	simm.s32 $0x1B8B  }
0xa3: {  	_ =	swait.ge [sflag:s23], $0x1  }
0xa4: {  	[sflag:s23] =	ssyncset.done $0x0  }
0xa5: {  	s25 =	simm.s32 $0x1B8E;
	s24 =	sld [smem:$0x3FFE];
	[sflag:s23] =	ssyncadd.s32 $0xFFFFFFFF  }
0xa6: {  	s26 =	simm.s32 $execute0_lowered;
	[smem:$0x3FD2] =	sst s25  }
0xa7: {  	s6 =	sshll.u32 s26, $0x1;
	_ =	strace $0x80000046;
	[dreg:$0x1] =	wrdreg $0xFFFFFFFF  }
0xa8: {  	s28 =	simm.s32 $_size_execute0_lowered;
	s4 =	sadd.s32 s4, s6;
	[dreg:$0x0] =	wrdreg $0x0  }
0xa9: {  	s6 =	sshll.u32 s28, $0x1;
	[dreg:$0x2] =	wrdreg s4  }
0xaa: {  	[dreg:$0x3] =	wrdreg s6  }
0xab: {  	[dreg:$0x4] =	wrdreg $0xC0  }
0xac: {  	_ =	task [dreg:s8], $0x5FFFF  }
0xad: {  	[dreg:$0x1] =	wrdreg $0xFFFFFFFF  }
0xae: {  	[dreg:$0x0] =	wrdreg $0x60  }
0xaf: {  	[dreg:$0x2] =	wrdreg s18  }
0xb0: {  	[dreg:$0x3] =	wrdreg s2  }
0xb1: {  	[dreg:$0x4] =	wrdreg s24  }
0xb2: {  	[dreg:$0x5] =	wrdreg $0x9  }
0xb3: {  	_ =	task.clear_ibuf [dreg:s8], $0x6FFFF;
	_ =	strace $0x90000046  }
0xb4: {  	s29 =	simm.s32 $0x9;
	_ =	strace $0x80000048  }
0xb5: {  	_ =	swait.ge [sflag:s29], $0x1  }
0xb6: {  	[sflag:s29] =	ssyncadd.s32 $0xFFFFFFFF  }
0xb7: {  	_ =	strace $0x90000048  }
0xb8: {  	_ =	sfence  }
0xb9: {  	s30 =	sld [smem:$0x0];
	_ =	sdelay $0x2  }
0xba: {  	s31 =	sshll.u32 s1, $0xD;
	s1 =	sshrl.u32 s1, $0x2  }
0xbb: {  	s3 =	sand.u32 $0x4000, s31;
	s1 =	sadd.s32 s1, s30  }
0xbc: {  	s0 =	sor.u32 s3, s0;
	s1 =	sshll.u32 s1, $0x11  }
0xbd: {  	s0 =	sor.u32 s1, s0  }
0xbe: {  	s0 =	sadd.s32 $0x8F2B, s0  }
0xbf: {  	[sflag:s0] =	ssyncadd.remote.s32 $0x1  }
0xc0: {  	_ =	sfence.sel $0xFFFF  }
0xc1: {  	[dreg:$0x0] =	wrdreg $0xFFFFFFFF;
	(pc) =	sbr.abs _section_cstart, $3  }
0xc2: {  	[dreg:$0x1] =	wrdreg $0xFFFFFFFF  }
0xc3: {  	_ =	task.clear_ibuf [dreg:s8], $0x2FFFF;
	_ =	strace $0x9FFFFFFF  }
0xc4: {  	(tm) =	ssettm $0x7FFFFFFF  }
0xc5: {  	_ =	shalt  }
tec
execute0_lowered:
.L_overlay_start_1:
0x0: {  	(tag) =	ssettag $0x1  }
0x1: {  	s4 =	rddreg [dreg:$0x0]  }
0x2: {  	s2 =	rddreg [dreg:$0x1]  }
0x3: {  	s5 =	rddreg [dreg:$0x2]  }
0x4: {  	s0 =	rddreg [dreg:$0x3];
	s6 =	srdreg.scid  }
0x5: {  	s1 =	stileid.u32;
	s3 =	simm.s32 $0x0;
	s9 =	simm.s32 $0x6480  }
0x6: {  	s10 =	simm.s32 $0x48;
	s11 =	simm.s32 $0xA480;
	s12 =	simm.s32 $0xC880  }
0x7: {  	s13 =	simm.s32 $0x10880;
	s14 =	simm.s32 $0x1;
	s15 =	simm.s32 $0x2  }
0x8: {  	s16 =	simm.s32 $0x12C80;
	s6 =	sand.u32 $0x1, s6;
	s7 =	sshll.u32 s1, $0x1  }
0x9: {  	s17 =	simm.s32 $0x0;
	[smem:$0x7FF] =	sst s3;
	s7 =	sor.u32 s6, s7  }
0xa: {  	s6 =	ssub.s32 $0x2, s6;
	s8 =	sshll.u32 s7, $0xB;
	s7 =	smul.u32 $0xC80, s7  }
0xb: {  	_ =	strace $0x80000047;
	s31 =	sshrl.u32 s6, $0x1;
	s5 =	sadd.s32 s8, s5  }
0xc: {  	s6 =	ssub.s32 s6, s31;
	s8 =	simm.s32 $0x80;
	s4 =	sadd.s32 s4, s7  }
0xd: {  	v0 =	vimm.s32 $0x0;
	s5 =	sadd.s32 $0x800, s5;
	s6 =	smax.u32 s6, $0x1;
	s7 =	simm.s32 $0x3  }
.LBB2_1:
0xe: {  	[tilespmem:s3], [sflag:$0x3] =	stream.linear.gather [hbm4b:s4+s3], $0x6400, $0x38;
	[tilespmem:$0x16C80] =	vst v63  }
0xf: {  	_ =	swait.ge [sflag:s7], $0x6400  }
0x10: {  	[sflag:s7] =	ssyncset.done $0x0  }
0x11: {  	[sflag:s7] =	ssyncadd.s32 $0xFFFF9C00  }
0x12: {  	[tilespmem:s9], [sflag:$0x1] =	stream.indirect.gather [hbm4b:s2+s8], $0x80, s3, s8, $0xb8;
	[tilespmem:$0x16C80] =	vst v63  }
0x13: {  	s18 =	simm.s32 $0x0  }
0x14: {  	[tilespmem:s11], [sflag:$0x1] =	stream.indirect.gather [hbm4b:s2+s10], $0x80, s8, s10, $0xb8;
	[tilespmem:$0x16C80] =	vst v63  }
.LBB2_2:
0x15: {  	s19 =	sshllo.u32 s18, $0x1  }
0x16: {  	s20 =	smul.u32 $0x320, s19;
	_ =	sdelay $0x1  }
0x17: {  	s20 =	sshra.s32 s20, $0x2  }
0x18: {  	[tilespmem:s12], [sflag:$0x2] =	stream.indirect.gather [hbm4b:s2+s8], $0x80, s20, s8, $0xb8;
	[tilespmem:$0x16C80] =	vst v63  }
0x19: {  	s22 =	smul.u32 $0x640, s18;
	s21 =	sadd.s32 $0x80, s20  }
0x1a: {  	[tilespmem:s13], [sflag:$0x2] =	stream.indirect.gather [hbm4b:s2+s10], $0x80, s21, s10, $0xb8;
	[tilespmem:$0x16C80] =	vst v63  }
0x1b: {  	s21 =	sshra.s32 s22, $0x2  }
0x1c: {  	v16 =	vld [tilespmem:s21+$0x0]  }
0x1d: {  	v17 =	vld [tilespmem:s21+$0x10]  }
0x1e: {  	v15 =	vld [tilespmem:s21+$0x20]  }
0x1f: {  	v14 =	vld [tilespmem:s21+$0x30]  }
0x20: {  	v13 =	vld [tilespmem:s21+$0x40]  }
0x21: {  	v12 =	vld [tilespmem:s21+$0x50]  }
0x22: {  	v11 =	vld [tilespmem:s21+$0x60]  }
0x23: {  	v10 =	vld [tilespmem:s21+$0x70]  }
0x24: {  	v9 =	vld [tilespmem:s21+$0x80]  }
0x25: {  	v8 =	vld [tilespmem:s21+$0x90]  }
0x26: {  	v7 =	vld [tilespmem:s21+$0xA0]  }
0x27: {  	v6 =	vld [tilespmem:s21+$0xB0]  }
0x28: {  	v5 =	vld [tilespmem:s21+$0xC0];
	_ =	swait.ge [sflag:s14], $0x4000  }
0x29: {  	[sflag:s14] =	ssyncset.done $0x0  }
0x2a: {  	[sflag:s14] =	ssyncadd.s32 $0xFFFFC000  }
0x2b: {  	_ =	swait.ge [sflag:s14], $0x2400  }
0x2c: {  	[sflag:s14] =	ssyncset.done $0x0  }
0x2d: {  	s23 =	simm.s32 $0x6680;
	[sflag:s14] =	ssyncadd.s32 $0xFFFFDC00  }
0x2e: {  	v18 =	vld [tilespmem:s23+$0x180]  }
0x2f: {  	v19 =	vld [tilespmem:s23+$0x190]  }
0x30: {  	v22 =	vld [tilespmem:s23+$0x1A0]  }
0x31: {  	v23 =	vld [tilespmem:s23+$0x1B0]  }
0x32: {  	v1 =	vld [tilespmem:s23+$0x1C0]  }
0x33: {  	v2 =	vld [tilespmem:s23+$0x1D0]  }
0x34: {  	v20 =	vld [tilespmem:s23+$0x100]  }
0x35: {  	v21 =	vld [tilespmem:s23+$0x110]  }
0x36: {  	v24 =	vld [tilespmem:s23+$0x120]  }
0x37: {  	v25 =	vld [tilespmem:s23+$0x130]  }
0x38: {  	v4 =	vld [tilespmem:s23+$0x140]  }
0x39: {  	v3 =	vld [tilespmem:s23+$0x150]  }
0x3a: {  	v26 =	vld [tilespmem:s23+$0x80]  }
0x3b: {  	v27 =	vld [tilespmem:s23+$0x90]  }
0x3c: {  	v28 =	vld [tilespmem:s23+$0xA0]  }
0x3d: {  	v29 =	vld [tilespmem:s23+$0xB0]  }
0x3e: {  	v32 =	vld [tilespmem:s23+$0xC0]  }
0x3f: {  	v33 =	vld [tilespmem:s23+$0xD0]  }
0x40: {  	v30 =	vld [tilespmem:s23+$0x0]  }
0x41: {  	v31 =	vld [tilespmem:s23+$0x10]  }
0x42: {  	v34 =	vld [tilespmem:s23+$0x20]  }
0x43: {  	v35 =	vld [tilespmem:s23+$0x30]  }
0x44: {  	v36 =	vld [tilespmem:s23+$0x40]  }
0x45: {  	v37 =	vld [tilespmem:s23+$0x50]  }
0x46: {  	v38 =	vld [tilespmem:s23+$0xFFFFFF80]  }
0x47: {  	v39 =	vld [tilespmem:s23+$0xFFFFFF90]  }
0x48: {  	v40 =	vld [tilespmem:s23+$0xFFFFFF00]  }
0x49: {  	v41 =	vld [tilespmem:s23+$0xFFFFFF10]  }
0x4a: {  	v42 =	vld [tilespmem:s23+$0xFFFFFE80]  }
0x4b: {  	v43 =	vld [tilespmem:s23+$0xFFFFFE90]  }
0x4c: {  	v44 =	vld [tilespmem:s23+$0xFFFFFE00]  }
0x4d: {  	v45 =	vld [tilespmem:s23+$0xFFFFFE10]  }
0x4e: {  	v46 =	vld [tilespmem:s23+$0xFFFFFE20]  }
0x4f: {  	v47 =	vld [tilespmem:s23+$0xFFFFFE30]  }
0x50: {  	v48 =	vld [tilespmem:s23+$0xFFFFFEA0]  }
0x51: {  	v49 =	vld [tilespmem:s23+$0xFFFFFEB0]  }
0x52: {  	v50 =	vimm.f32 $0.0e+00;
	v51 =	vld [tilespmem:s23+$0xFFFFFF20]  }
0x53: {  	v52 =	vld [tilespmem:s23+$0xFFFFFF30];
	v44 =	vadd.f32 v44, v50;
	v45 =	vadd.f32 v45, v50  }
0x54: {  	v53 =	vld [tilespmem:s23+$0xFFFFFFA0];
	v46 =	vadd.f32 v46, v50;
	v47 =	vadd.f32 v47, v50  }
0x55: {  	v60 =	vld [tilespmem:s23+$0xFFFFFFB0];
	v42 =	vadd.f32 v42, v44;
	v43 =	vadd.f32 v43, v45  }
0x56: {  	v54 =	vld [tilespmem:s23+$0xFFFFFF40];
	v61 =	vadd.f32 v48, v46;
	v62 =	vadd.f32 v49, v47  }
0x57: {  	v55 =	vld [tilespmem:s23+$0xFFFFFF50];
	v40 =	vadd.f32 v40, v42;
	v41 =	vadd.f32 v41, v43  }
0x58: {  	v56 =	vld [tilespmem:s23+$0xFFFFFEC0];
	v63 =	vadd.f32 v51, v61;
	v52 =	vadd.f32 v52, v62  }
0x59: {  	v59 =	vld [tilespmem:s23+$0xFFFFFED0];
	v38 =	vadd.f32 v38, v40;
	v39 =	vadd.f32 v39, v41  }
0x5a: {  	v47 =	vld [tilespmem:s23+$0xFFFFFFC0];
	v57 =	vadd.f32 v53, v63;
	v58 =	vadd.f32 v60, v52  }
0x5b: {  	v42 =	vld [tilespmem:s23+$0xFFFFFFD0];
	v30 =	vadd.f32 v30, v38;
	v31 =	vadd.f32 v31, v39  }
0x5c: {  	v61 =	vld [tilespmem:s23+$0xFFFFFE50];
	v34 =	vadd.f32 v34, v57;
	v35 =	vadd.f32 v35, v58  }
0x5d: {  	v60 =	vld [tilespmem:s23+$0xFFFFFE40];
	v26 =	vadd.f32 v26, v30;
	v27 =	vadd.f32 v27, v31  }
0x5e: {  	v30 =	vld [tilespmem:s23+$0xFFFFFE60];
	v28 =	vadd.f32 v28, v34;
	v29 =	vadd.f32 v29, v35  }
0x5f: {  	v31 =	vld [tilespmem:s23+$0xFFFFFE70];
	v20 =	vadd.f32 v20, v26;
	v26 =	vadd.f32 v21, v27  }
0x60: {  	v27 =	vld [tilespmem:s23+$0xFFFFFEE0];
	v24 =	vadd.f32 v24, v28;
	v25 =	vadd.f32 v25, v29  }
0x61: {  	v28 =	vld [tilespmem:s23+$0xFFFFFEF0];
	v21 =	vadd.f32 v18, v20;
	v20 =	vadd.f32 v19, v26  }
0x62: {  	v26 =	vld [tilespmem:s23+$0xFFFFFF60];
	v19 =	vadd.f32 v22, v24;
	v18 =	vadd.f32 v23, v25  }
0x63: {  	v22 =	vadd.f32 v60, v50;
	v23 =	vadd.f32 v61, v50;
	v24 =	vld [tilespmem:s23+$0xFFFFFF70]  }
0x64: {  	v25 =	vadd.f32 v30, v50;
	v29 =	vadd.f32 v31, v50;
	v30 =	vld [tilespmem:s23+$0xFFFFFFE0]  }
0x65: {  	v31 =	vld [tilespmem:s23+$0xFFFFFFF0];
	v22 =	vadd.f32 v56, v22;
	v23 =	vadd.f32 v59, v23  }
0x66: {  	v62 =	vld [tilespmem:s23+$0x60];
	v25 =	vadd.f32 v27, v25;
	v27 =	vadd.f32 v28, v29  }
0x67: {  	v63 =	vld [tilespmem:s23+$0x70];
	v22 =	vadd.f32 v54, v22;
	v23 =	vadd.f32 v55, v23  }
0x68: {  	v25 =	vadd.f32 v26, v25;
	v24 =	vadd.f32 v24, v27;
	v26 =	vld [tilespmem:s23+$0xE0]  }
0x69: {  	v27 =	vld [tilespmem:s23+$0xF0];
	v22 =	vadd.f32 v47, v22;
	v23 =	vadd.f32 v42, v23  }
0x6a: {  	v28 =	vld [tilespmem:s23+$0x160];
	v25 =	vadd.f32 v30, v25;
	v24 =	vadd.f32 v31, v24  }
0x6b: {  	v29 =	vld [tilespmem:s23+$0x170];
	v22 =	vadd.f32 v36, v22;
	v23 =	vadd.f32 v37, v23  }
0x6c: {  	v31 =	vadd.f32 v62, v25;
	v30 =	vadd.f32 v63, v24;
	v25 =	vld [tilespmem:s23+$0x1E0]  }
0x6d: {  	s22 =	simm.s32 $0x0;
	v32 =	vadd.f32 v32, v22;
	v23 =	vadd.f32 v33, v23;
	v22 =	vld [tilespmem:s23+$0x1F0];
	s23 =	simm.s32 $0x6A80  }
.LBB2_3:
0x6e: {  	v24 =	vld [tilespmem:s23+$0x180];
	v31 =	vadd.f32 v26, v31;
	v30 =	vadd.f32 v27, v30  }
0x6f: {  	v26 =	vld [tilespmem:s23+$0x190];
	v4 =	vadd.f32 v4, v32;
	v3 =	vadd.f32 v3, v23  }
0x70: {  	v27 =	vld [tilespmem:s23+$0x1A0];
	v23 =	vadd.f32 v28, v31;
	v30 =	vadd.f32 v29, v30  }
0x71: {  	v31 =	vld [tilespmem:s23+$0x1B0];
	v28 =	vadd.f32 v1, v4;
	v29 =	vadd.f32 v2, v3  }
0x72: {  	v1 =	vld [tilespmem:s23+$0x1C0];
	v25 =	vadd.f32 v25, v23;
	v30 =	vadd.f32 v22, v30  }
0x73: {  	v2 =	vld [tilespmem:s23+$0x1D0]  }
0x74: {  	v32 =	vld [tilespmem:s23+$0x100]  }
0x75: {  	v33 =	vld [tilespmem:s23+$0x110]  }
0x76: {  	v34 =	vld [tilespmem:s23+$0x120]  }
0x77: {  	v35 =	vld [tilespmem:s23+$0x130]  }
0x78: {  	v4 =	vld [tilespmem:s23+$0x140]  }
0x79: {  	v3 =	vld [tilespmem:s23+$0x150]  }
0x7a: {  	v36 =	vld [tilespmem:s23+$0x80]  }
0x7b: {  	v37 =	vld [tilespmem:s23+$0x90]  }
0x7c: {  	v38 =	vld [tilespmem:s23+$0xA0]  }
0x7d: {  	v39 =	vld [tilespmem:s23+$0xB0]  }
0x7e: {  	v22 =	vld [tilespmem:s23+$0xC0]  }
0x7f: {  	v23 =	vld [tilespmem:s23+$0xD0]  }
0x80: {  	v40 =	vld [tilespmem:s23+$0x0]  }
0x81: {  	v41 =	vld [tilespmem:s23+$0x10]  }
0x82: {  	v42 =	vld [tilespmem:s23+$0x20]  }
0x83: {  	v43 =	vld [tilespmem:s23+$0x30]  }
0x84: {  	v44 =	vld [tilespmem:s23+$0x40]  }
0x85: {  	v45 =	vld [tilespmem:s23+$0x50]  }
0x86: {  	v46 =	vld [tilespmem:s23+$0xFFFFFF80]  }
0x87: {  	v47 =	vld [tilespmem:s23+$0xFFFFFF90]  }
0x88: {  	v48 =	vld [tilespmem:s23+$0xFFFFFF00]  }
0x89: {  	v49 =	vld [tilespmem:s23+$0xFFFFFF10]  }
0x8a: {  	v50 =	vld [tilespmem:s23+$0xFFFFFE80]  }
0x8b: {  	v51 =	vld [tilespmem:s23+$0xFFFFFE90]  }
0x8c: {  	v52 =	vld [tilespmem:s23+$0xFFFFFE00]  }
0x8d: {  	v53 =	vld [tilespmem:s23+$0xFFFFFE10]  }
0x8e: {  	v54 =	vld [tilespmem:s23+$0xFFFFFE20]  }
0x8f: {  	v55 =	vld [tilespmem:s23+$0xFFFFFE30]  }
0x90: {  	v56 =	vld [tilespmem:s23+$0xFFFFFEA0]  }
0x91: {  	v57 =	vld [tilespmem:s23+$0xFFFFFEB0]  }
0x92: {  	v58 =	vld [tilespmem:s23+$0xFFFFFF20]  }
0x93: {  	v21 =	vadd.f32 v52, v21;
	v20 =	vadd.f32 v53, v20;
	v52 =	vld [tilespmem:s23+$0xFFFFFF30]  }
0x94: {  	v19 =	vadd.f32 v54, v19;
	v18 =	vadd.f32 v55, v18;
	v53 =	vld [tilespmem:s23+$0xFFFFFFA0]  }
0x95: {  	v21 =	vadd.f32 v50, v21;
	v20 =	vadd.f32 v51, v20;
	v50 =	vld [tilespmem:s23+$0xFFFFFFB0]  }
0x96: {  	v19 =	vadd.f32 v56, v19;
	v18 =	vadd.f32 v57, v18;
	v51 =	vld [tilespmem:s23+$0xFFFFFFC0]  }
0x97: {  	v21 =	vadd.f32 v48, v21;
	v20 =	vadd.f32 v49, v20;
	v48 =	vld [tilespmem:s23+$0xFFFFFFD0]  }
0x98: {  	v19 =	vadd.f32 v58, v19;
	v18 =	vadd.f32 v52, v18;
	v49 =	vld [tilespmem:s23+$0xFFFFFF40]  }
0x99: {  	v21 =	vadd.f32 v46, v21;
	v20 =	vadd.f32 v47, v20;
	v52 =	vld [tilespmem:s23+$0xFFFFFF50]  }
0x9a: {  	v19 =	vadd.f32 v53, v19;
	v46 =	vld [tilespmem:s23+$0xFFFFFEC0];
	v18 =	vadd.f32 v50, v18  }
0x9b: {  	v21 =	vadd.f32 v40, v21;
	v20 =	vadd.f32 v41, v20;
	v47 =	vld [tilespmem:s23+$0xFFFFFED0]  }
0x9c: {  	v19 =	vadd.f32 v42, v19;
	v40 =	vld [tilespmem:s23+$0xFFFFFE40];
	v18 =	vadd.f32 v43, v18  }
0x9d: {  	v21 =	vadd.f32 v36, v21;
	v20 =	vadd.f32 v37, v20;
	v41 =	vld [tilespmem:s23+$0xFFFFFE50]  }
0x9e: {  	v19 =	vadd.f32 v38, v19;
	v36 =	vld [tilespmem:s23+$0xFFFFFE60];
	v18 =	vadd.f32 v39, v18  }
0x9f: {  	s22 =	sadd.s32 $0x8, s22;
	v21 =	vadd.f32 v32, v21;
	v20 =	vadd.f32 v33, v20;
	v37 =	vld [tilespmem:s23+$0xFFFFFE70]  }
0xa0: {  	p0 =	slt.u32 s22, $0xC0;
	v19 =	vadd.f32 v34, v19;
	v32 =	vld [tilespmem:s23+$0xFFFFFEE0];
	v18 =	vadd.f32 v35, v18  }
0xa1: {  	v21 =	vadd.f32 v24, v21;
	v20 =	vadd.f32 v26, v20;
	v33 =	vld [tilespmem:s23+$0xFFFFFEF0]  }
0xa2: {  	v19 =	vadd.f32 v27, v19;
	v24 =	vld [tilespmem:s23+$0xFFFFFF60];
	v18 =	vadd.f32 v31, v18  }
0xa3: {  	v26 =	vadd.f32 v40, v28;
	v27 =	vadd.f32 v41, v29;
	v28 =	vld [tilespmem:s23+$0xFFFFFF70]  }
0xa4: {  	v25 =	vadd.f32 v36, v25;
	v29 =	vadd.f32 v37, v30;
	v30 =	vld [tilespmem:s23+$0xFFFFFFE0]  }
0xa5: {  	v26 =	vadd.f32 v46, v26;
	v27 =	vadd.f32 v47, v27;
	v31 =	vld [tilespmem:s23+$0xFFFFFFF0]  }
0xa6: {  	v25 =	vadd.f32 v32, v25;
	v29 =	vadd.f32 v33, v29;
	v32 =	vld [tilespmem:s23+$0x60]  }
0xa7: {  	v33 =	vadd.f32 v49, v26;
	v27 =	vadd.f32 v52, v27;
	v34 =	vld [tilespmem:s23+$0x70]  }
0xa8: {  	v24 =	vadd.f32 v24, v25;
	v25 =	vadd.f32 v28, v29;
	v26 =	vld [tilespmem:s23+$0xE0]  }
.Ltmp0:
0xa9: {  	v29 =	vadd.f32 v51, v33;
	v33 =	vadd.f32 v48, v27;
	v27 =	vld [tilespmem:s23+$0xF0];
	(pc) =	sbr.rel @p0 .LBB2_3-.Ltmp0, $4  }
0xaa: {  	v24 =	vadd.f32 v30, v24;
	v25 =	vadd.f32 v31, v25;
	v28 =	vld [tilespmem:s23+$0x160]  }
0xab: {  	v35 =	vadd.f32 v44, v29;
	v33 =	vadd.f32 v45, v33;
	v29 =	vld [tilespmem:s23+$0x170]  }
0xac: {  	v31 =	vadd.f32 v32, v24;
	v30 =	vadd.f32 v34, v25;
	v25 =	vld [tilespmem:s23+$0x1E0]  }
0xad: {  	v32 =	vadd.f32 v22, v35;
	v23 =	vadd.f32 v23, v33;
	v22 =	vld [tilespmem:s23+$0x1F0];
	s23 =	sadd.s32 $0x400, s23  }
0xae: {  	vm0 =	vne.s32 v16, $0x0;
	vm1 =	vne.s32 v17, $0x0  }
0xaf: {  	vm5 =	vne.s32 v15, $0x0;
	v16 =	vsel vm0, $0x1, v0;
	v17 =	vsel vm1, $0x1, v0  }
0xb0: {  	vm6 =	vne.s32 v14, $0x0;
	v15 =	vadd.s32 v17, v16;
	v16 =	vsel vm5, $0x1, v0  }
0xb1: {  	vm7 =	vne.s32 v13, $0x0;
	v14 =	vadd.s32 v16, v15;
	v15 =	vsel vm6, $0x1, v0  }
0xb2: {  	vm8 =	vne.s32 v12, $0x0;
	v13 =	vadd.s32 v15, v14;
	v14 =	vsel vm7, $0x1, v0  }
0xb3: {  	vm9 =	vne.s32 v11, $0x0;
	v12 =	vadd.s32 v14, v13;
	v13 =	vsel vm8, $0x1, v0  }
0xb4: {  	vm10 =	vne.s32 v10, $0x0;
	v11 =	vadd.s32 v13, v12;
	v12 =	vsel vm9, $0x1, v0  }
0xb5: {  	vm11 =	vne.s32 v9, $0x0;
	v10 =	vadd.s32 v12, v11;
	v11 =	vsel vm10, $0x1, v0  }
0xb6: {  	vm12 =	vne.s32 v8, $0x0;
	v9 =	vadd.s32 v11, v10;
	v10 =	vsel vm11, $0x1, v0  }
0xb7: {  	vm13 =	vne.s32 v7, $0x0;
	v8 =	vadd.s32 v10, v9;
	v9 =	vsel vm12, $0x1, v0  }
0xb8: {  	vm14 =	vne.s32 v6, $0x0;
	v7 =	vadd.s32 v9, v8;
	v8 =	vsel vm13, $0x1, v0  }
0xb9: {  	vm15 =	vne.s32 v5, $0x0;
	v6 =	vadd.s32 v8, v7;
	v7 =	vsel vm14, $0x1, v0  }
0xba: {  	v5 =	vadd.s32 v7, v6;
	v6 =	vsel vm15, $0x1, v0  }
0xbb: {  	v6 =	vadd.s32 v6, v5  }
0xbc: {  	(v2sf) =	vpush v6, $0x0  }
0xbd: {  	(v2sf) =	vpush v6, $0x1  }
0xbe: {  	(v2sf) =	vpush v6, $0x2  }
0xbf: {  	(v2sf) =	vpush v6, $0x3  }
0xc0: {  	(v2sf) =	vpush v6, $0x4  }
0xc1: {  	(v2sf) =	vpush v6, $0x5  }
0xc2: {  	(v2sf) =	vpush v6, $0x6  }
0xc3: {  	(v2sf) =	vpush v6, $0x7  }
0xc4: {  	(v2sf) =	vpush v5, $0x8  }
0xc5: {  	(v2sf) =	vpush v5, $0x9  }
0xc6: {  	(v2sf) =	vpush v5, $0xA  }
0xc7: {  	(v2sf) =	vpush v5, $0xB  }
0xc8: {  	(v2sf) =	vpush v5, $0xC  }
0xc9: {  	(v2sf) =	vpush v5, $0xD  }
0xca: {  	(v2sf) =	vpush v5, $0xE  }
0xcb: {  	s22 =	spop (v2sf);
	(v2sf) =	vpush v5, $0xF  }
0xcc: {  	s23 =	spop (v2sf)  }
0xcd: {  	s24 =	spop (v2sf)  }
0xce: {  	s22 =	sadd.s32 s23, s22;
	s25 =	spop (v2sf)  }
0xcf: {  	s28 =	spop (v2sf);
	s22 =	sadd.s32 s25, s22  }
0xd0: {  	s29 =	spop (v2sf);
	s22 =	sadd.s32 s24, s22  }
0xd1: {  	s30 =	spop (v2sf);
	s22 =	sadd.s32 s29, s22  }
0xd2: {  	s31 =	spop (v2sf);
	s22 =	sadd.s32 s28, s22  }
0xd3: {  	s26 =	spop (v2sf);
	s22 =	sadd.s32 s31, s22  }
0xd4: {  	s28 =	spop (v2sf);
	s22 =	sadd.s32 s30, s22  }
0xd5: {  	s29 =	spop (v2sf);
	s22 =	sadd.s32 s28, s22  }
0xd6: {  	s30 =	spop (v2sf);
	s22 =	sadd.s32 s26, s22  }
0xd7: {  	s31 =	spop (v2sf);
	s22 =	sadd.s32 s30, s22  }
0xd8: {  	s26 =	spop (v2sf);
	s22 =	sadd.s32 s29, s22  }
0xd9: {  	s28 =	spop (v2sf);
	s22 =	sadd.s32 s26, s22  }
0xda: {  	s29 =	spop (v2sf);
	s22 =	sadd.s32 s31, s22  }
0xdb: {  	s22 =	sadd.s32 s29, s22  }
0xdc: {  	s22 =	sadd.s32 s28, s22  }
0xdd: {  	v5 =	vmov s22  }
0xde: {  	v5 =	vcvt.s32.f32 v5;
	_ =	sdelay $0x1  }
0xdf: {  	v5 =	vmax.f32 v5, $1.000000000e+00  }
0xe0: {  	v5 =	vbroadcast v5, $0x0;
	_ =	sdelay $0x1  }
0xe1: {  	(erf) = vrcp.f32 v5;
	_ =	sdelay $0x8  }
0xe2: {  	v5 =	vpop (erf)  }
0xe3: {  	v4 =	vadd.f32 v4, v32;
	v6 =	vadd.f32 v26, v31;
	s30 =	sshll.u32 s18, $0x8;
	v7 =	vmul.f32 v21, v5  }
0xe4: {  	v3 =	vadd.f32 v3, v23;
	v8 =	vadd.f32 v27, v30;
	s22 =	sand.u32 $0x3FFFFF00, s30;
	v9 =	vmul.f32 v20, v5  }
0xe5: {  	v1 =	vadd.f32 v1, v4;
	v6 =	vadd.f32 v28, v6;
	v4 =	vmul.f32 v19, v5;
	[tilespmem:s22+$0x12C80] =	vst v7  }
0xe6: {  	v2 =	vadd.f32 v2, v3;
	v3 =	vmul.f32 v18, v5;
	v7 =	vadd.f32 v29, v8;
	[tilespmem:s22+$0x12C90] =	vst v9  }
0xe7: {  	v6 =	vadd.f32 v25, v6;
	v1 =	vmul.f32 v1, v5;
	[tilespmem:s22+$0x12CA0] =	vst v4  }
0xe8: {  	v2 =	vmul.f32 v2, v5;
	[tilespmem:s22+$0x12CB0] =	vst v3;
	v4 =	vadd.f32 v22, v7  }
0xe9: {  	[tilespmem:s22+$0x12CC0] =	vst v1;
	v1 =	vmul.f32 v6, v5  }
0xea: {  	[tilespmem:s22+$0x12CD0] =	vst v2;
	v2 =	vmul.f32 v4, v5  }
0xeb: {  	p0 =	seq.s32 s18, $0x3F;
	[tilespmem:s22+$0x12CE0] =	vst v1  }
0xec: {  	s23 =	simm.s32 @!p0 $0x80;
	s24 =	simm.s32 @!p0 $0x6480;
	[tilespmem:s22+$0x12CF0] =	vst v2;
	s22 =	sadd.s32 @!p0 $0x190, s21  }
0xed: {  	[tilespmem:s24], [sflag:$0x1] =	stream.indirect.gather @!p0 [hbm4b:s2+s23], $0x80, s22, s23, $0xb8;
	[tilespmem:$0x16C80] =	vst v63  }
0xee: {  	s21 =	sadd.s32 @!p0 $0x210, s21;
	s22 =	simm.s32 @!p0 $0x48;
	s23 =	simm.s32 @!p0 $0xA480  }
0xef: {  	[tilespmem:s23], [sflag:$0x1] =	stream.indirect.gather @!p0 [hbm4b:s2+s22], $0x80, s21, s22, $0xb8;
	[tilespmem:$0x16C80] =	vst v63  }
0xf0: {  	v16 =	vld [tilespmem:s20+$0x0]  }
0xf1: {  	v17 =	vld [tilespmem:s20+$0x10]  }
0xf2: {  	v15 =	vld [tilespmem:s20+$0x20]  }
0xf3: {  	v14 =	vld [tilespmem:s20+$0x30]  }
0xf4: {  	v13 =	vld [tilespmem:s20+$0x40]  }
0xf5: {  	v12 =	vld [tilespmem:s20+$0x50]  }
0xf6: {  	v11 =	vld [tilespmem:s20+$0x60]  }
0xf7: {  	v10 =	vld [tilespmem:s20+$0x70]  }
0xf8: {  	v9 =	vld [tilespmem:s20+$0x80]  }
0xf9: {  	v8 =	vld [tilespmem:s20+$0x90]  }
0xfa: {  	v7 =	vld [tilespmem:s20+$0xA0]  }
0xfb: {  	v6 =	vld [tilespmem:s20+$0xB0]  }
0xfc: {  	v5 =	vld [tilespmem:s20+$0xC0];
	_ =	swait.ge [sflag:s15], $0x4000  }
0xfd: {  	[sflag:s15] =	ssyncset.done $0x0  }
0xfe: {  	[sflag:s15] =	ssyncadd.s32 $0xFFFFC000  }
0xff: {  	_ =	swait.ge [sflag:s15], $0x2400  }
0x100: {  	[sflag:s15] =	ssyncset.done $0x0  }
0x101: {  	s31 =	simm.s32 $0xC880;
	[sflag:s15] =	ssyncadd.s32 $0xFFFFDC00  }
0x102: {  	v18 =	vld [tilespmem:s31+$0x380]  }
0x103: {  	v19 =	vld [tilespmem:s31+$0x390]  }
0x104: {  	v22 =	vld [tilespmem:s31+$0x3A0]  }
0x105: {  	v23 =	vld [tilespmem:s31+$0x3B0]  }
0x106: {  	v1 =	vld [tilespmem:s31+$0x3C0]  }
0x107: {  	v2 =	vld [tilespmem:s31+$0x3D0]  }
0x108: {  	v20 =	vld [tilespmem:s31+$0x300]  }
0x109: {  	v21 =	vld [tilespmem:s31+$0x310]  }
0x10a: {  	v24 =	vld [tilespmem:s31+$0x320]  }
0x10b: {  	v25 =	vld [tilespmem:s31+$0x330]  }
0x10c: {  	v4 =	vld [tilespmem:s31+$0x340]  }
0x10d: {  	v3 =	vld [tilespmem:s31+$0x350]  }
0x10e: {  	v26 =	vld [tilespmem:s31+$0x280]  }
0x10f: {  	v27 =	vld [tilespmem:s31+$0x290]  }
0x110: {  	v28 =	vld [tilespmem:s31+$0x2A0]  }
0x111: {  	v29 =	vld [tilespmem:s31+$0x2B0]  }
0x112: {  	v32 =	vld [tilespmem:s31+$0x2C0]  }
0x113: {  	v33 =	vld [tilespmem:s31+$0x2D0]  }
0x114: {  	v30 =	vld [tilespmem:s31+$0x200]  }
0x115: {  	v31 =	vld [tilespmem:s31+$0x210]  }
0x116: {  	v34 =	vld [tilespmem:s31+$0x220]  }
0x117: {  	v35 =	vld [tilespmem:s31+$0x230]  }
0x118: {  	v36 =	vld [tilespmem:s31+$0x240]  }
0x119: {  	v37 =	vld [tilespmem:s31+$0x250]  }
0x11a: {  	v38 =	vld [tilespmem:s31+$0x180]  }
0x11b: {  	v39 =	vld [tilespmem:s31+$0x190]  }
0x11c: {  	v40 =	vld [tilespmem:s31+$0x100]  }
0x11d: {  	v41 =	vld [tilespmem:s31+$0x110]  }
0x11e: {  	v42 =	vld [tilespmem:s31+$0x80]  }
0x11f: {  	v43 =	vld [tilespmem:s31+$0x90]  }
0x120: {  	v44 =	vld [tilespmem:s31+$0x0]  }
0x121: {  	v45 =	vld [tilespmem:s31+$0x10]  }
0x122: {  	v46 =	vld [tilespmem:s31+$0x20]  }
0x123: {  	v47 =	vld [tilespmem:s31+$0x30]  }
0x124: {  	v48 =	vld [tilespmem:s31+$0xA0]  }
0x125: {  	v49 =	vld [tilespmem:s31+$0xB0]  }
0x126: {  	v50 =	vimm.f32 $0.0e+00;
	v51 =	vld [tilespmem:s31+$0x120]  }
0x127: {  	v52 =	vld [tilespmem:s31+$0x130];
	v44 =	vadd.f32 v44, v50;
	v45 =	vadd.f32 v45, v50  }
0x128: {  	v53 =	vld [tilespmem:s31+$0x1A0];
	v46 =	vadd.f32 v46, v50;
	v47 =	vadd.f32 v47, v50  }
0x129: {  	v60 =	vld [tilespmem:s31+$0x1B0];
	v42 =	vadd.f32 v42, v44;
	v43 =	vadd.f32 v43, v45  }
0x12a: {  	v54 =	vld [tilespmem:s31+$0x140];
	v61 =	vadd.f32 v48, v46;
	v62 =	vadd.f32 v49, v47  }
0x12b: {  	v55 =	vld [tilespmem:s31+$0x150];
	v40 =	vadd.f32 v40, v42;
	v41 =	vadd.f32 v41, v43  }
0x12c: {  	v56 =	vld [tilespmem:s31+$0xC0];
	v63 =	vadd.f32 v51, v61;
	v52 =	vadd.f32 v52, v62  }
0x12d: {  	v59 =	vld [tilespmem:s31+$0xD0];
	v38 =	vadd.f32 v38, v40;
	v39 =	vadd.f32 v39, v41  }
0x12e: {  	v47 =	vld [tilespmem:s31+$0x1C0];
	v57 =	vadd.f32 v53, v63;
	v58 =	vadd.f32 v60, v52  }
0x12f: {  	v42 =	vld [tilespmem:s31+$0x1D0];
	v30 =	vadd.f32 v30, v38;
	v31 =	vadd.f32 v31, v39  }
0x130: {  	v61 =	vld [tilespmem:s31+$0x50];
	v34 =	vadd.f32 v34, v57;
	v35 =	vadd.f32 v35, v58  }
0x131: {  	v60 =	vld [tilespmem:s31+$0x40];
	v26 =	vadd.f32 v26, v30;
	v27 =	vadd.f32 v27, v31  }
0x132: {  	v30 =	vld [tilespmem:s31+$0x60];
	v28 =	vadd.f32 v28, v34;
	v29 =	vadd.f32 v29, v35  }
0x133: {  	v31 =	vld [tilespmem:s31+$0x70];
	v20 =	vadd.f32 v20, v26;
	v26 =	vadd.f32 v21, v27  }
0x134: {  	v27 =	vld [tilespmem:s31+$0xE0];
	v24 =	vadd.f32 v24, v28;
	v25 =	vadd.f32 v25, v29  }
0x135: {  	v28 =	vld [tilespmem:s31+$0xF0];
	v21 =	vadd.f32 v18, v20;
	v20 =	vadd.f32 v19, v26  }
0x136: {  	v26 =	vld [tilespmem:s31+$0x160];
	v19 =	vadd.f32 v22, v24;
	v18 =	vadd.f32 v23, v25  }
0x137: {  	v22 =	vadd.f32 v60, v50;
	v23 =	vadd.f32 v61, v50;
	v24 =	vld [tilespmem:s31+$0x170]  }
0x138: {  	v25 =	vadd.f32 v30, v50;
	v29 =	vadd.f32 v31, v50;
	v30 =	vld [tilespmem:s31+$0x1E0]  }
0x139: {  	v31 =	vld [tilespmem:s31+$0x1F0];
	v22 =	vadd.f32 v56, v22;
	v23 =	vadd.f32 v59, v23  }
0x13a: {  	v62 =	vld [tilespmem:s31+$0x260];
	v25 =	vadd.f32 v27, v25;
	v27 =	vadd.f32 v28, v29  }
0x13b: {  	v63 =	vld [tilespmem:s31+$0x270];
	v22 =	vadd.f32 v54, v22;
	v23 =	vadd.f32 v55, v23  }
0x13c: {  	v25 =	vadd.f32 v26, v25;
	v24 =	vadd.f32 v24, v27;
	v26 =	vld [tilespmem:s31+$0x2E0]  }
0x13d: {  	v27 =	vld [tilespmem:s31+$0x2F0];
	v22 =	vadd.f32 v47, v22;
	v23 =	vadd.f32 v42, v23  }
0x13e: {  	v28 =	vld [tilespmem:s31+$0x360];
	v25 =	vadd.f32 v30, v25;
	v24 =	vadd.f32 v31, v24  }
0x13f: {  	v29 =	vld [tilespmem:s31+$0x370];
	v22 =	vadd.f32 v36, v22;
	v23 =	vadd.f32 v37, v23  }
0x140: {  	v31 =	vadd.f32 v62, v25;
	v30 =	vadd.f32 v63, v24;
	v25 =	vld [tilespmem:s31+$0x3E0]  }
0x141: {  	s21 =	simm.s32 $0xCC80;
	s20 =	simm.s32 $0x0;
	v32 =	vadd.f32 v32, v22;
	v23 =	vadd.f32 v33, v23;
	v22 =	vld [tilespmem:s31+$0x3F0]  }
.LBB2_5:
0x142: {  	v24 =	vld [tilespmem:s21+$0x380];
	v31 =	vadd.f32 v26, v31;
	v30 =	vadd.f32 v27, v30  }
0x143: {  	v26 =	vld [tilespmem:s21+$0x390];
	v4 =	vadd.f32 v4, v32;
	v3 =	vadd.f32 v3, v23  }
0x144: {  	v27 =	vld [tilespmem:s21+$0x3A0];
	v23 =	vadd.f32 v28, v31;
	v30 =	vadd.f32 v29, v30  }
0x145: {  	v31 =	vld [tilespmem:s21+$0x3B0];
	v28 =	vadd.f32 v1, v4;
	v29 =	vadd.f32 v2, v3  }
0x146: {  	v1 =	vld [tilespmem:s21+$0x3C0];
	v25 =	vadd.f32 v25, v23;
	v30 =	vadd.f32 v22, v30  }
0x147: {  	v2 =	vld [tilespmem:s21+$0x3D0]  }
0x148: {  	v32 =	vld [tilespmem:s21+$0x300]  }
0x149: {  	v33 =	vld [tilespmem:s21+$0x310]  }
0x14a: {  	v34 =	vld [tilespmem:s21+$0x320]  }
0x14b: {  	v35 =	vld [tilespmem:s21+$0x330]  }
0x14c: {  	v4 =	vld [tilespmem:s21+$0x340]  }
0x14d: {  	v3 =	vld [tilespmem:s21+$0x350]  }
0x14e: {  	v36 =	vld [tilespmem:s21+$0x280]  }
0x14f: {  	v37 =	vld [tilespmem:s21+$0x290]  }
0x150: {  	v38 =	vld [tilespmem:s21+$0x2A0]  }
0x151: {  	v39 =	vld [tilespmem:s21+$0x2B0]  }
0x152: {  	v22 =	vld [tilespmem:s21+$0x2C0]  }
0x153: {  	v23 =	vld [tilespmem:s21+$0x2D0]  }
0x154: {  	v40 =	vld [tilespmem:s21+$0x200]  }
0x155: {  	v41 =	vld [tilespmem:s21+$0x210]  }
0x156: {  	v42 =	vld [tilespmem:s21+$0x220]  }
0x157: {  	v43 =	vld [tilespmem:s21+$0x230]  }
0x158: {  	v44 =	vld [tilespmem:s21+$0x240]  }
0x159: {  	v45 =	vld [tilespmem:s21+$0x250]  }
0x15a: {  	v46 =	vld [tilespmem:s21+$0x180]  }
0x15b: {  	v47 =	vld [tilespmem:s21+$0x190]  }
0x15c: {  	v48 =	vld [tilespmem:s21+$0x100]  }
0x15d: {  	v49 =	vld [tilespmem:s21+$0x110]  }
0x15e: {  	v50 =	vld [tilespmem:s21+$0x80]  }
0x15f: {  	v51 =	vld [tilespmem:s21+$0x90]  }
0x160: {  	v52 =	vld [tilespmem:s21+$0x0]  }
0x161: {  	v53 =	vld [tilespmem:s21+$0x10]  }
0x162: {  	v54 =	vld [tilespmem:s21+$0x20]  }
0x163: {  	v55 =	vld [tilespmem:s21+$0x30]  }
0x164: {  	v56 =	vld [tilespmem:s21+$0xA0]  }
0x165: {  	v57 =	vld [tilespmem:s21+$0xB0]  }
0x166: {  	v58 =	vld [tilespmem:s21+$0x120]  }
0x167: {  	v21 =	vadd.f32 v52, v21;
	v20 =	vadd.f32 v53, v20;
	v52 =	vld [tilespmem:s21+$0x130]  }
0x168: {  	v19 =	vadd.f32 v54, v19;
	v18 =	vadd.f32 v55, v18;
	v53 =	vld [tilespmem:s21+$0x1A0]  }
0x169: {  	v21 =	vadd.f32 v50, v21;
	v20 =	vadd.f32 v51, v20;
	v50 =	vld [tilespmem:s21+$0x1B0]  }
0x16a: {  	v19 =	vadd.f32 v56, v19;
	v18 =	vadd.f32 v57, v18;
	v51 =	vld [tilespmem:s21+$0x1C0]  }
0x16b: {  	v21 =	vadd.f32 v48, v21;
	v20 =	vadd.f32 v49, v20;
	v48 =	vld [tilespmem:s21+$0x1D0]  }
0x16c: {  	v19 =	vadd.f32 v58, v19;
	v18 =	vadd.f32 v52, v18;
	v49 =	vld [tilespmem:s21+$0x140]  }
0x16d: {  	v21 =	vadd.f32 v46, v21;
	v20 =	vadd.f32 v47, v20;
	v52 =	vld [tilespmem:s21+$0x150]  }
0x16e: {  	v19 =	vadd.f32 v53, v19;
	v46 =	vld [tilespmem:s21+$0xC0];
	v18 =	vadd.f32 v50, v18  }
0x16f: {  	v21 =	vadd.f32 v40, v21;
	v20 =	vadd.f32 v41, v20;
	v47 =	vld [tilespmem:s21+$0xD0]  }
0x170: {  	v19 =	vadd.f32 v42, v19;
	v40 =	vld [tilespmem:s21+$0x40];
	v18 =	vadd.f32 v43, v18  }
0x171: {  	v21 =	vadd.f32 v36, v21;
	v20 =	vadd.f32 v37, v20;
	v41 =	vld [tilespmem:s21+$0x50]  }
0x172: {  	v19 =	vadd.f32 v38, v19;
	v36 =	vld [tilespmem:s21+$0x60];
	v18 =	vadd.f32 v39, v18  }
0x173: {  	s20 =	sadd.s32 $0x8, s20;
	v21 =	vadd.f32 v32, v21;
	v20 =	vadd.f32 v33, v20;
	v37 =	vld [tilespmem:s21+$0x70]  }
0x174: {  	p0 =	slt.u32 s20, $0xC0;
	v19 =	vadd.f32 v34, v19;
	v32 =	vld [tilespmem:s21+$0xE0];
	v18 =	vadd.f32 v35, v18  }
0x175: {  	v21 =	vadd.f32 v24, v21;
	v20 =	vadd.f32 v26, v20;
	v33 =	vld [tilespmem:s21+$0xF0]  }
0x176: {  	v19 =	vadd.f32 v27, v19;
	v24 =	vld [tilespmem:s21+$0x160];
	v18 =	vadd.f32 v31, v18  }
0x177: {  	v26 =	vadd.f32 v40, v28;
	v27 =	vadd.f32 v41, v29;
	v28 =	vld [tilespmem:s21+$0x170]  }
0x178: {  	v25 =	vadd.f32 v36, v25;
	v29 =	vadd.f32 v37, v30;
	v30 =	vld [tilespmem:s21+$0x1E0]  }
0x179: {  	v26 =	vadd.f32 v46, v26;
	v27 =	vadd.f32 v47, v27;
	v31 =	vld [tilespmem:s21+$0x1F0]  }
0x17a: {  	v25 =	vadd.f32 v32, v25;
	v29 =	vadd.f32 v33, v29;
	v32 =	vld [tilespmem:s21+$0x260]  }
0x17b: {  	v33 =	vadd.f32 v49, v26;
	v27 =	vadd.f32 v52, v27;
	v34 =	vld [tilespmem:s21+$0x270]  }
0x17c: {  	v24 =	vadd.f32 v24, v25;
	v25 =	vadd.f32 v28, v29;
	v26 =	vld [tilespmem:s21+$0x2E0]  }
.Ltmp1:
0x17d: {  	v29 =	vadd.f32 v51, v33;
	v33 =	vadd.f32 v48, v27;
	v27 =	vld [tilespmem:s21+$0x2F0];
	(pc) =	sbr.rel @p0 .LBB2_5-.Ltmp1, $4  }
0x17e: {  	v24 =	vadd.f32 v30, v24;
	v25 =	vadd.f32 v31, v25;
	v28 =	vld [tilespmem:s21+$0x360]  }
0x17f: {  	v35 =	vadd.f32 v44, v29;
	v33 =	vadd.f32 v45, v33;
	v29 =	vld [tilespmem:s21+$0x370]  }
0x180: {  	v31 =	vadd.f32 v32, v24;
	v30 =	vadd.f32 v34, v25;
	v25 =	vld [tilespmem:s21+$0x3E0]  }
0x181: {  	v32 =	vadd.f32 v22, v35;
	v23 =	vadd.f32 v23, v33;
	v22 =	vld [tilespmem:s21+$0x3F0];
	s21 =	sadd.s32 $0x400, s21  }
0x182: {  	vm0 =	vne.s32 v16, $0x0;
	vm1 =	vne.s32 v17, $0x0  }
0x183: {  	vm5 =	vne.s32 v15, $0x0;
	v16 =	vsel vm0, $0x1, v0;
	v17 =	vsel vm1, $0x1, v0  }
0x184: {  	vm6 =	vne.s32 v14, $0x0;
	v35 =	vsel vm5, $0x1, v0;
	v34 =	vadd.s32 v17, v16  }
0x185: {  	vm7 =	vne.s32 v13, $0x0;
	v37 =	vsel vm6, $0x1, v0;
	v36 =	vadd.s32 v35, v34  }
0x186: {  	vm8 =	vne.s32 v12, $0x0;
	v39 =	vsel vm7, $0x1, v0;
	v38 =	vadd.s32 v37, v36  }
0x187: {  	vm9 =	vne.s32 v11, $0x0;
	v41 =	vsel vm8, $0x1, v0;
	v40 =	vadd.s32 v39, v38  }
0x188: {  	vm10 =	vne.s32 v10, $0x0;
	v43 =	vsel vm9, $0x1, v0;
	v42 =	vadd.s32 v41, v40  }
0x189: {  	vm11 =	vne.s32 v9, $0x0;
	v45 =	vsel vm10, $0x1, v0;
	v44 =	vadd.s32 v43, v42  }
0x18a: {  	vm12 =	vne.s32 v8, $0x0;
	v47 =	vsel vm11, $0x1, v0;
	v46 =	vadd.s32 v45, v44  }
0x18b: {  	vm13 =	vne.s32 v7, $0x0;
	v49 =	vsel vm12, $0x1, v0;
	v48 =	vadd.s32 v47, v46  }
0x18c: {  	vm14 =	vne.s32 v6, $0x0;
	v51 =	vsel vm13, $0x1, v0;
	v50 =	vadd.s32 v49, v48  }
0x18d: {  	vm15 =	vne.s32 v5, $0x0;
	v53 =	vsel vm14, $0x1, v0;
	v52 =	vadd.s32 v51, v50  }
0x18e: {  	v55 =	vsel vm15, $0x1, v0;
	v54 =	vadd.s32 v53, v52  }
0x18f: {  	v6 =	vadd.s32 v55, v54  }
0x190: {  	(v2sf) =	vpush v6, $0x0  }
0x191: {  	(v2sf) =	vpush v6, $0x1  }
0x192: {  	(v2sf) =	vpush v6, $0x2  }
0x193: {  	(v2sf) =	vpush v6, $0x3  }
0x194: {  	(v2sf) =	vpush v6, $0x4  }
0x195: {  	(v2sf) =	vpush v6, $0x5  }
0x196: {  	(v2sf) =	vpush v6, $0x6  }
0x197: {  	(v2sf) =	vpush v6, $0x7  }
0x198: {  	(v2sf) =	vpush v54, $0x8  }
0x199: {  	(v2sf) =	vpush v54, $0x9  }
0x19a: {  	(v2sf) =	vpush v54, $0xA  }
0x19b: {  	(v2sf) =	vpush v54, $0xB  }
0x19c: {  	(v2sf) =	vpush v54, $0xC  }
0x19d: {  	(v2sf) =	vpush v54, $0xD  }
0x19e: {  	(v2sf) =	vpush v54, $0xE  }
0x19f: {  	s20 =	spop (v2sf);
	(v2sf) =	vpush v54, $0xF  }
0x1a0: {  	s21 =	spop (v2sf)  }
0x1a1: {  	s22 =	spop (v2sf)  }
0x1a2: {  	s20 =	sadd.s32 s21, s20;
	s23 =	spop (v2sf)  }
0x1a3: {  	s26 =	spop (v2sf);
	s20 =	sadd.s32 s23, s20  }
0x1a4: {  	s28 =	spop (v2sf);
	s20 =	sadd.s32 s22, s20  }
0x1a5: {  	s29 =	spop (v2sf);
	s20 =	sadd.s32 s28, s20  }
0x1a6: {  	s30 =	spop (v2sf);
	s20 =	sadd.s32 s26, s20  }
0x1a7: {  	s31 =	spop (v2sf);
	s20 =	sadd.s32 s30, s20  }
0x1a8: {  	s24 =	spop (v2sf);
	s20 =	sadd.s32 s29, s20  }
0x1a9: {  	s25 =	spop (v2sf);
	s20 =	sadd.s32 s24, s20  }
0x1aa: {  	s26 =	spop (v2sf);
	s20 =	sadd.s32 s31, s20  }
0x1ab: {  	s28 =	spop (v2sf);
	s20 =	sadd.s32 s26, s20  }
0x1ac: {  	s29 =	spop (v2sf);
	s20 =	sadd.s32 s25, s20  }
0x1ad: {  	s30 =	spop (v2sf);
	s20 =	sadd.s32 s29, s20  }
0x1ae: {  	s31 =	spop (v2sf);
	s20 =	sadd.s32 s28, s20  }
0x1af: {  	s20 =	sadd.s32 s31, s20  }
0x1b0: {  	s20 =	sadd.s32 s30, s20  }
0x1b1: {  	v56 =	vmov s20  }
0x1b2: {  	v5 =	vcvt.s32.f32 v56;
	_ =	sdelay $0x1  }
0x1b3: {  	v5 =	vmax.f32 v5, $1.000000000e+00  }
0x1b4: {  	v5 =	vbroadcast v5, $0x0;
	_ =	sdelay $0x1  }
0x1b5: {  	(erf) = vrcp.f32 v5;
	_ =	sdelay $0x8  }
0x1b6: {  	v5 =	vpop (erf)  }
0x1b7: {  	v57 =	vadd.f32 v26, v31;
	s19 =	sshll.u32 s19, $0x7;
	v4 =	vadd.f32 v4, v32;
	v58 =	vmul.f32 v21, v5  }
0x1b8: {  	v59 =	vadd.f32 v27, v30;
	v3 =	vadd.f32 v3, v23;
	s19 =	sand.u32 $0x3FFFFF80, s19;
	v60 =	vmul.f32 v20, v5  }
0x1b9: {  	v1 =	vadd.f32 v1, v4;
	v6 =	vadd.f32 v28, v57;
	v61 =	vmul.f32 v19, v5;
	[tilespmem:s19+$0x12C80] =	vst v58  }
0x1ba: {  	s18 =	sadd.s32 $0x1, s18;
	v62 =	vadd.f32 v29, v59;
	v2 =	vadd.f32 v2, v3;
	v3 =	vmul.f32 v18, v5;
	[tilespmem:s19+$0x12C90] =	vst v60  }
0x1bb: {  	p0 =	sne.s32 s18, $0x40;
	v6 =	vadd.f32 v25, v6;
	v1 =	vmul.f32 v1, v5;
	[tilespmem:s19+$0x12CA0] =	vst v61  }
.Ltmp2:
0x1bc: {  	v63 =	vadd.f32 v22, v62;
	v2 =	vmul.f32 v2, v5;
	[tilespmem:s19+$0x12CB0] =	vst v3;
	(pc) =	sbr.rel @p0 .LBB2_2-.Ltmp2, $4  }
0x1bd: {  	[tilespmem:s19+$0x12CC0] =	vst v1;
	v1 =	vmul.f32 v6, v5  }
0x1be: {  	[tilespmem:s19+$0x12CD0] =	vst v2;
	v2 =	vmul.f32 v63, v5  }
0x1bf: {  	[tilespmem:s19+$0x12CE0] =	vst v1  }
0x1c0: {  	[tilespmem:s19+$0x12CF0] =	vst v2  }
0x1c1: {  	s17 =	sadd.s32 $0x1, s17  }
0x1c2: {  	p0 =	sne.s32 s17, s6  }
.Ltmp3:
0x1c3: {  	_ = 	snop;
	(pc) =	sbr.rel @p0 .LBB2_1-.Ltmp3, $4  }
0x1c4: {  	[hbm4b:s5+s3] =	stream.linear.scatter [tilespmem:s16], [sflag:$0x3], $0x4000, $0x38;
	[tilespmem:$0x16C80] =	vst v63  }
0x1c5: {  	_ =	swait.ge [sflag:s7], $0x4000  }
0x1c6: {  	[sflag:s7] =	ssyncset.done $0x0  }
0x1c7: {  	[sflag:s7] =	ssyncadd.s32 $0xFFFFC000  }
0x1c8: {  	_ =	sfence.sel $0x180000  }
0x1c9: {  	[bflag:$0x0] =	sbarrier.arrive $0xFFFF  }
0x1ca: {  	p0 =	sne.s32 s1, $0x0;
	_ =	strace $0x90000047  }
0x1cb: {  	s0 =	sadd.s32 @!p0 $0x100000, s0;
	[bflag:$0x2] =	sbarrier.arrive $0xFFFF  }
0x1cc: {  	[sflag:s0] =	ssyncadd.tile.s32 @!p0 $0x1;
	_ =	shalt  }
.Lfunc_end2:
_tile_overlayer_lowered:
.L_overlay_start_2:
0x1cd: {  	(tag) =	ssettag $0x2  }
0x1ce: {  	s0 =	rddreg [dreg:$0x0];
	s2 =	stileid.u32  }
0x1cf: {  	s1 =	rddreg [dreg:$0x1];
	p0 =	sne.s32 s2, $0x0  }
0x1d0: {  	s3 =	rddreg [dreg:$0x2];
	[bflag:$0x3] =	sbarrier.arrive $0xFFFF;
	s2 =	simm.s32 @!p0 $0x1C03  }
0x1d1: {  	[timem:s3], [sflag:s2] =	dma.local @!p0 [hbm:s0], s1  }
0x1d2: {  	s0 =	simm.s32 @!p0 $0x3  }
0x1d3: {  	_ =	swait.ge @!p0 [sflag:s0], s1  }
0x1d4: {  	s1 =	ssub.s32 @!p0 $0x0, s1;
	[sflag:s0] =	ssyncset.done @!p0 $0x0  }
0x1d5: {  	[sflag:s0] =	ssyncadd.s32 @!p0 s1  }
0x1d6: {  	[bflag:$0x3] =	sbarrier.arrive $0xFFFF  }
0x1d7: {  	_ =	shalt  }

</sc_bundles>
